<compile_context>
chip_gen: v7x
topology: tpu7x:2x2x1
jax: 0.10.2.dev20260603
libtpu: 0.0.44.dev20260713+nightly
codegen_flags: <defaults>
</compile_context>

<pallas_src>
import functools

import jax
import jax.numpy as jnp
from jax import lax
from jax.experimental import pallas as pl
from jax.experimental.pallas import tpu as pltpu
from jax.experimental.pallas import tpu_sc as plsc

S, W, B = 128, 16, 256
V, D = 1000, 64
L = 16

_info = plsc.get_sparse_core_info()
NC, NS = _info.num_cores, _info.num_subcores
NW = NC * NS
S_PER_W = S // NW


def _sc_body(cp_hbm, ch_hbm, mp_hbm, mh_hbm, tab_hbm,
             out_p_hbm, out_h_hbm,
             table_v, idx_v, mask_v, out_v):
    cid = lax.axis_index("c")
    sid = lax.axis_index("s")
    wid = sid * NC + cid

    pltpu.sync_copy(tab_hbm, table_v)

    iota = lax.iota(jnp.int32, L)

    for idx_hbm, msk_hbm, out_hbm in ((cp_hbm, mp_hbm, out_p_hbm),
                                      (ch_hbm, mh_hbm, out_h_hbm)):
        def unit(j, carry, idx_hbm=idx_hbm, msk_hbm=msk_hbm, out_hbm=out_hbm):
            s = wid * S_PER_W + j
            pltpu.sync_copy(idx_hbm.at[s], idx_v)
            pltpu.sync_copy(msk_hbm.at[s], mask_v)

            for h in range(2):
                def bblk(blk, carry2, h=h):
                    b0 = h * (B // 2) + blk * L
                    base = []
                    mk = []
                    for w in range(W):
                        base.append(idx_v[w, pl.ds(b0, L)])
                        mk.append(mask_v[w, pl.ds(b0, L)] * (1.0 / W))
                    rows = iota + blk * L

                    def dloop(dq, carry3):
                        for dd in range(4):
                            d = dq * 4 + dd
                            dsp = lax.broadcast(d, (L,))
                            acc = mk[0] * plsc.load_gather(
                                table_v, [base[0], dsp])
                            for w in range(1, W):
                                acc = acc + mk[w] * plsc.load_gather(
                                    table_v, [base[w], dsp])
                            plsc.store_scatter(out_v, [rows, dsp], acc)
                        return carry3

                    lax.fori_loop(0, D // 4, dloop, 0)
                    return carry2

                lax.fori_loop(0, B // (2 * L), bblk, 0)
                pltpu.sync_copy(out_v,
                                out_hbm.at[s, pl.ds(h * (B // 2), B // 2)])
            return carry

        lax.fori_loop(0, S_PER_W, unit, 0)


@functools.partial(jax.jit, static_argnums=())
def _encode(cp, ch, mp, mh, tab_flat):
    mesh = plsc.VectorSubcoreMesh(core_axis_name="c", subcore_axis_name="s")
    f = pl.kernel(
        _sc_body,
        out_type=(
            jax.ShapeDtypeStruct((S, B, D), jnp.float32),
            jax.ShapeDtypeStruct((S, B, D), jnp.float32),
        ),
        mesh=mesh,
        compiler_params=pltpu.CompilerParams(
            needs_layout_passes=False, use_tc_tiling_on_sc=False),
        scratch_types=[
            pltpu.VMEM((V, D), jnp.float32),
            pltpu.VMEM((W, B), jnp.int32),
            pltpu.VMEM((W, B), jnp.float32),
            pltpu.VMEM((B // 2, D), jnp.float32),
        ],
    )
    return f(cp, ch, mp, mh, tab_flat)


def kernel(char_prem_batch, char_hypo_batch, char_prem_masks,
           char_hypo_masks, table):
    cp = char_prem_batch.astype(jnp.int32)
    ch = char_hypo_batch.astype(jnp.int32)
    return _encode(cp, ch, char_prem_masks, char_hypo_masks, table)

# --- scband reference (transcript-rebuilt; emitter-appended) ---
"""Pipeline reference for scband-linear-char-encoder-41901700940429 (READ-ONLY COPY).

The authoritative reference and input builder live on the scoring server;
editing this copy changes nothing except your own understanding.
"""

import jax, jax.numpy as jnp
import numpy as np

VOCAB = 1000
EMB_DIM = 64
SEQ = 128
WORD = 16
BATCH = 256


def setup_inputs(seed: int = 0) -> dict:
    key = jax.random.key(seed)
    k1, k2, k3, k4, k5 = jax.random.split(key, 5)
    char_prem_batch = jax.random.randint(k1, (SEQ, WORD, BATCH), 0, VOCAB, dtype=jnp.int64 if jax.config.jax_enable_x64 else jnp.int32)
    char_hypo_batch = jax.random.randint(k2, (SEQ, WORD, BATCH), 0, VOCAB, dtype=jnp.int64 if jax.config.jax_enable_x64 else jnp.int32)
    char_prem_masks = jax.random.uniform(k3, (SEQ, WORD, BATCH), dtype=jnp.float32)
    char_hypo_masks = jax.random.uniform(k4, (SEQ, WORD, BATCH), dtype=jnp.float32)
    table = jax.random.normal(k5, (VOCAB, EMB_DIM), dtype=jnp.float32)
    return {
        "char_prem_batch": char_prem_batch,
        "char_hypo_batch": char_hypo_batch,
        "char_prem_masks": char_prem_masks,
        "char_hypo_masks": char_hypo_masks,
        "table": table,
    }


def reference(char_prem_batch, char_hypo_batch, char_prem_masks, char_hypo_masks, table):
    prem_seq_len, prem_word_len, batch_size = char_prem_batch.shape
    hypo_seq_len, hypo_word_len, _ = char_hypo_batch.shape
    D = table.shape[1]
    cp = char_prem_batch.reshape(prem_seq_len * prem_word_len, batch_size)
    ch = char_hypo_batch.reshape(hypo_seq_len * hypo_word_len, batch_size)
    emb_prem = jnp.take(table, cp, axis=0)  # (S*W, B, D)
    emb_hypo = jnp.take(table, ch, axis=0)
    mp = char_prem_masks.reshape(prem_seq_len * prem_word_len, batch_size)[:, :, None]
    mh = char_hypo_masks.reshape(hypo_seq_len * hypo_word_len, batch_size)[:, :, None]
    masked_prem = (emb_prem * mp).reshape(prem_seq_len, prem_word_len, batch_size, D)
    masked_hypo = (emb_hypo * mh).reshape(hypo_seq_len, hypo_word_len, batch_size, D)
    agg_prem = jnp.mean(masked_prem, axis=1)  # (S, B, D)
    agg_hypo = jnp.mean(masked_hypo, axis=1)
    return (agg_prem, agg_hypo)

if __name__ == "__main__":
    import jax
    _d = setup_inputs()
    print(jax.jit(kernel)(*tuple(_d.values())))

</pallas_src>

<mosaic_0001>
#map = affine_map<(d0, d1) -> (0, 0, 0)>
#map1 = affine_map<(d0, d1) -> (0, 0)>
module attributes {stable_mosaic.version = 14 : i64} {
  func.func @_sc_body(%arg0: i32, %arg1: i32, %arg2: memref<128x16x256xi32, #tpu.memory_space<hbm>>, %arg3: memref<128x16x256xi32, #tpu.memory_space<hbm>>, %arg4: memref<128x16x256xf32, #tpu.memory_space<hbm>>, %arg5: memref<128x16x256xf32, #tpu.memory_space<hbm>>, %arg6: memref<1000x64xf32, #tpu.memory_space<hbm>>, %arg7: memref<128x256x64xf32, #tpu.memory_space<hbm>>, %arg8: memref<128x256x64xf32, #tpu.memory_space<hbm>>, %arg9: memref<1000x64xf32, #tpu.memory_space<vmem>>, %arg10: memref<16x256xi32, #tpu.memory_space<vmem>>, %arg11: memref<16x256xf32, #tpu.memory_space<vmem>>, %arg12: memref<128x64xf32, #tpu.memory_space<vmem>>) attributes {dimension_semantics = [#tpu.dimension_semantics<core_parallel>, #tpu.dimension_semantics<subcore_parallel>], iteration_bounds = array<i64: 2, 16>, scalar_prefetch = 0 : i64, scratch_operands = 4 : i64, tpu.core_type = #tpu.core_type<sc_vector_subcore>, window_params = [{transform_indices = #map}, {transform_indices = #map}, {transform_indices = #map}, {transform_indices = #map}, {transform_indices = #map1}, {transform_indices = #map}, {transform_indices = #map}]} {
    %mul3A = arith.constant 2 : i32
    %mul3A_0 = arith.muli %arg1, %mul3A : i32
    %add3A = arith.addi %mul3A_0, %arg0 : i32
    "tpu.region"() ({
      %run_scoped3A = tpu.sem_alloc : memref<!tpu.dma_semaphore, #tpu.memory_space<semaphore_mem>>
      tpu.enqueue_dma source(%arg6 : memref<1000x64xf32, #tpu.memory_space<hbm>>) target(%arg9 : memref<1000x64xf32, #tpu.memory_space<vmem>>) target_semaphore(%run_scoped3A : memref<!tpu.dma_semaphore, #tpu.memory_space<semaphore_mem>>)
      tpu.wait_dma2 semaphore(%run_scoped3A : memref<!tpu.dma_semaphore, #tpu.memory_space<semaphore_mem>>) src(%arg6 : memref<1000x64xf32, #tpu.memory_space<hbm>>) dst(%arg9 : memref<1000x64xf32, #tpu.memory_space<vmem>>)
      tpu.yield
    }) : () -> ()
    %iota3A = tpu.iota {dimensions = array<i32: 0>} : vector<16xi32>
    %scan3A = arith.constant 0 : i32
    %scan3A_1 = arith.constant 0 : i32
    %scan3A_2 = arith.constant 4 : i32
    %scan3A_3 = arith.addi %scan3A_1, %scan3A_2 : i32
    %scan3A_4 = arith.constant 1 : i32
    scf.for %scan3A_12 = %scan3A_1 to %scan3A_3 step %scan3A_4  : i32 {
      %mul3A_13 = arith.constant 4 : i32
      %mul3A_14 = arith.muli %add3A, %mul3A_13 : i32
      %add3A_15 = arith.addi %mul3A_14, %scan3A_12 : i32
      "tpu.region"() ({
        %run_scoped3A = tpu.sem_alloc : memref<!tpu.dma_semaphore, #tpu.memory_space<semaphore_mem>>
        %dma_start3A = arith.constant 0 : i32
        %dma_start3A_28 = arith.constant 0 : i32
        %dma_start3A_29 = tpu.memref_slice %arg2[%add3A_15, %dma_start3A, %dma_start3A_28] : memref<128x16x256xi32, #tpu.memory_space<hbm>> -> memref<1x16x256xi32, #tpu.memory_space<hbm>>
        %dma_start3A_30 = tpu.memref_squeeze %dma_start3A_29 : memref<1x16x256xi32, #tpu.memory_space<hbm>> -> memref<16x256xi32, #tpu.memory_space<hbm>>
        %dma_start3A_31 = arith.constant 0 : i32
        %dma_start3A_32 = arith.constant 0 : i32
        %dma_start3A_33 = tpu.memref_slice %arg2[%add3A_15, %dma_start3A_31, %dma_start3A_32] : memref<128x16x256xi32, #tpu.memory_space<hbm>> -> memref<1x16x256xi32, #tpu.memory_space<hbm>>
        %dma_start3A_34 = tpu.memref_squeeze %dma_start3A_33 : memref<1x16x256xi32, #tpu.memory_space<hbm>> -> memref<16x256xi32, #tpu.memory_space<hbm>>
        tpu.enqueue_dma source(%dma_start3A_34 : memref<16x256xi32, #tpu.memory_space<hbm>>) target(%arg10 : memref<16x256xi32, #tpu.memory_space<vmem>>) target_semaphore(%run_scoped3A : memref<!tpu.dma_semaphore, #tpu.memory_space<semaphore_mem>>)
        %dma_wait3A = arith.constant 0 : i32
        %dma_wait3A_35 = arith.constant 0 : i32
        %dma_wait3A_36 = tpu.memref_slice %arg2[%add3A_15, %dma_wait3A, %dma_wait3A_35] : memref<128x16x256xi32, #tpu.memory_space<hbm>> -> memref<1x16x256xi32, #tpu.memory_space<hbm>>
        %dma_wait3A_37 = tpu.memref_squeeze %dma_wait3A_36 : memref<1x16x256xi32, #tpu.memory_space<hbm>> -> memref<16x256xi32, #tpu.memory_space<hbm>>
        %dma_wait3A_38 = arith.constant 0 : i32
        %dma_wait3A_39 = arith.constant 0 : i32
        %dma_wait3A_40 = tpu.memref_slice %arg2[%add3A_15, %dma_wait3A_38, %dma_wait3A_39] : memref<128x16x256xi32, #tpu.memory_space<hbm>> -> memref<1x16x256xi32, #tpu.memory_space<hbm>>
        %dma_wait3A_41 = tpu.memref_squeeze %dma_wait3A_40 : memref<1x16x256xi32, #tpu.memory_space<hbm>> -> memref<16x256xi32, #tpu.memory_space<hbm>>
        tpu.wait_dma2 semaphore(%run_scoped3A : memref<!tpu.dma_semaphore, #tpu.memory_space<semaphore_mem>>) src(%dma_wait3A_41 : memref<16x256xi32, #tpu.memory_space<hbm>>) dst(%arg10 : memref<16x256xi32, #tpu.memory_space<vmem>>)
        tpu.yield
      }) : () -> ()
      "tpu.region"() ({
        %run_scoped3A = tpu.sem_alloc : memref<!tpu.dma_semaphore, #tpu.memory_space<semaphore_mem>>
        %dma_start3A = arith.constant 0 : i32
        %dma_start3A_28 = arith.constant 0 : i32
        %dma_start3A_29 = tpu.memref_slice %arg4[%add3A_15, %dma_start3A, %dma_start3A_28] : memref<128x16x256xf32, #tpu.memory_space<hbm>> -> memref<1x16x256xf32, #tpu.memory_space<hbm>>
        %dma_start3A_30 = tpu.memref_squeeze %dma_start3A_29 : memref<1x16x256xf32, #tpu.memory_space<hbm>> -> memref<16x256xf32, #tpu.memory_space<hbm>>
        %dma_start3A_31 = arith.constant 0 : i32
        %dma_start3A_32 = arith.constant 0 : i32
        %dma_start3A_33 = tpu.memref_slice %arg4[%add3A_15, %dma_start3A_31, %dma_start3A_32] : memref<128x16x256xf32, #tpu.memory_space<hbm>> -> memref<1x16x256xf32, #tpu.memory_space<hbm>>
        %dma_start3A_34 = tpu.memref_squeeze %dma_start3A_33 : memref<1x16x256xf32, #tpu.memory_space<hbm>> -> memref<16x256xf32, #tpu.memory_space<hbm>>
        tpu.enqueue_dma source(%dma_start3A_34 : memref<16x256xf32, #tpu.memory_space<hbm>>) target(%arg11 : memref<16x256xf32, #tpu.memory_space<vmem>>) target_semaphore(%run_scoped3A : memref<!tpu.dma_semaphore, #tpu.memory_space<semaphore_mem>>)
        %dma_wait3A = arith.constant 0 : i32
        %dma_wait3A_35 = arith.constant 0 : i32
        %dma_wait3A_36 = tpu.memref_slice %arg4[%add3A_15, %dma_wait3A, %dma_wait3A_35] : memref<128x16x256xf32, #tpu.memory_space<hbm>> -> memref<1x16x256xf32, #tpu.memory_space<hbm>>
        %dma_wait3A_37 = tpu.memref_squeeze %dma_wait3A_36 : memref<1x16x256xf32, #tpu.memory_space<hbm>> -> memref<16x256xf32, #tpu.memory_space<hbm>>
        %dma_wait3A_38 = arith.constant 0 : i32
        %dma_wait3A_39 = arith.constant 0 : i32
        %dma_wait3A_40 = tpu.memref_slice %arg4[%add3A_15, %dma_wait3A_38, %dma_wait3A_39] : memref<128x16x256xf32, #tpu.memory_space<hbm>> -> memref<1x16x256xf32, #tpu.memory_space<hbm>>
        %dma_wait3A_41 = tpu.memref_squeeze %dma_wait3A_40 : memref<1x16x256xf32, #tpu.memory_space<hbm>> -> memref<16x256xf32, #tpu.memory_space<hbm>>
        tpu.wait_dma2 semaphore(%run_scoped3A : memref<!tpu.dma_semaphore, #tpu.memory_space<semaphore_mem>>) src(%dma_wait3A_41 : memref<16x256xf32, #tpu.memory_space<hbm>>) dst(%arg11 : memref<16x256xf32, #tpu.memory_space<vmem>>)
        tpu.yield
      }) : () -> ()
      %scan3A_16 = arith.constant 0 : i32
      %scan3A_17 = arith.constant 0 : i32
      %scan3A_18 = arith.constant 8 : i32
      %scan3A_19 = arith.addi %scan3A_17, %scan3A_18 : i32
      %scan3A_20 = arith.constant 1 : i32
      scf.for %scan3A_28 = %scan3A_17 to %scan3A_19 step %scan3A_20  : i32 {
        %mul3A_29 = arith.constant 16 : i32
        %mul3A_30 = arith.muli %scan3A_28, %mul3A_29 : i32
        %add3A_31 = arith.constant 0 : i32
        %add3A_32 = arith.addi %add3A_31, %mul3A_30 : i32
        %get3A = arith.constant 0 : i32
        %get3A_33 = arith.index_cast %get3A : i32 to index
        %get3A_34 = arith.index_cast %add3A_32 : i32 to index
        %get3A_35 = tpu.vector_load %arg10[%get3A_33, %get3A_34] {strides = array<i32>} : memref<16x256xi32, #tpu.memory_space<vmem>>, vector<16xi32>,
        %get3A_36 = arith.constant 0 : i32
        %get3A_37 = arith.index_cast %get3A_36 : i32 to index
        %get3A_38 = arith.index_cast %add3A_32 : i32 to index
        %get3A_39 = tpu.vector_load %arg11[%get3A_37, %get3A_38] {strides = array<i32>} : memref<16x256xf32, #tpu.memory_space<vmem>>, vector<16xf32>,
        %mul3A_40 = arith.constant 6.250000e-02 : f32
        %mul3A_41 = vector.broadcast %mul3A_40 : f32 to vector<16xf32>
        %mul3A_42 = arith.mulf %get3A_39, %mul3A_41 : vector<16xf32>
        %get3A_43 = arith.constant 1 : i32
        %get3A_44 = arith.index_cast %get3A_43 : i32 to index
        %get3A_45 = arith.index_cast %add3A_32 : i32 to index
        %get3A_46 = tpu.vector_load %arg10[%get3A_44, %get3A_45] {strides = array<i32>} : memref<16x256xi32, #tpu.memory_space<vmem>>, vector<16xi32>,
        %get3A_47 = arith.constant 1 : i32
        %get3A_48 = arith.index_cast %get3A_47 : i32 to index
        %get3A_49 = arith.index_cast %add3A_32 : i32 to index
        %get3A_50 = tpu.vector_load %arg11[%get3A_48, %get3A_49] {strides = array<i32>} : memref<16x256xf32, #tpu.memory_space<vmem>>, vector<16xf32>,
        %mul3A_51 = arith.constant 6.250000e-02 : f32
        %mul3A_52 = vector.broadcast %mul3A_51 : f32 to vector<16xf32>
        %mul3A_53 = arith.mulf %get3A_50, %mul3A_52 : vector<16xf32>
        %get3A_54 = arith.constant 2 : i32
        %get3A_55 = arith.index_cast %get3A_54 : i32 to index
        %get3A_56 = arith.index_cast %add3A_32 : i32 to index
        %get3A_57 = tpu.vector_load %arg10[%get3A_55, %get3A_56] {strides = array<i32>} : memref<16x256xi32, #tpu.memory_space<vmem>>, vector<16xi32>,
        %get3A_58 = arith.constant 2 : i32
        %get3A_59 = arith.index_cast %get3A_58 : i32 to index
        %get3A_60 = arith.index_cast %add3A_32 : i32 to index
        %get3A_61 = tpu.vector_load %arg11[%get3A_59, %get3A_60] {strides = array<i32>} : memref<16x256xf32, #tpu.memory_space<vmem>>, vector<16xf32>,
        %mul3A_62 = arith.constant 6.250000e-02 : f32
        %mul3A_63 = vector.broadcast %mul3A_62 : f32 to vector<16xf32>
        %mul3A_64 = arith.mulf %get3A_61, %mul3A_63 : vector<16xf32>
        %get3A_65 = arith.constant 3 : i32
        %get3A_66 = arith.index_cast %get3A_65 : i32 to index
        %get3A_67 = arith.index_cast %add3A_32 : i32 to index
        %get3A_68 = tpu.vector_load %arg10[%get3A_66, %get3A_67] {strides = array<i32>} : memref<16x256xi32, #tpu.memory_space<vmem>>, vector<16xi32>,
        %get3A_69 = arith.constant 3 : i32
        %get3A_70 = arith.index_cast %get3A_69 : i32 to index
        %get3A_71 = arith.index_cast %add3A_32 : i32 to index
        %get3A_72 = tpu.vector_load %arg11[%get3A_70, %get3A_71] {strides = array<i32>} : memref<16x256xf32, #tpu.memory_space<vmem>>, vector<16xf32>,
        %mul3A_73 = arith.constant 6.250000e-02 : f32
        %mul3A_74 = vector.broadcast %mul3A_73 : f32 to vector<16xf32>
        %mul3A_75 = arith.mulf %get3A_72, %mul3A_74 : vector<16xf32>
        %get3A_76 = arith.constant 4 : i32
        %get3A_77 = arith.index_cast %get3A_76 : i32 to index
        %get3A_78 = arith.index_cast %add3A_32 : i32 to index
        %get3A_79 = tpu.vector_load %arg10[%get3A_77, %get3A_78] {strides = array<i32>} : memref<16x256xi32, #tpu.memory_space<vmem>>, vector<16xi32>,
        %get3A_80 = arith.constant 4 : i32
        %get3A_81 = arith.index_cast %get3A_80 : i32 to index
        %get3A_82 = arith.index_cast %add3A_32 : i32 to index
        %get3A_83 = tpu.vector_load %arg11[%get3A_81, %get3A_82] {strides = array<i32>} : memref<16x256xf32, #tpu.memory_space<vmem>>, vector<16xf32>,
        %mul3A_84 = arith.constant 6.250000e-02 : f32
        %mul3A_85 = vector.broadcast %mul3A_84 : f32 to vector<16xf32>
        %mul3A_86 = arith.mulf %get3A_83, %mul3A_85 : vector<16xf32>
        %get3A_87 = arith.constant 5 : i32
        %get3A_88 = arith.index_cast %get3A_87 : i32 to index
        %get3A_89 = arith.index_cast %add3A_32 : i32 to index
        %get3A_90 = tpu.vector_load %arg10[%get3A_88, %get3A_89] {strides = array<i32>} : memref<16x256xi32, #tpu.memory_space<vmem>>, vector<16xi32>,
        %get3A_91 = arith.constant 5 : i32
        %get3A_92 = arith.index_cast %get3A_91 : i32 to index
        %get3A_93 = arith.index_cast %add3A_32 : i32 to index
        %get3A_94 = tpu.vector_load %arg11[%get3A_92, %get3A_93] {strides = array<i32>} : memref<16x256xf32, #tpu.memory_space<vmem>>, vector<16xf32>,
        %mul3A_95 = arith.constant 6.250000e-02 : f32
        %mul3A_96 = vector.broadcast %mul3A_95 : f32 to vector<16xf32>
        %mul3A_97 = arith.mulf %get3A_94, %mul3A_96 : vector<16xf32>
        %get3A_98 = arith.constant 6 : i32
        %get3A_99 = arith.index_cast %get3A_98 : i32 to index
        %get3A_100 = arith.index_cast %add3A_32 : i32 to index
        %get3A_101 = tpu.vector_load %arg10[%get3A_99, %get3A_100] {strides = array<i32>} : memref<16x256xi32, #tpu.memory_space<vmem>>, vector<16xi32>,
        %get3A_102 = arith.constant 6 : i32
        %get3A_103 = arith.index_cast %get3A_102 : i32 to index
        %get3A_104 = arith.index_cast %add3A_32 : i32 to index
        %get3A_105 = tpu.vector_load %arg11[%get3A_103, %get3A_104] {strides = array<i32>} : memref<16x256xf32, #tpu.memory_space<vmem>>, vector<16xf32>,
        %mul3A_106 = arith.constant 6.250000e-02 : f32
        %mul3A_107 = vector.broadcast %mul3A_106 : f32 to vector<16xf32>
        %mul3A_108 = arith.mulf %get3A_105, %mul3A_107 : vector<16xf32>
        %get3A_109 = arith.constant 7 : i32
        %get3A_110 = arith.index_cast %get3A_109 : i32 to index
        %get3A_111 = arith.index_cast %add3A_32 : i32 to index
        %get3A_112 = tpu.vector_load %arg10[%get3A_110, %get3A_111] {strides = array<i32>} : memref<16x256xi32, #tpu.memory_space<vmem>>, vector<16xi32>,
        %get3A_113 = arith.constant 7 : i32
        %get3A_114 = arith.index_cast %get3A_113 : i32 to index
        %get3A_115 = arith.index_cast %add3A_32 : i32 to index
        %get3A_116 = tpu.vector_load %arg11[%get3A_114, %get3A_115] {strides = array<i32>} : memref<16x256xf32, #tpu.memory_space<vmem>>, vector<16xf32>,
        %mul3A_117 = arith.constant 6.250000e-02 : f32
        %mul3A_118 = vector.broadcast %mul3A_117 : f32 to vector<16xf32>
        %mul3A_119 = arith.mulf %get3A_116, %mul3A_118 : vector<16xf32>
        %get3A_120 = arith.constant 8 : i32
        %get3A_121 = arith.index_cast %get3A_120 : i32 to index
        %get3A_122 = arith.index_cast %add3A_32 : i32 to index
        %get3A_123 = tpu.vector_load %arg10[%get3A_121, %get3A_122] {strides = array<i32>} : memref<16x256xi32, #tpu.memory_space<vmem>>, vector<16xi32>,
        %get3A_124 = arith.constant 8 : i32
        %get3A_125 = arith.index_cast %get3A_124 : i32 to index
        %get3A_126 = arith.index_cast %add3A_32 : i32 to index
        %get3A_127 = tpu.vector_load %arg11[%get3A_125, %get3A_126] {strides = array<i32>} : memref<16x256xf32, #tpu.memory_space<vmem>>, vector<16xf32>,
        %mul3A_128 = arith.constant 6.250000e-02 : f32
        %mul3A_129 = vector.broadcast %mul3A_128 : f32 to vector<16xf32>
        %mul3A_130 = arith.mulf %get3A_127, %mul3A_129 : vector<16xf32>
        %get3A_131 = arith.constant 9 : i32
        %get3A_132 = arith.index_cast %get3A_131 : i32 to index
        %get3A_133 = arith.index_cast %add3A_32 : i32 to index
        %get3A_134 = tpu.vector_load %arg10[%get3A_132, %get3A_133] {strides = array<i32>} : memref<16x256xi32, #tpu.memory_space<vmem>>, vector<16xi32>,
        %get3A_135 = arith.constant 9 : i32
        %get3A_136 = arith.index_cast %get3A_135 : i32 to index
        %get3A_137 = arith.index_cast %add3A_32 : i32 to index
        %get3A_138 = tpu.vector_load %arg11[%get3A_136, %get3A_137] {strides = array<i32>} : memref<16x256xf32, #tpu.memory_space<vmem>>, vector<16xf32>,
        %mul3A_139 = arith.constant 6.250000e-02 : f32
        %mul3A_140 = vector.broadcast %mul3A_139 : f32 to vector<16xf32>
        %mul3A_141 = arith.mulf %get3A_138, %mul3A_140 : vector<16xf32>
        %get3A_142 = arith.constant 10 : i32
        %get3A_143 = arith.index_cast %get3A_142 : i32 to index
        %get3A_144 = arith.index_cast %add3A_32 : i32 to index
        %get3A_145 = tpu.vector_load %arg10[%get3A_143, %get3A_144] {strides = array<i32>} : memref<16x256xi32, #tpu.memory_space<vmem>>, vector<16xi32>,
        %get3A_146 = arith.constant 10 : i32
        %get3A_147 = arith.index_cast %get3A_146 : i32 to index
        %get3A_148 = arith.index_cast %add3A_32 : i32 to index
        %get3A_149 = tpu.vector_load %arg11[%get3A_147, %get3A_148] {strides = array<i32>} : memref<16x256xf32, #tpu.memory_space<vmem>>, vector<16xf32>,
        %mul3A_150 = arith.constant 6.250000e-02 : f32
        %mul3A_151 = vector.broadcast %mul3A_150 : f32 to vector<16xf32>
        %mul3A_152 = arith.mulf %get3A_149, %mul3A_151 : vector<16xf32>
        %get3A_153 = arith.constant 11 : i32
        %get3A_154 = arith.index_cast %get3A_153 : i32 to index
        %get3A_155 = arith.index_cast %add3A_32 : i32 to index
        %get3A_156 = tpu.vector_load %arg10[%get3A_154, %get3A_155] {strides = array<i32>} : memref<16x256xi32, #tpu.memory_space<vmem>>, vector<16xi32>,
        %get3A_157 = arith.constant 11 : i32
        %get3A_158 = arith.index_cast %get3A_157 : i32 to index
        %get3A_159 = arith.index_cast %add3A_32 : i32 to index
        %get3A_160 = tpu.vector_load %arg11[%get3A_158, %get3A_159] {strides = array<i32>} : memref<16x256xf32, #tpu.memory_space<vmem>>, vector<16xf32>,
        %mul3A_161 = arith.constant 6.250000e-02 : f32
        %mul3A_162 = vector.broadcast %mul3A_161 : f32 to vector<16xf32>
        %mul3A_163 = arith.mulf %get3A_160, %mul3A_162 : vector<16xf32>
        %get3A_164 = arith.constant 12 : i32
        %get3A_165 = arith.index_cast %get3A_164 : i32 to index
        %get3A_166 = arith.index_cast %add3A_32 : i32 to index
        %get3A_167 = tpu.vector_load %arg10[%get3A_165, %get3A_166] {strides = array<i32>} : memref<16x256xi32, #tpu.memory_space<vmem>>, vector<16xi32>,
        %get3A_168 = arith.constant 12 : i32
        %get3A_169 = arith.index_cast %get3A_168 : i32 to index
        %get3A_170 = arith.index_cast %add3A_32 : i32 to index
        %get3A_171 = tpu.vector_load %arg11[%get3A_169, %get3A_170] {strides = array<i32>} : memref<16x256xf32, #tpu.memory_space<vmem>>, vector<16xf32>,
        %mul3A_172 = arith.constant 6.250000e-02 : f32
        %mul3A_173 = vector.broadcast %mul3A_172 : f32 to vector<16xf32>
        %mul3A_174 = arith.mulf %get3A_171, %mul3A_173 : vector<16xf32>
        %get3A_175 = arith.constant 13 : i32
        %get3A_176 = arith.index_cast %get3A_175 : i32 to index
        %get3A_177 = arith.index_cast %add3A_32 : i32 to index
        %get3A_178 = tpu.vector_load %arg10[%get3A_176, %get3A_177] {strides = array<i32>} : memref<16x256xi32, #tpu.memory_space<vmem>>, vector<16xi32>,
        %get3A_179 = arith.constant 13 : i32
        %get3A_180 = arith.index_cast %get3A_179 : i32 to index
        %get3A_181 = arith.index_cast %add3A_32 : i32 to index
        %get3A_182 = tpu.vector_load %arg11[%get3A_180, %get3A_181] {strides = array<i32>} : memref<16x256xf32, #tpu.memory_space<vmem>>, vector<16xf32>,
        %mul3A_183 = arith.constant 6.250000e-02 : f32
        %mul3A_184 = vector.broadcast %mul3A_183 : f32 to vector<16xf32>
        %mul3A_185 = arith.mulf %get3A_182, %mul3A_184 : vector<16xf32>
        %get3A_186 = arith.constant 14 : i32
        %get3A_187 = arith.index_cast %get3A_186 : i32 to index
        %get3A_188 = arith.index_cast %add3A_32 : i32 to index
        %get3A_189 = tpu.vector_load %arg10[%get3A_187, %get3A_188] {strides = array<i32>} : memref<16x256xi32, #tpu.memory_space<vmem>>, vector<16xi32>,
        %get3A_190 = arith.constant 14 : i32
        %get3A_191 = arith.index_cast %get3A_190 : i32 to index
        %get3A_192 = arith.index_cast %add3A_32 : i32 to index
        %get3A_193 = tpu.vector_load %arg11[%get3A_191, %get3A_192] {strides = array<i32>} : memref<16x256xf32, #tpu.memory_space<vmem>>, vector<16xf32>,
        %mul3A_194 = arith.constant 6.250000e-02 : f32
        %mul3A_195 = vector.broadcast %mul3A_194 : f32 to vector<16xf32>
        %mul3A_196 = arith.mulf %get3A_193, %mul3A_195 : vector<16xf32>
        %get3A_197 = arith.constant 15 : i32
        %get3A_198 = arith.index_cast %get3A_197 : i32 to index
        %get3A_199 = arith.index_cast %add3A_32 : i32 to index
        %get3A_200 = tpu.vector_load %arg10[%get3A_198, %get3A_199] {strides = array<i32>} : memref<16x256xi32, #tpu.memory_space<vmem>>, vector<16xi32>,
        %get3A_201 = arith.constant 15 : i32
        %get3A_202 = arith.index_cast %get3A_201 : i32 to index
        %get3A_203 = arith.index_cast %add3A_32 : i32 to index
        %get3A_204 = tpu.vector_load %arg11[%get3A_202, %get3A_203] {strides = array<i32>} : memref<16x256xf32, #tpu.memory_space<vmem>>, vector<16xf32>,
        %mul3A_205 = arith.constant 6.250000e-02 : f32
        %mul3A_206 = vector.broadcast %mul3A_205 : f32 to vector<16xf32>
        %mul3A_207 = arith.mulf %get3A_204, %mul3A_206 : vector<16xf32>
        %mul3A_208 = arith.constant 16 : i32
        %mul3A_209 = arith.muli %scan3A_28, %mul3A_208 : i32
        %add3A_210 = vector.broadcast %mul3A_209 : i32 to vector<16xi32>
        %add3A_211 = arith.addi %iota3A, %add3A_210 : vector<16xi32>
        %scan3A_212 = arith.constant 0 : i32
        %scan3A_213 = arith.constant 0 : i32
        %scan3A_214 = arith.constant 16 : i32
        %scan3A_215 = arith.addi %scan3A_213, %scan3A_214 : i32
        %scan3A_216 = arith.constant 1 : i32
        scf.for %scan3A_218 = %scan3A_213 to %scan3A_215 step %scan3A_216  : i32 {
          %mul3A_219 = arith.constant 4 : i32
          %mul3A_220 = arith.muli %scan3A_218, %mul3A_219 : i32
          %add3A_221 = arith.constant 0 : i32
          %add3A_222 = arith.addi %mul3A_220, %add3A_221 : i32
          %broadcast_in_dim3A = vector.broadcast %add3A_222 : i32 to vector<16xi32>
          %gather3A = tpu.vector_load_idx %arg9[%get3A_35, %broadcast_in_dim3A] : memref<1000x64xf32, #tpu.memory_space<vmem>>[vector<16xi32>, vector<16xi32>], vector<16xf32>,
          %mul3A_223 = arith.mulf %mul3A_42, %gather3A : vector<16xf32>
          %gather3A_224 = tpu.vector_load_idx %arg9[%get3A_46, %broadcast_in_dim3A] : memref<1000x64xf32, #tpu.memory_space<vmem>>[vector<16xi32>, vector<16xi32>], vector<16xf32>,
          %mul3A_225 = arith.mulf %mul3A_53, %gather3A_224 : vector<16xf32>
          %add3A_226 = arith.addf %mul3A_223, %mul3A_225 : vector<16xf32>
          %gather3A_227 = tpu.vector_load_idx %arg9[%get3A_57, %broadcast_in_dim3A] : memref<1000x64xf32, #tpu.memory_space<vmem>>[vector<16xi32>, vector<16xi32>], vector<16xf32>,
          %mul3A_228 = arith.mulf %mul3A_64, %gather3A_227 : vector<16xf32>
          %add3A_229 = arith.addf %add3A_226, %mul3A_228 : vector<16xf32>
          %gather3A_230 = tpu.vector_load_idx %arg9[%get3A_68, %broadcast_in_dim3A] : memref<1000x64xf32, #tpu.memory_space<vmem>>[vector<16xi32>, vector<16xi32>], vector<16xf32>,
          %mul3A_231 = arith.mulf %mul3A_75, %gather3A_230 : vector<16xf32>
          %add3A_232 = arith.addf %add3A_229, %mul3A_231 : vector<16xf32>
          %gather3A_233 = tpu.vector_load_idx %arg9[%get3A_79, %broadcast_in_dim3A] : memref<1000x64xf32, #tpu.memory_space<vmem>>[vector<16xi32>, vector<16xi32>], vector<16xf32>,
          %mul3A_234 = arith.mulf %mul3A_86, %gather3A_233 : vector<16xf32>
          %add3A_235 = arith.addf %add3A_232, %mul3A_234 : vector<16xf32>
          %gather3A_236 = tpu.vector_load_idx %arg9[%get3A_90, %broadcast_in_dim3A] : memref<1000x64xf32, #tpu.memory_space<vmem>>[vector<16xi32>, vector<16xi32>], vector<16xf32>,
          %mul3A_237 = arith.mulf %mul3A_97, %gather3A_236 : vector<16xf32>
          %add3A_238 = arith.addf %add3A_235, %mul3A_237 : vector<16xf32>
          %gather3A_239 = tpu.vector_load_idx %arg9[%get3A_101, %broadcast_in_dim3A] : memref<1000x64xf32, #tpu.memory_space<vmem>>[vector<16xi32>, vector<16xi32>], vector<16xf32>,
          %mul3A_240 = arith.mulf %mul3A_108, %gather3A_239 : vector<16xf32>
          %add3A_241 = arith.addf %add3A_238, %mul3A_240 : vector<16xf32>
          %gather3A_242 = tpu.vector_load_idx %arg9[%get3A_112, %broadcast_in_dim3A] : memref<1000x64xf32, #tpu.memory_space<vmem>>[vector<16xi32>, vector<16xi32>], vector<16xf32>,
          %mul3A_243 = arith.mulf %mul3A_119, %gather3A_242 : vector<16xf32>
          %add3A_244 = arith.addf %add3A_241, %mul3A_243 : vector<16xf32>
          %gather3A_245 = tpu.vector_load_idx %arg9[%get3A_123, %broadcast_in_dim3A] : memref<1000x64xf32, #tpu.memory_space<vmem>>[vector<16xi32>, vector<16xi32>], vector<16xf32>,
          %mul3A_246 = arith.mulf %mul3A_130, %gather3A_245 : vector<16xf32>
          %add3A_247 = arith.addf %add3A_244, %mul3A_246 : vector<16xf32>
          %gather3A_248 = tpu.vector_load_idx %arg9[%get3A_134, %broadcast_in_dim3A] : memref<1000x64xf32, #tpu.memory_space<vmem>>[vector<16xi32>, vector<16xi32>], vector<16xf32>,
          %mul3A_249 = arith.mulf %mul3A_141, %gather3A_248 : vector<16xf32>
          %add3A_250 = arith.addf %add3A_247, %mul3A_249 : vector<16xf32>
          %gather3A_251 = tpu.vector_load_idx %arg9[%get3A_145, %broadcast_in_dim3A] : memref<1000x64xf32, #tpu.memory_space<vmem>>[vector<16xi32>, vector<16xi32>], vector<16xf32>,
          %mul3A_252 = arith.mulf %mul3A_152, %gather3A_251 : vector<16xf32>
          %add3A_253 = arith.addf %add3A_250, %mul3A_252 : vector<16xf32>
          %gather3A_254 = tpu.vector_load_idx %arg9[%get3A_156, %broadcast_in_dim3A] : memref<1000x64xf32, #tpu.memory_space<vmem>>[vector<16xi32>, vector<16xi32>], vector<16xf32>,
          %mul3A_255 = arith.mulf %mul3A_163, %gather3A_254 : vector<16xf32>
          %add3A_256 = arith.addf %add3A_253, %mul3A_255 : vector<16xf32>
          %gather3A_257 = tpu.vector_load_idx %arg9[%get3A_167, %broadcast_in_dim3A] : memref<1000x64xf32, #tpu.memory_space<vmem>>[vector<16xi32>, vector<16xi32>], vector<16xf32>,
          %mul3A_258 = arith.mulf %mul3A_174, %gather3A_257 : vector<16xf32>
          %add3A_259 = arith.addf %add3A_256, %mul3A_258 : vector<16xf32>
          %gather3A_260 = tpu.vector_load_idx %arg9[%get3A_178, %broadcast_in_dim3A] : memref<1000x64xf32, #tpu.memory_space<vmem>>[vector<16xi32>, vector<16xi32>], vector<16xf32>,
          %mul3A_261 = arith.mulf %mul3A_185, %gather3A_260 : vector<16xf32>
          %add3A_262 = arith.addf %add3A_259, %mul3A_261 : vector<16xf32>
          %gather3A_263 = tpu.vector_load_idx %arg9[%get3A_189, %broadcast_in_dim3A] : memref<1000x64xf32, #tpu.memory_space<vmem>>[vector<16xi32>, vector<16xi32>], vector<16xf32>,
          %mul3A_264 = arith.mulf %mul3A_196, %gather3A_263 : vector<16xf32>
          %add3A_265 = arith.addf %add3A_262, %mul3A_264 : vector<16xf32>
          %gather3A_266 = tpu.vector_load_idx %arg9[%get3A_200, %broadcast_in_dim3A] : memref<1000x64xf32, #tpu.memory_space<vmem>>[vector<16xi32>, vector<16xi32>], vector<16xf32>,
          %mul3A_267 = arith.mulf %mul3A_207, %gather3A_266 : vector<16xf32>
          %add3A_268 = arith.addf %add3A_265, %mul3A_267 : vector<16xf32>
          tpu.vector_store_idx %arg12[%add3A_211, %broadcast_in_dim3A], %add3A_268 : memref<128x64xf32, #tpu.memory_space<vmem>>[vector<16xi32>, vector<16xi32>], vector<16xf32>,
          %mul3A_269 = arith.constant 4 : i32
          %mul3A_270 = arith.muli %scan3A_218, %mul3A_269 : i32
          %add3A_271 = arith.constant 1 : i32
          %add3A_272 = arith.addi %mul3A_270, %add3A_271 : i32
          %broadcast_in_dim3A_273 = vector.broadcast %add3A_272 : i32 to vector<16xi32>
          %gather3A_274 = tpu.vector_load_idx %arg9[%get3A_35, %broadcast_in_dim3A_273] : memref<1000x64xf32, #tpu.memory_space<vmem>>[vector<16xi32>, vector<16xi32>], vector<16xf32>,
          %mul3A_275 = arith.mulf %mul3A_42, %gather3A_274 : vector<16xf32>
          %gather3A_276 = tpu.vector_load_idx %arg9[%get3A_46, %broadcast_in_dim3A_273] : memref<1000x64xf32, #tpu.memory_space<vmem>>[vector<16xi32>, vector<16xi32>], vector<16xf32>,
          %mul3A_277 = arith.mulf %mul3A_53, %gather3A_276 : vector<16xf32>
          %add3A_278 = arith.addf %mul3A_275, %mul3A_277 : vector<16xf32>
          %gather3A_279 = tpu.vector_load_idx %arg9[%get3A_57, %broadcast_in_dim3A_273] : memref<1000x64xf32, #tpu.memory_space<vmem>>[vector<16xi32>, vector<16xi32>], vector<16xf32>,
          %mul3A_280 = arith.mulf %mul3A_64, %gather3A_279 : vector<16xf32>
          %add3A_281 = arith.addf %add3A_278, %mul3A_280 : vector<16xf32>
          %gather3A_282 = tpu.vector_load_idx %arg9[%get3A_68, %broadcast_in_dim3A_273] : memref<1000x64xf32, #tpu.memory_space<vmem>>[vector<16xi32>, vector<16xi32>], vector<16xf32>,
          %mul3A_283 = arith.mulf %mul3A_75, %gather3A_282 : vector<16xf32>
          %add3A_284 = arith.addf %add3A_281, %mul3A_283 : vector<16xf32>
          %gather3A_285 = tpu.vector_load_idx %arg9[%get3A_79, %broadcast_in_dim3A_273] : memref<1000x64xf32, #tpu.memory_space<vmem>>[vector<16xi32>, vector<16xi32>], vector<16xf32>,
          %mul3A_286 = arith.mulf %mul3A_86, %gather3A_285 : vector<16xf32>
          %add3A_287 = arith.addf %add3A_284, %mul3A_286 : vector<16xf32>
          %gather3A_288 = tpu.vector_load_idx %arg9[%get3A_90, %broadcast_in_dim3A_273] : memref<1000x64xf32, #tpu.memory_space<vmem>>[vector<16xi32>, vector<16xi32>], vector<16xf32>,
          %mul3A_289 = arith.mulf %mul3A_97, %gather3A_288 : vector<16xf32>
          %add3A_290 = arith.addf %add3A_287, %mul3A_289 : vector<16xf32>
          %gather3A_291 = tpu.vector_load_idx %arg9[%get3A_101, %broadcast_in_dim3A_273] : memref<1000x64xf32, #tpu.memory_space<vmem>>[vector<16xi32>, vector<16xi32>], vector<16xf32>,
          %mul3A_292 = arith.mulf %mul3A_108, %gather3A_291 : vector<16xf32>
          %add3A_293 = arith.addf %add3A_290, %mul3A_292 : vector<16xf32>
          %gather3A_294 = tpu.vector_load_idx %arg9[%get3A_112, %broadcast_in_dim3A_273] : memref<1000x64xf32, #tpu.memory_space<vmem>>[vector<16xi32>, vector<16xi32>], vector<16xf32>,
          %mul3A_295 = arith.mulf %mul3A_119, %gather3A_294 : vector<16xf32>
          %add3A_296 = arith.addf %add3A_293, %mul3A_295 : vector<16xf32>
          %gather3A_297 = tpu.vector_load_idx %arg9[%get3A_123, %broadcast_in_dim3A_273] : memref<1000x64xf32, #tpu.memory_space<vmem>>[vector<16xi32>, vector<16xi32>], vector<16xf32>,
          %mul3A_298 = arith.mulf %mul3A_130, %gather3A_297 : vector<16xf32>
          %add3A_299 = arith.addf %add3A_296, %mul3A_298 : vector<16xf32>
          %gather3A_300 = tpu.vector_load_idx %arg9[%get3A_134, %broadcast_in_dim3A_273] : memref<1000x64xf32, #tpu.memory_space<vmem>>[vector<16xi32>, vector<16xi32>], vector<16xf32>,
          %mul3A_301 = arith.mulf %mul3A_141, %gather3A_300 : vector<16xf32>
          %add3A_302 = arith.addf %add3A_299, %mul3A_301 : vector<16xf32>
          %gather3A_303 = tpu.vector_load_idx %arg9[%get3A_145, %broadcast_in_dim3A_273] : memref<1000x64xf32, #tpu.memory_space<vmem>>[vector<16xi32>, vector<16xi32>], vector<16xf32>,
          %mul3A_304 = arith.mulf %mul3A_152, %gather3A_303 : vector<16xf32>
          %add3A_305 = arith.addf %add3A_302, %mul3A_304 : vector<16xf32>
          %gather3A_306 = tpu.vector_load_idx %arg9[%get3A_156, %broadcast_in_dim3A_273] : memref<1000x64xf32, #tpu.memory_space<vmem>>[vector<16xi32>, vector<16xi32>], vector<16xf32>,
          %mul3A_307 = arith.mulf %mul3A_163, %gather3A_306 : vector<16xf32>
          %add3A_308 = arith.addf %add3A_305, %mul3A_307 : vector<16xf32>
          %gather3A_309 = tpu.vector_load_idx %arg9[%get3A_167, %broadcast_in_dim3A_273] : memref<1000x64xf32, #tpu.memory_space<vmem>>[vector<16xi32>, vector<16xi32>], vector<16xf32>,
          %mul3A_310 = arith.mulf %mul3A_174, %gather3A_309 : vector<16xf32>
          %add3A_311 = arith.addf %add3A_308, %mul3A_310 : vector<16xf32>
          %gather3A_312 = tpu.vector_load_idx %arg9[%get3A_178, %broadcast_in_dim3A_273] : memref<1000x64xf32, #tpu.memory_space<vmem>>[vector<16xi32>, vector<16xi32>], vector<16xf32>,
          %mul3A_313 = arith.mulf %mul3A_185, %gather3A_312 : vector<16xf32>
          %add3A_314 = arith.addf %add3A_311, %mul3A_313 : vector<16xf32>
          %gather3A_315 = tpu.vector_load_idx %arg9[%get3A_189, %broadcast_in_dim3A_273] : memref<1000x64xf32, #tpu.memory_space<vmem>>[vector<16xi32>, vector<16xi32>], vector<16xf32>,
          %mul3A_316 = arith.mulf %mul3A_196, %gather3A_315 : vector<16xf32>
          %add3A_317 = arith.addf %add3A_314, %mul3A_316 : vector<16xf32>
          %gather3A_318 = tpu.vector_load_idx %arg9[%get3A_200, %broadcast_in_dim3A_273] : memref<1000x64xf32, #tpu.memory_space<vmem>>[vector<16xi32>, vector<16xi32>], vector<16xf32>,
          %mul3A_319 = arith.mulf %mul3A_207, %gather3A_318 : vector<16xf32>
          %add3A_320 = arith.addf %add3A_317, %mul3A_319 : vector<16xf32>
          tpu.vector_store_idx %arg12[%add3A_211, %broadcast_in_dim3A_273], %add3A_320 : memref<128x64xf32, #tpu.memory_space<vmem>>[vector<16xi32>, vector<16xi32>], vector<16xf32>,
          %mul3A_321 = arith.constant 4 : i32
          %mul3A_322 = arith.muli %scan3A_218, %mul3A_321 : i32
          %add3A_323 = arith.constant 2 : i32
          %add3A_324 = arith.addi %mul3A_322, %add3A_323 : i32
          %broadcast_in_dim3A_325 = vector.broadcast %add3A_324 : i32 to vector<16xi32>
          %gather3A_326 = tpu.vector_load_idx %arg9[%get3A_35, %broadcast_in_dim3A_325] : memref<1000x64xf32, #tpu.memory_space<vmem>>[vector<16xi32>, vector<16xi32>], vector<16xf32>,
          %mul3A_327 = arith.mulf %mul3A_42, %gather3A_326 : vector<16xf32>
          %gather3A_328 = tpu.vector_load_idx %arg9[%get3A_46, %broadcast_in_dim3A_325] : memref<1000x64xf32, #tpu.memory_space<vmem>>[vector<16xi32>, vector<16xi32>], vector<16xf32>,
          %mul3A_329 = arith.mulf %mul3A_53, %gather3A_328 : vector<16xf32>
          %add3A_330 = arith.addf %mul3A_327, %mul3A_329 : vector<16xf32>
          %gather3A_331 = tpu.vector_load_idx %arg9[%get3A_57, %broadcast_in_dim3A_325] : memref<1000x64xf32, #tpu.memory_space<vmem>>[vector<16xi32>, vector<16xi32>], vector<16xf32>,
          %mul3A_332 = arith.mulf %mul3A_64, %gather3A_331 : vector<16xf32>
          %add3A_333 = arith.addf %add3A_330, %mul3A_332 : vector<16xf32>
          %gather3A_334 = tpu.vector_load_idx %arg9[%get3A_68, %broadcast_in_dim3A_325] : memref<1000x64xf32, #tpu.memory_space<vmem>>[vector<16xi32>, vector<16xi32>], vector<16xf32>,
          %mul3A_335 = arith.mulf %mul3A_75, %gather3A_334 : vector<16xf32>
          %add3A_336 = arith.addf %add3A_333, %mul3A_335 : vector<16xf32>
          %gather3A_337 = tpu.vector_load_idx %arg9[%get3A_79, %broadcast_in_dim3A_325] : memref<1000x64xf32, #tpu.memory_space<vmem>>[vector<16xi32>, vector<16xi32>], vector<16xf32>,
          %mul3A_338 = arith.mulf %mul3A_86, %gather3A_337 : vector<16xf32>
          %add3A_339 = arith.addf %add3A_336, %mul3A_338 : vector<16xf32>
          %gather3A_340 = tpu.vector_load_idx %arg9[%get3A_90, %broadcast_in_dim3A_325] : memref<1000x64xf32, #tpu.memory_space<vmem>>[vector<16xi32>, vector<16xi32>], vector<16xf32>,
          %mul3A_341 = arith.mulf %mul3A_97, %gather3A_340 : vector<16xf32>
          %add3A_342 = arith.addf %add3A_339, %mul3A_341 : vector<16xf32>
          %gather3A_343 = tpu.vector_load_idx %arg9[%get3A_101, %broadcast_in_dim3A_325] : memref<1000x64xf32, #tpu.memory_space<vmem>>[vector<16xi32>, vector<16xi32>], vector<16xf32>,
          %mul3A_344 = arith.mulf %mul3A_108, %gather3A_343 : vector<16xf32>
          %add3A_345 = arith.addf %add3A_342, %mul3A_344 : vector<16xf32>
          %gather3A_346 = tpu.vector_load_idx %arg9[%get3A_112, %broadcast_in_dim3A_325] : memref<1000x64xf32, #tpu.memory_space<vmem>>[vector<16xi32>, vector<16xi32>], vector<16xf32>,
          %mul3A_347 = arith.mulf %mul3A_119, %gather3A_346 : vector<16xf32>
          %add3A_348 = arith.addf %add3A_345, %mul3A_347 : vector<16xf32>
          %gather3A_349 = tpu.vector_load_idx %arg9[%get3A_123, %broadcast_in_dim3A_325] : memref<1000x64xf32, #tpu.memory_space<vmem>>[vector<16xi32>, vector<16xi32>], vector<16xf32>,
          %mul3A_350 = arith.mulf %mul3A_130, %gather3A_349 : vector<16xf32>
          %add3A_351 = arith.addf %add3A_348, %mul3A_350 : vector<16xf32>
          %gather3A_352 = tpu.vector_load_idx %arg9[%get3A_134, %broadcast_in_dim3A_325] : memref<1000x64xf32, #tpu.memory_space<vmem>>[vector<16xi32>, vector<16xi32>], vector<16xf32>,
          %mul3A_353 = arith.mulf %mul3A_141, %gather3A_352 : vector<16xf32>
          %add3A_354 = arith.addf %add3A_351, %mul3A_353 : vector<16xf32>
          %gather3A_355 = tpu.vector_load_idx %arg9[%get3A_145, %broadcast_in_dim3A_325] : memref<1000x64xf32, #tpu.memory_space<vmem>>[vector<16xi32>, vector<16xi32>], vector<16xf32>,
          %mul3A_356 = arith.mulf %mul3A_152, %gather3A_355 : vector<16xf32>
          %add3A_357 = arith.addf %add3A_354, %mul3A_356 : vector<16xf32>
          %gather3A_358 = tpu.vector_load_idx %arg9[%get3A_156, %broadcast_in_dim3A_325] : memref<1000x64xf32, #tpu.memory_space<vmem>>[vector<16xi32>, vector<16xi32>], vector<16xf32>,
          %mul3A_359 = arith.mulf %mul3A_163, %gather3A_358 : vector<16xf32>
          %add3A_360 = arith.addf %add3A_357, %mul3A_359 : vector<16xf32>
          %gather3A_361 = tpu.vector_load_idx %arg9[%get3A_167, %broadcast_in_dim3A_325] : memref<1000x64xf32, #tpu.memory_space<vmem>>[vector<16xi32>, vector<16xi32>], vector<16xf32>,
          %mul3A_362 = arith.mulf %mul3A_174, %gather3A_361 : vector<16xf32>
          %add3A_363 = arith.addf %add3A_360, %mul3A_362 : vector<16xf32>
          %gather3A_364 = tpu.vector_load_idx %arg9[%get3A_178, %broadcast_in_dim3A_325] : memref<1000x64xf32, #tpu.memory_space<vmem>>[vector<16xi32>, vector<16xi32>], vector<16xf32>,
          %mul3A_365 = arith.mulf %mul3A_185, %gather3A_364 : vector<16xf32>
          %add3A_366 = arith.addf %add3A_363, %mul3A_365 : vector<16xf32>
          %gather3A_367 = tpu.vector_load_idx %arg9[%get3A_189, %broadcast_in_dim3A_325] : memref<1000x64xf32, #tpu.memory_space<vmem>>[vector<16xi32>, vector<16xi32>], vector<16xf32>,
          %mul3A_368 = arith.mulf %mul3A_196, %gather3A_367 : vector<16xf32>
          %add3A_369 = arith.addf %add3A_366, %mul3A_368 : vector<16xf32>
          %gather3A_370 = tpu.vector_load_idx %arg9[%get3A_200, %broadcast_in_dim3A_325] : memref<1000x64xf32, #tpu.memory_space<vmem>>[vector<16xi32>, vector<16xi32>], vector<16xf32>,
          %mul3A_371 = arith.mulf %mul3A_207, %gather3A_370 : vector<16xf32>
          %add3A_372 = arith.addf %add3A_369, %mul3A_371 : vector<16xf32>
          tpu.vector_store_idx %arg12[%add3A_211, %broadcast_in_dim3A_325], %add3A_372 : memref<128x64xf32, #tpu.memory_space<vmem>>[vector<16xi32>, vector<16xi32>], vector<16xf32>,
          %mul3A_373 = arith.constant 4 : i32
          %mul3A_374 = arith.muli %scan3A_218, %mul3A_373 : i32
          %add3A_375 = arith.constant 3 : i32
          %add3A_376 = arith.addi %mul3A_374, %add3A_375 : i32
          %broadcast_in_dim3A_377 = vector.broadcast %add3A_376 : i32 to vector<16xi32>
          %gather3A_378 = tpu.vector_load_idx %arg9[%get3A_35, %broadcast_in_dim3A_377] : memref<1000x64xf32, #tpu.memory_space<vmem>>[vector<16xi32>, vector<16xi32>], vector<16xf32>,
          %mul3A_379 = arith.mulf %mul3A_42, %gather3A_378 : vector<16xf32>
          %gather3A_380 = tpu.vector_load_idx %arg9[%get3A_46, %broadcast_in_dim3A_377] : memref<1000x64xf32, #tpu.memory_space<vmem>>[vector<16xi32>, vector<16xi32>], vector<16xf32>,
          %mul3A_381 = arith.mulf %mul3A_53, %gather3A_380 : vector<16xf32>
          %add3A_382 = arith.addf %mul3A_379, %mul3A_381 : vector<16xf32>
          %gather3A_383 = tpu.vector_load_idx %arg9[%get3A_57, %broadcast_in_dim3A_377] : memref<1000x64xf32, #tpu.memory_space<vmem>>[vector<16xi32>, vector<16xi32>], vector<16xf32>,
          %mul3A_384 = arith.mulf %mul3A_64, %gather3A_383 : vector<16xf32>
          %add3A_385 = arith.addf %add3A_382, %mul3A_384 : vector<16xf32>
          %gather3A_386 = tpu.vector_load_idx %arg9[%get3A_68, %broadcast_in_dim3A_377] : memref<1000x64xf32, #tpu.memory_space<vmem>>[vector<16xi32>, vector<16xi32>], vector<16xf32>,
          %mul3A_387 = arith.mulf %mul3A_75, %gather3A_386 : vector<16xf32>
          %add3A_388 = arith.addf %add3A_385, %mul3A_387 : vector<16xf32>
          %gather3A_389 = tpu.vector_load_idx %arg9[%get3A_79, %broadcast_in_dim3A_377] : memref<1000x64xf32, #tpu.memory_space<vmem>>[vector<16xi32>, vector<16xi32>], vector<16xf32>,
          %mul3A_390 = arith.mulf %mul3A_86, %gather3A_389 : vector<16xf32>
          %add3A_391 = arith.addf %add3A_388, %mul3A_390 : vector<16xf32>
          %gather3A_392 = tpu.vector_load_idx %arg9[%get3A_90, %broadcast_in_dim3A_377] : memref<1000x64xf32, #tpu.memory_space<vmem>>[vector<16xi32>, vector<16xi32>], vector<16xf32>,
          %mul3A_393 = arith.mulf %mul3A_97, %gather3A_392 : vector<16xf32>
          %add3A_394 = arith.addf %add3A_391, %mul3A_393 : vector<16xf32>
          %gather3A_395 = tpu.vector_load_idx %arg9[%get3A_101, %broadcast_in_dim3A_377] : memref<1000x64xf32, #tpu.memory_space<vmem>>[vector<16xi32>, vector<16xi32>], vector<16xf32>,
          %mul3A_396 = arith.mulf %mul3A_108, %gather3A_395 : vector<16xf32>
          %add3A_397 = arith.addf %add3A_394, %mul3A_396 : vector<16xf32>
          %gather3A_398 = tpu.vector_load_idx %arg9[%get3A_112, %broadcast_in_dim3A_377] : memref<1000x64xf32, #tpu.memory_space<vmem>>[vector<16xi32>, vector<16xi32>], vector<16xf32>,
          %mul3A_399 = arith.mulf %mul3A_119, %gather3A_398 : vector<16xf32>
          %add3A_400 = arith.addf %add3A_397, %mul3A_399 : vector<16xf32>
          %gather3A_401 = tpu.vector_load_idx %arg9[%get3A_123, %broadcast_in_dim3A_377] : memref<1000x64xf32, #tpu.memory_space<vmem>>[vector<16xi32>, vector<16xi32>], vector<16xf32>,
          %mul3A_402 = arith.mulf %mul3A_130, %gather3A_401 : vector<16xf32>
          %add3A_403 = arith.addf %add3A_400, %mul3A_402 : vector<16xf32>
          %gather3A_404 = tpu.vector_load_idx %arg9[%get3A_134, %broadcast_in_dim3A_377] : memref<1000x64xf32, #tpu.memory_space<vmem>>[vector<16xi32>, vector<16xi32>], vector<16xf32>,
          %mul3A_405 = arith.mulf %mul3A_141, %gather3A_404 : vector<16xf32>
          %add3A_406 = arith.addf %add3A_403, %mul3A_405 : vector<16xf32>
          %gather3A_407 = tpu.vector_load_idx %arg9[%get3A_145, %broadcast_in_dim3A_377] : memref<1000x64xf32, #tpu.memory_space<vmem>>[vector<16xi32>, vector<16xi32>], vector<16xf32>,
          %mul3A_408 = arith.mulf %mul3A_152, %gather3A_407 : vector<16xf32>
          %add3A_409 = arith.addf %add3A_406, %mul3A_408 : vector<16xf32>
          %gather3A_410 = tpu.vector_load_idx %arg9[%get3A_156, %broadcast_in_dim3A_377] : memref<1000x64xf32, #tpu.memory_space<vmem>>[vector<16xi32>, vector<16xi32>], vector<16xf32>,
          %mul3A_411 = arith.mulf %mul3A_163, %gather3A_410 : vector<16xf32>
          %add3A_412 = arith.addf %add3A_409, %mul3A_411 : vector<16xf32>
          %gather3A_413 = tpu.vector_load_idx %arg9[%get3A_167, %broadcast_in_dim3A_377] : memref<1000x64xf32, #tpu.memory_space<vmem>>[vector<16xi32>, vector<16xi32>], vector<16xf32>,
          %mul3A_414 = arith.mulf %mul3A_174, %gather3A_413 : vector<16xf32>
          %add3A_415 = arith.addf %add3A_412, %mul3A_414 : vector<16xf32>
          %gather3A_416 = tpu.vector_load_idx %arg9[%get3A_178, %broadcast_in_dim3A_377] : memref<1000x64xf32, #tpu.memory_space<vmem>>[vector<16xi32>, vector<16xi32>], vector<16xf32>,
          %mul3A_417 = arith.mulf %mul3A_185, %gather3A_416 : vector<16xf32>
          %add3A_418 = arith.addf %add3A_415, %mul3A_417 : vector<16xf32>
          %gather3A_419 = tpu.vector_load_idx %arg9[%get3A_189, %broadcast_in_dim3A_377] : memref<1000x64xf32, #tpu.memory_space<vmem>>[vector<16xi32>, vector<16xi32>], vector<16xf32>,
          %mul3A_420 = arith.mulf %mul3A_196, %gather3A_419 : vector<16xf32>
          %add3A_421 = arith.addf %add3A_418, %mul3A_420 : vector<16xf32>
          %gather3A_422 = tpu.vector_load_idx %arg9[%get3A_200, %broadcast_in_dim3A_377] : memref<1000x64xf32, #tpu.memory_space<vmem>>[vector<16xi32>, vector<16xi32>], vector<16xf32>,
          %mul3A_423 = arith.mulf %mul3A_207, %gather3A_422 : vector<16xf32>
          %add3A_424 = arith.addf %add3A_421, %mul3A_423 : vector<16xf32>
          tpu.vector_store_idx %arg12[%add3A_211, %broadcast_in_dim3A_377], %add3A_424 : memref<128x64xf32, #tpu.memory_space<vmem>>[vector<16xi32>, vector<16xi32>], vector<16xf32>,
        }
        %scan3A_217 = arith.constant 16 : i32
      }
      %scan3A_21 = arith.constant 8 : i32
      "tpu.region"() ({
        %run_scoped3A = tpu.sem_alloc : memref<!tpu.dma_semaphore, #tpu.memory_space<semaphore_mem>>
        %dma_start3A = arith.constant 0 : i32
        %dma_start3A_28 = arith.constant 0 : i32
        %dma_start3A_29 = tpu.memref_slice %arg7[%add3A_15, %dma_start3A, %dma_start3A_28] : memref<128x256x64xf32, #tpu.memory_space<hbm>> -> memref<1x128x64xf32, #tpu.memory_space<hbm>>
        %dma_start3A_30 = tpu.memref_squeeze %dma_start3A_29 : memref<1x128x64xf32, #tpu.memory_space<hbm>> -> memref<128x64xf32, #tpu.memory_space<hbm>>
        %dma_start3A_31 = arith.constant 0 : i32
        %dma_start3A_32 = arith.constant 0 : i32
        %dma_start3A_33 = tpu.memref_slice %arg7[%add3A_15, %dma_start3A_31, %dma_start3A_32] : memref<128x256x64xf32, #tpu.memory_space<hbm>> -> memref<1x128x64xf32, #tpu.memory_space<hbm>>
        %dma_start3A_34 = tpu.memref_squeeze %dma_start3A_33 : memref<1x128x64xf32, #tpu.memory_space<hbm>> -> memref<128x64xf32, #tpu.memory_space<hbm>>
        tpu.enqueue_dma source(%arg12 : memref<128x64xf32, #tpu.memory_space<vmem>>) target(%dma_start3A_34 : memref<128x64xf32, #tpu.memory_space<hbm>>) target_semaphore(%run_scoped3A : memref<!tpu.dma_semaphore, #tpu.memory_space<semaphore_mem>>)
        %dma_wait3A = arith.constant 0 : i32
        %dma_wait3A_35 = arith.constant 0 : i32
        %dma_wait3A_36 = tpu.memref_slice %arg7[%add3A_15, %dma_wait3A, %dma_wait3A_35] : memref<128x256x64xf32, #tpu.memory_space<hbm>> -> memref<1x128x64xf32, #tpu.memory_space<hbm>>
        %dma_wait3A_37 = tpu.memref_squeeze %dma_wait3A_36 : memref<1x128x64xf32, #tpu.memory_space<hbm>> -> memref<128x64xf32, #tpu.memory_space<hbm>>
        %dma_wait3A_38 = arith.constant 0 : i32
        %dma_wait3A_39 = arith.constant 0 : i32
        %dma_wait3A_40 = tpu.memref_slice %arg7[%add3A_15, %dma_wait3A_38, %dma_wait3A_39] : memref<128x256x64xf32, #tpu.memory_space<hbm>> -> memref<1x128x64xf32, #tpu.memory_space<hbm>>
        %dma_wait3A_41 = tpu.memref_squeeze %dma_wait3A_40 : memref<1x128x64xf32, #tpu.memory_space<hbm>> -> memref<128x64xf32, #tpu.memory_space<hbm>>
        tpu.wait_dma2 semaphore(%run_scoped3A : memref<!tpu.dma_semaphore, #tpu.memory_space<semaphore_mem>>) src(%arg12 : memref<128x64xf32, #tpu.memory_space<vmem>>) dst(%dma_wait3A_41 : memref<128x64xf32, #tpu.memory_space<hbm>>)
        tpu.yield
      }) : () -> ()
      %scan3A_22 = arith.constant 0 : i32
      %scan3A_23 = arith.constant 0 : i32
      %scan3A_24 = arith.constant 8 : i32
      %scan3A_25 = arith.addi %scan3A_23, %scan3A_24 : i32
      %scan3A_26 = arith.constant 1 : i32
      scf.for %scan3A_28 = %scan3A_23 to %scan3A_25 step %scan3A_26  : i32 {
        %mul3A_29 = arith.constant 16 : i32
        %mul3A_30 = arith.muli %scan3A_28, %mul3A_29 : i32
        %add3A_31 = arith.constant 128 : i32
        %add3A_32 = arith.addi %add3A_31, %mul3A_30 : i32
        %get3A = arith.constant 0 : i32
        %get3A_33 = arith.index_cast %get3A : i32 to index
        %get3A_34 = arith.index_cast %add3A_32 : i32 to index
        %get3A_35 = tpu.vector_load %arg10[%get3A_33, %get3A_34] {strides = array<i32>} : memref<16x256xi32, #tpu.memory_space<vmem>>, vector<16xi32>,
        %get3A_36 = arith.constant 0 : i32
        %get3A_37 = arith.index_cast %get3A_36 : i32 to index
        %get3A_38 = arith.index_cast %add3A_32 : i32 to index
        %get3A_39 = tpu.vector_load %arg11[%get3A_37, %get3A_38] {strides = array<i32>} : memref<16x256xf32, #tpu.memory_space<vmem>>, vector<16xf32>,
        %mul3A_40 = arith.constant 6.250000e-02 : f32
        %mul3A_41 = vector.broadcast %mul3A_40 : f32 to vector<16xf32>
        %mul3A_42 = arith.mulf %get3A_39, %mul3A_41 : vector<16xf32>
        %get3A_43 = arith.constant 1 : i32
        %get3A_44 = arith.index_cast %get3A_43 : i32 to index
        %get3A_45 = arith.index_cast %add3A_32 : i32 to index
        %get3A_46 = tpu.vector_load %arg10[%get3A_44, %get3A_45] {strides = array<i32>} : memref<16x256xi32, #tpu.memory_space<vmem>>, vector<16xi32>,
        %get3A_47 = arith.constant 1 : i32
        %get3A_48 = arith.index_cast %get3A_47 : i32 to index
        %get3A_49 = arith.index_cast %add3A_32 : i32 to index
        %get3A_50 = tpu.vector_load %arg11[%get3A_48, %get3A_49] {strides = array<i32>} : memref<16x256xf32, #tpu.memory_space<vmem>>, vector<16xf32>,
        %mul3A_51 = arith.constant 6.250000e-02 : f32
        %mul3A_52 = vector.broadcast %mul3A_51 : f32 to vector<16xf32>
        %mul3A_53 = arith.mulf %get3A_50, %mul3A_52 : vector<16xf32>
        %get3A_54 = arith.constant 2 : i32
        %get3A_55 = arith.index_cast %get3A_54 : i32 to index
        %get3A_56 = arith.index_cast %add3A_32 : i32 to index
        %get3A_57 = tpu.vector_load %arg10[%get3A_55, %get3A_56] {strides = array<i32>} : memref<16x256xi32, #tpu.memory_space<vmem>>, vector<16xi32>,
        %get3A_58 = arith.constant 2 : i32
        %get3A_59 = arith.index_cast %get3A_58 : i32 to index
        %get3A_60 = arith.index_cast %add3A_32 : i32 to index
        %get3A_61 = tpu.vector_load %arg11[%get3A_59, %get3A_60] {strides = array<i32>} : memref<16x256xf32, #tpu.memory_space<vmem>>, vector<16xf32>,
        %mul3A_62 = arith.constant 6.250000e-02 : f32
        %mul3A_63 = vector.broadcast %mul3A_62 : f32 to vector<16xf32>
        %mul3A_64 = arith.mulf %get3A_61, %mul3A_63 : vector<16xf32>
        %get3A_65 = arith.constant 3 : i32
        %get3A_66 = arith.index_cast %get3A_65 : i32 to index
        %get3A_67 = arith.index_cast %add3A_32 : i32 to index
        %get3A_68 = tpu.vector_load %arg10[%get3A_66, %get3A_67] {strides = array<i32>} : memref<16x256xi32, #tpu.memory_space<vmem>>, vector<16xi32>,
        %get3A_69 = arith.constant 3 : i32
        %get3A_70 = arith.index_cast %get3A_69 : i32 to index
        %get3A_71 = arith.index_cast %add3A_32 : i32 to index
        %get3A_72 = tpu.vector_load %arg11[%get3A_70, %get3A_71] {strides = array<i32>} : memref<16x256xf32, #tpu.memory_space<vmem>>, vector<16xf32>,
        %mul3A_73 = arith.constant 6.250000e-02 : f32
        %mul3A_74 = vector.broadcast %mul3A_73 : f32 to vector<16xf32>
        %mul3A_75 = arith.mulf %get3A_72, %mul3A_74 : vector<16xf32>
        %get3A_76 = arith.constant 4 : i32
        %get3A_77 = arith.index_cast %get3A_76 : i32 to index
        %get3A_78 = arith.index_cast %add3A_32 : i32 to index
        %get3A_79 = tpu.vector_load %arg10[%get3A_77, %get3A_78] {strides = array<i32>} : memref<16x256xi32, #tpu.memory_space<vmem>>, vector<16xi32>,
        %get3A_80 = arith.constant 4 : i32
        %get3A_81 = arith.index_cast %get3A_80 : i32 to index
        %get3A_82 = arith.index_cast %add3A_32 : i32 to index
        %get3A_83 = tpu.vector_load %arg11[%get3A_81, %get3A_82] {strides = array<i32>} : memref<16x256xf32, #tpu.memory_space<vmem>>, vector<16xf32>,
        %mul3A_84 = arith.constant 6.250000e-02 : f32
        %mul3A_85 = vector.broadcast %mul3A_84 : f32 to vector<16xf32>
        %mul3A_86 = arith.mulf %get3A_83, %mul3A_85 : vector<16xf32>
        %get3A_87 = arith.constant 5 : i32
        %get3A_88 = arith.index_cast %get3A_87 : i32 to index
        %get3A_89 = arith.index_cast %add3A_32 : i32 to index
        %get3A_90 = tpu.vector_load %arg10[%get3A_88, %get3A_89] {strides = array<i32>} : memref<16x256xi32, #tpu.memory_space<vmem>>, vector<16xi32>,
        %get3A_91 = arith.constant 5 : i32
        %get3A_92 = arith.index_cast %get3A_91 : i32 to index
        %get3A_93 = arith.index_cast %add3A_32 : i32 to index
        %get3A_94 = tpu.vector_load %arg11[%get3A_92, %get3A_93] {strides = array<i32>} : memref<16x256xf32, #tpu.memory_space<vmem>>, vector<16xf32>,
        %mul3A_95 = arith.constant 6.250000e-02 : f32
        %mul3A_96 = vector.broadcast %mul3A_95 : f32 to vector<16xf32>
        %mul3A_97 = arith.mulf %get3A_94, %mul3A_96 : vector<16xf32>
        %get3A_98 = arith.constant 6 : i32
        %get3A_99 = arith.index_cast %get3A_98 : i32 to index
        %get3A_100 = arith.index_cast %add3A_32 : i32 to index
        %get3A_101 = tpu.vector_load %arg10[%get3A_99, %get3A_100] {strides = array<i32>} : memref<16x256xi32, #tpu.memory_space<vmem>>, vector<16xi32>,
        %get3A_102 = arith.constant 6 : i32
        %get3A_103 = arith.index_cast %get3A_102 : i32 to index
        %get3A_104 = arith.index_cast %add3A_32 : i32 to index
        %get3A_105 = tpu.vector_load %arg11[%get3A_103, %get3A_104] {strides = array<i32>} : memref<16x256xf32, #tpu.memory_space<vmem>>, vector<16xf32>,
        %mul3A_106 = arith.constant 6.250000e-02 : f32
        %mul3A_107 = vector.broadcast %mul3A_106 : f32 to vector<16xf32>
        %mul3A_108 = arith.mulf %get3A_105, %mul3A_107 : vector<16xf32>
        %get3A_109 = arith.constant 7 : i32
        %get3A_110 = arith.index_cast %get3A_109 : i32 to index
        %get3A_111 = arith.index_cast %add3A_32 : i32 to index
        %get3A_112 = tpu.vector_load %arg10[%get3A_110, %get3A_111] {strides = array<i32>} : memref<16x256xi32, #tpu.memory_space<vmem>>, vector<16xi32>,
        %get3A_113 = arith.constant 7 : i32
        %get3A_114 = arith.index_cast %get3A_113 : i32 to index
        %get3A_115 = arith.index_cast %add3A_32 : i32 to index
        %get3A_116 = tpu.vector_load %arg11[%get3A_114, %get3A_115] {strides = array<i32>} : memref<16x256xf32, #tpu.memory_space<vmem>>, vector<16xf32>,
        %mul3A_117 = arith.constant 6.250000e-02 : f32
        %mul3A_118 = vector.broadcast %mul3A_117 : f32 to vector<16xf32>
        %mul3A_119 = arith.mulf %get3A_116, %mul3A_118 : vector<16xf32>
        %get3A_120 = arith.constant 8 : i32
        %get3A_121 = arith.index_cast %get3A_120 : i32 to index
        %get3A_122 = arith.index_cast %add3A_32 : i32 to index
        %get3A_123 = tpu.vector_load %arg10[%get3A_121, %get3A_122] {strides = array<i32>} : memref<16x256xi32, #tpu.memory_space<vmem>>, vector<16xi32>,
        %get3A_124 = arith.constant 8 : i32
        %get3A_125 = arith.index_cast %get3A_124 : i32 to index
        %get3A_126 = arith.index_cast %add3A_32 : i32 to index
        %get3A_127 = tpu.vector_load %arg11[%get3A_125, %get3A_126] {strides = array<i32>} : memref<16x256xf32, #tpu.memory_space<vmem>>, vector<16xf32>,
        %mul3A_128 = arith.constant 6.250000e-02 : f32
        %mul3A_129 = vector.broadcast %mul3A_128 : f32 to vector<16xf32>
        %mul3A_130 = arith.mulf %get3A_127, %mul3A_129 : vector<16xf32>
        %get3A_131 = arith.constant 9 : i32
        %get3A_132 = arith.index_cast %get3A_131 : i32 to index
        %get3A_133 = arith.index_cast %add3A_32 : i32 to index
        %get3A_134 = tpu.vector_load %arg10[%get3A_132, %get3A_133] {strides = array<i32>} : memref<16x256xi32, #tpu.memory_space<vmem>>, vector<16xi32>,
        %get3A_135 = arith.constant 9 : i32
        %get3A_136 = arith.index_cast %get3A_135 : i32 to index
        %get3A_137 = arith.index_cast %add3A_32 : i32 to index
        %get3A_138 = tpu.vector_load %arg11[%get3A_136, %get3A_137] {strides = array<i32>} : memref<16x256xf32, #tpu.memory_space<vmem>>, vector<16xf32>,
        %mul3A_139 = arith.constant 6.250000e-02 : f32
        %mul3A_140 = vector.broadcast %mul3A_139 : f32 to vector<16xf32>
        %mul3A_141 = arith.mulf %get3A_138, %mul3A_140 : vector<16xf32>
        %get3A_142 = arith.constant 10 : i32
        %get3A_143 = arith.index_cast %get3A_142 : i32 to index
        %get3A_144 = arith.index_cast %add3A_32 : i32 to index
        %get3A_145 = tpu.vector_load %arg10[%get3A_143, %get3A_144] {strides = array<i32>} : memref<16x256xi32, #tpu.memory_space<vmem>>, vector<16xi32>,
        %get3A_146 = arith.constant 10 : i32
        %get3A_147 = arith.index_cast %get3A_146 : i32 to index
        %get3A_148 = arith.index_cast %add3A_32 : i32 to index
        %get3A_149 = tpu.vector_load %arg11[%get3A_147, %get3A_148] {strides = array<i32>} : memref<16x256xf32, #tpu.memory_space<vmem>>, vector<16xf32>,
        %mul3A_150 = arith.constant 6.250000e-02 : f32
        %mul3A_151 = vector.broadcast %mul3A_150 : f32 to vector<16xf32>
        %mul3A_152 = arith.mulf %get3A_149, %mul3A_151 : vector<16xf32>
        %get3A_153 = arith.constant 11 : i32
        %get3A_154 = arith.index_cast %get3A_153 : i32 to index
        %get3A_155 = arith.index_cast %add3A_32 : i32 to index
        %get3A_156 = tpu.vector_load %arg10[%get3A_154, %get3A_155] {strides = array<i32>} : memref<16x256xi32, #tpu.memory_space<vmem>>, vector<16xi32>,
        %get3A_157 = arith.constant 11 : i32
        %get3A_158 = arith.index_cast %get3A_157 : i32 to index
        %get3A_159 = arith.index_cast %add3A_32 : i32 to index
        %get3A_160 = tpu.vector_load %arg11[%get3A_158, %get3A_159] {strides = array<i32>} : memref<16x256xf32, #tpu.memory_space<vmem>>, vector<16xf32>,
        %mul3A_161 = arith.constant 6.250000e-02 : f32
        %mul3A_162 = vector.broadcast %mul3A_161 : f32 to vector<16xf32>
        %mul3A_163 = arith.mulf %get3A_160, %mul3A_162 : vector<16xf32>
        %get3A_164 = arith.constant 12 : i32
        %get3A_165 = arith.index_cast %get3A_164 : i32 to index
        %get3A_166 = arith.index_cast %add3A_32 : i32 to index
        %get3A_167 = tpu.vector_load %arg10[%get3A_165, %get3A_166] {strides = array<i32>} : memref<16x256xi32, #tpu.memory_space<vmem>>, vector<16xi32>,
        %get3A_168 = arith.constant 12 : i32
        %get3A_169 = arith.index_cast %get3A_168 : i32 to index
        %get3A_170 = arith.index_cast %add3A_32 : i32 to index
        %get3A_171 = tpu.vector_load %arg11[%get3A_169, %get3A_170] {strides = array<i32>} : memref<16x256xf32, #tpu.memory_space<vmem>>, vector<16xf32>,
        %mul3A_172 = arith.constant 6.250000e-02 : f32
        %mul3A_173 = vector.broadcast %mul3A_172 : f32 to vector<16xf32>
        %mul3A_174 = arith.mulf %get3A_171, %mul3A_173 : vector<16xf32>
        %get3A_175 = arith.constant 13 : i32
        %get3A_176 = arith.index_cast %get3A_175 : i32 to index
        %get3A_177 = arith.index_cast %add3A_32 : i32 to index
        %get3A_178 = tpu.vector_load %arg10[%get3A_176, %get3A_177] {strides = array<i32>} : memref<16x256xi32, #tpu.memory_space<vmem>>, vector<16xi32>,
        %get3A_179 = arith.constant 13 : i32
        %get3A_180 = arith.index_cast %get3A_179 : i32 to index
        %get3A_181 = arith.index_cast %add3A_32 : i32 to index
        %get3A_182 = tpu.vector_load %arg11[%get3A_180, %get3A_181] {strides = array<i32>} : memref<16x256xf32, #tpu.memory_space<vmem>>, vector<16xf32>,
        %mul3A_183 = arith.constant 6.250000e-02 : f32
        %mul3A_184 = vector.broadcast %mul3A_183 : f32 to vector<16xf32>
        %mul3A_185 = arith.mulf %get3A_182, %mul3A_184 : vector<16xf32>
        %get3A_186 = arith.constant 14 : i32
        %get3A_187 = arith.index_cast %get3A_186 : i32 to index
        %get3A_188 = arith.index_cast %add3A_32 : i32 to index
        %get3A_189 = tpu.vector_load %arg10[%get3A_187, %get3A_188] {strides = array<i32>} : memref<16x256xi32, #tpu.memory_space<vmem>>, vector<16xi32>,
        %get3A_190 = arith.constant 14 : i32
        %get3A_191 = arith.index_cast %get3A_190 : i32 to index
        %get3A_192 = arith.index_cast %add3A_32 : i32 to index
        %get3A_193 = tpu.vector_load %arg11[%get3A_191, %get3A_192] {strides = array<i32>} : memref<16x256xf32, #tpu.memory_space<vmem>>, vector<16xf32>,
        %mul3A_194 = arith.constant 6.250000e-02 : f32
        %mul3A_195 = vector.broadcast %mul3A_194 : f32 to vector<16xf32>
        %mul3A_196 = arith.mulf %get3A_193, %mul3A_195 : vector<16xf32>
        %get3A_197 = arith.constant 15 : i32
        %get3A_198 = arith.index_cast %get3A_197 : i32 to index
        %get3A_199 = arith.index_cast %add3A_32 : i32 to index
        %get3A_200 = tpu.vector_load %arg10[%get3A_198, %get3A_199] {strides = array<i32>} : memref<16x256xi32, #tpu.memory_space<vmem>>, vector<16xi32>,
        %get3A_201 = arith.constant 15 : i32
        %get3A_202 = arith.index_cast %get3A_201 : i32 to index
        %get3A_203 = arith.index_cast %add3A_32 : i32 to index
        %get3A_204 = tpu.vector_load %arg11[%get3A_202, %get3A_203] {strides = array<i32>} : memref<16x256xf32, #tpu.memory_space<vmem>>, vector<16xf32>,
        %mul3A_205 = arith.constant 6.250000e-02 : f32
        %mul3A_206 = vector.broadcast %mul3A_205 : f32 to vector<16xf32>
        %mul3A_207 = arith.mulf %get3A_204, %mul3A_206 : vector<16xf32>
        %mul3A_208 = arith.constant 16 : i32
        %mul3A_209 = arith.muli %scan3A_28, %mul3A_208 : i32
        %add3A_210 = vector.broadcast %mul3A_209 : i32 to vector<16xi32>
        %add3A_211 = arith.addi %iota3A, %add3A_210 : vector<16xi32>
        %scan3A_212 = arith.constant 0 : i32
        %scan3A_213 = arith.constant 0 : i32
        %scan3A_214 = arith.constant 16 : i32
        %scan3A_215 = arith.addi %scan3A_213, %scan3A_214 : i32
        %scan3A_216 = arith.constant 1 : i32
        scf.for %scan3A_218 = %scan3A_213 to %scan3A_215 step %scan3A_216  : i32 {
          %mul3A_219 = arith.constant 4 : i32
          %mul3A_220 = arith.muli %scan3A_218, %mul3A_219 : i32
          %add3A_221 = arith.constant 0 : i32
          %add3A_222 = arith.addi %mul3A_220, %add3A_221 : i32
          %broadcast_in_dim3A = vector.broadcast %add3A_222 : i32 to vector<16xi32>
          %gather3A = tpu.vector_load_idx %arg9[%get3A_35, %broadcast_in_dim3A] : memref<1000x64xf32, #tpu.memory_space<vmem>>[vector<16xi32>, vector<16xi32>], vector<16xf32>,
          %mul3A_223 = arith.mulf %mul3A_42, %gather3A : vector<16xf32>
          %gather3A_224 = tpu.vector_load_idx %arg9[%get3A_46, %broadcast_in_dim3A] : memref<1000x64xf32, #tpu.memory_space<vmem>>[vector<16xi32>, vector<16xi32>], vector<16xf32>,
          %mul3A_225 = arith.mulf %mul3A_53, %gather3A_224 : vector<16xf32>
          %add3A_226 = arith.addf %mul3A_223, %mul3A_225 : vector<16xf32>
          %gather3A_227 = tpu.vector_load_idx %arg9[%get3A_57, %broadcast_in_dim3A] : memref<1000x64xf32, #tpu.memory_space<vmem>>[vector<16xi32>, vector<16xi32>], vector<16xf32>,
          %mul3A_228 = arith.mulf %mul3A_64, %gather3A_227 : vector<16xf32>
          %add3A_229 = arith.addf %add3A_226, %mul3A_228 : vector<16xf32>
          %gather3A_230 = tpu.vector_load_idx %arg9[%get3A_68, %broadcast_in_dim3A] : memref<1000x64xf32, #tpu.memory_space<vmem>>[vector<16xi32>, vector<16xi32>], vector<16xf32>,
          %mul3A_231 = arith.mulf %mul3A_75, %gather3A_230 : vector<16xf32>
          %add3A_232 = arith.addf %add3A_229, %mul3A_231 : vector<16xf32>
          %gather3A_233 = tpu.vector_load_idx %arg9[%get3A_79, %broadcast_in_dim3A] : memref<1000x64xf32, #tpu.memory_space<vmem>>[vector<16xi32>, vector<16xi32>], vector<16xf32>,
          %mul3A_234 = arith.mulf %mul3A_86, %gather3A_233 : vector<16xf32>
          %add3A_235 = arith.addf %add3A_232, %mul3A_234 : vector<16xf32>
          %gather3A_236 = tpu.vector_load_idx %arg9[%get3A_90, %broadcast_in_dim3A] : memref<1000x64xf32, #tpu.memory_space<vmem>>[vector<16xi32>, vector<16xi32>], vector<16xf32>,
          %mul3A_237 = arith.mulf %mul3A_97, %gather3A_236 : vector<16xf32>
          %add3A_238 = arith.addf %add3A_235, %mul3A_237 : vector<16xf32>
          %gather3A_239 = tpu.vector_load_idx %arg9[%get3A_101, %broadcast_in_dim3A] : memref<1000x64xf32, #tpu.memory_space<vmem>>[vector<16xi32>, vector<16xi32>], vector<16xf32>,
          %mul3A_240 = arith.mulf %mul3A_108, %gather3A_239 : vector<16xf32>
          %add3A_241 = arith.addf %add3A_238, %mul3A_240 : vector<16xf32>
          %gather3A_242 = tpu.vector_load_idx %arg9[%get3A_112, %broadcast_in_dim3A] : memref<1000x64xf32, #tpu.memory_space<vmem>>[vector<16xi32>, vector<16xi32>], vector<16xf32>,
          %mul3A_243 = arith.mulf %mul3A_119, %gather3A_242 : vector<16xf32>
          %add3A_244 = arith.addf %add3A_241, %mul3A_243 : vector<16xf32>
          %gather3A_245 = tpu.vector_load_idx %arg9[%get3A_123, %broadcast_in_dim3A] : memref<1000x64xf32, #tpu.memory_space<vmem>>[vector<16xi32>, vector<16xi32>], vector<16xf32>,
          %mul3A_246 = arith.mulf %mul3A_130, %gather3A_245 : vector<16xf32>
          %add3A_247 = arith.addf %add3A_244, %mul3A_246 : vector<16xf32>
          %gather3A_248 = tpu.vector_load_idx %arg9[%get3A_134, %broadcast_in_dim3A] : memref<1000x64xf32, #tpu.memory_space<vmem>>[vector<16xi32>, vector<16xi32>], vector<16xf32>,
          %mul3A_249 = arith.mulf %mul3A_141, %gather3A_248 : vector<16xf32>
          %add3A_250 = arith.addf %add3A_247, %mul3A_249 : vector<16xf32>
          %gather3A_251 = tpu.vector_load_idx %arg9[%get3A_145, %broadcast_in_dim3A] : memref<1000x64xf32, #tpu.memory_space<vmem>>[vector<16xi32>, vector<16xi32>], vector<16xf32>,
          %mul3A_252 = arith.mulf %mul3A_152, %gather3A_251 : vector<16xf32>
          %add3A_253 = arith.addf %add3A_250, %mul3A_252 : vector<16xf32>
          %gather3A_254 = tpu.vector_load_idx %arg9[%get3A_156, %broadcast_in_dim3A] : memref<1000x64xf32, #tpu.memory_space<vmem>>[vector<16xi32>, vector<16xi32>], vector<16xf32>,
          %mul3A_255 = arith.mulf %mul3A_163, %gather3A_254 : vector<16xf32>
          %add3A_256 = arith.addf %add3A_253, %mul3A_255 : vector<16xf32>
          %gather3A_257 = tpu.vector_load_idx %arg9[%get3A_167, %broadcast_in_dim3A] : memref<1000x64xf32, #tpu.memory_space<vmem>>[vector<16xi32>, vector<16xi32>], vector<16xf32>,
          %mul3A_258 = arith.mulf %mul3A_174, %gather3A_257 : vector<16xf32>
          %add3A_259 = arith.addf %add3A_256, %mul3A_258 : vector<16xf32>
          %gather3A_260 = tpu.vector_load_idx %arg9[%get3A_178, %broadcast_in_dim3A] : memref<1000x64xf32, #tpu.memory_space<vmem>>[vector<16xi32>, vector<16xi32>], vector<16xf32>,
          %mul3A_261 = arith.mulf %mul3A_185, %gather3A_260 : vector<16xf32>
          %add3A_262 = arith.addf %add3A_259, %mul3A_261 : vector<16xf32>
          %gather3A_263 = tpu.vector_load_idx %arg9[%get3A_189, %broadcast_in_dim3A] : memref<1000x64xf32, #tpu.memory_space<vmem>>[vector<16xi32>, vector<16xi32>], vector<16xf32>,
          %mul3A_264 = arith.mulf %mul3A_196, %gather3A_263 : vector<16xf32>
          %add3A_265 = arith.addf %add3A_262, %mul3A_264 : vector<16xf32>
          %gather3A_266 = tpu.vector_load_idx %arg9[%get3A_200, %broadcast_in_dim3A] : memref<1000x64xf32, #tpu.memory_space<vmem>>[vector<16xi32>, vector<16xi32>], vector<16xf32>,
          %mul3A_267 = arith.mulf %mul3A_207, %gather3A_266 : vector<16xf32>
          %add3A_268 = arith.addf %add3A_265, %mul3A_267 : vector<16xf32>
          tpu.vector_store_idx %arg12[%add3A_211, %broadcast_in_dim3A], %add3A_268 : memref<128x64xf32, #tpu.memory_space<vmem>>[vector<16xi32>, vector<16xi32>], vector<16xf32>,
          %mul3A_269 = arith.constant 4 : i32
          %mul3A_270 = arith.muli %scan3A_218, %mul3A_269 : i32
          %add3A_271 = arith.constant 1 : i32
          %add3A_272 = arith.addi %mul3A_270, %add3A_271 : i32
          %broadcast_in_dim3A_273 = vector.broadcast %add3A_272 : i32 to vector<16xi32>
          %gather3A_274 = tpu.vector_load_idx %arg9[%get3A_35, %broadcast_in_dim3A_273] : memref<1000x64xf32, #tpu.memory_space<vmem>>[vector<16xi32>, vector<16xi32>], vector<16xf32>,
          %mul3A_275 = arith.mulf %mul3A_42, %gather3A_274 : vector<16xf32>
          %gather3A_276 = tpu.vector_load_idx %arg9[%get3A_46, %broadcast_in_dim3A_273] : memref<1000x64xf32, #tpu.memory_space<vmem>>[vector<16xi32>, vector<16xi32>], vector<16xf32>,
          %mul3A_277 = arith.mulf %mul3A_53, %gather3A_276 : vector<16xf32>
          %add3A_278 = arith.addf %mul3A_275, %mul3A_277 : vector<16xf32>
          %gather3A_279 = tpu.vector_load_idx %arg9[%get3A_57, %broadcast_in_dim3A_273] : memref<1000x64xf32, #tpu.memory_space<vmem>>[vector<16xi32>, vector<16xi32>], vector<16xf32>,
          %mul3A_280 = arith.mulf %mul3A_64, %gather3A_279 : vector<16xf32>
          %add3A_281 = arith.addf %add3A_278, %mul3A_280 : vector<16xf32>
          %gather3A_282 = tpu.vector_load_idx %arg9[%get3A_68, %broadcast_in_dim3A_273] : memref<1000x64xf32, #tpu.memory_space<vmem>>[vector<16xi32>, vector<16xi32>], vector<16xf32>,
          %mul3A_283 = arith.mulf %mul3A_75, %gather3A_282 : vector<16xf32>
          %add3A_284 = arith.addf %add3A_281, %mul3A_283 : vector<16xf32>
          %gather3A_285 = tpu.vector_load_idx %arg9[%get3A_79, %broadcast_in_dim3A_273] : memref<1000x64xf32, #tpu.memory_space<vmem>>[vector<16xi32>, vector<16xi32>], vector<16xf32>,
          %mul3A_286 = arith.mulf %mul3A_86, %gather3A_285 : vector<16xf32>
          %add3A_287 = arith.addf %add3A_284, %mul3A_286 : vector<16xf32>
          %gather3A_288 = tpu.vector_load_idx %arg9[%get3A_90, %broadcast_in_dim3A_273] : memref<1000x64xf32, #tpu.memory_space<vmem>>[vector<16xi32>, vector<16xi32>], vector<16xf32>,
          %mul3A_289 = arith.mulf %mul3A_97, %gather3A_288 : vector<16xf32>
          %add3A_290 = arith.addf %add3A_287, %mul3A_289 : vector<16xf32>
          %gather3A_291 = tpu.vector_load_idx %arg9[%get3A_101, %broadcast_in_dim3A_273] : memref<1000x64xf32, #tpu.memory_space<vmem>>[vector<16xi32>, vector<16xi32>], vector<16xf32>,
          %mul3A_292 = arith.mulf %mul3A_108, %gather3A_291 : vector<16xf32>
          %add3A_293 = arith.addf %add3A_290, %mul3A_292 : vector<16xf32>
          %gather3A_294 = tpu.vector_load_idx %arg9[%get3A_112, %broadcast_in_dim3A_273] : memref<1000x64xf32, #tpu.memory_space<vmem>>[vector<16xi32>, vector<16xi32>], vector<16xf32>,
          %mul3A_295 = arith.mulf %mul3A_119, %gather3A_294 : vector<16xf32>
          %add3A_296 = arith.addf %add3A_293, %mul3A_295 : vector<16xf32>
          %gather3A_297 = tpu.vector_load_idx %arg9[%get3A_123, %broadcast_in_dim3A_273] : memref<1000x64xf32, #tpu.memory_space<vmem>>[vector<16xi32>, vector<16xi32>], vector<16xf32>,
          %mul3A_298 = arith.mulf %mul3A_130, %gather3A_297 : vector<16xf32>
          %add3A_299 = arith.addf %add3A_296, %mul3A_298 : vector<16xf32>
          %gather3A_300 = tpu.vector_load_idx %arg9[%get3A_134, %broadcast_in_dim3A_273] : memref<1000x64xf32, #tpu.memory_space<vmem>>[vector<16xi32>, vector<16xi32>], vector<16xf32>,
          %mul3A_301 = arith.mulf %mul3A_141, %gather3A_300 : vector<16xf32>
          %add3A_302 = arith.addf %add3A_299, %mul3A_301 : vector<16xf32>
          %gather3A_303 = tpu.vector_load_idx %arg9[%get3A_145, %broadcast_in_dim3A_273] : memref<1000x64xf32, #tpu.memory_space<vmem>>[vector<16xi32>, vector<16xi32>], vector<16xf32>,
          %mul3A_304 = arith.mulf %mul3A_152, %gather3A_303 : vector<16xf32>
          %add3A_305 = arith.addf %add3A_302, %mul3A_304 : vector<16xf32>
          %gather3A_306 = tpu.vector_load_idx %arg9[%get3A_156, %broadcast_in_dim3A_273] : memref<1000x64xf32, #tpu.memory_space<vmem>>[vector<16xi32>, vector<16xi32>], vector<16xf32>,
          %mul3A_307 = arith.mulf %mul3A_163, %gather3A_306 : vector<16xf32>
          %add3A_308 = arith.addf %add3A_305, %mul3A_307 : vector<16xf32>
          %gather3A_309 = tpu.vector_load_idx %arg9[%get3A_167, %broadcast_in_dim3A_273] : memref<1000x64xf32, #tpu.memory_space<vmem>>[vector<16xi32>, vector<16xi32>], vector<16xf32>,
          %mul3A_310 = arith.mulf %mul3A_174, %gather3A_309 : vector<16xf32>
          %add3A_311 = arith.addf %add3A_308, %mul3A_310 : vector<16xf32>
          %gather3A_312 = tpu.vector_load_idx %arg9[%get3A_178, %broadcast_in_dim3A_273] : memref<1000x64xf32, #tpu.memory_space<vmem>>[vector<16xi32>, vector<16xi32>], vector<16xf32>,
          %mul3A_313 = arith.mulf %mul3A_185, %gather3A_312 : vector<16xf32>
          %add3A_314 = arith.addf %add3A_311, %mul3A_313 : vector<16xf32>
          %gather3A_315 = tpu.vector_load_idx %arg9[%get3A_189, %broadcast_in_dim3A_273] : memref<1000x64xf32, #tpu.memory_space<vmem>>[vector<16xi32>, vector<16xi32>], vector<16xf32>,
          %mul3A_316 = arith.mulf %mul3A_196, %gather3A_315 : vector<16xf32>
          %add3A_317 = arith.addf %add3A_314, %mul3A_316 : vector<16xf32>
          %gather3A_318 = tpu.vector_load_idx %arg9[%get3A_200, %broadcast_in_dim3A_273] : memref<1000x64xf32, #tpu.memory_space<vmem>>[vector<16xi32>, vector<16xi32>], vector<16xf32>,
          %mul3A_319 = arith.mulf %mul3A_207, %gather3A_318 : vector<16xf32>
          %add3A_320 = arith.addf %add3A_317, %mul3A_319 : vector<16xf32>
          tpu.vector_store_idx %arg12[%add3A_211, %broadcast_in_dim3A_273], %add3A_320 : memref<128x64xf32, #tpu.memory_space<vmem>>[vector<16xi32>, vector<16xi32>], vector<16xf32>,
          %mul3A_321 = arith.constant 4 : i32
          %mul3A_322 = arith.muli %scan3A_218, %mul3A_321 : i32
          %add3A_323 = arith.constant 2 : i32
          %add3A_324 = arith.addi %mul3A_322, %add3A_323 : i32
          %broadcast_in_dim3A_325 = vector.broadcast %add3A_324 : i32 to vector<16xi32>
          %gather3A_326 = tpu.vector_load_idx %arg9[%get3A_35, %broadcast_in_dim3A_325] : memref<1000x64xf32, #tpu.memory_space<vmem>>[vector<16xi32>, vector<16xi32>], vector<16xf32>,
          %mul3A_327 = arith.mulf %mul3A_42, %gather3A_326 : vector<16xf32>
          %gather3A_328 = tpu.vector_load_idx %arg9[%get3A_46, %broadcast_in_dim3A_325] : memref<1000x64xf32, #tpu.memory_space<vmem>>[vector<16xi32>, vector<16xi32>], vector<16xf32>,
          %mul3A_329 = arith.mulf %mul3A_53, %gather3A_328 : vector<16xf32>
          %add3A_330 = arith.addf %mul3A_327, %mul3A_329 : vector<16xf32>
          %gather3A_331 = tpu.vector_load_idx %arg9[%get3A_57, %broadcast_in_dim3A_325] : memref<1000x64xf32, #tpu.memory_space<vmem>>[vector<16xi32>, vector<16xi32>], vector<16xf32>,
          %mul3A_332 = arith.mulf %mul3A_64, %gather3A_331 : vector<16xf32>
          %add3A_333 = arith.addf %add3A_330, %mul3A_332 : vector<16xf32>
          %gather3A_334 = tpu.vector_load_idx %arg9[%get3A_68, %broadcast_in_dim3A_325] : memref<1000x64xf32, #tpu.memory_space<vmem>>[vector<16xi32>, vector<16xi32>], vector<16xf32>,
          %mul3A_335 = arith.mulf %mul3A_75, %gather3A_334 : vector<16xf32>
          %add3A_336 = arith.addf %add3A_333, %mul3A_335 : vector<16xf32>
          %gather3A_337 = tpu.vector_load_idx %arg9[%get3A_79, %broadcast_in_dim3A_325] : memref<1000x64xf32, #tpu.memory_space<vmem>>[vector<16xi32>, vector<16xi32>], vector<16xf32>,
          %mul3A_338 = arith.mulf %mul3A_86, %gather3A_337 : vector<16xf32>
          %add3A_339 = arith.addf %add3A_336, %mul3A_338 : vector<16xf32>
          %gather3A_340 = tpu.vector_load_idx %arg9[%get3A_90, %broadcast_in_dim3A_325] : memref<1000x64xf32, #tpu.memory_space<vmem>>[vector<16xi32>, vector<16xi32>], vector<16xf32>,
          %mul3A_341 = arith.mulf %mul3A_97, %gather3A_340 : vector<16xf32>
          %add3A_342 = arith.addf %add3A_339, %mul3A_341 : vector<16xf32>
          %gather3A_343 = tpu.vector_load_idx %arg9[%get3A_101, %broadcast_in_dim3A_325] : memref<1000x64xf32, #tpu.memory_space<vmem>>[vector<16xi32>, vector<16xi32>], vector<16xf32>,
          %mul3A_344 = arith.mulf %mul3A_108, %gather3A_343 : vector<16xf32>
          %add3A_345 = arith.addf %add3A_342, %mul3A_344 : vector<16xf32>
          %gather3A_346 = tpu.vector_load_idx %arg9[%get3A_112, %broadcast_in_dim3A_325] : memref<1000x64xf32, #tpu.memory_space<vmem>>[vector<16xi32>, vector<16xi32>], vector<16xf32>,
          %mul3A_347 = arith.mulf %mul3A_119, %gather3A_346 : vector<16xf32>
          %add3A_348 = arith.addf %add3A_345, %mul3A_347 : vector<16xf32>
          %gather3A_349 = tpu.vector_load_idx %arg9[%get3A_123, %broadcast_in_dim3A_325] : memref<1000x64xf32, #tpu.memory_space<vmem>>[vector<16xi32>, vector<16xi32>], vector<16xf32>,
          %mul3A_350 = arith.mulf %mul3A_130, %gather3A_349 : vector<16xf32>
          %add3A_351 = arith.addf %add3A_348, %mul3A_350 : vector<16xf32>
          %gather3A_352 = tpu.vector_load_idx %arg9[%get3A_134, %broadcast_in_dim3A_325] : memref<1000x64xf32, #tpu.memory_space<vmem>>[vector<16xi32>, vector<16xi32>], vector<16xf32>,
          %mul3A_353 = arith.mulf %mul3A_141, %gather3A_352 : vector<16xf32>
          %add3A_354 = arith.addf %add3A_351, %mul3A_353 : vector<16xf32>
          %gather3A_355 = tpu.vector_load_idx %arg9[%get3A_145, %broadcast_in_dim3A_325] : memref<1000x64xf32, #tpu.memory_space<vmem>>[vector<16xi32>, vector<16xi32>], vector<16xf32>,
          %mul3A_356 = arith.mulf %mul3A_152, %gather3A_355 : vector<16xf32>
          %add3A_357 = arith.addf %add3A_354, %mul3A_356 : vector<16xf32>
          %gather3A_358 = tpu.vector_load_idx %arg9[%get3A_156, %broadcast_in_dim3A_325] : memref<1000x64xf32, #tpu.memory_space<vmem>>[vector<16xi32>, vector<16xi32>], vector<16xf32>,
          %mul3A_359 = arith.mulf %mul3A_163, %gather3A_358 : vector<16xf32>
          %add3A_360 = arith.addf %add3A_357, %mul3A_359 : vector<16xf32>
          %gather3A_361 = tpu.vector_load_idx %arg9[%get3A_167, %broadcast_in_dim3A_325] : memref<1000x64xf32, #tpu.memory_space<vmem>>[vector<16xi32>, vector<16xi32>], vector<16xf32>,
          %mul3A_362 = arith.mulf %mul3A_174, %gather3A_361 : vector<16xf32>
          %add3A_363 = arith.addf %add3A_360, %mul3A_362 : vector<16xf32>
          %gather3A_364 = tpu.vector_load_idx %arg9[%get3A_178, %broadcast_in_dim3A_325] : memref<1000x64xf32, #tpu.memory_space<vmem>>[vector<16xi32>, vector<16xi32>], vector<16xf32>,
          %mul3A_365 = arith.mulf %mul3A_185, %gather3A_364 : vector<16xf32>
          %add3A_366 = arith.addf %add3A_363, %mul3A_365 : vector<16xf32>
          %gather3A_367 = tpu.vector_load_idx %arg9[%get3A_189, %broadcast_in_dim3A_325] : memref<1000x64xf32, #tpu.memory_space<vmem>>[vector<16xi32>, vector<16xi32>], vector<16xf32>,
          %mul3A_368 = arith.mulf %mul3A_196, %gather3A_367 : vector<16xf32>
          %add3A_369 = arith.addf %add3A_366, %mul3A_368 : vector<16xf32>
          %gather3A_370 = tpu.vector_load_idx %arg9[%get3A_200, %broadcast_in_dim3A_325] : memref<1000x64xf32, #tpu.memory_space<vmem>>[vector<16xi32>, vector<16xi32>], vector<16xf32>,
          %mul3A_371 = arith.mulf %mul3A_207, %gather3A_370 : vector<16xf32>
          %add3A_372 = arith.addf %add3A_369, %mul3A_371 : vector<16xf32>
          tpu.vector_store_idx %arg12[%add3A_211, %broadcast_in_dim3A_325], %add3A_372 : memref<128x64xf32, #tpu.memory_space<vmem>>[vector<16xi32>, vector<16xi32>], vector<16xf32>,
          %mul3A_373 = arith.constant 4 : i32
          %mul3A_374 = arith.muli %scan3A_218, %mul3A_373 : i32
          %add3A_375 = arith.constant 3 : i32
          %add3A_376 = arith.addi %mul3A_374, %add3A_375 : i32
          %broadcast_in_dim3A_377 = vector.broadcast %add3A_376 : i32 to vector<16xi32>
          %gather3A_378 = tpu.vector_load_idx %arg9[%get3A_35, %broadcast_in_dim3A_377] : memref<1000x64xf32, #tpu.memory_space<vmem>>[vector<16xi32>, vector<16xi32>], vector<16xf32>,
          %mul3A_379 = arith.mulf %mul3A_42, %gather3A_378 : vector<16xf32>
          %gather3A_380 = tpu.vector_load_idx %arg9[%get3A_46, %broadcast_in_dim3A_377] : memref<1000x64xf32, #tpu.memory_space<vmem>>[vector<16xi32>, vector<16xi32>], vector<16xf32>,
          %mul3A_381 = arith.mulf %mul3A_53, %gather3A_380 : vector<16xf32>
          %add3A_382 = arith.addf %mul3A_379, %mul3A_381 : vector<16xf32>
          %gather3A_383 = tpu.vector_load_idx %arg9[%get3A_57, %broadcast_in_dim3A_377] : memref<1000x64xf32, #tpu.memory_space<vmem>>[vector<16xi32>, vector<16xi32>], vector<16xf32>,
          %mul3A_384 = arith.mulf %mul3A_64, %gather3A_383 : vector<16xf32>
          %add3A_385 = arith.addf %add3A_382, %mul3A_384 : vector<16xf32>
          %gather3A_386 = tpu.vector_load_idx %arg9[%get3A_68, %broadcast_in_dim3A_377] : memref<1000x64xf32, #tpu.memory_space<vmem>>[vector<16xi32>, vector<16xi32>], vector<16xf32>,
          %mul3A_387 = arith.mulf %mul3A_75, %gather3A_386 : vector<16xf32>
          %add3A_388 = arith.addf %add3A_385, %mul3A_387 : vector<16xf32>
          %gather3A_389 = tpu.vector_load_idx %arg9[%get3A_79, %broadcast_in_dim3A_377] : memref<1000x64xf32, #tpu.memory_space<vmem>>[vector<16xi32>, vector<16xi32>], vector<16xf32>,
          %mul3A_390 = arith.mulf %mul3A_86, %gather3A_389 : vector<16xf32>
          %add3A_391 = arith.addf %add3A_388, %mul3A_390 : vector<16xf32>
          %gather3A_392 = tpu.vector_load_idx %arg9[%get3A_90, %broadcast_in_dim3A_377] : memref<1000x64xf32, #tpu.memory_space<vmem>>[vector<16xi32>, vector<16xi32>], vector<16xf32>,
          %mul3A_393 = arith.mulf %mul3A_97, %gather3A_392 : vector<16xf32>
          %add3A_394 = arith.addf %add3A_391, %mul3A_393 : vector<16xf32>
          %gather3A_395 = tpu.vector_load_idx %arg9[%get3A_101, %broadcast_in_dim3A_377] : memref<1000x64xf32, #tpu.memory_space<vmem>>[vector<16xi32>, vector<16xi32>], vector<16xf32>,
          %mul3A_396 = arith.mulf %mul3A_108, %gather3A_395 : vector<16xf32>
          %add3A_397 = arith.addf %add3A_394, %mul3A_396 : vector<16xf32>
          %gather3A_398 = tpu.vector_load_idx %arg9[%get3A_112, %broadcast_in_dim3A_377] : memref<1000x64xf32, #tpu.memory_space<vmem>>[vector<16xi32>, vector<16xi32>], vector<16xf32>,
          %mul3A_399 = arith.mulf %mul3A_119, %gather3A_398 : vector<16xf32>
          %add3A_400 = arith.addf %add3A_397, %mul3A_399 : vector<16xf32>
          %gather3A_401 = tpu.vector_load_idx %arg9[%get3A_123, %broadcast_in_dim3A_377] : memref<1000x64xf32, #tpu.memory_space<vmem>>[vector<16xi32>, vector<16xi32>], vector<16xf32>,
          %mul3A_402 = arith.mulf %mul3A_130, %gather3A_401 : vector<16xf32>
          %add3A_403 = arith.addf %add3A_400, %mul3A_402 : vector<16xf32>
          %gather3A_404 = tpu.vector_load_idx %arg9[%get3A_134, %broadcast_in_dim3A_377] : memref<1000x64xf32, #tpu.memory_space<vmem>>[vector<16xi32>, vector<16xi32>], vector<16xf32>,
          %mul3A_405 = arith.mulf %mul3A_141, %gather3A_404 : vector<16xf32>
          %add3A_406 = arith.addf %add3A_403, %mul3A_405 : vector<16xf32>
          %gather3A_407 = tpu.vector_load_idx %arg9[%get3A_145, %broadcast_in_dim3A_377] : memref<1000x64xf32, #tpu.memory_space<vmem>>[vector<16xi32>, vector<16xi32>], vector<16xf32>,
          %mul3A_408 = arith.mulf %mul3A_152, %gather3A_407 : vector<16xf32>
          %add3A_409 = arith.addf %add3A_406, %mul3A_408 : vector<16xf32>
          %gather3A_410 = tpu.vector_load_idx %arg9[%get3A_156, %broadcast_in_dim3A_377] : memref<1000x64xf32, #tpu.memory_space<vmem>>[vector<16xi32>, vector<16xi32>], vector<16xf32>,
          %mul3A_411 = arith.mulf %mul3A_163, %gather3A_410 : vector<16xf32>
          %add3A_412 = arith.addf %add3A_409, %mul3A_411 : vector<16xf32>
          %gather3A_413 = tpu.vector_load_idx %arg9[%get3A_167, %broadcast_in_dim3A_377] : memref<1000x64xf32, #tpu.memory_space<vmem>>[vector<16xi32>, vector<16xi32>], vector<16xf32>,
          %mul3A_414 = arith.mulf %mul3A_174, %gather3A_413 : vector<16xf32>
          %add3A_415 = arith.addf %add3A_412, %mul3A_414 : vector<16xf32>
          %gather3A_416 = tpu.vector_load_idx %arg9[%get3A_178, %broadcast_in_dim3A_377] : memref<1000x64xf32, #tpu.memory_space<vmem>>[vector<16xi32>, vector<16xi32>], vector<16xf32>,
          %mul3A_417 = arith.mulf %mul3A_185, %gather3A_416 : vector<16xf32>
          %add3A_418 = arith.addf %add3A_415, %mul3A_417 : vector<16xf32>
          %gather3A_419 = tpu.vector_load_idx %arg9[%get3A_189, %broadcast_in_dim3A_377] : memref<1000x64xf32, #tpu.memory_space<vmem>>[vector<16xi32>, vector<16xi32>], vector<16xf32>,
          %mul3A_420 = arith.mulf %mul3A_196, %gather3A_419 : vector<16xf32>
          %add3A_421 = arith.addf %add3A_418, %mul3A_420 : vector<16xf32>
          %gather3A_422 = tpu.vector_load_idx %arg9[%get3A_200, %broadcast_in_dim3A_377] : memref<1000x64xf32, #tpu.memory_space<vmem>>[vector<16xi32>, vector<16xi32>], vector<16xf32>,
          %mul3A_423 = arith.mulf %mul3A_207, %gather3A_422 : vector<16xf32>
          %add3A_424 = arith.addf %add3A_421, %mul3A_423 : vector<16xf32>
          tpu.vector_store_idx %arg12[%add3A_211, %broadcast_in_dim3A_377], %add3A_424 : memref<128x64xf32, #tpu.memory_space<vmem>>[vector<16xi32>, vector<16xi32>], vector<16xf32>,
        }
        %scan3A_217 = arith.constant 16 : i32
      }
      %scan3A_27 = arith.constant 8 : i32
      "tpu.region"() ({
        %run_scoped3A = tpu.sem_alloc : memref<!tpu.dma_semaphore, #tpu.memory_space<semaphore_mem>>
        %dma_start3A = arith.constant 128 : i32
        %dma_start3A_28 = arith.constant 0 : i32
        %dma_start3A_29 = tpu.memref_slice %arg7[%add3A_15, %dma_start3A, %dma_start3A_28] : memref<128x256x64xf32, #tpu.memory_space<hbm>> -> memref<1x128x64xf32, #tpu.memory_space<hbm>>
        %dma_start3A_30 = tpu.memref_squeeze %dma_start3A_29 : memref<1x128x64xf32, #tpu.memory_space<hbm>> -> memref<128x64xf32, #tpu.memory_space<hbm>>
        %dma_start3A_31 = arith.constant 128 : i32
        %dma_start3A_32 = arith.constant 0 : i32
        %dma_start3A_33 = tpu.memref_slice %arg7[%add3A_15, %dma_start3A_31, %dma_start3A_32] : memref<128x256x64xf32, #tpu.memory_space<hbm>> -> memref<1x128x64xf32, #tpu.memory_space<hbm>>
        %dma_start3A_34 = tpu.memref_squeeze %dma_start3A_33 : memref<1x128x64xf32, #tpu.memory_space<hbm>> -> memref<128x64xf32, #tpu.memory_space<hbm>>
        tpu.enqueue_dma source(%arg12 : memref<128x64xf32, #tpu.memory_space<vmem>>) target(%dma_start3A_34 : memref<128x64xf32, #tpu.memory_space<hbm>>) target_semaphore(%run_scoped3A : memref<!tpu.dma_semaphore, #tpu.memory_space<semaphore_mem>>)
        %dma_wait3A = arith.constant 128 : i32
        %dma_wait3A_35 = arith.constant 0 : i32
        %dma_wait3A_36 = tpu.memref_slice %arg7[%add3A_15, %dma_wait3A, %dma_wait3A_35] : memref<128x256x64xf32, #tpu.memory_space<hbm>> -> memref<1x128x64xf32, #tpu.memory_space<hbm>>
        %dma_wait3A_37 = tpu.memref_squeeze %dma_wait3A_36 : memref<1x128x64xf32, #tpu.memory_space<hbm>> -> memref<128x64xf32, #tpu.memory_space<hbm>>
        %dma_wait3A_38 = arith.constant 128 : i32
        %dma_wait3A_39 = arith.constant 0 : i32
        %dma_wait3A_40 = tpu.memref_slice %arg7[%add3A_15, %dma_wait3A_38, %dma_wait3A_39] : memref<128x256x64xf32, #tpu.memory_space<hbm>> -> memref<1x128x64xf32, #tpu.memory_space<hbm>>
        %dma_wait3A_41 = tpu.memref_squeeze %dma_wait3A_40 : memref<1x128x64xf32, #tpu.memory_space<hbm>> -> memref<128x64xf32, #tpu.memory_space<hbm>>
        tpu.wait_dma2 semaphore(%run_scoped3A : memref<!tpu.dma_semaphore, #tpu.memory_space<semaphore_mem>>) src(%arg12 : memref<128x64xf32, #tpu.memory_space<vmem>>) dst(%dma_wait3A_41 : memref<128x64xf32, #tpu.memory_space<hbm>>)
        tpu.yield
      }) : () -> ()
    }
    %scan3A_5 = arith.constant 4 : i32
    %scan3A_6 = arith.constant 0 : i32
    %scan3A_7 = arith.constant 0 : i32
    %scan3A_8 = arith.constant 4 : i32
    %scan3A_9 = arith.addi %scan3A_7, %scan3A_8 : i32
    %scan3A_10 = arith.constant 1 : i32
    scf.for %scan3A_12 = %scan3A_7 to %scan3A_9 step %scan3A_10  : i32 {
      %mul3A_13 = arith.constant 4 : i32
      %mul3A_14 = arith.muli %add3A, %mul3A_13 : i32
      %add3A_15 = arith.addi %mul3A_14, %scan3A_12 : i32
      "tpu.region"() ({
        %run_scoped3A = tpu.sem_alloc : memref<!tpu.dma_semaphore, #tpu.memory_space<semaphore_mem>>
        %dma_start3A = arith.constant 0 : i32
        %dma_start3A_28 = arith.constant 0 : i32
        %dma_start3A_29 = tpu.memref_slice %arg3[%add3A_15, %dma_start3A, %dma_start3A_28] : memref<128x16x256xi32, #tpu.memory_space<hbm>> -> memref<1x16x256xi32, #tpu.memory_space<hbm>>
        %dma_start3A_30 = tpu.memref_squeeze %dma_start3A_29 : memref<1x16x256xi32, #tpu.memory_space<hbm>> -> memref<16x256xi32, #tpu.memory_space<hbm>>
        %dma_start3A_31 = arith.constant 0 : i32
        %dma_start3A_32 = arith.constant 0 : i32
        %dma_start3A_33 = tpu.memref_slice %arg3[%add3A_15, %dma_start3A_31, %dma_start3A_32] : memref<128x16x256xi32, #tpu.memory_space<hbm>> -> memref<1x16x256xi32, #tpu.memory_space<hbm>>
        %dma_start3A_34 = tpu.memref_squeeze %dma_start3A_33 : memref<1x16x256xi32, #tpu.memory_space<hbm>> -> memref<16x256xi32, #tpu.memory_space<hbm>>
        tpu.enqueue_dma source(%dma_start3A_34 : memref<16x256xi32, #tpu.memory_space<hbm>>) target(%arg10 : memref<16x256xi32, #tpu.memory_space<vmem>>) target_semaphore(%run_scoped3A : memref<!tpu.dma_semaphore, #tpu.memory_space<semaphore_mem>>)
        %dma_wait3A = arith.constant 0 : i32
        %dma_wait3A_35 = arith.constant 0 : i32
        %dma_wait3A_36 = tpu.memref_slice %arg3[%add3A_15, %dma_wait3A, %dma_wait3A_35] : memref<128x16x256xi32, #tpu.memory_space<hbm>> -> memref<1x16x256xi32, #tpu.memory_space<hbm>>
        %dma_wait3A_37 = tpu.memref_squeeze %dma_wait3A_36 : memref<1x16x256xi32, #tpu.memory_space<hbm>> -> memref<16x256xi32, #tpu.memory_space<hbm>>
        %dma_wait3A_38 = arith.constant 0 : i32
        %dma_wait3A_39 = arith.constant 0 : i32
        %dma_wait3A_40 = tpu.memref_slice %arg3[%add3A_15, %dma_wait3A_38, %dma_wait3A_39] : memref<128x16x256xi32, #tpu.memory_space<hbm>> -> memref<1x16x256xi32, #tpu.memory_space<hbm>>
        %dma_wait3A_41 = tpu.memref_squeeze %dma_wait3A_40 : memref<1x16x256xi32, #tpu.memory_space<hbm>> -> memref<16x256xi32, #tpu.memory_space<hbm>>
        tpu.wait_dma2 semaphore(%run_scoped3A : memref<!tpu.dma_semaphore, #tpu.memory_space<semaphore_mem>>) src(%dma_wait3A_41 : memref<16x256xi32, #tpu.memory_space<hbm>>) dst(%arg10 : memref<16x256xi32, #tpu.memory_space<vmem>>)
        tpu.yield
      }) : () -> ()
      "tpu.region"() ({
        %run_scoped3A = tpu.sem_alloc : memref<!tpu.dma_semaphore, #tpu.memory_space<semaphore_mem>>
        %dma_start3A = arith.constant 0 : i32
        %dma_start3A_28 = arith.constant 0 : i32
        %dma_start3A_29 = tpu.memref_slice %arg5[%add3A_15, %dma_start3A, %dma_start3A_28] : memref<128x16x256xf32, #tpu.memory_space<hbm>> -> memref<1x16x256xf32, #tpu.memory_space<hbm>>
        %dma_start3A_30 = tpu.memref_squeeze %dma_start3A_29 : memref<1x16x256xf32, #tpu.memory_space<hbm>> -> memref<16x256xf32, #tpu.memory_space<hbm>>
        %dma_start3A_31 = arith.constant 0 : i32
        %dma_start3A_32 = arith.constant 0 : i32
        %dma_start3A_33 = tpu.memref_slice %arg5[%add3A_15, %dma_start3A_31, %dma_start3A_32] : memref<128x16x256xf32, #tpu.memory_space<hbm>> -> memref<1x16x256xf32, #tpu.memory_space<hbm>>
        %dma_start3A_34 = tpu.memref_squeeze %dma_start3A_33 : memref<1x16x256xf32, #tpu.memory_space<hbm>> -> memref<16x256xf32, #tpu.memory_space<hbm>>
        tpu.enqueue_dma source(%dma_start3A_34 : memref<16x256xf32, #tpu.memory_space<hbm>>) target(%arg11 : memref<16x256xf32, #tpu.memory_space<vmem>>) target_semaphore(%run_scoped3A : memref<!tpu.dma_semaphore, #tpu.memory_space<semaphore_mem>>)
        %dma_wait3A = arith.constant 0 : i32
        %dma_wait3A_35 = arith.constant 0 : i32
        %dma_wait3A_36 = tpu.memref_slice %arg5[%add3A_15, %dma_wait3A, %dma_wait3A_35] : memref<128x16x256xf32, #tpu.memory_space<hbm>> -> memref<1x16x256xf32, #tpu.memory_space<hbm>>
        %dma_wait3A_37 = tpu.memref_squeeze %dma_wait3A_36 : memref<1x16x256xf32, #tpu.memory_space<hbm>> -> memref<16x256xf32, #tpu.memory_space<hbm>>
        %dma_wait3A_38 = arith.constant 0 : i32
        %dma_wait3A_39 = arith.constant 0 : i32
        %dma_wait3A_40 = tpu.memref_slice %arg5[%add3A_15, %dma_wait3A_38, %dma_wait3A_39] : memref<128x16x256xf32, #tpu.memory_space<hbm>> -> memref<1x16x256xf32, #tpu.memory_space<hbm>>
        %dma_wait3A_41 = tpu.memref_squeeze %dma_wait3A_40 : memref<1x16x256xf32, #tpu.memory_space<hbm>> -> memref<16x256xf32, #tpu.memory_space<hbm>>
        tpu.wait_dma2 semaphore(%run_scoped3A : memref<!tpu.dma_semaphore, #tpu.memory_space<semaphore_mem>>) src(%dma_wait3A_41 : memref<16x256xf32, #tpu.memory_space<hbm>>) dst(%arg11 : memref<16x256xf32, #tpu.memory_space<vmem>>)
        tpu.yield
      }) : () -> ()
      %scan3A_16 = arith.constant 0 : i32
      %scan3A_17 = arith.constant 0 : i32
      %scan3A_18 = arith.constant 8 : i32
      %scan3A_19 = arith.addi %scan3A_17, %scan3A_18 : i32
      %scan3A_20 = arith.constant 1 : i32
      scf.for %scan3A_28 = %scan3A_17 to %scan3A_19 step %scan3A_20  : i32 {
        %mul3A_29 = arith.constant 16 : i32
        %mul3A_30 = arith.muli %scan3A_28, %mul3A_29 : i32
        %add3A_31 = arith.constant 0 : i32
        %add3A_32 = arith.addi %add3A_31, %mul3A_30 : i32
        %get3A = arith.constant 0 : i32
        %get3A_33 = arith.index_cast %get3A : i32 to index
        %get3A_34 = arith.index_cast %add3A_32 : i32 to index
        %get3A_35 = tpu.vector_load %arg10[%get3A_33, %get3A_34] {strides = array<i32>} : memref<16x256xi32, #tpu.memory_space<vmem>>, vector<16xi32>,
        %get3A_36 = arith.constant 0 : i32
        %get3A_37 = arith.index_cast %get3A_36 : i32 to index
        %get3A_38 = arith.index_cast %add3A_32 : i32 to index
        %get3A_39 = tpu.vector_load %arg11[%get3A_37, %get3A_38] {strides = array<i32>} : memref<16x256xf32, #tpu.memory_space<vmem>>, vector<16xf32>,
        %mul3A_40 = arith.constant 6.250000e-02 : f32
        %mul3A_41 = vector.broadcast %mul3A_40 : f32 to vector<16xf32>
        %mul3A_42 = arith.mulf %get3A_39, %mul3A_41 : vector<16xf32>
        %get3A_43 = arith.constant 1 : i32
        %get3A_44 = arith.index_cast %get3A_43 : i32 to index
        %get3A_45 = arith.index_cast %add3A_32 : i32 to index
        %get3A_46 = tpu.vector_load %arg10[%get3A_44, %get3A_45] {strides = array<i32>} : memref<16x256xi32, #tpu.memory_space<vmem>>, vector<16xi32>,
        %get3A_47 = arith.constant 1 : i32
        %get3A_48 = arith.index_cast %get3A_47 : i32 to index
        %get3A_49 = arith.index_cast %add3A_32 : i32 to index
        %get3A_50 = tpu.vector_load %arg11[%get3A_48, %get3A_49] {strides = array<i32>} : memref<16x256xf32, #tpu.memory_space<vmem>>, vector<16xf32>,
        %mul3A_51 = arith.constant 6.250000e-02 : f32
        %mul3A_52 = vector.broadcast %mul3A_51 : f32 to vector<16xf32>
        %mul3A_53 = arith.mulf %get3A_50, %mul3A_52 : vector<16xf32>
        %get3A_54 = arith.constant 2 : i32
        %get3A_55 = arith.index_cast %get3A_54 : i32 to index
        %get3A_56 = arith.index_cast %add3A_32 : i32 to index
        %get3A_57 = tpu.vector_load %arg10[%get3A_55, %get3A_56] {strides = array<i32>} : memref<16x256xi32, #tpu.memory_space<vmem>>, vector<16xi32>,
        %get3A_58 = arith.constant 2 : i32
        %get3A_59 = arith.index_cast %get3A_58 : i32 to index
        %get3A_60 = arith.index_cast %add3A_32 : i32 to index
        %get3A_61 = tpu.vector_load %arg11[%get3A_59, %get3A_60] {strides = array<i32>} : memref<16x256xf32, #tpu.memory_space<vmem>>, vector<16xf32>,
        %mul3A_62 = arith.constant 6.250000e-02 : f32
        %mul3A_63 = vector.broadcast %mul3A_62 : f32 to vector<16xf32>
        %mul3A_64 = arith.mulf %get3A_61, %mul3A_63 : vector<16xf32>
        %get3A_65 = arith.constant 3 : i32
        %get3A_66 = arith.index_cast %get3A_65 : i32 to index
        %get3A_67 = arith.index_cast %add3A_32 : i32 to index
        %get3A_68 = tpu.vector_load %arg10[%get3A_66, %get3A_67] {strides = array<i32>} : memref<16x256xi32, #tpu.memory_space<vmem>>, vector<16xi32>,
        %get3A_69 = arith.constant 3 : i32
        %get3A_70 = arith.index_cast %get3A_69 : i32 to index
        %get3A_71 = arith.index_cast %add3A_32 : i32 to index
        %get3A_72 = tpu.vector_load %arg11[%get3A_70, %get3A_71] {strides = array<i32>} : memref<16x256xf32, #tpu.memory_space<vmem>>, vector<16xf32>,
        %mul3A_73 = arith.constant 6.250000e-02 : f32
        %mul3A_74 = vector.broadcast %mul3A_73 : f32 to vector<16xf32>
        %mul3A_75 = arith.mulf %get3A_72, %mul3A_74 : vector<16xf32>
        %get3A_76 = arith.constant 4 : i32
        %get3A_77 = arith.index_cast %get3A_76 : i32 to index
        %get3A_78 = arith.index_cast %add3A_32 : i32 to index
        %get3A_79 = tpu.vector_load %arg10[%get3A_77, %get3A_78] {strides = array<i32>} : memref<16x256xi32, #tpu.memory_space<vmem>>, vector<16xi32>,
        %get3A_80 = arith.constant 4 : i32
        %get3A_81 = arith.index_cast %get3A_80 : i32 to index
        %get3A_82 = arith.index_cast %add3A_32 : i32 to index
        %get3A_83 = tpu.vector_load %arg11[%get3A_81, %get3A_82] {strides = array<i32>} : memref<16x256xf32, #tpu.memory_space<vmem>>, vector<16xf32>,
        %mul3A_84 = arith.constant 6.250000e-02 : f32
        %mul3A_85 = vector.broadcast %mul3A_84 : f32 to vector<16xf32>
        %mul3A_86 = arith.mulf %get3A_83, %mul3A_85 : vector<16xf32>
        %get3A_87 = arith.constant 5 : i32
        %get3A_88 = arith.index_cast %get3A_87 : i32 to index
        %get3A_89 = arith.index_cast %add3A_32 : i32 to index
        %get3A_90 = tpu.vector_load %arg10[%get3A_88, %get3A_89] {strides = array<i32>} : memref<16x256xi32, #tpu.memory_space<vmem>>, vector<16xi32>,
        %get3A_91 = arith.constant 5 : i32
        %get3A_92 = arith.index_cast %get3A_91 : i32 to index
        %get3A_93 = arith.index_cast %add3A_32 : i32 to index
        %get3A_94 = tpu.vector_load %arg11[%get3A_92, %get3A_93] {strides = array<i32>} : memref<16x256xf32, #tpu.memory_space<vmem>>, vector<16xf32>,
        %mul3A_95 = arith.constant 6.250000e-02 : f32
        %mul3A_96 = vector.broadcast %mul3A_95 : f32 to vector<16xf32>
        %mul3A_97 = arith.mulf %get3A_94, %mul3A_96 : vector<16xf32>
        %get3A_98 = arith.constant 6 : i32
        %get3A_99 = arith.index_cast %get3A_98 : i32 to index
        %get3A_100 = arith.index_cast %add3A_32 : i32 to index
        %get3A_101 = tpu.vector_load %arg10[%get3A_99, %get3A_100] {strides = array<i32>} : memref<16x256xi32, #tpu.memory_space<vmem>>, vector<16xi32>,
        %get3A_102 = arith.constant 6 : i32
        %get3A_103 = arith.index_cast %get3A_102 : i32 to index
        %get3A_104 = arith.index_cast %add3A_32 : i32 to index
        %get3A_105 = tpu.vector_load %arg11[%get3A_103, %get3A_104] {strides = array<i32>} : memref<16x256xf32, #tpu.memory_space<vmem>>, vector<16xf32>,
        %mul3A_106 = arith.constant 6.250000e-02 : f32
        %mul3A_107 = vector.broadcast %mul3A_106 : f32 to vector<16xf32>
        %mul3A_108 = arith.mulf %get3A_105, %mul3A_107 : vector<16xf32>
        %get3A_109 = arith.constant 7 : i32
        %get3A_110 = arith.index_cast %get3A_109 : i32 to index
        %get3A_111 = arith.index_cast %add3A_32 : i32 to index
        %get3A_112 = tpu.vector_load %arg10[%get3A_110, %get3A_111] {strides = array<i32>} : memref<16x256xi32, #tpu.memory_space<vmem>>, vector<16xi32>,
        %get3A_113 = arith.constant 7 : i32
        %get3A_114 = arith.index_cast %get3A_113 : i32 to index
        %get3A_115 = arith.index_cast %add3A_32 : i32 to index
        %get3A_116 = tpu.vector_load %arg11[%get3A_114, %get3A_115] {strides = array<i32>} : memref<16x256xf32, #tpu.memory_space<vmem>>, vector<16xf32>,
        %mul3A_117 = arith.constant 6.250000e-02 : f32
        %mul3A_118 = vector.broadcast %mul3A_117 : f32 to vector<16xf32>
        %mul3A_119 = arith.mulf %get3A_116, %mul3A_118 : vector<16xf32>
        %get3A_120 = arith.constant 8 : i32
        %get3A_121 = arith.index_cast %get3A_120 : i32 to index
        %get3A_122 = arith.index_cast %add3A_32 : i32 to index
        %get3A_123 = tpu.vector_load %arg10[%get3A_121, %get3A_122] {strides = array<i32>} : memref<16x256xi32, #tpu.memory_space<vmem>>, vector<16xi32>,
        %get3A_124 = arith.constant 8 : i32
        %get3A_125 = arith.index_cast %get3A_124 : i32 to index
        %get3A_126 = arith.index_cast %add3A_32 : i32 to index
        %get3A_127 = tpu.vector_load %arg11[%get3A_125, %get3A_126] {strides = array<i32>} : memref<16x256xf32, #tpu.memory_space<vmem>>, vector<16xf32>,
        %mul3A_128 = arith.constant 6.250000e-02 : f32
        %mul3A_129 = vector.broadcast %mul3A_128 : f32 to vector<16xf32>
        %mul3A_130 = arith.mulf %get3A_127, %mul3A_129 : vector<16xf32>
        %get3A_131 = arith.constant 9 : i32
        %get3A_132 = arith.index_cast %get3A_131 : i32 to index
        %get3A_133 = arith.index_cast %add3A_32 : i32 to index
        %get3A_134 = tpu.vector_load %arg10[%get3A_132, %get3A_133] {strides = array<i32>} : memref<16x256xi32, #tpu.memory_space<vmem>>, vector<16xi32>,
        %get3A_135 = arith.constant 9 : i32
        %get3A_136 = arith.index_cast %get3A_135 : i32 to index
        %get3A_137 = arith.index_cast %add3A_32 : i32 to index
        %get3A_138 = tpu.vector_load %arg11[%get3A_136, %get3A_137] {strides = array<i32>} : memref<16x256xf32, #tpu.memory_space<vmem>>, vector<16xf32>,
        %mul3A_139 = arith.constant 6.250000e-02 : f32
        %mul3A_140 = vector.broadcast %mul3A_139 : f32 to vector<16xf32>
        %mul3A_141 = arith.mulf %get3A_138, %mul3A_140 : vector<16xf32>
        %get3A_142 = arith.constant 10 : i32
        %get3A_143 = arith.index_cast %get3A_142 : i32 to index
        %get3A_144 = arith.index_cast %add3A_32 : i32 to index
        %get3A_145 = tpu.vector_load %arg10[%get3A_143, %get3A_144] {strides = array<i32>} : memref<16x256xi32, #tpu.memory_space<vmem>>, vector<16xi32>,
        %get3A_146 = arith.constant 10 : i32
        %get3A_147 = arith.index_cast %get3A_146 : i32 to index
        %get3A_148 = arith.index_cast %add3A_32 : i32 to index
        %get3A_149 = tpu.vector_load %arg11[%get3A_147, %get3A_148] {strides = array<i32>} : memref<16x256xf32, #tpu.memory_space<vmem>>, vector<16xf32>,
        %mul3A_150 = arith.constant 6.250000e-02 : f32
        %mul3A_151 = vector.broadcast %mul3A_150 : f32 to vector<16xf32>
        %mul3A_152 = arith.mulf %get3A_149, %mul3A_151 : vector<16xf32>
        %get3A_153 = arith.constant 11 : i32
        %get3A_154 = arith.index_cast %get3A_153 : i32 to index
        %get3A_155 = arith.index_cast %add3A_32 : i32 to index
        %get3A_156 = tpu.vector_load %arg10[%get3A_154, %get3A_155] {strides = array<i32>} : memref<16x256xi32, #tpu.memory_space<vmem>>, vector<16xi32>,
        %get3A_157 = arith.constant 11 : i32
        %get3A_158 = arith.index_cast %get3A_157 : i32 to index
        %get3A_159 = arith.index_cast %add3A_32 : i32 to index
        %get3A_160 = tpu.vector_load %arg11[%get3A_158, %get3A_159] {strides = array<i32>} : memref<16x256xf32, #tpu.memory_space<vmem>>, vector<16xf32>,
        %mul3A_161 = arith.constant 6.250000e-02 : f32
        %mul3A_162 = vector.broadcast %mul3A_161 : f32 to vector<16xf32>
        %mul3A_163 = arith.mulf %get3A_160, %mul3A_162 : vector<16xf32>
        %get3A_164 = arith.constant 12 : i32
        %get3A_165 = arith.index_cast %get3A_164 : i32 to index
        %get3A_166 = arith.index_cast %add3A_32 : i32 to index
        %get3A_167 = tpu.vector_load %arg10[%get3A_165, %get3A_166] {strides = array<i32>} : memref<16x256xi32, #tpu.memory_space<vmem>>, vector<16xi32>,
        %get3A_168 = arith.constant 12 : i32
        %get3A_169 = arith.index_cast %get3A_168 : i32 to index
        %get3A_170 = arith.index_cast %add3A_32 : i32 to index
        %get3A_171 = tpu.vector_load %arg11[%get3A_169, %get3A_170] {strides = array<i32>} : memref<16x256xf32, #tpu.memory_space<vmem>>, vector<16xf32>,
        %mul3A_172 = arith.constant 6.250000e-02 : f32
        %mul3A_173 = vector.broadcast %mul3A_172 : f32 to vector<16xf32>
        %mul3A_174 = arith.mulf %get3A_171, %mul3A_173 : vector<16xf32>
        %get3A_175 = arith.constant 13 : i32
        %get3A_176 = arith.index_cast %get3A_175 : i32 to index
        %get3A_177 = arith.index_cast %add3A_32 : i32 to index
        %get3A_178 = tpu.vector_load %arg10[%get3A_176, %get3A_177] {strides = array<i32>} : memref<16x256xi32, #tpu.memory_space<vmem>>, vector<16xi32>,
        %get3A_179 = arith.constant 13 : i32
        %get3A_180 = arith.index_cast %get3A_179 : i32 to index
        %get3A_181 = arith.index_cast %add3A_32 : i32 to index
        %get3A_182 = tpu.vector_load %arg11[%get3A_180, %get3A_181] {strides = array<i32>} : memref<16x256xf32, #tpu.memory_space<vmem>>, vector<16xf32>,
        %mul3A_183 = arith.constant 6.250000e-02 : f32
        %mul3A_184 = vector.broadcast %mul3A_183 : f32 to vector<16xf32>
        %mul3A_185 = arith.mulf %get3A_182, %mul3A_184 : vector<16xf32>
        %get3A_186 = arith.constant 14 : i32
        %get3A_187 = arith.index_cast %get3A_186 : i32 to index
        %get3A_188 = arith.index_cast %add3A_32 : i32 to index
        %get3A_189 = tpu.vector_load %arg10[%get3A_187, %get3A_188] {strides = array<i32>} : memref<16x256xi32, #tpu.memory_space<vmem>>, vector<16xi32>,
        %get3A_190 = arith.constant 14 : i32
        %get3A_191 = arith.index_cast %get3A_190 : i32 to index
        %get3A_192 = arith.index_cast %add3A_32 : i32 to index
        %get3A_193 = tpu.vector_load %arg11[%get3A_191, %get3A_192] {strides = array<i32>} : memref<16x256xf32, #tpu.memory_space<vmem>>, vector<16xf32>,
        %mul3A_194 = arith.constant 6.250000e-02 : f32
        %mul3A_195 = vector.broadcast %mul3A_194 : f32 to vector<16xf32>
        %mul3A_196 = arith.mulf %get3A_193, %mul3A_195 : vector<16xf32>
        %get3A_197 = arith.constant 15 : i32
        %get3A_198 = arith.index_cast %get3A_197 : i32 to index
        %get3A_199 = arith.index_cast %add3A_32 : i32 to index
        %get3A_200 = tpu.vector_load %arg10[%get3A_198, %get3A_199] {strides = array<i32>} : memref<16x256xi32, #tpu.memory_space<vmem>>, vector<16xi32>,
        %get3A_201 = arith.constant 15 : i32
        %get3A_202 = arith.index_cast %get3A_201 : i32 to index
        %get3A_203 = arith.index_cast %add3A_32 : i32 to index
        %get3A_204 = tpu.vector_load %arg11[%get3A_202, %get3A_203] {strides = array<i32>} : memref<16x256xf32, #tpu.memory_space<vmem>>, vector<16xf32>,
        %mul3A_205 = arith.constant 6.250000e-02 : f32
        %mul3A_206 = vector.broadcast %mul3A_205 : f32 to vector<16xf32>
        %mul3A_207 = arith.mulf %get3A_204, %mul3A_206 : vector<16xf32>
        %mul3A_208 = arith.constant 16 : i32
        %mul3A_209 = arith.muli %scan3A_28, %mul3A_208 : i32
        %add3A_210 = vector.broadcast %mul3A_209 : i32 to vector<16xi32>
        %add3A_211 = arith.addi %iota3A, %add3A_210 : vector<16xi32>
        %scan3A_212 = arith.constant 0 : i32
        %scan3A_213 = arith.constant 0 : i32
        %scan3A_214 = arith.constant 16 : i32
        %scan3A_215 = arith.addi %scan3A_213, %scan3A_214 : i32
        %scan3A_216 = arith.constant 1 : i32
        scf.for %scan3A_218 = %scan3A_213 to %scan3A_215 step %scan3A_216  : i32 {
          %mul3A_219 = arith.constant 4 : i32
          %mul3A_220 = arith.muli %scan3A_218, %mul3A_219 : i32
          %add3A_221 = arith.constant 0 : i32
          %add3A_222 = arith.addi %mul3A_220, %add3A_221 : i32
          %broadcast_in_dim3A = vector.broadcast %add3A_222 : i32 to vector<16xi32>
          %gather3A = tpu.vector_load_idx %arg9[%get3A_35, %broadcast_in_dim3A] : memref<1000x64xf32, #tpu.memory_space<vmem>>[vector<16xi32>, vector<16xi32>], vector<16xf32>,
          %mul3A_223 = arith.mulf %mul3A_42, %gather3A : vector<16xf32>
          %gather3A_224 = tpu.vector_load_idx %arg9[%get3A_46, %broadcast_in_dim3A] : memref<1000x64xf32, #tpu.memory_space<vmem>>[vector<16xi32>, vector<16xi32>], vector<16xf32>,
          %mul3A_225 = arith.mulf %mul3A_53, %gather3A_224 : vector<16xf32>
          %add3A_226 = arith.addf %mul3A_223, %mul3A_225 : vector<16xf32>
          %gather3A_227 = tpu.vector_load_idx %arg9[%get3A_57, %broadcast_in_dim3A] : memref<1000x64xf32, #tpu.memory_space<vmem>>[vector<16xi32>, vector<16xi32>], vector<16xf32>,
          %mul3A_228 = arith.mulf %mul3A_64, %gather3A_227 : vector<16xf32>
          %add3A_229 = arith.addf %add3A_226, %mul3A_228 : vector<16xf32>
          %gather3A_230 = tpu.vector_load_idx %arg9[%get3A_68, %broadcast_in_dim3A] : memref<1000x64xf32, #tpu.memory_space<vmem>>[vector<16xi32>, vector<16xi32>], vector<16xf32>,
          %mul3A_231 = arith.mulf %mul3A_75, %gather3A_230 : vector<16xf32>
          %add3A_232 = arith.addf %add3A_229, %mul3A_231 : vector<16xf32>
          %gather3A_233 = tpu.vector_load_idx %arg9[%get3A_79, %broadcast_in_dim3A] : memref<1000x64xf32, #tpu.memory_space<vmem>>[vector<16xi32>, vector<16xi32>], vector<16xf32>,
          %mul3A_234 = arith.mulf %mul3A_86, %gather3A_233 : vector<16xf32>
          %add3A_235 = arith.addf %add3A_232, %mul3A_234 : vector<16xf32>
          %gather3A_236 = tpu.vector_load_idx %arg9[%get3A_90, %broadcast_in_dim3A] : memref<1000x64xf32, #tpu.memory_space<vmem>>[vector<16xi32>, vector<16xi32>], vector<16xf32>,
          %mul3A_237 = arith.mulf %mul3A_97, %gather3A_236 : vector<16xf32>
          %add3A_238 = arith.addf %add3A_235, %mul3A_237 : vector<16xf32>
          %gather3A_239 = tpu.vector_load_idx %arg9[%get3A_101, %broadcast_in_dim3A] : memref<1000x64xf32, #tpu.memory_space<vmem>>[vector<16xi32>, vector<16xi32>], vector<16xf32>,
          %mul3A_240 = arith.mulf %mul3A_108, %gather3A_239 : vector<16xf32>
          %add3A_241 = arith.addf %add3A_238, %mul3A_240 : vector<16xf32>
          %gather3A_242 = tpu.vector_load_idx %arg9[%get3A_112, %broadcast_in_dim3A] : memref<1000x64xf32, #tpu.memory_space<vmem>>[vector<16xi32>, vector<16xi32>], vector<16xf32>,
          %mul3A_243 = arith.mulf %mul3A_119, %gather3A_242 : vector<16xf32>
          %add3A_244 = arith.addf %add3A_241, %mul3A_243 : vector<16xf32>
          %gather3A_245 = tpu.vector_load_idx %arg9[%get3A_123, %broadcast_in_dim3A] : memref<1000x64xf32, #tpu.memory_space<vmem>>[vector<16xi32>, vector<16xi32>], vector<16xf32>,
          %mul3A_246 = arith.mulf %mul3A_130, %gather3A_245 : vector<16xf32>
          %add3A_247 = arith.addf %add3A_244, %mul3A_246 : vector<16xf32>
          %gather3A_248 = tpu.vector_load_idx %arg9[%get3A_134, %broadcast_in_dim3A] : memref<1000x64xf32, #tpu.memory_space<vmem>>[vector<16xi32>, vector<16xi32>], vector<16xf32>,
          %mul3A_249 = arith.mulf %mul3A_141, %gather3A_248 : vector<16xf32>
          %add3A_250 = arith.addf %add3A_247, %mul3A_249 : vector<16xf32>
          %gather3A_251 = tpu.vector_load_idx %arg9[%get3A_145, %broadcast_in_dim3A] : memref<1000x64xf32, #tpu.memory_space<vmem>>[vector<16xi32>, vector<16xi32>], vector<16xf32>,
          %mul3A_252 = arith.mulf %mul3A_152, %gather3A_251 : vector<16xf32>
          %add3A_253 = arith.addf %add3A_250, %mul3A_252 : vector<16xf32>
          %gather3A_254 = tpu.vector_load_idx %arg9[%get3A_156, %broadcast_in_dim3A] : memref<1000x64xf32, #tpu.memory_space<vmem>>[vector<16xi32>, vector<16xi32>], vector<16xf32>,
          %mul3A_255 = arith.mulf %mul3A_163, %gather3A_254 : vector<16xf32>
          %add3A_256 = arith.addf %add3A_253, %mul3A_255 : vector<16xf32>
          %gather3A_257 = tpu.vector_load_idx %arg9[%get3A_167, %broadcast_in_dim3A] : memref<1000x64xf32, #tpu.memory_space<vmem>>[vector<16xi32>, vector<16xi32>], vector<16xf32>,
          %mul3A_258 = arith.mulf %mul3A_174, %gather3A_257 : vector<16xf32>
          %add3A_259 = arith.addf %add3A_256, %mul3A_258 : vector<16xf32>
          %gather3A_260 = tpu.vector_load_idx %arg9[%get3A_178, %broadcast_in_dim3A] : memref<1000x64xf32, #tpu.memory_space<vmem>>[vector<16xi32>, vector<16xi32>], vector<16xf32>,
          %mul3A_261 = arith.mulf %mul3A_185, %gather3A_260 : vector<16xf32>
          %add3A_262 = arith.addf %add3A_259, %mul3A_261 : vector<16xf32>
          %gather3A_263 = tpu.vector_load_idx %arg9[%get3A_189, %broadcast_in_dim3A] : memref<1000x64xf32, #tpu.memory_space<vmem>>[vector<16xi32>, vector<16xi32>], vector<16xf32>,
          %mul3A_264 = arith.mulf %mul3A_196, %gather3A_263 : vector<16xf32>
          %add3A_265 = arith.addf %add3A_262, %mul3A_264 : vector<16xf32>
          %gather3A_266 = tpu.vector_load_idx %arg9[%get3A_200, %broadcast_in_dim3A] : memref<1000x64xf32, #tpu.memory_space<vmem>>[vector<16xi32>, vector<16xi32>], vector<16xf32>,
          %mul3A_267 = arith.mulf %mul3A_207, %gather3A_266 : vector<16xf32>
          %add3A_268 = arith.addf %add3A_265, %mul3A_267 : vector<16xf32>
          tpu.vector_store_idx %arg12[%add3A_211, %broadcast_in_dim3A], %add3A_268 : memref<128x64xf32, #tpu.memory_space<vmem>>[vector<16xi32>, vector<16xi32>], vector<16xf32>,
          %mul3A_269 = arith.constant 4 : i32
          %mul3A_270 = arith.muli %scan3A_218, %mul3A_269 : i32
          %add3A_271 = arith.constant 1 : i32
          %add3A_272 = arith.addi %mul3A_270, %add3A_271 : i32
          %broadcast_in_dim3A_273 = vector.broadcast %add3A_272 : i32 to vector<16xi32>
          %gather3A_274 = tpu.vector_load_idx %arg9[%get3A_35, %broadcast_in_dim3A_273] : memref<1000x64xf32, #tpu.memory_space<vmem>>[vector<16xi32>, vector<16xi32>], vector<16xf32>,
          %mul3A_275 = arith.mulf %mul3A_42, %gather3A_274 : vector<16xf32>
          %gather3A_276 = tpu.vector_load_idx %arg9[%get3A_46, %broadcast_in_dim3A_273] : memref<1000x64xf32, #tpu.memory_space<vmem>>[vector<16xi32>, vector<16xi32>], vector<16xf32>,
          %mul3A_277 = arith.mulf %mul3A_53, %gather3A_276 : vector<16xf32>
          %add3A_278 = arith.addf %mul3A_275, %mul3A_277 : vector<16xf32>
          %gather3A_279 = tpu.vector_load_idx %arg9[%get3A_57, %broadcast_in_dim3A_273] : memref<1000x64xf32, #tpu.memory_space<vmem>>[vector<16xi32>, vector<16xi32>], vector<16xf32>,
          %mul3A_280 = arith.mulf %mul3A_64, %gather3A_279 : vector<16xf32>
          %add3A_281 = arith.addf %add3A_278, %mul3A_280 : vector<16xf32>
          %gather3A_282 = tpu.vector_load_idx %arg9[%get3A_68, %broadcast_in_dim3A_273] : memref<1000x64xf32, #tpu.memory_space<vmem>>[vector<16xi32>, vector<16xi32>], vector<16xf32>,
          %mul3A_283 = arith.mulf %mul3A_75, %gather3A_282 : vector<16xf32>
          %add3A_284 = arith.addf %add3A_281, %mul3A_283 : vector<16xf32>
          %gather3A_285 = tpu.vector_load_idx %arg9[%get3A_79, %broadcast_in_dim3A_273] : memref<1000x64xf32, #tpu.memory_space<vmem>>[vector<16xi32>, vector<16xi32>], vector<16xf32>,
          %mul3A_286 = arith.mulf %mul3A_86, %gather3A_285 : vector<16xf32>
          %add3A_287 = arith.addf %add3A_284, %mul3A_286 : vector<16xf32>
          %gather3A_288 = tpu.vector_load_idx %arg9[%get3A_90, %broadcast_in_dim3A_273] : memref<1000x64xf32, #tpu.memory_space<vmem>>[vector<16xi32>, vector<16xi32>], vector<16xf32>,
          %mul3A_289 = arith.mulf %mul3A_97, %gather3A_288 : vector<16xf32>
          %add3A_290 = arith.addf %add3A_287, %mul3A_289 : vector<16xf32>
          %gather3A_291 = tpu.vector_load_idx %arg9[%get3A_101, %broadcast_in_dim3A_273] : memref<1000x64xf32, #tpu.memory_space<vmem>>[vector<16xi32>, vector<16xi32>], vector<16xf32>,
          %mul3A_292 = arith.mulf %mul3A_108, %gather3A_291 : vector<16xf32>
          %add3A_293 = arith.addf %add3A_290, %mul3A_292 : vector<16xf32>
          %gather3A_294 = tpu.vector_load_idx %arg9[%get3A_112, %broadcast_in_dim3A_273] : memref<1000x64xf32, #tpu.memory_space<vmem>>[vector<16xi32>, vector<16xi32>], vector<16xf32>,
          %mul3A_295 = arith.mulf %mul3A_119, %gather3A_294 : vector<16xf32>
          %add3A_296 = arith.addf %add3A_293, %mul3A_295 : vector<16xf32>
          %gather3A_297 = tpu.vector_load_idx %arg9[%get3A_123, %broadcast_in_dim3A_273] : memref<1000x64xf32, #tpu.memory_space<vmem>>[vector<16xi32>, vector<16xi32>], vector<16xf32>,
          %mul3A_298 = arith.mulf %mul3A_130, %gather3A_297 : vector<16xf32>
          %add3A_299 = arith.addf %add3A_296, %mul3A_298 : vector<16xf32>
          %gather3A_300 = tpu.vector_load_idx %arg9[%get3A_134, %broadcast_in_dim3A_273] : memref<1000x64xf32, #tpu.memory_space<vmem>>[vector<16xi32>, vector<16xi32>], vector<16xf32>,
          %mul3A_301 = arith.mulf %mul3A_141, %gather3A_300 : vector<16xf32>
          %add3A_302 = arith.addf %add3A_299, %mul3A_301 : vector<16xf32>
          %gather3A_303 = tpu.vector_load_idx %arg9[%get3A_145, %broadcast_in_dim3A_273] : memref<1000x64xf32, #tpu.memory_space<vmem>>[vector<16xi32>, vector<16xi32>], vector<16xf32>,
          %mul3A_304 = arith.mulf %mul3A_152, %gather3A_303 : vector<16xf32>
          %add3A_305 = arith.addf %add3A_302, %mul3A_304 : vector<16xf32>
          %gather3A_306 = tpu.vector_load_idx %arg9[%get3A_156, %broadcast_in_dim3A_273] : memref<1000x64xf32, #tpu.memory_space<vmem>>[vector<16xi32>, vector<16xi32>], vector<16xf32>,
          %mul3A_307 = arith.mulf %mul3A_163, %gather3A_306 : vector<16xf32>
          %add3A_308 = arith.addf %add3A_305, %mul3A_307 : vector<16xf32>
          %gather3A_309 = tpu.vector_load_idx %arg9[%get3A_167, %broadcast_in_dim3A_273] : memref<1000x64xf32, #tpu.memory_space<vmem>>[vector<16xi32>, vector<16xi32>], vector<16xf32>,
          %mul3A_310 = arith.mulf %mul3A_174, %gather3A_309 : vector<16xf32>
          %add3A_311 = arith.addf %add3A_308, %mul3A_310 : vector<16xf32>
          %gather3A_312 = tpu.vector_load_idx %arg9[%get3A_178, %broadcast_in_dim3A_273] : memref<1000x64xf32, #tpu.memory_space<vmem>>[vector<16xi32>, vector<16xi32>], vector<16xf32>,
          %mul3A_313 = arith.mulf %mul3A_185, %gather3A_312 : vector<16xf32>
          %add3A_314 = arith.addf %add3A_311, %mul3A_313 : vector<16xf32>
          %gather3A_315 = tpu.vector_load_idx %arg9[%get3A_189, %broadcast_in_dim3A_273] : memref<1000x64xf32, #tpu.memory_space<vmem>>[vector<16xi32>, vector<16xi32>], vector<16xf32>,
          %mul3A_316 = arith.mulf %mul3A_196, %gather3A_315 : vector<16xf32>
          %add3A_317 = arith.addf %add3A_314, %mul3A_316 : vector<16xf32>
          %gather3A_318 = tpu.vector_load_idx %arg9[%get3A_200, %broadcast_in_dim3A_273] : memref<1000x64xf32, #tpu.memory_space<vmem>>[vector<16xi32>, vector<16xi32>], vector<16xf32>,
          %mul3A_319 = arith.mulf %mul3A_207, %gather3A_318 : vector<16xf32>
          %add3A_320 = arith.addf %add3A_317, %mul3A_319 : vector<16xf32>
          tpu.vector_store_idx %arg12[%add3A_211, %broadcast_in_dim3A_273], %add3A_320 : memref<128x64xf32, #tpu.memory_space<vmem>>[vector<16xi32>, vector<16xi32>], vector<16xf32>,
          %mul3A_321 = arith.constant 4 : i32
          %mul3A_322 = arith.muli %scan3A_218, %mul3A_321 : i32
          %add3A_323 = arith.constant 2 : i32
          %add3A_324 = arith.addi %mul3A_322, %add3A_323 : i32
          %broadcast_in_dim3A_325 = vector.broadcast %add3A_324 : i32 to vector<16xi32>
          %gather3A_326 = tpu.vector_load_idx %arg9[%get3A_35, %broadcast_in_dim3A_325] : memref<1000x64xf32, #tpu.memory_space<vmem>>[vector<16xi32>, vector<16xi32>], vector<16xf32>,
          %mul3A_327 = arith.mulf %mul3A_42, %gather3A_326 : vector<16xf32>
          %gather3A_328 = tpu.vector_load_idx %arg9[%get3A_46, %broadcast_in_dim3A_325] : memref<1000x64xf32, #tpu.memory_space<vmem>>[vector<16xi32>, vector<16xi32>], vector<16xf32>,
          %mul3A_329 = arith.mulf %mul3A_53, %gather3A_328 : vector<16xf32>
          %add3A_330 = arith.addf %mul3A_327, %mul3A_329 : vector<16xf32>
          %gather3A_331 = tpu.vector_load_idx %arg9[%get3A_57, %broadcast_in_dim3A_325] : memref<1000x64xf32, #tpu.memory_space<vmem>>[vector<16xi32>, vector<16xi32>], vector<16xf32>,
          %mul3A_332 = arith.mulf %mul3A_64, %gather3A_331 : vector<16xf32>
          %add3A_333 = arith.addf %add3A_330, %mul3A_332 : vector<16xf32>
          %gather3A_334 = tpu.vector_load_idx %arg9[%get3A_68, %broadcast_in_dim3A_325] : memref<1000x64xf32, #tpu.memory_space<vmem>>[vector<16xi32>, vector<16xi32>], vector<16xf32>,
          %mul3A_335 = arith.mulf %mul3A_75, %gather3A_334 : vector<16xf32>
          %add3A_336 = arith.addf %add3A_333, %mul3A_335 : vector<16xf32>
          %gather3A_337 = tpu.vector_load_idx %arg9[%get3A_79, %broadcast_in_dim3A_325] : memref<1000x64xf32, #tpu.memory_space<vmem>>[vector<16xi32>, vector<16xi32>], vector<16xf32>,
          %mul3A_338 = arith.mulf %mul3A_86, %gather3A_337 : vector<16xf32>
          %add3A_339 = arith.addf %add3A_336, %mul3A_338 : vector<16xf32>
          %gather3A_340 = tpu.vector_load_idx %arg9[%get3A_90, %broadcast_in_dim3A_325] : memref<1000x64xf32, #tpu.memory_space<vmem>>[vector<16xi32>, vector<16xi32>], vector<16xf32>,
          %mul3A_341 = arith.mulf %mul3A_97, %gather3A_340 : vector<16xf32>
          %add3A_342 = arith.addf %add3A_339, %mul3A_341 : vector<16xf32>
          %gather3A_343 = tpu.vector_load_idx %arg9[%get3A_101, %broadcast_in_dim3A_325] : memref<1000x64xf32, #tpu.memory_space<vmem>>[vector<16xi32>, vector<16xi32>], vector<16xf32>,
          %mul3A_344 = arith.mulf %mul3A_108, %gather3A_343 : vector<16xf32>
          %add3A_345 = arith.addf %add3A_342, %mul3A_344 : vector<16xf32>
          %gather3A_346 = tpu.vector_load_idx %arg9[%get3A_112, %broadcast_in_dim3A_325] : memref<1000x64xf32, #tpu.memory_space<vmem>>[vector<16xi32>, vector<16xi32>], vector<16xf32>,
          %mul3A_347 = arith.mulf %mul3A_119, %gather3A_346 : vector<16xf32>
          %add3A_348 = arith.addf %add3A_345, %mul3A_347 : vector<16xf32>
          %gather3A_349 = tpu.vector_load_idx %arg9[%get3A_123, %broadcast_in_dim3A_325] : memref<1000x64xf32, #tpu.memory_space<vmem>>[vector<16xi32>, vector<16xi32>], vector<16xf32>,
          %mul3A_350 = arith.mulf %mul3A_130, %gather3A_349 : vector<16xf32>
          %add3A_351 = arith.addf %add3A_348, %mul3A_350 : vector<16xf32>
          %gather3A_352 = tpu.vector_load_idx %arg9[%get3A_134, %broadcast_in_dim3A_325] : memref<1000x64xf32, #tpu.memory_space<vmem>>[vector<16xi32>, vector<16xi32>], vector<16xf32>,
          %mul3A_353 = arith.mulf %mul3A_141, %gather3A_352 : vector<16xf32>
          %add3A_354 = arith.addf %add3A_351, %mul3A_353 : vector<16xf32>
          %gather3A_355 = tpu.vector_load_idx %arg9[%get3A_145, %broadcast_in_dim3A_325] : memref<1000x64xf32, #tpu.memory_space<vmem>>[vector<16xi32>, vector<16xi32>], vector<16xf32>,
          %mul3A_356 = arith.mulf %mul3A_152, %gather3A_355 : vector<16xf32>
          %add3A_357 = arith.addf %add3A_354, %mul3A_356 : vector<16xf32>
          %gather3A_358 = tpu.vector_load_idx %arg9[%get3A_156, %broadcast_in_dim3A_325] : memref<1000x64xf32, #tpu.memory_space<vmem>>[vector<16xi32>, vector<16xi32>], vector<16xf32>,
          %mul3A_359 = arith.mulf %mul3A_163, %gather3A_358 : vector<16xf32>
          %add3A_360 = arith.addf %add3A_357, %mul3A_359 : vector<16xf32>
          %gather3A_361 = tpu.vector_load_idx %arg9[%get3A_167, %broadcast_in_dim3A_325] : memref<1000x64xf32, #tpu.memory_space<vmem>>[vector<16xi32>, vector<16xi32>], vector<16xf32>,
          %mul3A_362 = arith.mulf %mul3A_174, %gather3A_361 : vector<16xf32>
          %add3A_363 = arith.addf %add3A_360, %mul3A_362 : vector<16xf32>
          %gather3A_364 = tpu.vector_load_idx %arg9[%get3A_178, %broadcast_in_dim3A_325] : memref<1000x64xf32, #tpu.memory_space<vmem>>[vector<16xi32>, vector<16xi32>], vector<16xf32>,
          %mul3A_365 = arith.mulf %mul3A_185, %gather3A_364 : vector<16xf32>
          %add3A_366 = arith.addf %add3A_363, %mul3A_365 : vector<16xf32>
          %gather3A_367 = tpu.vector_load_idx %arg9[%get3A_189, %broadcast_in_dim3A_325] : memref<1000x64xf32, #tpu.memory_space<vmem>>[vector<16xi32>, vector<16xi32>], vector<16xf32>,
          %mul3A_368 = arith.mulf %mul3A_196, %gather3A_367 : vector<16xf32>
          %add3A_369 = arith.addf %add3A_366, %mul3A_368 : vector<16xf32>
          %gather3A_370 = tpu.vector_load_idx %arg9[%get3A_200, %broadcast_in_dim3A_325] : memref<1000x64xf32, #tpu.memory_space<vmem>>[vector<16xi32>, vector<16xi32>], vector<16xf32>,
          %mul3A_371 = arith.mulf %mul3A_207, %gather3A_370 : vector<16xf32>
          %add3A_372 = arith.addf %add3A_369, %mul3A_371 : vector<16xf32>
          tpu.vector_store_idx %arg12[%add3A_211, %broadcast_in_dim3A_325], %add3A_372 : memref<128x64xf32, #tpu.memory_space<vmem>>[vector<16xi32>, vector<16xi32>], vector<16xf32>,
          %mul3A_373 = arith.constant 4 : i32
          %mul3A_374 = arith.muli %scan3A_218, %mul3A_373 : i32
          %add3A_375 = arith.constant 3 : i32
          %add3A_376 = arith.addi %mul3A_374, %add3A_375 : i32
          %broadcast_in_dim3A_377 = vector.broadcast %add3A_376 : i32 to vector<16xi32>
          %gather3A_378 = tpu.vector_load_idx %arg9[%get3A_35, %broadcast_in_dim3A_377] : memref<1000x64xf32, #tpu.memory_space<vmem>>[vector<16xi32>, vector<16xi32>], vector<16xf32>,
          %mul3A_379 = arith.mulf %mul3A_42, %gather3A_378 : vector<16xf32>
          %gather3A_380 = tpu.vector_load_idx %arg9[%get3A_46, %broadcast_in_dim3A_377] : memref<1000x64xf32, #tpu.memory_space<vmem>>[vector<16xi32>, vector<16xi32>], vector<16xf32>,
          %mul3A_381 = arith.mulf %mul3A_53, %gather3A_380 : vector<16xf32>
          %add3A_382 = arith.addf %mul3A_379, %mul3A_381 : vector<16xf32>
          %gather3A_383 = tpu.vector_load_idx %arg9[%get3A_57, %broadcast_in_dim3A_377] : memref<1000x64xf32, #tpu.memory_space<vmem>>[vector<16xi32>, vector<16xi32>], vector<16xf32>,
          %mul3A_384 = arith.mulf %mul3A_64, %gather3A_383 : vector<16xf32>
          %add3A_385 = arith.addf %add3A_382, %mul3A_384 : vector<16xf32>
          %gather3A_386 = tpu.vector_load_idx %arg9[%get3A_68, %broadcast_in_dim3A_377] : memref<1000x64xf32, #tpu.memory_space<vmem>>[vector<16xi32>, vector<16xi32>], vector<16xf32>,
          %mul3A_387 = arith.mulf %mul3A_75, %gather3A_386 : vector<16xf32>
          %add3A_388 = arith.addf %add3A_385, %mul3A_387 : vector<16xf32>
          %gather3A_389 = tpu.vector_load_idx %arg9[%get3A_79, %broadcast_in_dim3A_377] : memref<1000x64xf32, #tpu.memory_space<vmem>>[vector<16xi32>, vector<16xi32>], vector<16xf32>,
          %mul3A_390 = arith.mulf %mul3A_86, %gather3A_389 : vector<16xf32>
          %add3A_391 = arith.addf %add3A_388, %mul3A_390 : vector<16xf32>
          %gather3A_392 = tpu.vector_load_idx %arg9[%get3A_90, %broadcast_in_dim3A_377] : memref<1000x64xf32, #tpu.memory_space<vmem>>[vector<16xi32>, vector<16xi32>], vector<16xf32>,
          %mul3A_393 = arith.mulf %mul3A_97, %gather3A_392 : vector<16xf32>
          %add3A_394 = arith.addf %add3A_391, %mul3A_393 : vector<16xf32>
          %gather3A_395 = tpu.vector_load_idx %arg9[%get3A_101, %broadcast_in_dim3A_377] : memref<1000x64xf32, #tpu.memory_space<vmem>>[vector<16xi32>, vector<16xi32>], vector<16xf32>,
          %mul3A_396 = arith.mulf %mul3A_108, %gather3A_395 : vector<16xf32>
          %add3A_397 = arith.addf %add3A_394, %mul3A_396 : vector<16xf32>
          %gather3A_398 = tpu.vector_load_idx %arg9[%get3A_112, %broadcast_in_dim3A_377] : memref<1000x64xf32, #tpu.memory_space<vmem>>[vector<16xi32>, vector<16xi32>], vector<16xf32>,
          %mul3A_399 = arith.mulf %mul3A_119, %gather3A_398 : vector<16xf32>
          %add3A_400 = arith.addf %add3A_397, %mul3A_399 : vector<16xf32>
          %gather3A_401 = tpu.vector_load_idx %arg9[%get3A_123, %broadcast_in_dim3A_377] : memref<1000x64xf32, #tpu.memory_space<vmem>>[vector<16xi32>, vector<16xi32>], vector<16xf32>,
          %mul3A_402 = arith.mulf %mul3A_130, %gather3A_401 : vector<16xf32>
          %add3A_403 = arith.addf %add3A_400, %mul3A_402 : vector<16xf32>
          %gather3A_404 = tpu.vector_load_idx %arg9[%get3A_134, %broadcast_in_dim3A_377] : memref<1000x64xf32, #tpu.memory_space<vmem>>[vector<16xi32>, vector<16xi32>], vector<16xf32>,
          %mul3A_405 = arith.mulf %mul3A_141, %gather3A_404 : vector<16xf32>
          %add3A_406 = arith.addf %add3A_403, %mul3A_405 : vector<16xf32>
          %gather3A_407 = tpu.vector_load_idx %arg9[%get3A_145, %broadcast_in_dim3A_377] : memref<1000x64xf32, #tpu.memory_space<vmem>>[vector<16xi32>, vector<16xi32>], vector<16xf32>,
          %mul3A_408 = arith.mulf %mul3A_152, %gather3A_407 : vector<16xf32>
          %add3A_409 = arith.addf %add3A_406, %mul3A_408 : vector<16xf32>
          %gather3A_410 = tpu.vector_load_idx %arg9[%get3A_156, %broadcast_in_dim3A_377] : memref<1000x64xf32, #tpu.memory_space<vmem>>[vector<16xi32>, vector<16xi32>], vector<16xf32>,
          %mul3A_411 = arith.mulf %mul3A_163, %gather3A_410 : vector<16xf32>
          %add3A_412 = arith.addf %add3A_409, %mul3A_411 : vector<16xf32>
          %gather3A_413 = tpu.vector_load_idx %arg9[%get3A_167, %broadcast_in_dim3A_377] : memref<1000x64xf32, #tpu.memory_space<vmem>>[vector<16xi32>, vector<16xi32>], vector<16xf32>,
          %mul3A_414 = arith.mulf %mul3A_174, %gather3A_413 : vector<16xf32>
          %add3A_415 = arith.addf %add3A_412, %mul3A_414 : vector<16xf32>
          %gather3A_416 = tpu.vector_load_idx %arg9[%get3A_178, %broadcast_in_dim3A_377] : memref<1000x64xf32, #tpu.memory_space<vmem>>[vector<16xi32>, vector<16xi32>], vector<16xf32>,
          %mul3A_417 = arith.mulf %mul3A_185, %gather3A_416 : vector<16xf32>
          %add3A_418 = arith.addf %add3A_415, %mul3A_417 : vector<16xf32>
          %gather3A_419 = tpu.vector_load_idx %arg9[%get3A_189, %broadcast_in_dim3A_377] : memref<1000x64xf32, #tpu.memory_space<vmem>>[vector<16xi32>, vector<16xi32>], vector<16xf32>,
          %mul3A_420 = arith.mulf %mul3A_196, %gather3A_419 : vector<16xf32>
          %add3A_421 = arith.addf %add3A_418, %mul3A_420 : vector<16xf32>
          %gather3A_422 = tpu.vector_load_idx %arg9[%get3A_200, %broadcast_in_dim3A_377] : memref<1000x64xf32, #tpu.memory_space<vmem>>[vector<16xi32>, vector<16xi32>], vector<16xf32>,
          %mul3A_423 = arith.mulf %mul3A_207, %gather3A_422 : vector<16xf32>
          %add3A_424 = arith.addf %add3A_421, %mul3A_423 : vector<16xf32>
          tpu.vector_store_idx %arg12[%add3A_211, %broadcast_in_dim3A_377], %add3A_424 : memref<128x64xf32, #tpu.memory_space<vmem>>[vector<16xi32>, vector<16xi32>], vector<16xf32>,
        }
        %scan3A_217 = arith.constant 16 : i32
      }
      %scan3A_21 = arith.constant 8 : i32
      "tpu.region"() ({
        %run_scoped3A = tpu.sem_alloc : memref<!tpu.dma_semaphore, #tpu.memory_space<semaphore_mem>>
        %dma_start3A = arith.constant 0 : i32
        %dma_start3A_28 = arith.constant 0 : i32
        %dma_start3A_29 = tpu.memref_slice %arg8[%add3A_15, %dma_start3A, %dma_start3A_28] : memref<128x256x64xf32, #tpu.memory_space<hbm>> -> memref<1x128x64xf32, #tpu.memory_space<hbm>>
        %dma_start3A_30 = tpu.memref_squeeze %dma_start3A_29 : memref<1x128x64xf32, #tpu.memory_space<hbm>> -> memref<128x64xf32, #tpu.memory_space<hbm>>
        %dma_start3A_31 = arith.constant 0 : i32
        %dma_start3A_32 = arith.constant 0 : i32
        %dma_start3A_33 = tpu.memref_slice %arg8[%add3A_15, %dma_start3A_31, %dma_start3A_32] : memref<128x256x64xf32, #tpu.memory_space<hbm>> -> memref<1x128x64xf32, #tpu.memory_space<hbm>>
        %dma_start3A_34 = tpu.memref_squeeze %dma_start3A_33 : memref<1x128x64xf32, #tpu.memory_space<hbm>> -> memref<128x64xf32, #tpu.memory_space<hbm>>
        tpu.enqueue_dma source(%arg12 : memref<128x64xf32, #tpu.memory_space<vmem>>) target(%dma_start3A_34 : memref<128x64xf32, #tpu.memory_space<hbm>>) target_semaphore(%run_scoped3A : memref<!tpu.dma_semaphore, #tpu.memory_space<semaphore_mem>>)
        %dma_wait3A = arith.constant 0 : i32
        %dma_wait3A_35 = arith.constant 0 : i32
        %dma_wait3A_36 = tpu.memref_slice %arg8[%add3A_15, %dma_wait3A, %dma_wait3A_35] : memref<128x256x64xf32, #tpu.memory_space<hbm>> -> memref<1x128x64xf32, #tpu.memory_space<hbm>>
        %dma_wait3A_37 = tpu.memref_squeeze %dma_wait3A_36 : memref<1x128x64xf32, #tpu.memory_space<hbm>> -> memref<128x64xf32, #tpu.memory_space<hbm>>
        %dma_wait3A_38 = arith.constant 0 : i32
        %dma_wait3A_39 = arith.constant 0 : i32
        %dma_wait3A_40 = tpu.memref_slice %arg8[%add3A_15, %dma_wait3A_38, %dma_wait3A_39] : memref<128x256x64xf32, #tpu.memory_space<hbm>> -> memref<1x128x64xf32, #tpu.memory_space<hbm>>
        %dma_wait3A_41 = tpu.memref_squeeze %dma_wait3A_40 : memref<1x128x64xf32, #tpu.memory_space<hbm>> -> memref<128x64xf32, #tpu.memory_space<hbm>>
        tpu.wait_dma2 semaphore(%run_scoped3A : memref<!tpu.dma_semaphore, #tpu.memory_space<semaphore_mem>>) src(%arg12 : memref<128x64xf32, #tpu.memory_space<vmem>>) dst(%dma_wait3A_41 : memref<128x64xf32, #tpu.memory_space<hbm>>)
        tpu.yield
      }) : () -> ()
      %scan3A_22 = arith.constant 0 : i32
      %scan3A_23 = arith.constant 0 : i32
      %scan3A_24 = arith.constant 8 : i32
      %scan3A_25 = arith.addi %scan3A_23, %scan3A_24 : i32
      %scan3A_26 = arith.constant 1 : i32
      scf.for %scan3A_28 = %scan3A_23 to %scan3A_25 step %scan3A_26  : i32 {
        %mul3A_29 = arith.constant 16 : i32
        %mul3A_30 = arith.muli %scan3A_28, %mul3A_29 : i32
        %add3A_31 = arith.constant 128 : i32
        %add3A_32 = arith.addi %add3A_31, %mul3A_30 : i32
        %get3A = arith.constant 0 : i32
        %get3A_33 = arith.index_cast %get3A : i32 to index
        %get3A_34 = arith.index_cast %add3A_32 : i32 to index
        %get3A_35 = tpu.vector_load %arg10[%get3A_33, %get3A_34] {strides = array<i32>} : memref<16x256xi32, #tpu.memory_space<vmem>>, vector<16xi32>,
        %get3A_36 = arith.constant 0 : i32
        %get3A_37 = arith.index_cast %get3A_36 : i32 to index
        %get3A_38 = arith.index_cast %add3A_32 : i32 to index
        %get3A_39 = tpu.vector_load %arg11[%get3A_37, %get3A_38] {strides = array<i32>} : memref<16x256xf32, #tpu.memory_space<vmem>>, vector<16xf32>,
        %mul3A_40 = arith.constant 6.250000e-02 : f32
        %mul3A_41 = vector.broadcast %mul3A_40 : f32 to vector<16xf32>
        %mul3A_42 = arith.mulf %get3A_39, %mul3A_41 : vector<16xf32>
        %get3A_43 = arith.constant 1 : i32
        %get3A_44 = arith.index_cast %get3A_43 : i32 to index
        %get3A_45 = arith.index_cast %add3A_32 : i32 to index
        %get3A_46 = tpu.vector_load %arg10[%get3A_44, %get3A_45] {strides = array<i32>} : memref<16x256xi32, #tpu.memory_space<vmem>>, vector<16xi32>,
        %get3A_47 = arith.constant 1 : i32
        %get3A_48 = arith.index_cast %get3A_47 : i32 to index
        %get3A_49 = arith.index_cast %add3A_32 : i32 to index
        %get3A_50 = tpu.vector_load %arg11[%get3A_48, %get3A_49] {strides = array<i32>} : memref<16x256xf32, #tpu.memory_space<vmem>>, vector<16xf32>,
        %mul3A_51 = arith.constant 6.250000e-02 : f32
        %mul3A_52 = vector.broadcast %mul3A_51 : f32 to vector<16xf32>
        %mul3A_53 = arith.mulf %get3A_50, %mul3A_52 : vector<16xf32>
        %get3A_54 = arith.constant 2 : i32
        %get3A_55 = arith.index_cast %get3A_54 : i32 to index
        %get3A_56 = arith.index_cast %add3A_32 : i32 to index
        %get3A_57 = tpu.vector_load %arg10[%get3A_55, %get3A_56] {strides = array<i32>} : memref<16x256xi32, #tpu.memory_space<vmem>>, vector<16xi32>,
        %get3A_58 = arith.constant 2 : i32
        %get3A_59 = arith.index_cast %get3A_58 : i32 to index
        %get3A_60 = arith.index_cast %add3A_32 : i32 to index
        %get3A_61 = tpu.vector_load %arg11[%get3A_59, %get3A_60] {strides = array<i32>} : memref<16x256xf32, #tpu.memory_space<vmem>>, vector<16xf32>,
        %mul3A_62 = arith.constant 6.250000e-02 : f32
        %mul3A_63 = vector.broadcast %mul3A_62 : f32 to vector<16xf32>
        %mul3A_64 = arith.mulf %get3A_61, %mul3A_63 : vector<16xf32>
        %get3A_65 = arith.constant 3 : i32
        %get3A_66 = arith.index_cast %get3A_65 : i32 to index
        %get3A_67 = arith.index_cast %add3A_32 : i32 to index
        %get3A_68 = tpu.vector_load %arg10[%get3A_66, %get3A_67] {strides = array<i32>} : memref<16x256xi32, #tpu.memory_space<vmem>>, vector<16xi32>,
        %get3A_69 = arith.constant 3 : i32
        %get3A_70 = arith.index_cast %get3A_69 : i32 to index
        %get3A_71 = arith.index_cast %add3A_32 : i32 to index
        %get3A_72 = tpu.vector_load %arg11[%get3A_70, %get3A_71] {strides = array<i32>} : memref<16x256xf32, #tpu.memory_space<vmem>>, vector<16xf32>,
        %mul3A_73 = arith.constant 6.250000e-02 : f32
        %mul3A_74 = vector.broadcast %mul3A_73 : f32 to vector<16xf32>
        %mul3A_75 = arith.mulf %get3A_72, %mul3A_74 : vector<16xf32>
        %get3A_76 = arith.constant 4 : i32
        %get3A_77 = arith.index_cast %get3A_76 : i32 to index
        %get3A_78 = arith.index_cast %add3A_32 : i32 to index
        %get3A_79 = tpu.vector_load %arg10[%get3A_77, %get3A_78] {strides = array<i32>} : memref<16x256xi32, #tpu.memory_space<vmem>>, vector<16xi32>,
        %get3A_80 = arith.constant 4 : i32
        %get3A_81 = arith.index_cast %get3A_80 : i32 to index
        %get3A_82 = arith.index_cast %add3A_32 : i32 to index
        %get3A_83 = tpu.vector_load %arg11[%get3A_81, %get3A_82] {strides = array<i32>} : memref<16x256xf32, #tpu.memory_space<vmem>>, vector<16xf32>,
        %mul3A_84 = arith.constant 6.250000e-02 : f32
        %mul3A_85 = vector.broadcast %mul3A_84 : f32 to vector<16xf32>
        %mul3A_86 = arith.mulf %get3A_83, %mul3A_85 : vector<16xf32>
        %get3A_87 = arith.constant 5 : i32
        %get3A_88 = arith.index_cast %get3A_87 : i32 to index
        %get3A_89 = arith.index_cast %add3A_32 : i32 to index
        %get3A_90 = tpu.vector_load %arg10[%get3A_88, %get3A_89] {strides = array<i32>} : memref<16x256xi32, #tpu.memory_space<vmem>>, vector<16xi32>,
        %get3A_91 = arith.constant 5 : i32
        %get3A_92 = arith.index_cast %get3A_91 : i32 to index
        %get3A_93 = arith.index_cast %add3A_32 : i32 to index
        %get3A_94 = tpu.vector_load %arg11[%get3A_92, %get3A_93] {strides = array<i32>} : memref<16x256xf32, #tpu.memory_space<vmem>>, vector<16xf32>,
        %mul3A_95 = arith.constant 6.250000e-02 : f32
        %mul3A_96 = vector.broadcast %mul3A_95 : f32 to vector<16xf32>
        %mul3A_97 = arith.mulf %get3A_94, %mul3A_96 : vector<16xf32>
        %get3A_98 = arith.constant 6 : i32
        %get3A_99 = arith.index_cast %get3A_98 : i32 to index
        %get3A_100 = arith.index_cast %add3A_32 : i32 to index
        %get3A_101 = tpu.vector_load %arg10[%get3A_99, %get3A_100] {strides = array<i32>} : memref<16x256xi32, #tpu.memory_space<vmem>>, vector<16xi32>,
        %get3A_102 = arith.constant 6 : i32
        %get3A_103 = arith.index_cast %get3A_102 : i32 to index
        %get3A_104 = arith.index_cast %add3A_32 : i32 to index
        %get3A_105 = tpu.vector_load %arg11[%get3A_103, %get3A_104] {strides = array<i32>} : memref<16x256xf32, #tpu.memory_space<vmem>>, vector<16xf32>,
        %mul3A_106 = arith.constant 6.250000e-02 : f32
        %mul3A_107 = vector.broadcast %mul3A_106 : f32 to vector<16xf32>
        %mul3A_108 = arith.mulf %get3A_105, %mul3A_107 : vector<16xf32>
        %get3A_109 = arith.constant 7 : i32
        %get3A_110 = arith.index_cast %get3A_109 : i32 to index
        %get3A_111 = arith.index_cast %add3A_32 : i32 to index
        %get3A_112 = tpu.vector_load %arg10[%get3A_110, %get3A_111] {strides = array<i32>} : memref<16x256xi32, #tpu.memory_space<vmem>>, vector<16xi32>,
        %get3A_113 = arith.constant 7 : i32
        %get3A_114 = arith.index_cast %get3A_113 : i32 to index
        %get3A_115 = arith.index_cast %add3A_32 : i32 to index
        %get3A_116 = tpu.vector_load %arg11[%get3A_114, %get3A_115] {strides = array<i32>} : memref<16x256xf32, #tpu.memory_space<vmem>>, vector<16xf32>,
        %mul3A_117 = arith.constant 6.250000e-02 : f32
        %mul3A_118 = vector.broadcast %mul3A_117 : f32 to vector<16xf32>
        %mul3A_119 = arith.mulf %get3A_116, %mul3A_118 : vector<16xf32>
        %get3A_120 = arith.constant 8 : i32
        %get3A_121 = arith.index_cast %get3A_120 : i32 to index
        %get3A_122 = arith.index_cast %add3A_32 : i32 to index
        %get3A_123 = tpu.vector_load %arg10[%get3A_121, %get3A_122] {strides = array<i32>} : memref<16x256xi32, #tpu.memory_space<vmem>>, vector<16xi32>,
        %get3A_124 = arith.constant 8 : i32
        %get3A_125 = arith.index_cast %get3A_124 : i32 to index
        %get3A_126 = arith.index_cast %add3A_32 : i32 to index
        %get3A_127 = tpu.vector_load %arg11[%get3A_125, %get3A_126] {strides = array<i32>} : memref<16x256xf32, #tpu.memory_space<vmem>>, vector<16xf32>,
        %mul3A_128 = arith.constant 6.250000e-02 : f32
        %mul3A_129 = vector.broadcast %mul3A_128 : f32 to vector<16xf32>
        %mul3A_130 = arith.mulf %get3A_127, %mul3A_129 : vector<16xf32>
        %get3A_131 = arith.constant 9 : i32
        %get3A_132 = arith.index_cast %get3A_131 : i32 to index
        %get3A_133 = arith.index_cast %add3A_32 : i32 to index
        %get3A_134 = tpu.vector_load %arg10[%get3A_132, %get3A_133] {strides = array<i32>} : memref<16x256xi32, #tpu.memory_space<vmem>>, vector<16xi32>,
        %get3A_135 = arith.constant 9 : i32
        %get3A_136 = arith.index_cast %get3A_135 : i32 to index
        %get3A_137 = arith.index_cast %add3A_32 : i32 to index
        %get3A_138 = tpu.vector_load %arg11[%get3A_136, %get3A_137] {strides = array<i32>} : memref<16x256xf32, #tpu.memory_space<vmem>>, vector<16xf32>,
        %mul3A_139 = arith.constant 6.250000e-02 : f32
        %mul3A_140 = vector.broadcast %mul3A_139 : f32 to vector<16xf32>
        %mul3A_141 = arith.mulf %get3A_138, %mul3A_140 : vector<16xf32>
        %get3A_142 = arith.constant 10 : i32
        %get3A_143 = arith.index_cast %get3A_142 : i32 to index
        %get3A_144 = arith.index_cast %add3A_32 : i32 to index
        %get3A_145 = tpu.vector_load %arg10[%get3A_143, %get3A_144] {strides = array<i32>} : memref<16x256xi32, #tpu.memory_space<vmem>>, vector<16xi32>,
        %get3A_146 = arith.constant 10 : i32
        %get3A_147 = arith.index_cast %get3A_146 : i32 to index
        %get3A_148 = arith.index_cast %add3A_32 : i32 to index
        %get3A_149 = tpu.vector_load %arg11[%get3A_147, %get3A_148] {strides = array<i32>} : memref<16x256xf32, #tpu.memory_space<vmem>>, vector<16xf32>,
        %mul3A_150 = arith.constant 6.250000e-02 : f32
        %mul3A_151 = vector.broadcast %mul3A_150 : f32 to vector<16xf32>
        %mul3A_152 = arith.mulf %get3A_149, %mul3A_151 : vector<16xf32>
        %get3A_153 = arith.constant 11 : i32
        %get3A_154 = arith.index_cast %get3A_153 : i32 to index
        %get3A_155 = arith.index_cast %add3A_32 : i32 to index
        %get3A_156 = tpu.vector_load %arg10[%get3A_154, %get3A_155] {strides = array<i32>} : memref<16x256xi32, #tpu.memory_space<vmem>>, vector<16xi32>,
        %get3A_157 = arith.constant 11 : i32
        %get3A_158 = arith.index_cast %get3A_157 : i32 to index
        %get3A_159 = arith.index_cast %add3A_32 : i32 to index
        %get3A_160 = tpu.vector_load %arg11[%get3A_158, %get3A_159] {strides = array<i32>} : memref<16x256xf32, #tpu.memory_space<vmem>>, vector<16xf32>,
        %mul3A_161 = arith.constant 6.250000e-02 : f32
        %mul3A_162 = vector.broadcast %mul3A_161 : f32 to vector<16xf32>
        %mul3A_163 = arith.mulf %get3A_160, %mul3A_162 : vector<16xf32>
        %get3A_164 = arith.constant 12 : i32
        %get3A_165 = arith.index_cast %get3A_164 : i32 to index
        %get3A_166 = arith.index_cast %add3A_32 : i32 to index
        %get3A_167 = tpu.vector_load %arg10[%get3A_165, %get3A_166] {strides = array<i32>} : memref<16x256xi32, #tpu.memory_space<vmem>>, vector<16xi32>,
        %get3A_168 = arith.constant 12 : i32
        %get3A_169 = arith.index_cast %get3A_168 : i32 to index
        %get3A_170 = arith.index_cast %add3A_32 : i32 to index
        %get3A_171 = tpu.vector_load %arg11[%get3A_169, %get3A_170] {strides = array<i32>} : memref<16x256xf32, #tpu.memory_space<vmem>>, vector<16xf32>,
        %mul3A_172 = arith.constant 6.250000e-02 : f32
        %mul3A_173 = vector.broadcast %mul3A_172 : f32 to vector<16xf32>
        %mul3A_174 = arith.mulf %get3A_171, %mul3A_173 : vector<16xf32>
        %get3A_175 = arith.constant 13 : i32
        %get3A_176 = arith.index_cast %get3A_175 : i32 to index
        %get3A_177 = arith.index_cast %add3A_32 : i32 to index
        %get3A_178 = tpu.vector_load %arg10[%get3A_176, %get3A_177] {strides = array<i32>} : memref<16x256xi32, #tpu.memory_space<vmem>>, vector<16xi32>,
        %get3A_179 = arith.constant 13 : i32
        %get3A_180 = arith.index_cast %get3A_179 : i32 to index
        %get3A_181 = arith.index_cast %add3A_32 : i32 to index
        %get3A_182 = tpu.vector_load %arg11[%get3A_180, %get3A_181] {strides = array<i32>} : memref<16x256xf32, #tpu.memory_space<vmem>>, vector<16xf32>,
        %mul3A_183 = arith.constant 6.250000e-02 : f32
        %mul3A_184 = vector.broadcast %mul3A_183 : f32 to vector<16xf32>
        %mul3A_185 = arith.mulf %get3A_182, %mul3A_184 : vector<16xf32>
        %get3A_186 = arith.constant 14 : i32
        %get3A_187 = arith.index_cast %get3A_186 : i32 to index
        %get3A_188 = arith.index_cast %add3A_32 : i32 to index
        %get3A_189 = tpu.vector_load %arg10[%get3A_187, %get3A_188] {strides = array<i32>} : memref<16x256xi32, #tpu.memory_space<vmem>>, vector<16xi32>,
        %get3A_190 = arith.constant 14 : i32
        %get3A_191 = arith.index_cast %get3A_190 : i32 to index
        %get3A_192 = arith.index_cast %add3A_32 : i32 to index
        %get3A_193 = tpu.vector_load %arg11[%get3A_191, %get3A_192] {strides = array<i32>} : memref<16x256xf32, #tpu.memory_space<vmem>>, vector<16xf32>,
        %mul3A_194 = arith.constant 6.250000e-02 : f32
        %mul3A_195 = vector.broadcast %mul3A_194 : f32 to vector<16xf32>
        %mul3A_196 = arith.mulf %get3A_193, %mul3A_195 : vector<16xf32>
        %get3A_197 = arith.constant 15 : i32
        %get3A_198 = arith.index_cast %get3A_197 : i32 to index
        %get3A_199 = arith.index_cast %add3A_32 : i32 to index
        %get3A_200 = tpu.vector_load %arg10[%get3A_198, %get3A_199] {strides = array<i32>} : memref<16x256xi32, #tpu.memory_space<vmem>>, vector<16xi32>,
        %get3A_201 = arith.constant 15 : i32
        %get3A_202 = arith.index_cast %get3A_201 : i32 to index
        %get3A_203 = arith.index_cast %add3A_32 : i32 to index
        %get3A_204 = tpu.vector_load %arg11[%get3A_202, %get3A_203] {strides = array<i32>} : memref<16x256xf32, #tpu.memory_space<vmem>>, vector<16xf32>,
        %mul3A_205 = arith.constant 6.250000e-02 : f32
        %mul3A_206 = vector.broadcast %mul3A_205 : f32 to vector<16xf32>
        %mul3A_207 = arith.mulf %get3A_204, %mul3A_206 : vector<16xf32>
        %mul3A_208 = arith.constant 16 : i32
        %mul3A_209 = arith.muli %scan3A_28, %mul3A_208 : i32
        %add3A_210 = vector.broadcast %mul3A_209 : i32 to vector<16xi32>
        %add3A_211 = arith.addi %iota3A, %add3A_210 : vector<16xi32>
        %scan3A_212 = arith.constant 0 : i32
        %scan3A_213 = arith.constant 0 : i32
        %scan3A_214 = arith.constant 16 : i32
        %scan3A_215 = arith.addi %scan3A_213, %scan3A_214 : i32
        %scan3A_216 = arith.constant 1 : i32
        scf.for %scan3A_218 = %scan3A_213 to %scan3A_215 step %scan3A_216  : i32 {
          %mul3A_219 = arith.constant 4 : i32
          %mul3A_220 = arith.muli %scan3A_218, %mul3A_219 : i32
          %add3A_221 = arith.constant 0 : i32
          %add3A_222 = arith.addi %mul3A_220, %add3A_221 : i32
          %broadcast_in_dim3A = vector.broadcast %add3A_222 : i32 to vector<16xi32>
          %gather3A = tpu.vector_load_idx %arg9[%get3A_35, %broadcast_in_dim3A] : memref<1000x64xf32, #tpu.memory_space<vmem>>[vector<16xi32>, vector<16xi32>], vector<16xf32>,
          %mul3A_223 = arith.mulf %mul3A_42, %gather3A : vector<16xf32>
          %gather3A_224 = tpu.vector_load_idx %arg9[%get3A_46, %broadcast_in_dim3A] : memref<1000x64xf32, #tpu.memory_space<vmem>>[vector<16xi32>, vector<16xi32>], vector<16xf32>,
          %mul3A_225 = arith.mulf %mul3A_53, %gather3A_224 : vector<16xf32>
          %add3A_226 = arith.addf %mul3A_223, %mul3A_225 : vector<16xf32>
          %gather3A_227 = tpu.vector_load_idx %arg9[%get3A_57, %broadcast_in_dim3A] : memref<1000x64xf32, #tpu.memory_space<vmem>>[vector<16xi32>, vector<16xi32>], vector<16xf32>,
          %mul3A_228 = arith.mulf %mul3A_64, %gather3A_227 : vector<16xf32>
          %add3A_229 = arith.addf %add3A_226, %mul3A_228 : vector<16xf32>
          %gather3A_230 = tpu.vector_load_idx %arg9[%get3A_68, %broadcast_in_dim3A] : memref<1000x64xf32, #tpu.memory_space<vmem>>[vector<16xi32>, vector<16xi32>], vector<16xf32>,
          %mul3A_231 = arith.mulf %mul3A_75, %gather3A_230 : vector<16xf32>
          %add3A_232 = arith.addf %add3A_229, %mul3A_231 : vector<16xf32>
          %gather3A_233 = tpu.vector_load_idx %arg9[%get3A_79, %broadcast_in_dim3A] : memref<1000x64xf32, #tpu.memory_space<vmem>>[vector<16xi32>, vector<16xi32>], vector<16xf32>,
          %mul3A_234 = arith.mulf %mul3A_86, %gather3A_233 : vector<16xf32>
          %add3A_235 = arith.addf %add3A_232, %mul3A_234 : vector<16xf32>
          %gather3A_236 = tpu.vector_load_idx %arg9[%get3A_90, %broadcast_in_dim3A] : memref<1000x64xf32, #tpu.memory_space<vmem>>[vector<16xi32>, vector<16xi32>], vector<16xf32>,
          %mul3A_237 = arith.mulf %mul3A_97, %gather3A_236 : vector<16xf32>
          %add3A_238 = arith.addf %add3A_235, %mul3A_237 : vector<16xf32>
          %gather3A_239 = tpu.vector_load_idx %arg9[%get3A_101, %broadcast_in_dim3A] : memref<1000x64xf32, #tpu.memory_space<vmem>>[vector<16xi32>, vector<16xi32>], vector<16xf32>,
          %mul3A_240 = arith.mulf %mul3A_108, %gather3A_239 : vector<16xf32>
          %add3A_241 = arith.addf %add3A_238, %mul3A_240 : vector<16xf32>
          %gather3A_242 = tpu.vector_load_idx %arg9[%get3A_112, %broadcast_in_dim3A] : memref<1000x64xf32, #tpu.memory_space<vmem>>[vector<16xi32>, vector<16xi32>], vector<16xf32>,
          %mul3A_243 = arith.mulf %mul3A_119, %gather3A_242 : vector<16xf32>
          %add3A_244 = arith.addf %add3A_241, %mul3A_243 : vector<16xf32>
          %gather3A_245 = tpu.vector_load_idx %arg9[%get3A_123, %broadcast_in_dim3A] : memref<1000x64xf32, #tpu.memory_space<vmem>>[vector<16xi32>, vector<16xi32>], vector<16xf32>,
          %mul3A_246 = arith.mulf %mul3A_130, %gather3A_245 : vector<16xf32>
          %add3A_247 = arith.addf %add3A_244, %mul3A_246 : vector<16xf32>
          %gather3A_248 = tpu.vector_load_idx %arg9[%get3A_134, %broadcast_in_dim3A] : memref<1000x64xf32, #tpu.memory_space<vmem>>[vector<16xi32>, vector<16xi32>], vector<16xf32>,
          %mul3A_249 = arith.mulf %mul3A_141, %gather3A_248 : vector<16xf32>
          %add3A_250 = arith.addf %add3A_247, %mul3A_249 : vector<16xf32>
          %gather3A_251 = tpu.vector_load_idx %arg9[%get3A_145, %broadcast_in_dim3A] : memref<1000x64xf32, #tpu.memory_space<vmem>>[vector<16xi32>, vector<16xi32>], vector<16xf32>,
          %mul3A_252 = arith.mulf %mul3A_152, %gather3A_251 : vector<16xf32>
          %add3A_253 = arith.addf %add3A_250, %mul3A_252 : vector<16xf32>
          %gather3A_254 = tpu.vector_load_idx %arg9[%get3A_156, %broadcast_in_dim3A] : memref<1000x64xf32, #tpu.memory_space<vmem>>[vector<16xi32>, vector<16xi32>], vector<16xf32>,
          %mul3A_255 = arith.mulf %mul3A_163, %gather3A_254 : vector<16xf32>
          %add3A_256 = arith.addf %add3A_253, %mul3A_255 : vector<16xf32>
          %gather3A_257 = tpu.vector_load_idx %arg9[%get3A_167, %broadcast_in_dim3A] : memref<1000x64xf32, #tpu.memory_space<vmem>>[vector<16xi32>, vector<16xi32>], vector<16xf32>,
          %mul3A_258 = arith.mulf %mul3A_174, %gather3A_257 : vector<16xf32>
          %add3A_259 = arith.addf %add3A_256, %mul3A_258 : vector<16xf32>
          %gather3A_260 = tpu.vector_load_idx %arg9[%get3A_178, %broadcast_in_dim3A] : memref<1000x64xf32, #tpu.memory_space<vmem>>[vector<16xi32>, vector<16xi32>], vector<16xf32>,
          %mul3A_261 = arith.mulf %mul3A_185, %gather3A_260 : vector<16xf32>
          %add3A_262 = arith.addf %add3A_259, %mul3A_261 : vector<16xf32>
          %gather3A_263 = tpu.vector_load_idx %arg9[%get3A_189, %broadcast_in_dim3A] : memref<1000x64xf32, #tpu.memory_space<vmem>>[vector<16xi32>, vector<16xi32>], vector<16xf32>,
          %mul3A_264 = arith.mulf %mul3A_196, %gather3A_263 : vector<16xf32>
          %add3A_265 = arith.addf %add3A_262, %mul3A_264 : vector<16xf32>
          %gather3A_266 = tpu.vector_load_idx %arg9[%get3A_200, %broadcast_in_dim3A] : memref<1000x64xf32, #tpu.memory_space<vmem>>[vector<16xi32>, vector<16xi32>], vector<16xf32>,
          %mul3A_267 = arith.mulf %mul3A_207, %gather3A_266 : vector<16xf32>
          %add3A_268 = arith.addf %add3A_265, %mul3A_267 : vector<16xf32>
          tpu.vector_store_idx %arg12[%add3A_211, %broadcast_in_dim3A], %add3A_268 : memref<128x64xf32, #tpu.memory_space<vmem>>[vector<16xi32>, vector<16xi32>], vector<16xf32>,
          %mul3A_269 = arith.constant 4 : i32
          %mul3A_270 = arith.muli %scan3A_218, %mul3A_269 : i32
          %add3A_271 = arith.constant 1 : i32
          %add3A_272 = arith.addi %mul3A_270, %add3A_271 : i32
          %broadcast_in_dim3A_273 = vector.broadcast %add3A_272 : i32 to vector<16xi32>
          %gather3A_274 = tpu.vector_load_idx %arg9[%get3A_35, %broadcast_in_dim3A_273] : memref<1000x64xf32, #tpu.memory_space<vmem>>[vector<16xi32>, vector<16xi32>], vector<16xf32>,
          %mul3A_275 = arith.mulf %mul3A_42, %gather3A_274 : vector<16xf32>
          %gather3A_276 = tpu.vector_load_idx %arg9[%get3A_46, %broadcast_in_dim3A_273] : memref<1000x64xf32, #tpu.memory_space<vmem>>[vector<16xi32>, vector<16xi32>], vector<16xf32>,
          %mul3A_277 = arith.mulf %mul3A_53, %gather3A_276 : vector<16xf32>
          %add3A_278 = arith.addf %mul3A_275, %mul3A_277 : vector<16xf32>
          %gather3A_279 = tpu.vector_load_idx %arg9[%get3A_57, %broadcast_in_dim3A_273] : memref<1000x64xf32, #tpu.memory_space<vmem>>[vector<16xi32>, vector<16xi32>], vector<16xf32>,
          %mul3A_280 = arith.mulf %mul3A_64, %gather3A_279 : vector<16xf32>
          %add3A_281 = arith.addf %add3A_278, %mul3A_280 : vector<16xf32>
          %gather3A_282 = tpu.vector_load_idx %arg9[%get3A_68, %broadcast_in_dim3A_273] : memref<1000x64xf32, #tpu.memory_space<vmem>>[vector<16xi32>, vector<16xi32>], vector<16xf32>,
          %mul3A_283 = arith.mulf %mul3A_75, %gather3A_282 : vector<16xf32>
          %add3A_284 = arith.addf %add3A_281, %mul3A_283 : vector<16xf32>
          %gather3A_285 = tpu.vector_load_idx %arg9[%get3A_79, %broadcast_in_dim3A_273] : memref<1000x64xf32, #tpu.memory_space<vmem>>[vector<16xi32>, vector<16xi32>], vector<16xf32>,
          %mul3A_286 = arith.mulf %mul3A_86, %gather3A_285 : vector<16xf32>
          %add3A_287 = arith.addf %add3A_284, %mul3A_286 : vector<16xf32>
          %gather3A_288 = tpu.vector_load_idx %arg9[%get3A_90, %broadcast_in_dim3A_273] : memref<1000x64xf32, #tpu.memory_space<vmem>>[vector<16xi32>, vector<16xi32>], vector<16xf32>,
          %mul3A_289 = arith.mulf %mul3A_97, %gather3A_288 : vector<16xf32>
          %add3A_290 = arith.addf %add3A_287, %mul3A_289 : vector<16xf32>
          %gather3A_291 = tpu.vector_load_idx %arg9[%get3A_101, %broadcast_in_dim3A_273] : memref<1000x64xf32, #tpu.memory_space<vmem>>[vector<16xi32>, vector<16xi32>], vector<16xf32>,
          %mul3A_292 = arith.mulf %mul3A_108, %gather3A_291 : vector<16xf32>
          %add3A_293 = arith.addf %add3A_290, %mul3A_292 : vector<16xf32>
          %gather3A_294 = tpu.vector_load_idx %arg9[%get3A_112, %broadcast_in_dim3A_273] : memref<1000x64xf32, #tpu.memory_space<vmem>>[vector<16xi32>, vector<16xi32>], vector<16xf32>,
          %mul3A_295 = arith.mulf %mul3A_119, %gather3A_294 : vector<16xf32>
          %add3A_296 = arith.addf %add3A_293, %mul3A_295 : vector<16xf32>
          %gather3A_297 = tpu.vector_load_idx %arg9[%get3A_123, %broadcast_in_dim3A_273] : memref<1000x64xf32, #tpu.memory_space<vmem>>[vector<16xi32>, vector<16xi32>], vector<16xf32>,
          %mul3A_298 = arith.mulf %mul3A_130, %gather3A_297 : vector<16xf32>
          %add3A_299 = arith.addf %add3A_296, %mul3A_298 : vector<16xf32>
          %gather3A_300 = tpu.vector_load_idx %arg9[%get3A_134, %broadcast_in_dim3A_273] : memref<1000x64xf32, #tpu.memory_space<vmem>>[vector<16xi32>, vector<16xi32>], vector<16xf32>,
          %mul3A_301 = arith.mulf %mul3A_141, %gather3A_300 : vector<16xf32>
          %add3A_302 = arith.addf %add3A_299, %mul3A_301 : vector<16xf32>
          %gather3A_303 = tpu.vector_load_idx %arg9[%get3A_145, %broadcast_in_dim3A_273] : memref<1000x64xf32, #tpu.memory_space<vmem>>[vector<16xi32>, vector<16xi32>], vector<16xf32>,
          %mul3A_304 = arith.mulf %mul3A_152, %gather3A_303 : vector<16xf32>
          %add3A_305 = arith.addf %add3A_302, %mul3A_304 : vector<16xf32>
          %gather3A_306 = tpu.vector_load_idx %arg9[%get3A_156, %broadcast_in_dim3A_273] : memref<1000x64xf32, #tpu.memory_space<vmem>>[vector<16xi32>, vector<16xi32>], vector<16xf32>,
          %mul3A_307 = arith.mulf %mul3A_163, %gather3A_306 : vector<16xf32>
          %add3A_308 = arith.addf %add3A_305, %mul3A_307 : vector<16xf32>
          %gather3A_309 = tpu.vector_load_idx %arg9[%get3A_167, %broadcast_in_dim3A_273] : memref<1000x64xf32, #tpu.memory_space<vmem>>[vector<16xi32>, vector<16xi32>], vector<16xf32>,
          %mul3A_310 = arith.mulf %mul3A_174, %gather3A_309 : vector<16xf32>
          %add3A_311 = arith.addf %add3A_308, %mul3A_310 : vector<16xf32>
          %gather3A_312 = tpu.vector_load_idx %arg9[%get3A_178, %broadcast_in_dim3A_273] : memref<1000x64xf32, #tpu.memory_space<vmem>>[vector<16xi32>, vector<16xi32>], vector<16xf32>,
          %mul3A_313 = arith.mulf %mul3A_185, %gather3A_312 : vector<16xf32>
          %add3A_314 = arith.addf %add3A_311, %mul3A_313 : vector<16xf32>
          %gather3A_315 = tpu.vector_load_idx %arg9[%get3A_189, %broadcast_in_dim3A_273] : memref<1000x64xf32, #tpu.memory_space<vmem>>[vector<16xi32>, vector<16xi32>], vector<16xf32>,
          %mul3A_316 = arith.mulf %mul3A_196, %gather3A_315 : vector<16xf32>
          %add3A_317 = arith.addf %add3A_314, %mul3A_316 : vector<16xf32>
          %gather3A_318 = tpu.vector_load_idx %arg9[%get3A_200, %broadcast_in_dim3A_273] : memref<1000x64xf32, #tpu.memory_space<vmem>>[vector<16xi32>, vector<16xi32>], vector<16xf32>,
          %mul3A_319 = arith.mulf %mul3A_207, %gather3A_318 : vector<16xf32>
          %add3A_320 = arith.addf %add3A_317, %mul3A_319 : vector<16xf32>
          tpu.vector_store_idx %arg12[%add3A_211, %broadcast_in_dim3A_273], %add3A_320 : memref<128x64xf32, #tpu.memory_space<vmem>>[vector<16xi32>, vector<16xi32>], vector<16xf32>,
          %mul3A_321 = arith.constant 4 : i32
          %mul3A_322 = arith.muli %scan3A_218, %mul3A_321 : i32
          %add3A_323 = arith.constant 2 : i32
          %add3A_324 = arith.addi %mul3A_322, %add3A_323 : i32
          %broadcast_in_dim3A_325 = vector.broadcast %add3A_324 : i32 to vector<16xi32>
          %gather3A_326 = tpu.vector_load_idx %arg9[%get3A_35, %broadcast_in_dim3A_325] : memref<1000x64xf32, #tpu.memory_space<vmem>>[vector<16xi32>, vector<16xi32>], vector<16xf32>,
          %mul3A_327 = arith.mulf %mul3A_42, %gather3A_326 : vector<16xf32>
          %gather3A_328 = tpu.vector_load_idx %arg9[%get3A_46, %broadcast_in_dim3A_325] : memref<1000x64xf32, #tpu.memory_space<vmem>>[vector<16xi32>, vector<16xi32>], vector<16xf32>,
          %mul3A_329 = arith.mulf %mul3A_53, %gather3A_328 : vector<16xf32>
          %add3A_330 = arith.addf %mul3A_327, %mul3A_329 : vector<16xf32>
          %gather3A_331 = tpu.vector_load_idx %arg9[%get3A_57, %broadcast_in_dim3A_325] : memref<1000x64xf32, #tpu.memory_space<vmem>>[vector<16xi32>, vector<16xi32>], vector<16xf32>,
          %mul3A_332 = arith.mulf %mul3A_64, %gather3A_331 : vector<16xf32>
          %add3A_333 = arith.addf %add3A_330, %mul3A_332 : vector<16xf32>
          %gather3A_334 = tpu.vector_load_idx %arg9[%get3A_68, %broadcast_in_dim3A_325] : memref<1000x64xf32, #tpu.memory_space<vmem>>[vector<16xi32>, vector<16xi32>], vector<16xf32>,
          %mul3A_335 = arith.mulf %mul3A_75, %gather3A_334 : vector<16xf32>
          %add3A_336 = arith.addf %add3A_333, %mul3A_335 : vector<16xf32>
          %gather3A_337 = tpu.vector_load_idx %arg9[%get3A_79, %broadcast_in_dim3A_325] : memref<1000x64xf32, #tpu.memory_space<vmem>>[vector<16xi32>, vector<16xi32>], vector<16xf32>,
          %mul3A_338 = arith.mulf %mul3A_86, %gather3A_337 : vector<16xf32>
          %add3A_339 = arith.addf %add3A_336, %mul3A_338 : vector<16xf32>
          %gather3A_340 = tpu.vector_load_idx %arg9[%get3A_90, %broadcast_in_dim3A_325] : memref<1000x64xf32, #tpu.memory_space<vmem>>[vector<16xi32>, vector<16xi32>], vector<16xf32>,
          %mul3A_341 = arith.mulf %mul3A_97, %gather3A_340 : vector<16xf32>
          %add3A_342 = arith.addf %add3A_339, %mul3A_341 : vector<16xf32>
          %gather3A_343 = tpu.vector_load_idx %arg9[%get3A_101, %broadcast_in_dim3A_325] : memref<1000x64xf32, #tpu.memory_space<vmem>>[vector<16xi32>, vector<16xi32>], vector<16xf32>,
          %mul3A_344 = arith.mulf %mul3A_108, %gather3A_343 : vector<16xf32>
          %add3A_345 = arith.addf %add3A_342, %mul3A_344 : vector<16xf32>
          %gather3A_346 = tpu.vector_load_idx %arg9[%get3A_112, %broadcast_in_dim3A_325] : memref<1000x64xf32, #tpu.memory_space<vmem>>[vector<16xi32>, vector<16xi32>], vector<16xf32>,
          %mul3A_347 = arith.mulf %mul3A_119, %gather3A_346 : vector<16xf32>
          %add3A_348 = arith.addf %add3A_345, %mul3A_347 : vector<16xf32>
          %gather3A_349 = tpu.vector_load_idx %arg9[%get3A_123, %broadcast_in_dim3A_325] : memref<1000x64xf32, #tpu.memory_space<vmem>>[vector<16xi32>, vector<16xi32>], vector<16xf32>,
          %mul3A_350 = arith.mulf %mul3A_130, %gather3A_349 : vector<16xf32>
          %add3A_351 = arith.addf %add3A_348, %mul3A_350 : vector<16xf32>
          %gather3A_352 = tpu.vector_load_idx %arg9[%get3A_134, %broadcast_in_dim3A_325] : memref<1000x64xf32, #tpu.memory_space<vmem>>[vector<16xi32>, vector<16xi32>], vector<16xf32>,
          %mul3A_353 = arith.mulf %mul3A_141, %gather3A_352 : vector<16xf32>
          %add3A_354 = arith.addf %add3A_351, %mul3A_353 : vector<16xf32>
          %gather3A_355 = tpu.vector_load_idx %arg9[%get3A_145, %broadcast_in_dim3A_325] : memref<1000x64xf32, #tpu.memory_space<vmem>>[vector<16xi32>, vector<16xi32>], vector<16xf32>,
          %mul3A_356 = arith.mulf %mul3A_152, %gather3A_355 : vector<16xf32>
          %add3A_357 = arith.addf %add3A_354, %mul3A_356 : vector<16xf32>
          %gather3A_358 = tpu.vector_load_idx %arg9[%get3A_156, %broadcast_in_dim3A_325] : memref<1000x64xf32, #tpu.memory_space<vmem>>[vector<16xi32>, vector<16xi32>], vector<16xf32>,
          %mul3A_359 = arith.mulf %mul3A_163, %gather3A_358 : vector<16xf32>
          %add3A_360 = arith.addf %add3A_357, %mul3A_359 : vector<16xf32>
          %gather3A_361 = tpu.vector_load_idx %arg9[%get3A_167, %broadcast_in_dim3A_325] : memref<1000x64xf32, #tpu.memory_space<vmem>>[vector<16xi32>, vector<16xi32>], vector<16xf32>,
          %mul3A_362 = arith.mulf %mul3A_174, %gather3A_361 : vector<16xf32>
          %add3A_363 = arith.addf %add3A_360, %mul3A_362 : vector<16xf32>
          %gather3A_364 = tpu.vector_load_idx %arg9[%get3A_178, %broadcast_in_dim3A_325] : memref<1000x64xf32, #tpu.memory_space<vmem>>[vector<16xi32>, vector<16xi32>], vector<16xf32>,
          %mul3A_365 = arith.mulf %mul3A_185, %gather3A_364 : vector<16xf32>
          %add3A_366 = arith.addf %add3A_363, %mul3A_365 : vector<16xf32>
          %gather3A_367 = tpu.vector_load_idx %arg9[%get3A_189, %broadcast_in_dim3A_325] : memref<1000x64xf32, #tpu.memory_space<vmem>>[vector<16xi32>, vector<16xi32>], vector<16xf32>,
          %mul3A_368 = arith.mulf %mul3A_196, %gather3A_367 : vector<16xf32>
          %add3A_369 = arith.addf %add3A_366, %mul3A_368 : vector<16xf32>
          %gather3A_370 = tpu.vector_load_idx %arg9[%get3A_200, %broadcast_in_dim3A_325] : memref<1000x64xf32, #tpu.memory_space<vmem>>[vector<16xi32>, vector<16xi32>], vector<16xf32>,
          %mul3A_371 = arith.mulf %mul3A_207, %gather3A_370 : vector<16xf32>
          %add3A_372 = arith.addf %add3A_369, %mul3A_371 : vector<16xf32>
          tpu.vector_store_idx %arg12[%add3A_211, %broadcast_in_dim3A_325], %add3A_372 : memref<128x64xf32, #tpu.memory_space<vmem>>[vector<16xi32>, vector<16xi32>], vector<16xf32>,
          %mul3A_373 = arith.constant 4 : i32
          %mul3A_374 = arith.muli %scan3A_218, %mul3A_373 : i32
          %add3A_375 = arith.constant 3 : i32
          %add3A_376 = arith.addi %mul3A_374, %add3A_375 : i32
          %broadcast_in_dim3A_377 = vector.broadcast %add3A_376 : i32 to vector<16xi32>
          %gather3A_378 = tpu.vector_load_idx %arg9[%get3A_35, %broadcast_in_dim3A_377] : memref<1000x64xf32, #tpu.memory_space<vmem>>[vector<16xi32>, vector<16xi32>], vector<16xf32>,
          %mul3A_379 = arith.mulf %mul3A_42, %gather3A_378 : vector<16xf32>
          %gather3A_380 = tpu.vector_load_idx %arg9[%get3A_46, %broadcast_in_dim3A_377] : memref<1000x64xf32, #tpu.memory_space<vmem>>[vector<16xi32>, vector<16xi32>], vector<16xf32>,
          %mul3A_381 = arith.mulf %mul3A_53, %gather3A_380 : vector<16xf32>
          %add3A_382 = arith.addf %mul3A_379, %mul3A_381 : vector<16xf32>
          %gather3A_383 = tpu.vector_load_idx %arg9[%get3A_57, %broadcast_in_dim3A_377] : memref<1000x64xf32, #tpu.memory_space<vmem>>[vector<16xi32>, vector<16xi32>], vector<16xf32>,
          %mul3A_384 = arith.mulf %mul3A_64, %gather3A_383 : vector<16xf32>
          %add3A_385 = arith.addf %add3A_382, %mul3A_384 : vector<16xf32>
          %gather3A_386 = tpu.vector_load_idx %arg9[%get3A_68, %broadcast_in_dim3A_377] : memref<1000x64xf32, #tpu.memory_space<vmem>>[vector<16xi32>, vector<16xi32>], vector<16xf32>,
          %mul3A_387 = arith.mulf %mul3A_75, %gather3A_386 : vector<16xf32>
          %add3A_388 = arith.addf %add3A_385, %mul3A_387 : vector<16xf32>
          %gather3A_389 = tpu.vector_load_idx %arg9[%get3A_79, %broadcast_in_dim3A_377] : memref<1000x64xf32, #tpu.memory_space<vmem>>[vector<16xi32>, vector<16xi32>], vector<16xf32>,
          %mul3A_390 = arith.mulf %mul3A_86, %gather3A_389 : vector<16xf32>
          %add3A_391 = arith.addf %add3A_388, %mul3A_390 : vector<16xf32>
          %gather3A_392 = tpu.vector_load_idx %arg9[%get3A_90, %broadcast_in_dim3A_377] : memref<1000x64xf32, #tpu.memory_space<vmem>>[vector<16xi32>, vector<16xi32>], vector<16xf32>,
          %mul3A_393 = arith.mulf %mul3A_97, %gather3A_392 : vector<16xf32>
          %add3A_394 = arith.addf %add3A_391, %mul3A_393 : vector<16xf32>
          %gather3A_395 = tpu.vector_load_idx %arg9[%get3A_101, %broadcast_in_dim3A_377] : memref<1000x64xf32, #tpu.memory_space<vmem>>[vector<16xi32>, vector<16xi32>], vector<16xf32>,
          %mul3A_396 = arith.mulf %mul3A_108, %gather3A_395 : vector<16xf32>
          %add3A_397 = arith.addf %add3A_394, %mul3A_396 : vector<16xf32>
          %gather3A_398 = tpu.vector_load_idx %arg9[%get3A_112, %broadcast_in_dim3A_377] : memref<1000x64xf32, #tpu.memory_space<vmem>>[vector<16xi32>, vector<16xi32>], vector<16xf32>,
          %mul3A_399 = arith.mulf %mul3A_119, %gather3A_398 : vector<16xf32>
          %add3A_400 = arith.addf %add3A_397, %mul3A_399 : vector<16xf32>
          %gather3A_401 = tpu.vector_load_idx %arg9[%get3A_123, %broadcast_in_dim3A_377] : memref<1000x64xf32, #tpu.memory_space<vmem>>[vector<16xi32>, vector<16xi32>], vector<16xf32>,
          %mul3A_402 = arith.mulf %mul3A_130, %gather3A_401 : vector<16xf32>
          %add3A_403 = arith.addf %add3A_400, %mul3A_402 : vector<16xf32>
          %gather3A_404 = tpu.vector_load_idx %arg9[%get3A_134, %broadcast_in_dim3A_377] : memref<1000x64xf32, #tpu.memory_space<vmem>>[vector<16xi32>, vector<16xi32>], vector<16xf32>,
          %mul3A_405 = arith.mulf %mul3A_141, %gather3A_404 : vector<16xf32>
          %add3A_406 = arith.addf %add3A_403, %mul3A_405 : vector<16xf32>
          %gather3A_407 = tpu.vector_load_idx %arg9[%get3A_145, %broadcast_in_dim3A_377] : memref<1000x64xf32, #tpu.memory_space<vmem>>[vector<16xi32>, vector<16xi32>], vector<16xf32>,
          %mul3A_408 = arith.mulf %mul3A_152, %gather3A_407 : vector<16xf32>
          %add3A_409 = arith.addf %add3A_406, %mul3A_408 : vector<16xf32>
          %gather3A_410 = tpu.vector_load_idx %arg9[%get3A_156, %broadcast_in_dim3A_377] : memref<1000x64xf32, #tpu.memory_space<vmem>>[vector<16xi32>, vector<16xi32>], vector<16xf32>,
          %mul3A_411 = arith.mulf %mul3A_163, %gather3A_410 : vector<16xf32>
          %add3A_412 = arith.addf %add3A_409, %mul3A_411 : vector<16xf32>
          %gather3A_413 = tpu.vector_load_idx %arg9[%get3A_167, %broadcast_in_dim3A_377] : memref<1000x64xf32, #tpu.memory_space<vmem>>[vector<16xi32>, vector<16xi32>], vector<16xf32>,
          %mul3A_414 = arith.mulf %mul3A_174, %gather3A_413 : vector<16xf32>
          %add3A_415 = arith.addf %add3A_412, %mul3A_414 : vector<16xf32>
          %gather3A_416 = tpu.vector_load_idx %arg9[%get3A_178, %broadcast_in_dim3A_377] : memref<1000x64xf32, #tpu.memory_space<vmem>>[vector<16xi32>, vector<16xi32>], vector<16xf32>,
          %mul3A_417 = arith.mulf %mul3A_185, %gather3A_416 : vector<16xf32>
          %add3A_418 = arith.addf %add3A_415, %mul3A_417 : vector<16xf32>
          %gather3A_419 = tpu.vector_load_idx %arg9[%get3A_189, %broadcast_in_dim3A_377] : memref<1000x64xf32, #tpu.memory_space<vmem>>[vector<16xi32>, vector<16xi32>], vector<16xf32>,
          %mul3A_420 = arith.mulf %mul3A_196, %gather3A_419 : vector<16xf32>
          %add3A_421 = arith.addf %add3A_418, %mul3A_420 : vector<16xf32>
          %gather3A_422 = tpu.vector_load_idx %arg9[%get3A_200, %broadcast_in_dim3A_377] : memref<1000x64xf32, #tpu.memory_space<vmem>>[vector<16xi32>, vector<16xi32>], vector<16xf32>,
          %mul3A_423 = arith.mulf %mul3A_207, %gather3A_422 : vector<16xf32>
          %add3A_424 = arith.addf %add3A_421, %mul3A_423 : vector<16xf32>
          tpu.vector_store_idx %arg12[%add3A_211, %broadcast_in_dim3A_377], %add3A_424 : memref<128x64xf32, #tpu.memory_space<vmem>>[vector<16xi32>, vector<16xi32>], vector<16xf32>,
        }
        %scan3A_217 = arith.constant 16 : i32
      }
      %scan3A_27 = arith.constant 8 : i32
      "tpu.region"() ({
        %run_scoped3A = tpu.sem_alloc : memref<!tpu.dma_semaphore, #tpu.memory_space<semaphore_mem>>
        %dma_start3A = arith.constant 128 : i32
        %dma_start3A_28 = arith.constant 0 : i32
        %dma_start3A_29 = tpu.memref_slice %arg8[%add3A_15, %dma_start3A, %dma_start3A_28] : memref<128x256x64xf32, #tpu.memory_space<hbm>> -> memref<1x128x64xf32, #tpu.memory_space<hbm>>
        %dma_start3A_30 = tpu.memref_squeeze %dma_start3A_29 : memref<1x128x64xf32, #tpu.memory_space<hbm>> -> memref<128x64xf32, #tpu.memory_space<hbm>>
        %dma_start3A_31 = arith.constant 128 : i32
        %dma_start3A_32 = arith.constant 0 : i32
        %dma_start3A_33 = tpu.memref_slice %arg8[%add3A_15, %dma_start3A_31, %dma_start3A_32] : memref<128x256x64xf32, #tpu.memory_space<hbm>> -> memref<1x128x64xf32, #tpu.memory_space<hbm>>
        %dma_start3A_34 = tpu.memref_squeeze %dma_start3A_33 : memref<1x128x64xf32, #tpu.memory_space<hbm>> -> memref<128x64xf32, #tpu.memory_space<hbm>>
        tpu.enqueue_dma source(%arg12 : memref<128x64xf32, #tpu.memory_space<vmem>>) target(%dma_start3A_34 : memref<128x64xf32, #tpu.memory_space<hbm>>) target_semaphore(%run_scoped3A : memref<!tpu.dma_semaphore, #tpu.memory_space<semaphore_mem>>)
        %dma_wait3A = arith.constant 128 : i32
        %dma_wait3A_35 = arith.constant 0 : i32
        %dma_wait3A_36 = tpu.memref_slice %arg8[%add3A_15, %dma_wait3A, %dma_wait3A_35] : memref<128x256x64xf32, #tpu.memory_space<hbm>> -> memref<1x128x64xf32, #tpu.memory_space<hbm>>
        %dma_wait3A_37 = tpu.memref_squeeze %dma_wait3A_36 : memref<1x128x64xf32, #tpu.memory_space<hbm>> -> memref<128x64xf32, #tpu.memory_space<hbm>>
        %dma_wait3A_38 = arith.constant 128 : i32
        %dma_wait3A_39 = arith.constant 0 : i32
        %dma_wait3A_40 = tpu.memref_slice %arg8[%add3A_15, %dma_wait3A_38, %dma_wait3A_39] : memref<128x256x64xf32, #tpu.memory_space<hbm>> -> memref<1x128x64xf32, #tpu.memory_space<hbm>>
        %dma_wait3A_41 = tpu.memref_squeeze %dma_wait3A_40 : memref<1x128x64xf32, #tpu.memory_space<hbm>> -> memref<128x64xf32, #tpu.memory_space<hbm>>
        tpu.wait_dma2 semaphore(%run_scoped3A : memref<!tpu.dma_semaphore, #tpu.memory_space<semaphore_mem>>) src(%arg12 : memref<128x64xf32, #tpu.memory_space<vmem>>) dst(%dma_wait3A_41 : memref<128x64xf32, #tpu.memory_space<hbm>>)
        tpu.yield
      }) : () -> ()
    }
    %scan3A_11 = arith.constant 4 : i32
    return
  }
}

</mosaic_0001>

<sc_bundles>
// kernel: _encode.3.cloned.1.call-start
scs
__scs_entry_jumppad:
0x0: {  	(pc) =	sbr.rel $0x88, $3  }
0x1: {  	(tag) =	ssettag $0x0;
	lr =	simm.s32 $0x1  }
0x2: {  	[smem:$0x3F9C] =	sst lr;
	_ =	strace $0xD0000000  }
0x3: {  	_ = 	snop  }
0x4: {  	_ = 	snop  }
0x5: {  	_ = 	snop  }
0x6: {  	_ = 	snop  }
0x7: {  	_ = 	snop  }
__scs_overlays_trampoline_lowered:
0x8: {  	[smem:$0x3FAB] =	sst s0  }
0x9: {  	[smem:$0x3FAC] =	sst s1  }
0xa: {  	[smem:$0x3FAD] =	sst s2  }
0xb: {  	[smem:$0x3FAE] =	sst s3  }
0xc: {  	[smem:$0x3FAF] =	sst s4  }
0xd: {  	[smem:$0x3FB0] =	sst s5  }
0xe: {  	[smem:$0x3FB1] =	sst s6  }
0xf: {  	[smem:$0x3FB2] =	sst s7  }
0x10: {  	[smem:$0x3FB3] =	sst s8  }
0x11: {  	[smem:$0x3FB4] =	sst s9;
	s0 =	simm.s32 @!p0 $0x0  }
0x12: {  	s1 =	sld [smem:$0x3F9A];
	s0 =	simm.s32 @p0 $0x1  }
0x13: {  	[smem:$0x3FB5] =	sst s0;
	s0 =	simm.s32 @!p1 $0x0  }
0x14: {  	s2 =	sld [smem:$0x3F99];
	s0 =	simm.s32 @p1 $0x1  }
0x15: {  	[smem:$0x3FB6] =	sst s0;
	s0 =	simm.s32 @!p2 $0x0  }
0x16: {  	s3 =	sld [smem:$0x3FDB];
	s0 =	simm.s32 @p2 $0x1  }
0x17: {  	s4 =	simm.s32 $0x1BF5;
	[smem:$0x3FB8] =	sst s0  }
0x18: {  	s0 =	sld [smem:$0x3F9B];
	_ =	swait.ge [sflag:s4], $0x0  }
0x19: {  	s7 =	sld [smem:$0x3F9C]  }
0x1a: {  	s8 =	sadd.s32 $0xFFFFE003, lr  }
0x1b: {  	s9 =	sadd.s32 $0xFFFFFEF7, lr;
	s5 =	simm.s32 $0xFFFFFFFF;
	p2 =	slt.u32 s8, $0xFFFFF086  }
0x1c: {  	p1 =	slt.u32 s9, $0xF7A;
	s5 =	simm.s32 @!p2 $0x0  }
0x1d: {  	s5 =	simm.s32 @p1 $0x1;
	p0 =	seq.s32 s7, s2  }
0x1e: {  	s7 =	smul.u32 @!p0 $0xF7A, s2;
	p2 =	seq.s32 @!p0 s5, $0x0  }
0x1f: {  	s9 =	smul.u32 $0xF7A, s1;
	s8 =	simm.s32 @!p0 $0x1BF5;
	p2 =	por !p2, p0  }
0x20: {  	[sflag:s8] =	ssyncset.s32 @!p0 $0xFFFFF086;
	s6 =	sadd.s32 @!p0 s3, s7;
	s7 =	simm.s32 @!p0 $0x108  }
0x21: {  	s3 =	sadd.s32 s3, s9;
	s6 =	sadd.s32 @!p0 $0x88, s6;
	s7 =	simm.s32 @p2 $0x1082  }
0x22: {  	[simem:s7], [sflag:s8] =	dma.local @!p0 [hbm:s6], $0xF7A  }
0x23: {  	s9 =	sor.u32 $0xD0000000, s2;
	s6 =	simm.s32 $0x108;
	_ =	swait.ge @!p0 [sflag:s8], $0x0  }
0x24: {  	s3 =	sadd.s32 $0x88, s3;
	s6 =	simm.s32 @!p1 $0x1082;
	[sflag:s4] =	ssyncset.s32 $0xFFFFF086  }
0x25: {  	[simem:s6], [sflag:s4] =	dma.local [hbm:s3], $0xF7A  }
0x26: {  	[smem:$0x3F9C] =	sst s1;
	(tag) =	ssettag s2;
	_ =	strace s9  }
0x27: {  	s1 =	sld [smem:$0x3FAC]  }
0x28: {  	s2 =	sld [smem:$0x3FAD]  }
0x29: {  	s4 =	sld [smem:$0x3FAF]  }
0x2a: {  	p0 =	seq.s32 s5, $0x0;
	s5 =	sld [smem:$0x3FB0]  }
0x2b: {  	s6 =	sld [smem:$0x3FB1]  }
0x2c: {  	s7 =	sld [smem:$0x3FB2]  }
0x2d: {  	s3 =	simm.s32 $0x108;
	s8 =	sld [smem:$0x3FB3]  }
0x2e: {  	s3 =	simm.s32 @!p0 $0x1082;
	s9 =	sld [smem:$0x3FB4]  }
0x2f: {  	lr =	sadd.s32 s0, s3;
	s0 =	sld [smem:$0x3FAB]  }
0x30: {  	s3 =	sld [smem:$0x3FAE]  }
0x31: {  	[smem:$0x3FB7] =	sst s10  }
0x32: {  	s10 =	sld [smem:$0x3FB5];
	_ =	sdelay $0x3  }
0x33: {  	p0 =	seq.s32 s10, $0x1;
	s10 =	sld [smem:$0x3FB7];
	_ =	sdelay $0x3  }
0x34: {  	[smem:$0x3FB7] =	sst s10  }
0x35: {  	s10 =	sld [smem:$0x3FB6];
	_ =	sdelay $0x3  }
0x36: {  	p1 =	seq.s32 s10, $0x1;
	s10 =	sld [smem:$0x3FB7];
	_ =	sdelay $0x3  }
0x37: {  	[smem:$0x3FB7] =	sst s10  }
0x38: {  	s10 =	sld [smem:$0x3FB8]  }
0x39: {  	_ = 	snop;
	(pc) =	sbr.ind lr, $3  }
0x3a: {  	_ = 	snop  }
0x3b: {  	_ = 	snop  }
0x3c: {  	p2 =	seq.s32 s10, $0x1;
	s10 =	sld [smem:$0x3FB7]  }
0x3d: {  	_ =	shalt  }
0x3e: {  	_ =	shalt  }
0x3f: {  	_ =	shalt  }
0x40: {  	_ =	shalt  }
0x41: {  	_ =	shalt  }
0x42: {  	_ =	shalt  }
0x43: {  	_ =	shalt  }
0x44: {  	_ =	shalt  }
0x45: {  	_ =	shalt  }
0x46: {  	_ =	shalt  }
0x47: {  	_ =	shalt  }
0x48: {  	_ =	shalt  }
0x49: {  	_ =	shalt  }
0x4a: {  	_ =	shalt  }
0x4b: {  	_ =	shalt  }
0x4c: {  	_ =	shalt  }
0x4d: {  	_ =	shalt  }
0x4e: {  	_ =	shalt  }
0x4f: {  	_ =	shalt  }
0x50: {  	_ =	shalt  }
0x51: {  	_ =	shalt  }
0x52: {  	_ =	shalt  }
0x53: {  	_ =	shalt  }
0x54: {  	_ =	shalt  }
0x55: {  	_ =	shalt  }
0x56: {  	_ =	shalt  }
0x57: {  	_ =	shalt  }
0x58: {  	_ =	shalt  }
0x59: {  	_ =	shalt  }
0x5a: {  	_ =	shalt  }
0x5b: {  	_ =	shalt  }
0x5c: {  	_ =	shalt  }
0x5d: {  	_ =	shalt  }
0x5e: {  	_ =	shalt  }
0x5f: {  	_ =	shalt  }
0x60: {  	_ =	shalt  }
0x61: {  	_ =	shalt  }
0x62: {  	_ =	shalt  }
0x63: {  	_ =	shalt  }
0x64: {  	_ =	shalt  }
0x65: {  	_ =	shalt  }
0x66: {  	_ =	shalt  }
0x67: {  	_ =	shalt  }
0x68: {  	_ =	shalt  }
0x69: {  	_ =	shalt  }
0x6a: {  	_ =	shalt  }
0x6b: {  	_ =	shalt  }
0x6c: {  	_ =	shalt  }
0x6d: {  	_ =	shalt  }
0x6e: {  	_ =	shalt  }
0x6f: {  	_ =	shalt  }
0x70: {  	_ =	shalt  }
0x71: {  	_ =	shalt  }
0x72: {  	_ =	shalt  }
0x73: {  	_ =	shalt  }
0x74: {  	_ =	shalt  }
0x75: {  	_ =	shalt  }
0x76: {  	_ =	shalt  }
0x77: {  	_ =	shalt  }
0x78: {  	_ =	shalt  }
0x79: {  	_ =	shalt  }
0x7a: {  	_ =	shalt  }
0x7b: {  	_ =	shalt  }
0x7c: {  	_ =	shalt  }
0x7d: {  	_ =	shalt  }
0x7e: {  	_ =	shalt  }
0x7f: {  	_ =	shalt  }
0x80: {  	_ =	shalt  }
0x81: {  	_ =	shalt  }
0x82: {  	_ =	shalt  }
0x83: {  	_ =	shalt  }
0x84: {  	_ =	shalt  }
0x85: {  	_ =	shalt  }
0x86: {  	_ =	shalt  }
0x87: {  	_ =	shalt  }
.Lfunc_end0:
.L_simem_size_0:
called_computation_lowered:
.L_overlay_start_0:
0x88: {  	s2 =	sld [smem:$0x3FD9]  }
0x89: {  	s3 =	sld [smem:$0x3FFE];
	_ =	sdelay $0x1  }
0x8a: {  	s1 =	srdreg.scid  }
0x8b: {  	s0 =	sand.u32 $0x1, s1  }
0x8c: {  	s14 =	sshll.u32 s0, $0xA;
	s2 =	sadd.s32 s3, s2  }
0x8d: {  	s2 =	sadd.s32 s2, s14  }
0x8e: {  	[smem:$0x3FC3] =	sst s2  }
0x8f: {  	_ = 	snop  }
0x90: {  	s2 =	sld [smem:$0x3FD0];
	_ =	sdelay $0x2  }
0x91: {  	s15 =	simm.s32 $0xA;
	s4 =	simm.s32 $0x10  }
0x92: {  	[smem:s4], [sflag:s15] =	dma.local [hbm:s2], $0x1  }
0x93: {  	_ =	swait.eq [sflag:s15], $0x1  }
0x94: {  	[sflag:s15] =	ssyncset.done $0x0  }
0x95: {  	s16 =	sld [smem:$0x10];
	[sflag:s15] =	ssyncadd.s32 $0xFFFFFFFF  }
0x96: {  	s17 =	sld [smem:$0x11];
	(tm) =	ssettm $0x1  }
0x97: {  	s18 =	sld [smem:$0x3FFB];
	_ =	sdelay $0x3  }
0x98: {  	_ =	strace s18  }
0x99: {  	s4 =	sld [smem:$0x3FFC];
	_ =	sdelay $0x3  }
0x9a: {  	_ =	strace s4  }
0x9b: {  	s4 =	sld [smem:$0x3FFD];
	_ =	sdelay $0x3  }
0x9c: {  	_ =	strace s4  }
0x9d: {  	_ =	strace $0x8FFFFFFF  }
0x9e: {  	s19 =	sld [smem:$0x3FDB];
	_ =	sdelay $0x1  }
0x9f: {  	s5 =	simm.s32 $_scs_section_size  }
0xa0: {  	s6 =	simm.s32 $_size__tile_overlayer_lowered;
	s7 =	simm.s32 $_tile_overlayer_lowered  }
0xa1: {  	s22 =	simm.s32 $0x1BFF;
	s21 =	sshll.u32 s7, $0x1;
	s4 =	sadd.s32 s5, s19  }
0xa2: {  	s8 =	simm.s32 $0x0;
	s20 =	sshll.u32 s6, $0x1;
	s6 =	sadd.s32 s21, s4  }
0xa3: {  	[timem:s8], [sflag:s22] =	dma.local [hbm:s6], s20  }
0xa4: {  	_ =	swait.ge [sflag:s22], s20  }
0xa5: {  	s5 =	ssub.s32 $0x0, s20;
	[sflag:s22] =	ssyncset.done $0x0  }
0xa6: {  	[sflag:s22] =	ssyncadd.s32 s5;
	_ =	sdelay $0x1  }
0xa7: {  	s23 =	simm.s32 $0x1B8B  }
0xa8: {  	_ =	swait.ge [sflag:s23], $0x1  }
0xa9: {  	[sflag:s23] =	ssyncset.done $0x0  }
0xaa: {  	s25 =	simm.s32 $0x1B8E;
	s24 =	sld [smem:$0x3FFE];
	[sflag:s23] =	ssyncadd.s32 $0xFFFFFFFF  }
0xab: {  	s26 =	simm.s32 $execute0_lowered;
	[smem:$0x3FD2] =	sst s25  }
0xac: {  	s6 =	sshll.u32 s26, $0x1;
	_ =	strace $0x80000046;
	[dreg:$0x1] =	wrdreg $0xFFFFFFFF  }
0xad: {  	s28 =	simm.s32 $_size_execute0_lowered;
	s4 =	sadd.s32 s4, s6;
	[dreg:$0x0] =	wrdreg $0x0  }
0xae: {  	s6 =	sshll.u32 s28, $0x1;
	[dreg:$0x2] =	wrdreg s4  }
0xaf: {  	[dreg:$0x3] =	wrdreg s6  }
0xb0: {  	[dreg:$0x4] =	wrdreg $0xC0  }
0xb1: {  	_ =	task [dreg:s8], $0x5FFFF  }
0xb2: {  	[dreg:$0x1] =	wrdreg $0xFFFFFFFF  }
0xb3: {  	[dreg:$0x0] =	wrdreg $0x60  }
0xb4: {  	[dreg:$0x2] =	wrdreg s24  }
0xb5: {  	[dreg:$0x3] =	wrdreg s16  }
0xb6: {  	[dreg:$0x4] =	wrdreg s17  }
0xb7: {  	[dreg:$0x5] =	wrdreg $0x9  }
0xb8: {  	_ =	task.clear_ibuf [dreg:s8], $0x6FFFF;
	_ =	strace $0x90000046  }
0xb9: {  	s29 =	simm.s32 $0x9;
	_ =	strace $0x80000048  }
0xba: {  	_ =	swait.ge [sflag:s29], $0x1  }
0xbb: {  	[sflag:s29] =	ssyncadd.s32 $0xFFFFFFFF  }
0xbc: {  	_ =	strace $0x90000048  }
0xbd: {  	_ =	sfence  }
0xbe: {  	s30 =	sld [smem:$0x0];
	_ =	sdelay $0x2  }
0xbf: {  	s31 =	sshll.u32 s1, $0xD;
	s1 =	sshrl.u32 s1, $0x2  }
0xc0: {  	s3 =	sand.u32 $0x4000, s31;
	s1 =	sadd.s32 s1, s30  }
0xc1: {  	s0 =	sor.u32 s3, s0;
	s1 =	sshll.u32 s1, $0x11  }
0xc2: {  	s0 =	sor.u32 s1, s0  }
0xc3: {  	s0 =	sadd.s32 $0x8F2B, s0  }
0xc4: {  	[sflag:s0] =	ssyncadd.remote.s32 $0x1  }
0xc5: {  	_ =	sfence.sel $0xFFFF  }
0xc6: {  	[dreg:$0x0] =	wrdreg $0xFFFFFFFF;
	(pc) =	sbr.abs _section_cstart, $3  }
0xc7: {  	[dreg:$0x1] =	wrdreg $0xFFFFFFFF  }
0xc8: {  	_ =	task.clear_ibuf [dreg:s8], $0x2FFFF;
	_ =	strace $0x9FFFFFFF  }
0xc9: {  	(tm) =	ssettm $0x7FFFFFFF  }
tec
execute0_lowered:
.L_overlay_start_1:
0x0: {  	(tag) =	ssettag $0x1  }
0x1: {  	s6 =	rddreg [dreg:$0x0]  }
0x2: {  	s1 =	rddreg [dreg:$0x1]  }
0x3: {  	s2 =	rddreg [dreg:$0x2]  }
0x4: {  	s0 =	rddreg [dreg:$0x3];
	s3 =	simm.s32 $0x0  }
0x5: {  	s7 =	srdreg.scid;
	s14 =	simm.s32 $0x1;
	s15 =	simm.s32 $0xFA00  }
0x6: {  	s16 =	simm.s32 $0x10A00;
	s17 =	simm.s32 $0x11A00;
	s18 =	simm.s32 $0x0  }
0x7: {  	[smem:$0x7FF] =	sst s3;
	s4 =	sadd.s32 $0x3000, s6;
	s5 =	sadd.s32 $0x13000, s6  }
0x8: {  	s10 =	sand.u32 $0x1, s7;
	s7 =	sadd.s32 $0x23000, s6;
	s8 =	sadd.s32 $0x33000, s6  }
0x9: {  	s9 =	sadd.s32 $0x1000, s6;
	s6 =	stileid.u32;
	s11 =	ssub.s32 $0x2, s10  }
0xa: {  	s31 =	sshll.u32 s6, $0x3;
	s10 =	sshll.u32 s10, $0x2;
	s12 =	sshrl.u32 s11, $0x1  }
0xb: {  	v0 =	vlaneseq.u32;
	_ =	strace $0x80000047;
	s10 =	sor.u32 s10, s31;
	s13 =	ssub.s32 s11, s12  }
0xc: {  	v0 =	vmul.u32 $0x40, v0;
	s11 =	sadd.s32 $0x400, s1;
	s12 =	sadd.s32 $0x400, s2;
	s13 =	smax.u32 s13, $0x1  }
.LBB2_1:
0xd: {  	[tilespmem:s3], [sflag:$0x1] =	stream.linear.gather [hbm4b:s9+s3], $0xFA00, $0x38;
	[tilespmem:$0x13A00] =	vst v63  }
0xe: {  	_ =	swait.ge [sflag:s14], $0xFA00  }
0xf: {  	[sflag:s14] =	ssyncset.done $0x0  }
0x10: {  	s20 =	simm.s32 $0x0;
	[sflag:s14] =	ssyncadd.s32 $0xFFFF0600  }
.LBB2_2:
0x11: {  	s19 =	sadd.s32 s10, s20  }
0x12: {  	s22 =	sshll.u32 s19, $0x9  }
0x13: {  	s21 =	simm.s32 $0x0;
	s23 =	sadd.s32 s4, s22  }
0x14: {  	[tilespmem:s15], [sflag:$0x1] =	stream.linear.gather [hbm4b:s23+s21], $0x1000, $0x38;
	[tilespmem:$0x13A00] =	vst v63  }
0x15: {  	_ =	swait.ge [sflag:s14], $0x1000  }
0x16: {  	[sflag:s14] =	ssyncset.done $0x0  }
0x17: {  	s22 =	sadd.s32 s7, s22;
	[sflag:s14] =	ssyncadd.s32 $0xFFFFF000  }
0x18: {  	[tilespmem:s16], [sflag:$0x1] =	stream.linear.gather [hbm4b:s22+s21], $0x1000, $0x38;
	[tilespmem:$0x13A00] =	vst v63  }
0x19: {  	_ =	swait.ge [sflag:s14], $0x1000  }
0x1a: {  	[sflag:s14] =	ssyncset.done $0x0  }
0x1b: {  	s22 =	simm.s32 $0x0;
	[sflag:s14] =	ssyncadd.s32 $0xFFFFF000  }
.LBB2_3:
0x1c: {  	s23 =	sshll.u32 s22, $0x4  }
0x1d: {  	v1 =	vld [tilespmem:s23+$0xFA00]  }
0x1e: {  	v6 =	vld [tilespmem:s23+$0x10A00]  }
0x1f: {  	v2 =	vld [tilespmem:s23+$0xFB00]  }
0x20: {  	v7 =	vld [tilespmem:s23+$0x10B00]  }
0x21: {  	v3 =	vld [tilespmem:s23+$0xFC00]  }
0x22: {  	v8 =	vld [tilespmem:s23+$0x10C00]  }
0x23: {  	v4 =	vld [tilespmem:s23+$0xFD00]  }
0x24: {  	v10 =	vld [tilespmem:s23+$0x10D00]  }
0x25: {  	v5 =	vld [tilespmem:s23+$0xFE00]  }
0x26: {  	v11 =	vld [tilespmem:s23+$0x10E00]  }
0x27: {  	v12 =	vmov s21;
	v9 =	vld [tilespmem:s23+$0xFF00]  }
0x28: {  	v13 =	vld [tilespmem:s23+$0x10F00];
	v12 =	vand.u32 $0x3C, v12  }
0x29: {  	v14 =	vld [tilespmem:s23+$0x10000];
	v34 =	vbroadcast v12, $0x0  }
0x2a: {  	v15 =	vld [tilespmem:s23+$0x11000];
	v1 =	vshll.u32 v1, $0x6  }
0x2b: {  	v16 =	vld [tilespmem:s23+$0x10100];
	v2 =	vshll.u32 v2, $0x6;
	v12 =	vor.u32 v1, v34  }
0x2c: {  	v17 =	vld [tilespmem:s23+$0x11100];
	v18 =	vor.u32 v2, v34  }
0x2d: {  	v19 =	vld [tilespmem:s23+$0x10200];
	v3 =	vshll.u32 v3, $0x6  }
0x2e: {  	v21 =	vld [tilespmem:s23+$0x11200];
	v20 =	vor.u32 v3, v34  }
0x2f: {  	v22 =	vld [tilespmem:s23+$0x10300];
	v4 =	vshll.u32 v4, $0x6  }
0x30: {  	v24 =	vor.u32 v4, v34;
	v23 =	vld.idx.msk [tilespmem:v12+s3+$0x0], $0xffff  }
0x31: {  	v5 =	vshll.u32 v5, $0x6;
	v18 =	vld.idx.msk [tilespmem:v18+s3+$0x0], $0xffff  }
0x32: {  	v25 =	vld [tilespmem:s23+$0x11300];
	v26 =	vor.u32 v5, v34  }
0x33: {  	v9 =	vshll.u32 v9, $0x6;
	v6 =	vmul.f32 $6.250000000e-02, v6;
	v20 =	vld.idx.msk [tilespmem:v20+s3+$0x0], $0xffff  }
0x34: {  	v27 =	vld [tilespmem:s23+$0x10400];
	v7 =	vmul.f32 $6.250000000e-02, v7;
	v28 =	vor.u32 v9, v34;
	v12 =	vshll.u32 v14, $0x6  }
0x35: {  	v8 =	vmul.f32 $6.250000000e-02, v8;
	v24 =	vld.idx.msk [tilespmem:v24+s3+$0x0], $0xffff;
	v30 =	vor.u32 v12, v34  }
0x36: {  	v29 =	vld [tilespmem:s23+$0x11400];
	v14 =	vshll.u32 v16, $0x6;
	v23 =	vmul.f32 v23, v6;
	v18 =	vmul.f32 v18, v7  }
0x37: {  	v10 =	vmul.f32 $6.250000000e-02, v10;
	v26 =	vld.idx.msk [tilespmem:v26+s3+$0x0], $0xffff;
	v32 =	vor.u32 v14, v34  }
0x38: {  	v31 =	vld [tilespmem:s23+$0x10500];
	v16 =	vshll.u32 v19, $0x6;
	v20 =	vmul.f32 v20, v8;
	v18 =	vadd.f32 v18, v23  }
0x39: {  	v19 =	vld.idx.msk [tilespmem:v28+s3+$0x0], $0xffff;
	v23 =	vor.u32 v16, v34  }
0x3a: {  	v11 =	vmul.f32 $6.250000000e-02, v11;
	v24 =	vmul.f32 v24, v10;
	v30 =	vld.idx.msk [tilespmem:v30+s3+$0x0], $0xffff;
	v20 =	vadd.f32 v20, v18  }
0x3b: {  	v33 =	vld [tilespmem:s23+$0x10600];
	v13 =	vmul.f32 $6.250000000e-02, v13;
	v18 =	vshll.u32 v22, $0x6  }
0x3c: {  	v35 =	vor.u32 v18, v34;
	v22 =	vadd.f32 v24, v20;
	v24 =	vmul.f32 v26, v11;
	v26 =	vld.idx.msk [tilespmem:v32+s3+$0x0], $0xffff  }
0x3d: {  	v15 =	vmul.f32 $6.250000000e-02, v15;
	v20 =	vshll.u32 v27, $0x6;
	v27 =	vld [tilespmem:s23+$0x10700]  }
0x3e: {  	v19 =	vmul.f32 v19, v13;
	v59 =	vor.u32 v20, v34;
	v23 =	vld.idx.msk [tilespmem:v23+s3+$0x0], $0xffff;
	v24 =	vadd.f32 v24, v22  }
0x3f: {  	v17 =	vmul.f32 $6.250000000e-02, v17;
	v30 =	vmul.f32 v30, v15;
	v22 =	vshll.u32 v31, $0x6;
	v31 =	vld [tilespmem:s23+$0x10800]  }
0x40: {  	v61 =	vld [tilespmem:s23+$0x10900];
	v36 =	vor.u32 v22, v34;
	v37 =	vadd.f32 v19, v24;
	v24 =	vshll.u32 v33, $0x6  }
0x41: {  	v19 =	vmul.f32 $6.250000000e-02, v21;
	v60 =	vld.idx.msk [tilespmem:v35+s3+$0x0], $0xffff;
	v21 =	vmul.f32 $6.250000000e-02, v25;
	v38 =	vor.u32 v24, v34  }
0x42: {  	v28 =	vld [tilespmem:s23+$0x11500];
	v26 =	vmul.f32 v26, v17;
	v25 =	vshll.u32 v27, $0x6;
	v30 =	vadd.f32 v30, v37  }
0x43: {  	v32 =	vld.idx.msk [tilespmem:v59+s3+$0x0], $0xffff;
	v39 =	vor.u32 v25, v34  }
0x44: {  	v62 =	vld [tilespmem:s23+$0x11600];
	v27 =	vshll.u32 v31, $0x6;
	v26 =	vadd.f32 v26, v30;
	v30 =	vmul.f32 v23, v19  }
0x45: {  	v23 =	vmul.f32 $6.250000000e-02, v29;
	v31 =	vld.idx.msk [tilespmem:v36+s3+$0x0], $0xffff;
	v40 =	vor.u32 v27, v34  }
0x46: {  	v63 =	vld [tilespmem:s23+$0x11700];
	v29 =	vshll.u32 v61, $0x6;
	v33 =	vmul.f32 v60, v21;
	v30 =	vadd.f32 v30, v26  }
0x47: {  	v41 =	vor.u32 v29, v34;
	v44 =	vld.idx.msk [tilespmem:v38+s3+$0x0], $0xffff  }
0x48: {  	v45 =	vld [tilespmem:s23+$0x11800];
	v26 =	vmul.f32 $6.250000000e-02, v28;
	v32 =	vmul.f32 v32, v23;
	v30 =	vadd.f32 v33, v30  }
0x49: {  	v46 =	vld.idx.msk [tilespmem:v39+s3+$0x0], $0xffff  }
0x4a: {  	s30 =	simm.s32 $0x1;
	v47 =	vld [tilespmem:s23+$0x11900];
	v28 =	vmul.f32 $6.250000000e-02, v62;
	v31 =	vmul.f32 v31, v26;
	v32 =	vadd.f32 v32, v30  }
0x4b: {  	v49 =	vmov s23;
	v53 =	vmov s30;
	v48 =	vld.idx.msk [tilespmem:v40+s3+$0x0], $0xffff  }
0x4c: {  	v30 =	vmul.f32 $6.250000000e-02, v63;
	v35 =	vmul.f32 v44, v28;
	v32 =	vadd.f32 v31, v32  }
0x4d: {  	v50 =	vshll.u32 v49, $0x6;
	v54 =	vand.u32 $0x3D, v53;
	v51 =	vld.idx.msk [tilespmem:v41+s3+$0x0], $0xffff  }
0x4e: {  	v31 =	vmul.f32 $6.250000000e-02, v45;
	v52 =	vmul.f32 v46, v30;
	v35 =	vadd.f32 v35, v32  }
0x4f: {  	v37 =	vbroadcast v54, $0x0;
	v33 =	vor.u32 v0, v50  }
0x50: {  	v32 =	vmul.f32 $6.250000000e-02, v47;
	v36 =	vmul.f32 v48, v31;
	v35 =	vadd.f32 v52, v35  }
0x51: {  	v34 =	vor.u32 v33, v34  }
0x52: {  	v56 =	vor.u32 v1, v37;
	v55 =	vmul.f32 v51, v32;
	v35 =	vadd.f32 v36, v35  }
0x53: {  	v57 =	vor.u32 v2, v37  }
0x54: {  	v35 =	vadd.f32 v55, v35  }
0x55: {  	v58 =	vor.u32 v3, v37  }
0x56: {  	[tilespmem:v34+s17+$0x0] =	vst.idx.msk $0xffff, v35  }
0x57: {  	v59 =	vor.u32 v4, v37;
	v34 =	vld.idx.msk [tilespmem:v56+s3+$0x0], $0xffff  }
0x58: {  	v60 =	vld.idx.msk [tilespmem:v57+s3+$0x0], $0xffff  }
0x59: {  	v61 =	vor.u32 v5, v37  }
0x5a: {  	v36 =	vld.idx.msk [tilespmem:v58+s3+$0x0], $0xffff  }
0x5b: {  	v62 =	vor.u32 v9, v37  }
0x5c: {  	v35 =	vld.idx.msk [tilespmem:v59+s3+$0x0], $0xffff  }
0x5d: {  	v63 =	vor.u32 v12, v37;
	v34 =	vmul.f32 v34, v6;
	v38 =	vmul.f32 v60, v7  }
0x5e: {  	v39 =	vld.idx.msk [tilespmem:v61+s3+$0x0], $0xffff  }
0x5f: {  	v42 =	vor.u32 v14, v37;
	v36 =	vmul.f32 v36, v8;
	v34 =	vadd.f32 v38, v34  }
0x60: {  	v45 =	vld.idx.msk [tilespmem:v62+s3+$0x0], $0xffff  }
0x61: {  	v46 =	vor.u32 v16, v37;
	v35 =	vmul.f32 v35, v10;
	v34 =	vadd.f32 v36, v34  }
0x62: {  	v47 =	vld.idx.msk [tilespmem:v63+s3+$0x0], $0xffff  }
0x63: {  	v48 =	vor.u32 v18, v37;
	v49 =	vmul.f32 v39, v11;
	v34 =	vadd.f32 v35, v34  }
0x64: {  	v50 =	vld.idx.msk [tilespmem:v42+s3+$0x0], $0xffff  }
0x65: {  	v51 =	vor.u32 v20, v37;
	v52 =	vmul.f32 v45, v13;
	v34 =	vadd.f32 v49, v34  }
0x66: {  	v53 =	vld.idx.msk [tilespmem:v46+s3+$0x0], $0xffff  }
0x67: {  	v54 =	vor.u32 v22, v37;
	v55 =	vmul.f32 v47, v15;
	v34 =	vadd.f32 v52, v34  }
0x68: {  	v56 =	vld.idx.msk [tilespmem:v48+s3+$0x0], $0xffff  }
0x69: {  	v57 =	vor.u32 v24, v37;
	v58 =	vmul.f32 v50, v17;
	v34 =	vadd.f32 v55, v34  }
0x6a: {  	v59 =	vld.idx.msk [tilespmem:v51+s3+$0x0], $0xffff  }
0x6b: {  	v60 =	vor.u32 v25, v37;
	v61 =	vmul.f32 v53, v19;
	v34 =	vadd.f32 v58, v34  }
0x6c: {  	v62 =	vld.idx.msk [tilespmem:v54+s3+$0x0], $0xffff  }
0x6d: {  	v63 =	vor.u32 v27, v37;
	v44 =	vmul.f32 v56, v21;
	v34 =	vadd.f32 v61, v34  }
0x6e: {  	v45 =	vld.idx.msk [tilespmem:v57+s3+$0x0], $0xffff  }
0x6f: {  	v46 =	vor.u32 v29, v37;
	v47 =	vmul.f32 v59, v23;
	v34 =	vadd.f32 v44, v34  }
0x70: {  	v48 =	vld.idx.msk [tilespmem:v60+s3+$0x0], $0xffff  }
0x71: {  	v49 =	vmul.f32 v62, v26;
	v34 =	vadd.f32 v47, v34  }
0x72: {  	v50 =	vld.idx.msk [tilespmem:v63+s3+$0x0], $0xffff  }
0x73: {  	v51 =	vmul.f32 v45, v28;
	v34 =	vadd.f32 v49, v34  }
0x74: {  	s31 =	simm.s32 $0x2;
	v52 =	vld.idx.msk [tilespmem:v46+s3+$0x0], $0xffff  }
0x75: {  	v54 =	vmov s31;
	v53 =	vmul.f32 v48, v30;
	v34 =	vadd.f32 v51, v34  }
0x76: {  	v39 =	vand.u32 $0x3E, v54  }
0x77: {  	v38 =	vmul.f32 v50, v31;
	v35 =	vbroadcast v39, $0x0;
	v34 =	vadd.f32 v53, v34  }
0x78: {  	v37 =	vor.u32 v33, v37  }
0x79: {  	v55 =	vor.u32 v1, v35;
	v36 =	vmul.f32 v52, v32;
	v34 =	vadd.f32 v38, v34  }
0x7a: {  	v39 =	vor.u32 v2, v35  }
0x7b: {  	v34 =	vadd.f32 v36, v34  }
0x7c: {  	v56 =	vor.u32 v3, v35  }
0x7d: {  	[tilespmem:v37+s17+$0x0] =	vst.idx.msk $0xffff, v34  }
0x7e: {  	v57 =	vor.u32 v4, v35;
	v34 =	vld.idx.msk [tilespmem:v55+s3+$0x0], $0xffff  }
0x7f: {  	v58 =	vld.idx.msk [tilespmem:v39+s3+$0x0], $0xffff  }
0x80: {  	v59 =	vor.u32 v5, v35  }
0x81: {  	v60 =	vor.u32 v9, v35;
	v36 =	vld.idx.msk [tilespmem:v56+s3+$0x0], $0xffff  }
0x82: {  	s23 =	simm.s32 $0x4  }
0x83: {  	v41 =	vor.u32 v12, v35;
	v61 =	vmov s23;
	v39 =	vld.idx.msk [tilespmem:v57+s3+$0x0], $0xffff  }
0x84: {  	v63 =	vand.u32 $0x3C, v61;
	v62 =	vmul.f32 v34, v6;
	v44 =	vmul.f32 v58, v7  }
0x85: {  	v43 =	vor.u32 v14, v35;
	v40 =	vld.idx.msk [tilespmem:v59+s3+$0x0], $0xffff;
	v34 =	vbroadcast v63, $0x0  }
0x86: {  	s25 =	simm.s32 $0x8;
	s24 =	simm.s32 $0x0;
	v38 =	vor.u32 v16, v35;
	v42 =	vld.idx.msk [tilespmem:v60+s3+$0x0], $0xffff;
	v45 =	vmul.f32 v36, v8;
	v44 =	vadd.f32 v44, v62  }
.LBB2_4:
0x87: {  	p0 =	sne.s32 s25, $0x3C;
	v37 =	vor.u32 v1, v34;
	v36 =	vor.u32 v2, v34;
	s26 =	smov.u32 s25;
	s25 =	sadd.s32 $0x4, s25  }
0x88: {  	v39 =	vmul.f32 v39, v10;
	v44 =	vadd.f32 v45, v44;
	v41 =	vld.idx.msk [tilespmem:v41+s3+$0x0], $0xffff  }
0x89: {  	v45 =	vor.u32 v18, v35  }
0x8a: {  	v40 =	vmul.f32 v40, v11;
	v39 =	vadd.f32 v39, v44;
	v43 =	vld.idx.msk [tilespmem:v43+s3+$0x0], $0xffff  }
0x8b: {  	v44 =	vor.u32 v20, v35  }
0x8c: {  	v39 =	vadd.f32 v40, v39;
	v40 =	vmul.f32 v42, v13;
	v38 =	vld.idx.msk [tilespmem:v38+s3+$0x0], $0xffff  }
0x8d: {  	v42 =	vor.u32 v22, v35  }
0x8e: {  	v39 =	vadd.f32 v40, v39;
	v40 =	vmul.f32 v41, v15;
	v41 =	vld.idx.msk [tilespmem:v45+s3+$0x0], $0xffff  }
0x8f: {  	v45 =	vor.u32 v24, v35  }
0x90: {  	v39 =	vadd.f32 v40, v39;
	v40 =	vmul.f32 v43, v17;
	v43 =	vld.idx.msk [tilespmem:v44+s3+$0x0], $0xffff  }
0x91: {  	v44 =	vor.u32 v25, v35  }
0x92: {  	v38 =	vmul.f32 v38, v19;
	v39 =	vadd.f32 v40, v39;
	v40 =	vld.idx.msk [tilespmem:v42+s3+$0x0], $0xffff  }
0x93: {  	v42 =	vor.u32 v27, v35  }
0x94: {  	v38 =	vadd.f32 v38, v39;
	v39 =	vmul.f32 v41, v21;
	v41 =	vld.idx.msk [tilespmem:v45+s3+$0x0], $0xffff  }
0x95: {  	v45 =	vor.u32 v29, v35  }
0x96: {  	v38 =	vadd.f32 v39, v38;
	v39 =	vmul.f32 v43, v23;
	v43 =	vld.idx.msk [tilespmem:v44+s3+$0x0], $0xffff;
	_ =	sdelay $0x1  }
0x97: {  	v38 =	vadd.f32 v39, v38;
	v39 =	vmul.f32 v40, v26;
	v40 =	vld.idx.msk [tilespmem:v42+s3+$0x0], $0xffff;
	_ =	sdelay $0x1  }
0x98: {  	v38 =	vadd.f32 v39, v38;
	v39 =	vmul.f32 v41, v28;
	v41 =	vld.idx.msk [tilespmem:v45+s3+$0x0], $0xffff  }
0x99: {  	s28 =	sadd.s32 $0x3, s24;
	s24 =	smov.u32 s23;
	s23 =	smov.u32 s26  }
0x9a: {  	v42 =	vmov s28;
	v38 =	vadd.f32 v39, v38;
	v39 =	vmul.f32 v43, v30  }
0x9b: {  	v42 =	vand.u32 $0x3F, v42  }
0x9c: {  	v38 =	vadd.f32 v39, v38;
	v39 =	vmul.f32 v40, v31;
	v40 =	vbroadcast v42, $0x0  }
0x9d: {  	v35 =	vor.u32 v33, v35  }
0x9e: {  	v38 =	vadd.f32 v39, v38;
	v39 =	vmul.f32 v41, v32;
	v41 =	vor.u32 v1, v40  }
0x9f: {  	v42 =	vor.u32 v2, v40  }
0xa0: {  	v38 =	vadd.f32 v39, v38;
	v39 =	vor.u32 v3, v40  }
0xa1: {  	v43 =	vor.u32 v4, v40  }
0xa2: {  	[tilespmem:v35+s17+$0x0] =	vst.idx.msk $0xffff, v38;
	v35 =	vor.u32 v5, v40  }
0xa3: {  	v38 =	vld.idx.msk [tilespmem:v41+s3+$0x0], $0xffff;
	v41 =	vor.u32 v9, v40  }
0xa4: {  	v44 =	vor.u32 v12, v40;
	v42 =	vld.idx.msk [tilespmem:v42+s3+$0x0], $0xffff  }
0xa5: {  	v45 =	vor.u32 v14, v40;
	v39 =	vld.idx.msk [tilespmem:v39+s3+$0x0], $0xffff  }
0xa6: {  	v46 =	vor.u32 v16, v40;
	v43 =	vld.idx.msk [tilespmem:v43+s3+$0x0], $0xffff  }
0xa7: {  	v47 =	vor.u32 v18, v40;
	v35 =	vld.idx.msk [tilespmem:v35+s3+$0x0], $0xffff  }
0xa8: {  	v48 =	vor.u32 v20, v40;
	v41 =	vld.idx.msk [tilespmem:v41+s3+$0x0], $0xffff  }
0xa9: {  	v49 =	vor.u32 v22, v40;
	v38 =	vmul.f32 v38, v6;
	v44 =	vld.idx.msk [tilespmem:v44+s3+$0x0], $0xffff  }
0xaa: {  	v50 =	vor.u32 v24, v40;
	v42 =	vmul.f32 v42, v7;
	v45 =	vld.idx.msk [tilespmem:v45+s3+$0x0], $0xffff  }
0xab: {  	v51 =	vor.u32 v25, v40;
	v39 =	vmul.f32 v39, v8;
	v46 =	vld.idx.msk [tilespmem:v46+s3+$0x0], $0xffff  }
0xac: {  	v38 =	vadd.f32 v42, v38;
	v42 =	vld.idx.msk [tilespmem:v47+s3+$0x0], $0xffff;
	v47 =	vor.u32 v27, v40  }
0xad: {  	v52 =	vor.u32 v29, v40;
	v43 =	vmul.f32 v43, v10;
	v48 =	vld.idx.msk [tilespmem:v48+s3+$0x0], $0xffff  }
0xae: {  	v38 =	vadd.f32 v39, v38;
	v39 =	vld.idx.msk [tilespmem:v49+s3+$0x0], $0xffff  }
0xaf: {  	v35 =	vmul.f32 v35, v11;
	v49 =	vld.idx.msk [tilespmem:v50+s3+$0x0], $0xffff  }
0xb0: {  	v38 =	vadd.f32 v43, v38;
	v43 =	vld.idx.msk [tilespmem:v51+s3+$0x0], $0xffff  }
0xb1: {  	v41 =	vmul.f32 v41, v13;
	v47 =	vld.idx.msk [tilespmem:v47+s3+$0x0], $0xffff  }
0xb2: {  	v35 =	vadd.f32 v35, v38;
	v38 =	vld.idx.msk [tilespmem:v52+s3+$0x0], $0xffff  }
0xb3: {  	v44 =	vmul.f32 v44, v15  }
0xb4: {  	v35 =	vadd.f32 v41, v35  }
0xb5: {  	v41 =	vmul.f32 v45, v17  }
0xb6: {  	v35 =	vadd.f32 v44, v35  }
0xb7: {  	v44 =	vmul.f32 v46, v19  }
0xb8: {  	v35 =	vadd.f32 v41, v35  }
0xb9: {  	v41 =	vmul.f32 v42, v21  }
0xba: {  	v35 =	vadd.f32 v44, v35  }
0xbb: {  	v42 =	vmul.f32 v48, v23  }
0xbc: {  	v35 =	vadd.f32 v41, v35  }
0xbd: {  	v39 =	vmul.f32 v39, v26  }
0xbe: {  	v35 =	vadd.f32 v42, v35  }
0xbf: {  	v41 =	vmul.f32 v49, v28  }
0xc0: {  	v35 =	vadd.f32 v39, v35  }
0xc1: {  	v39 =	vmul.f32 v43, v30  }
0xc2: {  	v35 =	vadd.f32 v41, v35  }
0xc3: {  	v41 =	vmul.f32 v47, v31  }
0xc4: {  	v35 =	vadd.f32 v39, v35;
	v39 =	vor.u32 v33, v40  }
0xc5: {  	v38 =	vmul.f32 v38, v32  }
0xc6: {  	v35 =	vadd.f32 v41, v35;
	_ =	sdelay $0x1  }
0xc7: {  	v40 =	vor.u32 v3, v34;
	v35 =	vadd.f32 v38, v35;
	_ =	sdelay $0x1  }
0xc8: {  	[tilespmem:v39+s17+$0x0] =	vst.idx.msk $0xffff, v35  }
0xc9: {  	v35 =	vld.idx.msk [tilespmem:v37+s3+$0x0], $0xffff;
	v37 =	vor.u32 v4, v34  }
0xca: {  	v36 =	vld.idx.msk [tilespmem:v36+s3+$0x0], $0xffff  }
0xcb: {  	v39 =	vor.u32 v5, v34;
	v38 =	vld.idx.msk [tilespmem:v40+s3+$0x0], $0xffff;
	_ =	sdelay $0x1  }
0xcc: {  	v40 =	vor.u32 v9, v34  }
0xcd: {  	v37 =	vld.idx.msk [tilespmem:v37+s3+$0x0], $0xffff  }
0xce: {  	v41 =	vor.u32 v12, v34  }
0xcf: {  	v35 =	vmul.f32 v35, v6;
	v36 =	vmul.f32 v36, v7;
	v39 =	vld.idx.msk [tilespmem:v39+s3+$0x0], $0xffff  }
0xd0: {  	v42 =	vor.u32 v14, v34  }
0xd1: {  	v35 =	vadd.f32 v36, v35;
	v36 =	vmul.f32 v38, v8;
	v38 =	vld.idx.msk [tilespmem:v40+s3+$0x0], $0xffff  }
0xd2: {  	v40 =	vor.u32 v16, v34  }
0xd3: {  	v35 =	vadd.f32 v36, v35;
	v36 =	vmul.f32 v37, v10;
	v37 =	vld.idx.msk [tilespmem:v41+s3+$0x0], $0xffff  }
0xd4: {  	v41 =	vor.u32 v18, v34  }
0xd5: {  	v35 =	vadd.f32 v36, v35;
	v36 =	vmul.f32 v39, v11;
	v39 =	vld.idx.msk [tilespmem:v42+s3+$0x0], $0xffff  }
0xd6: {  	v42 =	vor.u32 v20, v34  }
0xd7: {  	v35 =	vadd.f32 v36, v35;
	v36 =	vmul.f32 v38, v13;
	v38 =	vld.idx.msk [tilespmem:v40+s3+$0x0], $0xffff  }
0xd8: {  	v40 =	vor.u32 v22, v34  }
0xd9: {  	v35 =	vadd.f32 v36, v35;
	v36 =	vmul.f32 v37, v15;
	v37 =	vld.idx.msk [tilespmem:v41+s3+$0x0], $0xffff  }
0xda: {  	v41 =	vor.u32 v24, v34  }
0xdb: {  	v35 =	vadd.f32 v36, v35;
	v36 =	vmul.f32 v39, v17;
	v39 =	vld.idx.msk [tilespmem:v42+s3+$0x0], $0xffff  }
0xdc: {  	v42 =	vor.u32 v25, v34  }
0xdd: {  	v35 =	vadd.f32 v36, v35;
	v36 =	vmul.f32 v38, v19;
	v38 =	vld.idx.msk [tilespmem:v40+s3+$0x0], $0xffff  }
0xde: {  	v40 =	vor.u32 v27, v34  }
0xdf: {  	v35 =	vadd.f32 v36, v35;
	v36 =	vmul.f32 v37, v21;
	v37 =	vld.idx.msk [tilespmem:v41+s3+$0x0], $0xffff  }
0xe0: {  	v41 =	vor.u32 v29, v34  }
0xe1: {  	v35 =	vadd.f32 v36, v35;
	v36 =	vmul.f32 v39, v23;
	v39 =	vld.idx.msk [tilespmem:v42+s3+$0x0], $0xffff;
	_ =	sdelay $0x1  }
0xe2: {  	v35 =	vadd.f32 v36, v35;
	v36 =	vmul.f32 v38, v26;
	v38 =	vld.idx.msk [tilespmem:v40+s3+$0x0], $0xffff;
	_ =	sdelay $0x1  }
0xe3: {  	v35 =	vadd.f32 v36, v35;
	v36 =	vmul.f32 v37, v28;
	v37 =	vld.idx.msk [tilespmem:v41+s3+$0x0], $0xffff  }
0xe4: {  	s26 =	sadd.s32 $0x1, s24  }
0xe5: {  	v35 =	vadd.f32 v36, v35;
	v36 =	vmul.f32 v39, v30;
	v39 =	vmov s26  }
0xe6: {  	v39 =	vand.u32 $0x3D, v39  }
0xe7: {  	v35 =	vadd.f32 v36, v35;
	v36 =	vmul.f32 v38, v31;
	v38 =	vbroadcast v39, $0x0  }
0xe8: {  	v34 =	vor.u32 v33, v34  }
0xe9: {  	v35 =	vadd.f32 v36, v35;
	v36 =	vmul.f32 v37, v32;
	v37 =	vor.u32 v1, v38  }
0xea: {  	v39 =	vor.u32 v2, v38  }
0xeb: {  	v35 =	vadd.f32 v36, v35  }
0xec: {  	v36 =	vor.u32 v3, v38  }
0xed: {  	[tilespmem:v34+s17+$0x0] =	vst.idx.msk $0xffff, v35  }
0xee: {  	v35 =	vor.u32 v4, v38;
	v34 =	vld.idx.msk [tilespmem:v37+s3+$0x0], $0xffff  }
0xef: {  	v37 =	vld.idx.msk [tilespmem:v39+s3+$0x0], $0xffff  }
0xf0: {  	v39 =	vor.u32 v5, v38  }
0xf1: {  	v36 =	vld.idx.msk [tilespmem:v36+s3+$0x0], $0xffff  }
0xf2: {  	v40 =	vor.u32 v9, v38  }
0xf3: {  	v35 =	vld.idx.msk [tilespmem:v35+s3+$0x0], $0xffff  }
0xf4: {  	v41 =	vor.u32 v12, v38  }
0xf5: {  	v34 =	vmul.f32 v34, v6;
	v37 =	vmul.f32 v37, v7;
	v39 =	vld.idx.msk [tilespmem:v39+s3+$0x0], $0xffff  }
0xf6: {  	v42 =	vor.u32 v14, v38  }
0xf7: {  	v34 =	vadd.f32 v37, v34;
	v36 =	vmul.f32 v36, v8;
	v37 =	vld.idx.msk [tilespmem:v40+s3+$0x0], $0xffff  }
0xf8: {  	v40 =	vor.u32 v16, v38  }
0xf9: {  	v34 =	vadd.f32 v36, v34;
	v35 =	vmul.f32 v35, v10;
	v36 =	vld.idx.msk [tilespmem:v41+s3+$0x0], $0xffff  }
0xfa: {  	v41 =	vor.u32 v18, v38  }
0xfb: {  	v34 =	vadd.f32 v35, v34;
	v35 =	vmul.f32 v39, v11;
	v39 =	vld.idx.msk [tilespmem:v42+s3+$0x0], $0xffff  }
0xfc: {  	v42 =	vor.u32 v20, v38  }
0xfd: {  	v34 =	vadd.f32 v35, v34;
	v35 =	vmul.f32 v37, v13;
	v37 =	vld.idx.msk [tilespmem:v40+s3+$0x0], $0xffff  }
0xfe: {  	v40 =	vor.u32 v22, v38  }
0xff: {  	v34 =	vadd.f32 v35, v34;
	v35 =	vmul.f32 v36, v15;
	v36 =	vld.idx.msk [tilespmem:v41+s3+$0x0], $0xffff  }
0x100: {  	v41 =	vor.u32 v24, v38  }
0x101: {  	v34 =	vadd.f32 v35, v34;
	v35 =	vmul.f32 v39, v17;
	v39 =	vld.idx.msk [tilespmem:v42+s3+$0x0], $0xffff  }
0x102: {  	v42 =	vor.u32 v25, v38  }
0x103: {  	v34 =	vadd.f32 v35, v34;
	v35 =	vmul.f32 v37, v19;
	v37 =	vld.idx.msk [tilespmem:v40+s3+$0x0], $0xffff  }
0x104: {  	v40 =	vor.u32 v27, v38  }
0x105: {  	v34 =	vadd.f32 v35, v34;
	v35 =	vmul.f32 v36, v21;
	v36 =	vld.idx.msk [tilespmem:v41+s3+$0x0], $0xffff  }
0x106: {  	v41 =	vor.u32 v29, v38  }
0x107: {  	v34 =	vadd.f32 v35, v34;
	v35 =	vmul.f32 v39, v23;
	v39 =	vld.idx.msk [tilespmem:v42+s3+$0x0], $0xffff;
	_ =	sdelay $0x1  }
0x108: {  	v34 =	vadd.f32 v35, v34;
	v35 =	vmul.f32 v37, v26;
	v37 =	vld.idx.msk [tilespmem:v40+s3+$0x0], $0xffff;
	_ =	sdelay $0x1  }
0x109: {  	v34 =	vadd.f32 v35, v34;
	v35 =	vmul.f32 v36, v28;
	v36 =	vld.idx.msk [tilespmem:v41+s3+$0x0], $0xffff  }
0x10a: {  	s26 =	sadd.s32 $0x2, s24  }
0x10b: {  	v34 =	vadd.f32 v35, v34;
	v35 =	vmul.f32 v39, v30;
	v39 =	vmov s26  }
0x10c: {  	v39 =	vand.u32 $0x3E, v39  }
0x10d: {  	v34 =	vadd.f32 v35, v34;
	v37 =	vmul.f32 v37, v31;
	v35 =	vbroadcast v39, $0x0  }
0x10e: {  	v39 =	vor.u32 v33, v38  }
0x10f: {  	v34 =	vadd.f32 v37, v34;
	v36 =	vmul.f32 v36, v32;
	v37 =	vor.u32 v1, v35  }
0x110: {  	v40 =	vor.u32 v2, v35;
	v38 =	vor.u32 v16, v35  }
0x111: {  	v34 =	vadd.f32 v36, v34  }
0x112: {  	v36 =	vor.u32 v3, v35  }
0x113: {  	[tilespmem:v39+s17+$0x0] =	vst.idx.msk $0xffff, v34  }
0x114: {  	v34 =	vld.idx.msk [tilespmem:v37+s3+$0x0], $0xffff;
	v37 =	vor.u32 v4, v35  }
0x115: {  	v40 =	vld.idx.msk [tilespmem:v40+s3+$0x0], $0xffff  }
0x116: {  	v42 =	vor.u32 v5, v35  }
0x117: {  	v36 =	vld.idx.msk [tilespmem:v36+s3+$0x0], $0xffff  }
0x118: {  	v46 =	vor.u32 v9, v35  }
.Ltmp0:
0x119: {  	v39 =	vld.idx.msk [tilespmem:v37+s3+$0x0], $0xffff;
	(pc) =	sbr.rel @p0 .LBB2_4-.Ltmp0, $4  }
0x11a: {  	v41 =	vor.u32 v12, v35;
	v37 =	vmov s23;
	v44 =	vmul.f32 v34, v6  }
0x11b: {  	v34 =	vand.u32 $0x3C, v37;
	v37 =	vmul.f32 v40, v7;
	v40 =	vld.idx.msk [tilespmem:v42+s3+$0x0], $0xffff  }
0x11c: {  	v43 =	vor.u32 v14, v35;
	v34 =	vbroadcast v34, $0x0  }
0x11d: {  	v44 =	vadd.f32 v37, v44;
	v45 =	vmul.f32 v36, v8;
	v42 =	vld.idx.msk [tilespmem:v46+s3+$0x0], $0xffff  }
0x11e: {  	_ =	sdelay $0x2  }
0x11f: {  	v37 =	vmul.f32 v39, v10;
	v36 =	vadd.f32 v45, v44  }
0x120: {  	v48 =	vld.idx.msk [tilespmem:v41+s3+$0x0], $0xffff  }
0x121: {  	v49 =	vor.u32 v18, v35;
	v50 =	vmul.f32 v40, v11;
	v36 =	vadd.f32 v37, v36  }
0x122: {  	v51 =	vld.idx.msk [tilespmem:v43+s3+$0x0], $0xffff  }
0x123: {  	v52 =	vor.u32 v20, v35;
	v53 =	vmul.f32 v42, v13;
	v36 =	vadd.f32 v50, v36  }
0x124: {  	v38 =	vld.idx.msk [tilespmem:v38+s3+$0x0], $0xffff  }
0x125: {  	v54 =	vor.u32 v22, v35;
	v55 =	vmul.f32 v48, v15;
	v36 =	vadd.f32 v53, v36  }
0x126: {  	v56 =	vld.idx.msk [tilespmem:v49+s3+$0x0], $0xffff  }
0x127: {  	v57 =	vor.u32 v24, v35;
	v58 =	vmul.f32 v51, v17;
	v36 =	vadd.f32 v55, v36  }
0x128: {  	v59 =	vld.idx.msk [tilespmem:v52+s3+$0x0], $0xffff  }
0x129: {  	v60 =	vor.u32 v25, v35;
	v61 =	vmul.f32 v38, v19;
	v36 =	vadd.f32 v58, v36  }
0x12a: {  	v62 =	vld.idx.msk [tilespmem:v54+s3+$0x0], $0xffff  }
0x12b: {  	v63 =	vor.u32 v27, v35;
	v44 =	vmul.f32 v56, v21;
	v36 =	vadd.f32 v61, v36  }
0x12c: {  	v45 =	vld.idx.msk [tilespmem:v57+s3+$0x0], $0xffff  }
0x12d: {  	v46 =	vor.u32 v29, v35;
	v47 =	vmul.f32 v59, v23;
	v36 =	vadd.f32 v44, v36  }
0x12e: {  	v48 =	vld.idx.msk [tilespmem:v60+s3+$0x0], $0xffff  }
0x12f: {  	v49 =	vmul.f32 v62, v26;
	v36 =	vadd.f32 v47, v36  }
0x130: {  	v50 =	vld.idx.msk [tilespmem:v63+s3+$0x0], $0xffff  }
0x131: {  	v51 =	vmul.f32 v45, v28;
	v36 =	vadd.f32 v49, v36  }
0x132: {  	s24 =	sadd.s32 $0x3, s24;
	v52 =	vld.idx.msk [tilespmem:v46+s3+$0x0], $0xffff  }
0x133: {  	v54 =	vmov s24;
	v53 =	vmul.f32 v48, v30;
	v36 =	vadd.f32 v51, v36  }
0x134: {  	v40 =	vand.u32 $0x3F, v54  }
0x135: {  	v38 =	vbroadcast v40, $0x0;
	v55 =	vmul.f32 v50, v31;
	v36 =	vadd.f32 v53, v36  }
0x136: {  	v56 =	vor.u32 v33, v35  }
0x137: {  	v57 =	vmul.f32 v52, v32;
	v58 =	vor.u32 v1, v38;
	v36 =	vadd.f32 v55, v36  }
0x138: {  	v40 =	vor.u32 v2, v38  }
0x139: {  	v36 =	vadd.f32 v57, v36  }
0x13a: {  	v59 =	vor.u32 v3, v38  }
0x13b: {  	[tilespmem:v56+s17+$0x0] =	vst.idx.msk $0xffff, v36  }
0x13c: {  	v60 =	vor.u32 v4, v38;
	v36 =	vld.idx.msk [tilespmem:v58+s3+$0x0], $0xffff  }
0x13d: {  	v61 =	vld.idx.msk [tilespmem:v40+s3+$0x0], $0xffff  }
0x13e: {  	v62 =	vor.u32 v5, v38  }
0x13f: {  	v37 =	vld.idx.msk [tilespmem:v59+s3+$0x0], $0xffff  }
0x140: {  	v63 =	vor.u32 v9, v38  }
0x141: {  	v35 =	vld.idx.msk [tilespmem:v60+s3+$0x0], $0xffff  }
0x142: {  	v45 =	vor.u32 v12, v38;
	v36 =	vmul.f32 v36, v6;
	v39 =	vmul.f32 v61, v7  }
0x143: {  	v40 =	vld.idx.msk [tilespmem:v62+s3+$0x0], $0xffff  }
0x144: {  	v46 =	vor.u32 v14, v38;
	v37 =	vmul.f32 v37, v8;
	v36 =	vadd.f32 v39, v36  }
0x145: {  	v47 =	vld.idx.msk [tilespmem:v63+s3+$0x0], $0xffff  }
0x146: {  	v48 =	vor.u32 v16, v38;
	v35 =	vmul.f32 v35, v10;
	v36 =	vadd.f32 v37, v36  }
0x147: {  	v49 =	vld.idx.msk [tilespmem:v45+s3+$0x0], $0xffff  }
0x148: {  	v50 =	vor.u32 v18, v38;
	v40 =	vmul.f32 v40, v11;
	v35 =	vadd.f32 v35, v36  }
0x149: {  	v51 =	vld.idx.msk [tilespmem:v46+s3+$0x0], $0xffff  }
0x14a: {  	v52 =	vor.u32 v20, v38;
	v39 =	vmul.f32 v47, v13;
	v35 =	vadd.f32 v40, v35  }
0x14b: {  	v53 =	vld.idx.msk [tilespmem:v48+s3+$0x0], $0xffff  }
0x14c: {  	v54 =	vor.u32 v22, v38;
	v37 =	vmul.f32 v49, v15;
	v35 =	vadd.f32 v39, v35  }
0x14d: {  	v55 =	vld.idx.msk [tilespmem:v50+s3+$0x0], $0xffff  }
0x14e: {  	v56 =	vor.u32 v24, v38;
	v36 =	vmul.f32 v51, v17;
	v35 =	vadd.f32 v37, v35  }
0x14f: {  	v57 =	vld.idx.msk [tilespmem:v52+s3+$0x0], $0xffff  }
0x150: {  	v58 =	vor.u32 v25, v38;
	v40 =	vmul.f32 v53, v19;
	v35 =	vadd.f32 v36, v35  }
0x151: {  	v59 =	vld.idx.msk [tilespmem:v54+s3+$0x0], $0xffff  }
0x152: {  	v60 =	vor.u32 v27, v38;
	v39 =	vmul.f32 v55, v21;
	v35 =	vadd.f32 v40, v35  }
0x153: {  	v61 =	vld.idx.msk [tilespmem:v56+s3+$0x0], $0xffff  }
0x154: {  	v62 =	vor.u32 v29, v38;
	v37 =	vmul.f32 v57, v23;
	v35 =	vadd.f32 v39, v35  }
0x155: {  	v63 =	vld.idx.msk [tilespmem:v58+s3+$0x0], $0xffff  }
0x156: {  	v36 =	vmul.f32 v59, v26;
	v35 =	vadd.f32 v37, v35  }
0x157: {  	v44 =	vld.idx.msk [tilespmem:v60+s3+$0x0], $0xffff  }
0x158: {  	v40 =	vmul.f32 v61, v28;
	v35 =	vadd.f32 v36, v35  }
0x159: {  	v45 =	vld.idx.msk [tilespmem:v62+s3+$0x0], $0xffff  }
0x15a: {  	v39 =	vmul.f32 v63, v30;
	v35 =	vadd.f32 v40, v35;
	_ =	sdelay $0x1  }
0x15b: {  	v37 =	vmul.f32 v44, v31;
	v35 =	vadd.f32 v39, v35  }
0x15c: {  	v38 =	vor.u32 v33, v38  }
0x15d: {  	v46 =	vor.u32 v1, v34;
	v36 =	vmul.f32 v45, v32;
	v35 =	vadd.f32 v37, v35  }
0x15e: {  	v47 =	vor.u32 v2, v34  }
0x15f: {  	v35 =	vadd.f32 v36, v35  }
0x160: {  	v48 =	vor.u32 v3, v34  }
0x161: {  	[tilespmem:v38+s17+$0x0] =	vst.idx.msk $0xffff, v35  }
0x162: {  	v49 =	vor.u32 v4, v34;
	v35 =	vld.idx.msk [tilespmem:v46+s3+$0x0], $0xffff  }
0x163: {  	v37 =	vld.idx.msk [tilespmem:v47+s3+$0x0], $0xffff  }
0x164: {  	v50 =	vor.u32 v5, v34  }
0x165: {  	v36 =	vld.idx.msk [tilespmem:v48+s3+$0x0], $0xffff  }
0x166: {  	v51 =	vor.u32 v9, v34  }
0x167: {  	v38 =	vld.idx.msk [tilespmem:v49+s3+$0x0], $0xffff  }
0x168: {  	v52 =	vor.u32 v12, v34;
	v35 =	vmul.f32 v35, v6;
	v37 =	vmul.f32 v37, v7  }
0x169: {  	v39 =	vld.idx.msk [tilespmem:v50+s3+$0x0], $0xffff  }
0x16a: {  	v53 =	vor.u32 v14, v34;
	v36 =	vmul.f32 v36, v8;
	v35 =	vadd.f32 v37, v35  }
0x16b: {  	v54 =	vld.idx.msk [tilespmem:v51+s3+$0x0], $0xffff  }
0x16c: {  	v55 =	vor.u32 v16, v34;
	v56 =	vmul.f32 v38, v10;
	v35 =	vadd.f32 v36, v35  }
0x16d: {  	v57 =	vld.idx.msk [tilespmem:v52+s3+$0x0], $0xffff  }
0x16e: {  	v58 =	vor.u32 v18, v34;
	v59 =	vmul.f32 v39, v11;
	v35 =	vadd.f32 v56, v35  }
0x16f: {  	v60 =	vld.idx.msk [tilespmem:v53+s3+$0x0], $0xffff  }
0x170: {  	v61 =	vor.u32 v20, v34;
	v62 =	vmul.f32 v54, v13;
	v35 =	vadd.f32 v59, v35  }
0x171: {  	v63 =	vld.idx.msk [tilespmem:v55+s3+$0x0], $0xffff  }
0x172: {  	v45 =	vor.u32 v22, v34;
	v46 =	vmul.f32 v57, v15;
	v35 =	vadd.f32 v62, v35  }
0x173: {  	v47 =	vld.idx.msk [tilespmem:v58+s3+$0x0], $0xffff  }
0x174: {  	v48 =	vor.u32 v24, v34;
	v49 =	vmul.f32 v60, v17;
	v35 =	vadd.f32 v46, v35  }
0x175: {  	v50 =	vld.idx.msk [tilespmem:v61+s3+$0x0], $0xffff  }
0x176: {  	v51 =	vor.u32 v25, v34;
	v52 =	vmul.f32 v63, v19;
	v35 =	vadd.f32 v49, v35  }
0x177: {  	v53 =	vld.idx.msk [tilespmem:v45+s3+$0x0], $0xffff  }
0x178: {  	v54 =	vor.u32 v27, v34;
	v55 =	vmul.f32 v47, v21;
	v35 =	vadd.f32 v52, v35  }
0x179: {  	v56 =	vld.idx.msk [tilespmem:v48+s3+$0x0], $0xffff  }
0x17a: {  	v57 =	vor.u32 v29, v34;
	v58 =	vmul.f32 v50, v23;
	v35 =	vadd.f32 v55, v35  }
0x17b: {  	v59 =	vld.idx.msk [tilespmem:v51+s3+$0x0], $0xffff  }
0x17c: {  	v60 =	vmul.f32 v53, v26;
	v35 =	vadd.f32 v58, v35  }
0x17d: {  	v61 =	vld.idx.msk [tilespmem:v54+s3+$0x0], $0xffff  }
0x17e: {  	v62 =	vmul.f32 v56, v28;
	v35 =	vadd.f32 v60, v35  }
0x17f: {  	s29 =	sadd.s32 $0x1, s23;
	v63 =	vld.idx.msk [tilespmem:v57+s3+$0x0], $0xffff  }
0x180: {  	v43 =	vmov s29;
	v42 =	vmul.f32 v59, v30;
	v35 =	vadd.f32 v62, v35  }
0x181: {  	v39 =	vand.u32 $0x3D, v43  }
0x182: {  	v37 =	vbroadcast v39, $0x0;
	v44 =	vmul.f32 v61, v31;
	v35 =	vadd.f32 v42, v35  }
0x183: {  	v45 =	vor.u32 v33, v34  }
0x184: {  	v47 =	vor.u32 v1, v37;
	v46 =	vmul.f32 v63, v32;
	v35 =	vadd.f32 v44, v35  }
0x185: {  	v39 =	vor.u32 v2, v37  }
0x186: {  	v35 =	vadd.f32 v46, v35  }
0x187: {  	v48 =	vor.u32 v3, v37  }
0x188: {  	[tilespmem:v45+s17+$0x0] =	vst.idx.msk $0xffff, v35  }
0x189: {  	v49 =	vor.u32 v4, v37;
	v34 =	vld.idx.msk [tilespmem:v47+s3+$0x0], $0xffff  }
0x18a: {  	v50 =	vld.idx.msk [tilespmem:v39+s3+$0x0], $0xffff  }
0x18b: {  	v51 =	vor.u32 v5, v37  }
0x18c: {  	v36 =	vld.idx.msk [tilespmem:v48+s3+$0x0], $0xffff  }
0x18d: {  	v52 =	vor.u32 v9, v37  }
0x18e: {  	v35 =	vld.idx.msk [tilespmem:v49+s3+$0x0], $0xffff  }
0x18f: {  	v53 =	vor.u32 v12, v37;
	v34 =	vmul.f32 v34, v6;
	v38 =	vmul.f32 v50, v7  }
0x190: {  	v39 =	vld.idx.msk [tilespmem:v51+s3+$0x0], $0xffff  }
0x191: {  	v54 =	vor.u32 v14, v37;
	v36 =	vmul.f32 v36, v8;
	v34 =	vadd.f32 v38, v34  }
0x192: {  	v55 =	vld.idx.msk [tilespmem:v52+s3+$0x0], $0xffff  }
0x193: {  	v56 =	vor.u32 v16, v37;
	v35 =	vmul.f32 v35, v10;
	v34 =	vadd.f32 v36, v34  }
0x194: {  	v57 =	vld.idx.msk [tilespmem:v53+s3+$0x0], $0xffff  }
0x195: {  	v58 =	vor.u32 v18, v37;
	v59 =	vmul.f32 v39, v11;
	v34 =	vadd.f32 v35, v34  }
0x196: {  	v60 =	vld.idx.msk [tilespmem:v54+s3+$0x0], $0xffff  }
0x197: {  	v61 =	vor.u32 v20, v37;
	v62 =	vmul.f32 v55, v13;
	v34 =	vadd.f32 v59, v34  }
0x198: {  	v63 =	vld.idx.msk [tilespmem:v56+s3+$0x0], $0xffff  }
0x199: {  	v45 =	vor.u32 v22, v37;
	v46 =	vmul.f32 v57, v15;
	v34 =	vadd.f32 v62, v34  }
0x19a: {  	v47 =	vld.idx.msk [tilespmem:v58+s3+$0x0], $0xffff  }
0x19b: {  	v48 =	vor.u32 v24, v37;
	v49 =	vmul.f32 v60, v17;
	v34 =	vadd.f32 v46, v34  }
0x19c: {  	v50 =	vld.idx.msk [tilespmem:v61+s3+$0x0], $0xffff  }
0x19d: {  	v51 =	vor.u32 v25, v37;
	v52 =	vmul.f32 v63, v19;
	v34 =	vadd.f32 v49, v34  }
0x19e: {  	v53 =	vld.idx.msk [tilespmem:v45+s3+$0x0], $0xffff  }
0x19f: {  	v54 =	vor.u32 v27, v37;
	v55 =	vmul.f32 v47, v21;
	v34 =	vadd.f32 v52, v34  }
0x1a0: {  	v56 =	vld.idx.msk [tilespmem:v48+s3+$0x0], $0xffff  }
0x1a1: {  	v57 =	vor.u32 v29, v37;
	v58 =	vmul.f32 v50, v23;
	v34 =	vadd.f32 v55, v34  }
0x1a2: {  	v59 =	vld.idx.msk [tilespmem:v51+s3+$0x0], $0xffff  }
0x1a3: {  	v60 =	vmul.f32 v53, v26;
	v34 =	vadd.f32 v58, v34  }
0x1a4: {  	v61 =	vld.idx.msk [tilespmem:v54+s3+$0x0], $0xffff  }
0x1a5: {  	v62 =	vmul.f32 v56, v28;
	v34 =	vadd.f32 v60, v34  }
0x1a6: {  	s30 =	sadd.s32 $0x2, s23;
	v63 =	vld.idx.msk [tilespmem:v57+s3+$0x0], $0xffff  }
0x1a7: {  	v43 =	vmov s30;
	v42 =	vmul.f32 v59, v30;
	v34 =	vadd.f32 v62, v34  }
0x1a8: {  	v39 =	vand.u32 $0x3E, v43  }
0x1a9: {  	v38 =	vbroadcast v39, $0x0;
	v44 =	vmul.f32 v61, v31;
	v34 =	vadd.f32 v42, v34  }
0x1aa: {  	v37 =	vor.u32 v33, v37  }
0x1ab: {  	v45 =	vmul.f32 v63, v32;
	v46 =	vor.u32 v1, v38;
	v34 =	vadd.f32 v44, v34  }
0x1ac: {  	v39 =	vor.u32 v2, v38  }
0x1ad: {  	v34 =	vadd.f32 v45, v34  }
0x1ae: {  	v47 =	vor.u32 v3, v38  }
0x1af: {  	[tilespmem:v37+s17+$0x0] =	vst.idx.msk $0xffff, v34  }
0x1b0: {  	v48 =	vor.u32 v4, v38;
	v34 =	vld.idx.msk [tilespmem:v46+s3+$0x0], $0xffff  }
0x1b1: {  	v37 =	vld.idx.msk [tilespmem:v39+s3+$0x0], $0xffff  }
0x1b2: {  	v49 =	vor.u32 v5, v38  }
0x1b3: {  	v35 =	vld.idx.msk [tilespmem:v47+s3+$0x0], $0xffff  }
0x1b4: {  	v50 =	vor.u32 v9, v38  }
0x1b5: {  	v36 =	vld.idx.msk [tilespmem:v48+s3+$0x0], $0xffff  }
0x1b6: {  	v51 =	vor.u32 v12, v38;
	v34 =	vmul.f32 v34, v6;
	v37 =	vmul.f32 v37, v7  }
0x1b7: {  	v39 =	vld.idx.msk [tilespmem:v49+s3+$0x0], $0xffff  }
0x1b8: {  	v52 =	vor.u32 v14, v38;
	v35 =	vmul.f32 v35, v8;
	v34 =	vadd.f32 v37, v34  }
0x1b9: {  	v53 =	vld.idx.msk [tilespmem:v50+s3+$0x0], $0xffff  }
0x1ba: {  	v54 =	vor.u32 v16, v38;
	v55 =	vmul.f32 v36, v10;
	v34 =	vadd.f32 v35, v34  }
0x1bb: {  	v56 =	vld.idx.msk [tilespmem:v51+s3+$0x0], $0xffff  }
0x1bc: {  	v57 =	vor.u32 v18, v38;
	v58 =	vmul.f32 v39, v11;
	v34 =	vadd.f32 v55, v34  }
0x1bd: {  	v59 =	vld.idx.msk [tilespmem:v52+s3+$0x0], $0xffff  }
0x1be: {  	v60 =	vor.u32 v20, v38;
	v61 =	vmul.f32 v53, v13;
	v34 =	vadd.f32 v58, v34  }
0x1bf: {  	v62 =	vld.idx.msk [tilespmem:v54+s3+$0x0], $0xffff  }
0x1c0: {  	v63 =	vor.u32 v22, v38;
	v45 =	vmul.f32 v56, v15;
	v34 =	vadd.f32 v61, v34  }
0x1c1: {  	v46 =	vld.idx.msk [tilespmem:v57+s3+$0x0], $0xffff  }
0x1c2: {  	v47 =	vor.u32 v24, v38;
	v48 =	vmul.f32 v59, v17;
	v34 =	vadd.f32 v45, v34  }
0x1c3: {  	v49 =	vld.idx.msk [tilespmem:v60+s3+$0x0], $0xffff  }
0x1c4: {  	v50 =	vor.u32 v25, v38;
	v51 =	vmul.f32 v62, v19;
	v34 =	vadd.f32 v48, v34  }
0x1c5: {  	v52 =	vld.idx.msk [tilespmem:v63+s3+$0x0], $0xffff  }
0x1c6: {  	v53 =	vor.u32 v27, v38;
	v54 =	vmul.f32 v46, v21;
	v34 =	vadd.f32 v51, v34  }
0x1c7: {  	v55 =	vld.idx.msk [tilespmem:v47+s3+$0x0], $0xffff  }
0x1c8: {  	v56 =	vor.u32 v29, v38;
	v57 =	vmul.f32 v49, v23;
	v34 =	vadd.f32 v54, v34  }
0x1c9: {  	v58 =	vld.idx.msk [tilespmem:v50+s3+$0x0], $0xffff  }
0x1ca: {  	v59 =	vmul.f32 v52, v26;
	v34 =	vadd.f32 v57, v34  }
0x1cb: {  	v60 =	vld.idx.msk [tilespmem:v53+s3+$0x0], $0xffff  }
0x1cc: {  	v61 =	vmul.f32 v55, v28;
	v34 =	vadd.f32 v59, v34  }
0x1cd: {  	s31 =	sadd.s32 $0x3, s23;
	v62 =	vld.idx.msk [tilespmem:v56+s3+$0x0], $0xffff  }
0x1ce: {  	v42 =	vmov s31;
	v63 =	vmul.f32 v58, v30;
	v34 =	vadd.f32 v61, v34  }
0x1cf: {  	v39 =	vand.u32 $0x3F, v42  }
0x1d0: {  	v44 =	vbroadcast v39, $0x0;
	v43 =	vmul.f32 v60, v31;
	v34 =	vadd.f32 v63, v34  }
0x1d1: {  	v38 =	vor.u32 v33, v38  }
0x1d2: {  	v1 =	vor.u32 v1, v44;
	v45 =	vmul.f32 v62, v32;
	v34 =	vadd.f32 v43, v34  }
0x1d3: {  	v2 =	vor.u32 v2, v44  }
0x1d4: {  	v34 =	vadd.f32 v45, v34  }
0x1d5: {  	v3 =	vor.u32 v3, v44  }
0x1d6: {  	[tilespmem:v38+s17+$0x0] =	vst.idx.msk $0xffff, v34  }
0x1d7: {  	v46 =	vor.u32 v4, v44;
	v1 =	vld.idx.msk [tilespmem:v1+s3+$0x0], $0xffff  }
0x1d8: {  	v2 =	vld.idx.msk [tilespmem:v2+s3+$0x0], $0xffff  }
0x1d9: {  	v47 =	vor.u32 v5, v44  }
0x1da: {  	v3 =	vld.idx.msk [tilespmem:v3+s3+$0x0], $0xffff  }
0x1db: {  	v48 =	vor.u32 v9, v44  }
0x1dc: {  	v4 =	vld.idx.msk [tilespmem:v46+s3+$0x0], $0xffff  }
0x1dd: {  	v49 =	vor.u32 v12, v44;
	v1 =	vmul.f32 v1, v6;
	v2 =	vmul.f32 v2, v7  }
0x1de: {  	v5 =	vld.idx.msk [tilespmem:v47+s3+$0x0], $0xffff  }
0x1df: {  	v50 =	vor.u32 v14, v44;
	v3 =	vmul.f32 v3, v8;
	v1 =	vadd.f32 v2, v1  }
0x1e0: {  	v2 =	vld.idx.msk [tilespmem:v48+s3+$0x0], $0xffff  }
0x1e1: {  	v51 =	vor.u32 v16, v44;
	v4 =	vmul.f32 v4, v10;
	v1 =	vadd.f32 v3, v1  }
0x1e2: {  	v3 =	vld.idx.msk [tilespmem:v49+s3+$0x0], $0xffff  }
0x1e3: {  	v52 =	vor.u32 v18, v44;
	v5 =	vmul.f32 v5, v11;
	v1 =	vadd.f32 v4, v1  }
0x1e4: {  	v53 =	vld.idx.msk [tilespmem:v50+s3+$0x0], $0xffff  }
0x1e5: {  	v54 =	vor.u32 v20, v44;
	v2 =	vmul.f32 v2, v13;
	v1 =	vadd.f32 v5, v1  }
0x1e6: {  	v55 =	vld.idx.msk [tilespmem:v51+s3+$0x0], $0xffff  }
0x1e7: {  	v56 =	vor.u32 v22, v44;
	v3 =	vmul.f32 v3, v15;
	v1 =	vadd.f32 v2, v1  }
0x1e8: {  	v2 =	vld.idx.msk [tilespmem:v52+s3+$0x0], $0xffff  }
0x1e9: {  	v57 =	vor.u32 v24, v44;
	v4 =	vmul.f32 v53, v17;
	v1 =	vadd.f32 v3, v1  }
0x1ea: {  	v3 =	vld.idx.msk [tilespmem:v54+s3+$0x0], $0xffff  }
0x1eb: {  	v58 =	vor.u32 v25, v44;
	v5 =	vmul.f32 v55, v19;
	v1 =	vadd.f32 v4, v1  }
0x1ec: {  	v59 =	vld.idx.msk [tilespmem:v56+s3+$0x0], $0xffff  }
0x1ed: {  	v60 =	vor.u32 v27, v44;
	v2 =	vmul.f32 v2, v21;
	v1 =	vadd.f32 v5, v1  }
0x1ee: {  	v61 =	vld.idx.msk [tilespmem:v57+s3+$0x0], $0xffff  }
0x1ef: {  	v62 =	vor.u32 v29, v44;
	v3 =	vmul.f32 v3, v23;
	v1 =	vadd.f32 v2, v1  }
0x1f0: {  	v2 =	vld.idx.msk [tilespmem:v58+s3+$0x0], $0xffff  }
0x1f1: {  	v4 =	vmul.f32 v59, v26;
	v1 =	vadd.f32 v3, v1  }
0x1f2: {  	v3 =	vld.idx.msk [tilespmem:v60+s3+$0x0], $0xffff  }
0x1f3: {  	v5 =	vmul.f32 v61, v28;
	v1 =	vadd.f32 v4, v1  }
0x1f4: {  	v63 =	vld.idx.msk [tilespmem:v62+s3+$0x0], $0xffff  }
0x1f5: {  	v2 =	vmul.f32 v2, v30;
	v1 =	vadd.f32 v5, v1;
	_ =	sdelay $0x1  }
0x1f6: {  	s22 =	sadd.s32 $0x1, s22;
	v3 =	vmul.f32 v3, v31;
	v1 =	vadd.f32 v2, v1  }
0x1f7: {  	p0 =	sne.s32 s22, $0x8;
	v2 =	vor.u32 v33, v44  }
.Ltmp1:
0x1f8: {  	v4 =	vmul.f32 v63, v32;
	v1 =	vadd.f32 v3, v1;
	(pc) =	sbr.rel @p0 .LBB2_3-.Ltmp1, $3  }
0x1f9: {  	_ = 	snop  }
0x1fa: {  	v1 =	vadd.f32 v4, v1;
	_ =	sdelay $0x1  }
0x1fb: {  	[tilespmem:v2+s17+$0x0] =	vst.idx.msk $0xffff, v1  }
0x1fc: {  	s19 =	sshll.u32 s19, $0xB  }
0x1fd: {  	s21 =	simm.s32 $0x0;
	s22 =	sadd.s32 s1, s19  }
0x1fe: {  	[hbm4b:s22+s21] =	stream.linear.scatter [tilespmem:s17], [sflag:$0x1], $0x2000, $0x38;
	[tilespmem:$0x13A00] =	vst v63  }
0x1ff: {  	_ =	swait.ge [sflag:s14], $0x2000  }
0x200: {  	[sflag:s14] =	ssyncset.done $0x0  }
0x201: {  	s22 =	simm.s32 $0x0;
	[sflag:s14] =	ssyncadd.s32 $0xFFFFE000  }
.LBB2_7:
0x202: {  	s23 =	sshll.u32 s22, $0x4  }
0x203: {  	v1 =	vld [tilespmem:s23+$0xFA80]  }
0x204: {  	v6 =	vld [tilespmem:s23+$0x10A80]  }
0x205: {  	v2 =	vld [tilespmem:s23+$0xFB80]  }
0x206: {  	v7 =	vld [tilespmem:s23+$0x10B80]  }
0x207: {  	v3 =	vld [tilespmem:s23+$0xFC80]  }
0x208: {  	v8 =	vld [tilespmem:s23+$0x10C80]  }
0x209: {  	v4 =	vld [tilespmem:s23+$0xFD80]  }
0x20a: {  	v10 =	vld [tilespmem:s23+$0x10D80]  }
0x20b: {  	v5 =	vld [tilespmem:s23+$0xFE80]  }
0x20c: {  	v11 =	vld [tilespmem:s23+$0x10E80]  }
0x20d: {  	v12 =	vmov s21;
	v9 =	vld [tilespmem:s23+$0xFF80]  }
0x20e: {  	v13 =	vld [tilespmem:s23+$0x10F80];
	v12 =	vand.u32 $0x3C, v12  }
0x20f: {  	v14 =	vld [tilespmem:s23+$0x10080];
	v34 =	vbroadcast v12, $0x0  }
0x210: {  	v15 =	vld [tilespmem:s23+$0x11080];
	v1 =	vshll.u32 v1, $0x6  }
0x211: {  	v16 =	vld [tilespmem:s23+$0x10180];
	v2 =	vshll.u32 v2, $0x6;
	v12 =	vor.u32 v1, v34  }
0x212: {  	v17 =	vld [tilespmem:s23+$0x11180];
	v18 =	vor.u32 v2, v34  }
0x213: {  	v19 =	vld [tilespmem:s23+$0x10280];
	v3 =	vshll.u32 v3, $0x6  }
0x214: {  	v21 =	vld [tilespmem:s23+$0x11280];
	v20 =	vor.u32 v3, v34  }
0x215: {  	v22 =	vld [tilespmem:s23+$0x10380];
	v4 =	vshll.u32 v4, $0x6  }
0x216: {  	v24 =	vor.u32 v4, v34;
	v23 =	vld.idx.msk [tilespmem:v12+s3+$0x0], $0xffff  }
0x217: {  	v5 =	vshll.u32 v5, $0x6;
	v18 =	vld.idx.msk [tilespmem:v18+s3+$0x0], $0xffff  }
0x218: {  	v25 =	vld [tilespmem:s23+$0x11380];
	v26 =	vor.u32 v5, v34  }
0x219: {  	v9 =	vshll.u32 v9, $0x6;
	v6 =	vmul.f32 $6.250000000e-02, v6;
	v20 =	vld.idx.msk [tilespmem:v20+s3+$0x0], $0xffff  }
0x21a: {  	v27 =	vld [tilespmem:s23+$0x10480];
	v7 =	vmul.f32 $6.250000000e-02, v7;
	v28 =	vor.u32 v9, v34;
	v12 =	vshll.u32 v14, $0x6  }
0x21b: {  	v8 =	vmul.f32 $6.250000000e-02, v8;
	v24 =	vld.idx.msk [tilespmem:v24+s3+$0x0], $0xffff;
	v30 =	vor.u32 v12, v34  }
0x21c: {  	v29 =	vld [tilespmem:s23+$0x11480];
	v14 =	vshll.u32 v16, $0x6;
	v23 =	vmul.f32 v23, v6;
	v18 =	vmul.f32 v18, v7  }
0x21d: {  	v10 =	vmul.f32 $6.250000000e-02, v10;
	v26 =	vld.idx.msk [tilespmem:v26+s3+$0x0], $0xffff;
	v32 =	vor.u32 v14, v34  }
0x21e: {  	v31 =	vld [tilespmem:s23+$0x10580];
	v16 =	vshll.u32 v19, $0x6;
	v20 =	vmul.f32 v20, v8;
	v18 =	vadd.f32 v18, v23  }
0x21f: {  	v19 =	vld.idx.msk [tilespmem:v28+s3+$0x0], $0xffff;
	v23 =	vor.u32 v16, v34  }
0x220: {  	v11 =	vmul.f32 $6.250000000e-02, v11;
	v24 =	vmul.f32 v24, v10;
	v30 =	vld.idx.msk [tilespmem:v30+s3+$0x0], $0xffff;
	v20 =	vadd.f32 v20, v18  }
0x221: {  	v33 =	vld [tilespmem:s23+$0x10680];
	v13 =	vmul.f32 $6.250000000e-02, v13;
	v18 =	vshll.u32 v22, $0x6  }
0x222: {  	v35 =	vor.u32 v18, v34;
	v22 =	vadd.f32 v24, v20;
	v24 =	vmul.f32 v26, v11;
	v26 =	vld.idx.msk [tilespmem:v32+s3+$0x0], $0xffff  }
0x223: {  	v15 =	vmul.f32 $6.250000000e-02, v15;
	v20 =	vshll.u32 v27, $0x6;
	v27 =	vld [tilespmem:s23+$0x10780]  }
0x224: {  	v19 =	vmul.f32 v19, v13;
	v59 =	vor.u32 v20, v34;
	v23 =	vld.idx.msk [tilespmem:v23+s3+$0x0], $0xffff;
	v24 =	vadd.f32 v24, v22  }
0x225: {  	v17 =	vmul.f32 $6.250000000e-02, v17;
	v30 =	vmul.f32 v30, v15;
	v22 =	vshll.u32 v31, $0x6;
	v31 =	vld [tilespmem:s23+$0x10880]  }
0x226: {  	v61 =	vld [tilespmem:s23+$0x10980];
	v36 =	vor.u32 v22, v34;
	v37 =	vadd.f32 v19, v24;
	v24 =	vshll.u32 v33, $0x6  }
0x227: {  	v19 =	vmul.f32 $6.250000000e-02, v21;
	v60 =	vld.idx.msk [tilespmem:v35+s3+$0x0], $0xffff;
	v21 =	vmul.f32 $6.250000000e-02, v25;
	v38 =	vor.u32 v24, v34  }
0x228: {  	v28 =	vld [tilespmem:s23+$0x11580];
	v26 =	vmul.f32 v26, v17;
	v25 =	vshll.u32 v27, $0x6;
	v30 =	vadd.f32 v30, v37  }
0x229: {  	v32 =	vld.idx.msk [tilespmem:v59+s3+$0x0], $0xffff;
	v39 =	vor.u32 v25, v34  }
0x22a: {  	v62 =	vld [tilespmem:s23+$0x11680];
	v27 =	vshll.u32 v31, $0x6;
	v26 =	vadd.f32 v26, v30;
	v30 =	vmul.f32 v23, v19  }
0x22b: {  	v23 =	vmul.f32 $6.250000000e-02, v29;
	v31 =	vld.idx.msk [tilespmem:v36+s3+$0x0], $0xffff;
	v40 =	vor.u32 v27, v34  }
0x22c: {  	v63 =	vld [tilespmem:s23+$0x11780];
	v29 =	vshll.u32 v61, $0x6;
	v33 =	vmul.f32 v60, v21;
	v30 =	vadd.f32 v30, v26  }
0x22d: {  	v41 =	vor.u32 v29, v34;
	v44 =	vld.idx.msk [tilespmem:v38+s3+$0x0], $0xffff  }
0x22e: {  	v45 =	vld [tilespmem:s23+$0x11880];
	v26 =	vmul.f32 $6.250000000e-02, v28;
	v32 =	vmul.f32 v32, v23;
	v30 =	vadd.f32 v33, v30  }
0x22f: {  	v46 =	vld.idx.msk [tilespmem:v39+s3+$0x0], $0xffff  }
0x230: {  	s30 =	simm.s32 $0x1;
	v47 =	vld [tilespmem:s23+$0x11980];
	v28 =	vmul.f32 $6.250000000e-02, v62;
	v31 =	vmul.f32 v31, v26;
	v32 =	vadd.f32 v32, v30  }
0x231: {  	v49 =	vmov s23;
	v53 =	vmov s30;
	v48 =	vld.idx.msk [tilespmem:v40+s3+$0x0], $0xffff  }
0x232: {  	v30 =	vmul.f32 $6.250000000e-02, v63;
	v35 =	vmul.f32 v44, v28;
	v32 =	vadd.f32 v31, v32  }
0x233: {  	v50 =	vshll.u32 v49, $0x6;
	v54 =	vand.u32 $0x3D, v53;
	v51 =	vld.idx.msk [tilespmem:v41+s3+$0x0], $0xffff  }
0x234: {  	v31 =	vmul.f32 $6.250000000e-02, v45;
	v52 =	vmul.f32 v46, v30;
	v35 =	vadd.f32 v35, v32  }
0x235: {  	v37 =	vbroadcast v54, $0x0;
	v33 =	vor.u32 v0, v50  }
0x236: {  	v32 =	vmul.f32 $6.250000000e-02, v47;
	v36 =	vmul.f32 v48, v31;
	v35 =	vadd.f32 v52, v35  }
0x237: {  	v34 =	vor.u32 v33, v34  }
0x238: {  	v56 =	vor.u32 v1, v37;
	v55 =	vmul.f32 v51, v32;
	v35 =	vadd.f32 v36, v35  }
0x239: {  	v57 =	vor.u32 v2, v37  }
0x23a: {  	v35 =	vadd.f32 v55, v35  }
0x23b: {  	v58 =	vor.u32 v3, v37  }
0x23c: {  	[tilespmem:v34+s17+$0x0] =	vst.idx.msk $0xffff, v35  }
0x23d: {  	v59 =	vor.u32 v4, v37;
	v34 =	vld.idx.msk [tilespmem:v56+s3+$0x0], $0xffff  }
0x23e: {  	v60 =	vld.idx.msk [tilespmem:v57+s3+$0x0], $0xffff  }
0x23f: {  	v61 =	vor.u32 v5, v37  }
0x240: {  	v36 =	vld.idx.msk [tilespmem:v58+s3+$0x0], $0xffff  }
0x241: {  	v62 =	vor.u32 v9, v37  }
0x242: {  	v35 =	vld.idx.msk [tilespmem:v59+s3+$0x0], $0xffff  }
0x243: {  	v63 =	vor.u32 v12, v37;
	v34 =	vmul.f32 v34, v6;
	v38 =	vmul.f32 v60, v7  }
0x244: {  	v39 =	vld.idx.msk [tilespmem:v61+s3+$0x0], $0xffff  }
0x245: {  	v42 =	vor.u32 v14, v37;
	v36 =	vmul.f32 v36, v8;
	v34 =	vadd.f32 v38, v34  }
0x246: {  	v45 =	vld.idx.msk [tilespmem:v62+s3+$0x0], $0xffff  }
0x247: {  	v46 =	vor.u32 v16, v37;
	v35 =	vmul.f32 v35, v10;
	v34 =	vadd.f32 v36, v34  }
0x248: {  	v47 =	vld.idx.msk [tilespmem:v63+s3+$0x0], $0xffff  }
0x249: {  	v48 =	vor.u32 v18, v37;
	v49 =	vmul.f32 v39, v11;
	v34 =	vadd.f32 v35, v34  }
0x24a: {  	v50 =	vld.idx.msk [tilespmem:v42+s3+$0x0], $0xffff  }
0x24b: {  	v51 =	vor.u32 v20, v37;
	v52 =	vmul.f32 v45, v13;
	v34 =	vadd.f32 v49, v34  }
0x24c: {  	v53 =	vld.idx.msk [tilespmem:v46+s3+$0x0], $0xffff  }
0x24d: {  	v54 =	vor.u32 v22, v37;
	v55 =	vmul.f32 v47, v15;
	v34 =	vadd.f32 v52, v34  }
0x24e: {  	v56 =	vld.idx.msk [tilespmem:v48+s3+$0x0], $0xffff  }
0x24f: {  	v57 =	vor.u32 v24, v37;
	v58 =	vmul.f32 v50, v17;
	v34 =	vadd.f32 v55, v34  }
0x250: {  	v59 =	vld.idx.msk [tilespmem:v51+s3+$0x0], $0xffff  }
0x251: {  	v60 =	vor.u32 v25, v37;
	v61 =	vmul.f32 v53, v19;
	v34 =	vadd.f32 v58, v34  }
0x252: {  	v62 =	vld.idx.msk [tilespmem:v54+s3+$0x0], $0xffff  }
0x253: {  	v63 =	vor.u32 v27, v37;
	v44 =	vmul.f32 v56, v21;
	v34 =	vadd.f32 v61, v34  }
0x254: {  	v45 =	vld.idx.msk [tilespmem:v57+s3+$0x0], $0xffff  }
0x255: {  	v46 =	vor.u32 v29, v37;
	v47 =	vmul.f32 v59, v23;
	v34 =	vadd.f32 v44, v34  }
0x256: {  	v48 =	vld.idx.msk [tilespmem:v60+s3+$0x0], $0xffff  }
0x257: {  	v49 =	vmul.f32 v62, v26;
	v34 =	vadd.f32 v47, v34  }
0x258: {  	v50 =	vld.idx.msk [tilespmem:v63+s3+$0x0], $0xffff  }
0x259: {  	v51 =	vmul.f32 v45, v28;
	v34 =	vadd.f32 v49, v34  }
0x25a: {  	s31 =	simm.s32 $0x2;
	v52 =	vld.idx.msk [tilespmem:v46+s3+$0x0], $0xffff  }
0x25b: {  	v54 =	vmov s31;
	v53 =	vmul.f32 v48, v30;
	v34 =	vadd.f32 v51, v34  }
0x25c: {  	v39 =	vand.u32 $0x3E, v54  }
0x25d: {  	v38 =	vmul.f32 v50, v31;
	v35 =	vbroadcast v39, $0x0;
	v34 =	vadd.f32 v53, v34  }
0x25e: {  	v37 =	vor.u32 v33, v37  }
0x25f: {  	v55 =	vor.u32 v1, v35;
	v36 =	vmul.f32 v52, v32;
	v34 =	vadd.f32 v38, v34  }
0x260: {  	v39 =	vor.u32 v2, v35  }
0x261: {  	v34 =	vadd.f32 v36, v34  }
0x262: {  	v56 =	vor.u32 v3, v35  }
0x263: {  	[tilespmem:v37+s17+$0x0] =	vst.idx.msk $0xffff, v34  }
0x264: {  	v57 =	vor.u32 v4, v35;
	v34 =	vld.idx.msk [tilespmem:v55+s3+$0x0], $0xffff  }
0x265: {  	v58 =	vld.idx.msk [tilespmem:v39+s3+$0x0], $0xffff  }
0x266: {  	v59 =	vor.u32 v5, v35  }
0x267: {  	v60 =	vor.u32 v9, v35;
	v36 =	vld.idx.msk [tilespmem:v56+s3+$0x0], $0xffff  }
0x268: {  	s23 =	simm.s32 $0x4  }
0x269: {  	v41 =	vor.u32 v12, v35;
	v61 =	vmov s23;
	v39 =	vld.idx.msk [tilespmem:v57+s3+$0x0], $0xffff  }
0x26a: {  	v63 =	vand.u32 $0x3C, v61;
	v62 =	vmul.f32 v34, v6;
	v44 =	vmul.f32 v58, v7  }
0x26b: {  	v43 =	vor.u32 v14, v35;
	v40 =	vld.idx.msk [tilespmem:v59+s3+$0x0], $0xffff;
	v34 =	vbroadcast v63, $0x0  }
0x26c: {  	s25 =	simm.s32 $0x8;
	s24 =	simm.s32 $0x0;
	v38 =	vor.u32 v16, v35;
	v42 =	vld.idx.msk [tilespmem:v60+s3+$0x0], $0xffff;
	v45 =	vmul.f32 v36, v8;
	v44 =	vadd.f32 v44, v62  }
.LBB2_8:
0x26d: {  	p0 =	sne.s32 s25, $0x3C;
	v37 =	vor.u32 v1, v34;
	v36 =	vor.u32 v2, v34;
	s26 =	smov.u32 s25;
	s25 =	sadd.s32 $0x4, s25  }
0x26e: {  	v39 =	vmul.f32 v39, v10;
	v44 =	vadd.f32 v45, v44;
	v41 =	vld.idx.msk [tilespmem:v41+s3+$0x0], $0xffff  }
0x26f: {  	v45 =	vor.u32 v18, v35  }
0x270: {  	v40 =	vmul.f32 v40, v11;
	v39 =	vadd.f32 v39, v44;
	v43 =	vld.idx.msk [tilespmem:v43+s3+$0x0], $0xffff  }
0x271: {  	v44 =	vor.u32 v20, v35  }
0x272: {  	v39 =	vadd.f32 v40, v39;
	v40 =	vmul.f32 v42, v13;
	v38 =	vld.idx.msk [tilespmem:v38+s3+$0x0], $0xffff  }
0x273: {  	v42 =	vor.u32 v22, v35  }
0x274: {  	v39 =	vadd.f32 v40, v39;
	v40 =	vmul.f32 v41, v15;
	v41 =	vld.idx.msk [tilespmem:v45+s3+$0x0], $0xffff  }
0x275: {  	v45 =	vor.u32 v24, v35  }
0x276: {  	v39 =	vadd.f32 v40, v39;
	v40 =	vmul.f32 v43, v17;
	v43 =	vld.idx.msk [tilespmem:v44+s3+$0x0], $0xffff  }
0x277: {  	v44 =	vor.u32 v25, v35  }
0x278: {  	v38 =	vmul.f32 v38, v19;
	v39 =	vadd.f32 v40, v39;
	v40 =	vld.idx.msk [tilespmem:v42+s3+$0x0], $0xffff  }
0x279: {  	v42 =	vor.u32 v27, v35  }
0x27a: {  	v38 =	vadd.f32 v38, v39;
	v39 =	vmul.f32 v41, v21;
	v41 =	vld.idx.msk [tilespmem:v45+s3+$0x0], $0xffff  }
0x27b: {  	v45 =	vor.u32 v29, v35  }
0x27c: {  	v38 =	vadd.f32 v39, v38;
	v39 =	vmul.f32 v43, v23;
	v43 =	vld.idx.msk [tilespmem:v44+s3+$0x0], $0xffff;
	_ =	sdelay $0x1  }
0x27d: {  	v38 =	vadd.f32 v39, v38;
	v39 =	vmul.f32 v40, v26;
	v40 =	vld.idx.msk [tilespmem:v42+s3+$0x0], $0xffff;
	_ =	sdelay $0x1  }
0x27e: {  	v38 =	vadd.f32 v39, v38;
	v39 =	vmul.f32 v41, v28;
	v41 =	vld.idx.msk [tilespmem:v45+s3+$0x0], $0xffff  }
0x27f: {  	s28 =	sadd.s32 $0x3, s24;
	s24 =	smov.u32 s23;
	s23 =	smov.u32 s26  }
0x280: {  	v42 =	vmov s28;
	v38 =	vadd.f32 v39, v38;
	v39 =	vmul.f32 v43, v30  }
0x281: {  	v42 =	vand.u32 $0x3F, v42  }
0x282: {  	v38 =	vadd.f32 v39, v38;
	v39 =	vmul.f32 v40, v31;
	v40 =	vbroadcast v42, $0x0  }
0x283: {  	v35 =	vor.u32 v33, v35  }
0x284: {  	v38 =	vadd.f32 v39, v38;
	v39 =	vmul.f32 v41, v32;
	v41 =	vor.u32 v1, v40  }
0x285: {  	v42 =	vor.u32 v2, v40  }
0x286: {  	v38 =	vadd.f32 v39, v38;
	v39 =	vor.u32 v3, v40  }
0x287: {  	v43 =	vor.u32 v4, v40  }
0x288: {  	[tilespmem:v35+s17+$0x0] =	vst.idx.msk $0xffff, v38;
	v35 =	vor.u32 v5, v40  }
0x289: {  	v38 =	vld.idx.msk [tilespmem:v41+s3+$0x0], $0xffff;
	v41 =	vor.u32 v9, v40  }
0x28a: {  	v44 =	vor.u32 v12, v40;
	v42 =	vld.idx.msk [tilespmem:v42+s3+$0x0], $0xffff  }
0x28b: {  	v45 =	vor.u32 v14, v40;
	v39 =	vld.idx.msk [tilespmem:v39+s3+$0x0], $0xffff  }
0x28c: {  	v46 =	vor.u32 v16, v40;
	v43 =	vld.idx.msk [tilespmem:v43+s3+$0x0], $0xffff  }
0x28d: {  	v47 =	vor.u32 v18, v40;
	v35 =	vld.idx.msk [tilespmem:v35+s3+$0x0], $0xffff  }
0x28e: {  	v48 =	vor.u32 v20, v40;
	v41 =	vld.idx.msk [tilespmem:v41+s3+$0x0], $0xffff  }
0x28f: {  	v49 =	vor.u32 v22, v40;
	v38 =	vmul.f32 v38, v6;
	v44 =	vld.idx.msk [tilespmem:v44+s3+$0x0], $0xffff  }
0x290: {  	v50 =	vor.u32 v24, v40;
	v42 =	vmul.f32 v42, v7;
	v45 =	vld.idx.msk [tilespmem:v45+s3+$0x0], $0xffff  }
0x291: {  	v51 =	vor.u32 v25, v40;
	v39 =	vmul.f32 v39, v8;
	v46 =	vld.idx.msk [tilespmem:v46+s3+$0x0], $0xffff  }
0x292: {  	v38 =	vadd.f32 v42, v38;
	v42 =	vld.idx.msk [tilespmem:v47+s3+$0x0], $0xffff;
	v47 =	vor.u32 v27, v40  }
0x293: {  	v52 =	vor.u32 v29, v40;
	v43 =	vmul.f32 v43, v10;
	v48 =	vld.idx.msk [tilespmem:v48+s3+$0x0], $0xffff  }
0x294: {  	v38 =	vadd.f32 v39, v38;
	v39 =	vld.idx.msk [tilespmem:v49+s3+$0x0], $0xffff  }
0x295: {  	v35 =	vmul.f32 v35, v11;
	v49 =	vld.idx.msk [tilespmem:v50+s3+$0x0], $0xffff  }
0x296: {  	v38 =	vadd.f32 v43, v38;
	v43 =	vld.idx.msk [tilespmem:v51+s3+$0x0], $0xffff  }
0x297: {  	v41 =	vmul.f32 v41, v13;
	v47 =	vld.idx.msk [tilespmem:v47+s3+$0x0], $0xffff  }
0x298: {  	v35 =	vadd.f32 v35, v38;
	v38 =	vld.idx.msk [tilespmem:v52+s3+$0x0], $0xffff  }
0x299: {  	v44 =	vmul.f32 v44, v15  }
0x29a: {  	v35 =	vadd.f32 v41, v35  }
0x29b: {  	v41 =	vmul.f32 v45, v17  }
0x29c: {  	v35 =	vadd.f32 v44, v35  }
0x29d: {  	v44 =	vmul.f32 v46, v19  }
0x29e: {  	v35 =	vadd.f32 v41, v35  }
0x29f: {  	v41 =	vmul.f32 v42, v21  }
0x2a0: {  	v35 =	vadd.f32 v44, v35  }
0x2a1: {  	v42 =	vmul.f32 v48, v23  }
0x2a2: {  	v35 =	vadd.f32 v41, v35  }
0x2a3: {  	v39 =	vmul.f32 v39, v26  }
0x2a4: {  	v35 =	vadd.f32 v42, v35  }
0x2a5: {  	v41 =	vmul.f32 v49, v28  }
0x2a6: {  	v35 =	vadd.f32 v39, v35  }
0x2a7: {  	v39 =	vmul.f32 v43, v30  }
0x2a8: {  	v35 =	vadd.f32 v41, v35  }
0x2a9: {  	v41 =	vmul.f32 v47, v31  }
0x2aa: {  	v35 =	vadd.f32 v39, v35;
	v39 =	vor.u32 v33, v40  }
0x2ab: {  	v38 =	vmul.f32 v38, v32  }
0x2ac: {  	v35 =	vadd.f32 v41, v35;
	_ =	sdelay $0x1  }
0x2ad: {  	v40 =	vor.u32 v3, v34;
	v35 =	vadd.f32 v38, v35;
	_ =	sdelay $0x1  }
0x2ae: {  	[tilespmem:v39+s17+$0x0] =	vst.idx.msk $0xffff, v35  }
0x2af: {  	v35 =	vld.idx.msk [tilespmem:v37+s3+$0x0], $0xffff;
	v37 =	vor.u32 v4, v34  }
0x2b0: {  	v36 =	vld.idx.msk [tilespmem:v36+s3+$0x0], $0xffff  }
0x2b1: {  	v39 =	vor.u32 v5, v34;
	v38 =	vld.idx.msk [tilespmem:v40+s3+$0x0], $0xffff;
	_ =	sdelay $0x1  }
0x2b2: {  	v40 =	vor.u32 v9, v34  }
0x2b3: {  	v37 =	vld.idx.msk [tilespmem:v37+s3+$0x0], $0xffff  }
0x2b4: {  	v41 =	vor.u32 v12, v34  }
0x2b5: {  	v35 =	vmul.f32 v35, v6;
	v36 =	vmul.f32 v36, v7;
	v39 =	vld.idx.msk [tilespmem:v39+s3+$0x0], $0xffff  }
0x2b6: {  	v42 =	vor.u32 v14, v34  }
0x2b7: {  	v35 =	vadd.f32 v36, v35;
	v36 =	vmul.f32 v38, v8;
	v38 =	vld.idx.msk [tilespmem:v40+s3+$0x0], $0xffff  }
0x2b8: {  	v40 =	vor.u32 v16, v34  }
0x2b9: {  	v35 =	vadd.f32 v36, v35;
	v36 =	vmul.f32 v37, v10;
	v37 =	vld.idx.msk [tilespmem:v41+s3+$0x0], $0xffff  }
0x2ba: {  	v41 =	vor.u32 v18, v34  }
0x2bb: {  	v35 =	vadd.f32 v36, v35;
	v36 =	vmul.f32 v39, v11;
	v39 =	vld.idx.msk [tilespmem:v42+s3+$0x0], $0xffff  }
0x2bc: {  	v42 =	vor.u32 v20, v34  }
0x2bd: {  	v35 =	vadd.f32 v36, v35;
	v36 =	vmul.f32 v38, v13;
	v38 =	vld.idx.msk [tilespmem:v40+s3+$0x0], $0xffff  }
0x2be: {  	v40 =	vor.u32 v22, v34  }
0x2bf: {  	v35 =	vadd.f32 v36, v35;
	v36 =	vmul.f32 v37, v15;
	v37 =	vld.idx.msk [tilespmem:v41+s3+$0x0], $0xffff  }
0x2c0: {  	v41 =	vor.u32 v24, v34  }
0x2c1: {  	v35 =	vadd.f32 v36, v35;
	v36 =	vmul.f32 v39, v17;
	v39 =	vld.idx.msk [tilespmem:v42+s3+$0x0], $0xffff  }
0x2c2: {  	v42 =	vor.u32 v25, v34  }
0x2c3: {  	v35 =	vadd.f32 v36, v35;
	v36 =	vmul.f32 v38, v19;
	v38 =	vld.idx.msk [tilespmem:v40+s3+$0x0], $0xffff  }
0x2c4: {  	v40 =	vor.u32 v27, v34  }
0x2c5: {  	v35 =	vadd.f32 v36, v35;
	v36 =	vmul.f32 v37, v21;
	v37 =	vld.idx.msk [tilespmem:v41+s3+$0x0], $0xffff  }
0x2c6: {  	v41 =	vor.u32 v29, v34  }
0x2c7: {  	v35 =	vadd.f32 v36, v35;
	v36 =	vmul.f32 v39, v23;
	v39 =	vld.idx.msk [tilespmem:v42+s3+$0x0], $0xffff;
	_ =	sdelay $0x1  }
0x2c8: {  	v35 =	vadd.f32 v36, v35;
	v36 =	vmul.f32 v38, v26;
	v38 =	vld.idx.msk [tilespmem:v40+s3+$0x0], $0xffff;
	_ =	sdelay $0x1  }
0x2c9: {  	v35 =	vadd.f32 v36, v35;
	v36 =	vmul.f32 v37, v28;
	v37 =	vld.idx.msk [tilespmem:v41+s3+$0x0], $0xffff  }
0x2ca: {  	s26 =	sadd.s32 $0x1, s24  }
0x2cb: {  	v35 =	vadd.f32 v36, v35;
	v36 =	vmul.f32 v39, v30;
	v39 =	vmov s26  }
0x2cc: {  	v39 =	vand.u32 $0x3D, v39  }
0x2cd: {  	v35 =	vadd.f32 v36, v35;
	v36 =	vmul.f32 v38, v31;
	v38 =	vbroadcast v39, $0x0  }
0x2ce: {  	v34 =	vor.u32 v33, v34  }
0x2cf: {  	v35 =	vadd.f32 v36, v35;
	v36 =	vmul.f32 v37, v32;
	v37 =	vor.u32 v1, v38  }
0x2d0: {  	v39 =	vor.u32 v2, v38  }
0x2d1: {  	v35 =	vadd.f32 v36, v35  }
0x2d2: {  	v36 =	vor.u32 v3, v38  }
0x2d3: {  	[tilespmem:v34+s17+$0x0] =	vst.idx.msk $0xffff, v35  }
0x2d4: {  	v35 =	vor.u32 v4, v38;
	v34 =	vld.idx.msk [tilespmem:v37+s3+$0x0], $0xffff  }
0x2d5: {  	v37 =	vld.idx.msk [tilespmem:v39+s3+$0x0], $0xffff  }
0x2d6: {  	v39 =	vor.u32 v5, v38  }
0x2d7: {  	v36 =	vld.idx.msk [tilespmem:v36+s3+$0x0], $0xffff  }
0x2d8: {  	v40 =	vor.u32 v9, v38  }
0x2d9: {  	v35 =	vld.idx.msk [tilespmem:v35+s3+$0x0], $0xffff  }
0x2da: {  	v41 =	vor.u32 v12, v38  }
0x2db: {  	v34 =	vmul.f32 v34, v6;
	v37 =	vmul.f32 v37, v7;
	v39 =	vld.idx.msk [tilespmem:v39+s3+$0x0], $0xffff  }
0x2dc: {  	v42 =	vor.u32 v14, v38  }
0x2dd: {  	v34 =	vadd.f32 v37, v34;
	v36 =	vmul.f32 v36, v8;
	v37 =	vld.idx.msk [tilespmem:v40+s3+$0x0], $0xffff  }
0x2de: {  	v40 =	vor.u32 v16, v38  }
0x2df: {  	v34 =	vadd.f32 v36, v34;
	v35 =	vmul.f32 v35, v10;
	v36 =	vld.idx.msk [tilespmem:v41+s3+$0x0], $0xffff  }
0x2e0: {  	v41 =	vor.u32 v18, v38  }
0x2e1: {  	v34 =	vadd.f32 v35, v34;
	v35 =	vmul.f32 v39, v11;
	v39 =	vld.idx.msk [tilespmem:v42+s3+$0x0], $0xffff  }
0x2e2: {  	v42 =	vor.u32 v20, v38  }
0x2e3: {  	v34 =	vadd.f32 v35, v34;
	v35 =	vmul.f32 v37, v13;
	v37 =	vld.idx.msk [tilespmem:v40+s3+$0x0], $0xffff  }
0x2e4: {  	v40 =	vor.u32 v22, v38  }
0x2e5: {  	v34 =	vadd.f32 v35, v34;
	v35 =	vmul.f32 v36, v15;
	v36 =	vld.idx.msk [tilespmem:v41+s3+$0x0], $0xffff  }
0x2e6: {  	v41 =	vor.u32 v24, v38  }
0x2e7: {  	v34 =	vadd.f32 v35, v34;
	v35 =	vmul.f32 v39, v17;
	v39 =	vld.idx.msk [tilespmem:v42+s3+$0x0], $0xffff  }
0x2e8: {  	v42 =	vor.u32 v25, v38  }
0x2e9: {  	v34 =	vadd.f32 v35, v34;
	v35 =	vmul.f32 v37, v19;
	v37 =	vld.idx.msk [tilespmem:v40+s3+$0x0], $0xffff  }
0x2ea: {  	v40 =	vor.u32 v27, v38  }
0x2eb: {  	v34 =	vadd.f32 v35, v34;
	v35 =	vmul.f32 v36, v21;
	v36 =	vld.idx.msk [tilespmem:v41+s3+$0x0], $0xffff  }
0x2ec: {  	v41 =	vor.u32 v29, v38  }
0x2ed: {  	v34 =	vadd.f32 v35, v34;
	v35 =	vmul.f32 v39, v23;
	v39 =	vld.idx.msk [tilespmem:v42+s3+$0x0], $0xffff;
	_ =	sdelay $0x1  }
0x2ee: {  	v34 =	vadd.f32 v35, v34;
	v35 =	vmul.f32 v37, v26;
	v37 =	vld.idx.msk [tilespmem:v40+s3+$0x0], $0xffff;
	_ =	sdelay $0x1  }
0x2ef: {  	v34 =	vadd.f32 v35, v34;
	v35 =	vmul.f32 v36, v28;
	v36 =	vld.idx.msk [tilespmem:v41+s3+$0x0], $0xffff  }
0x2f0: {  	s26 =	sadd.s32 $0x2, s24  }
0x2f1: {  	v34 =	vadd.f32 v35, v34;
	v35 =	vmul.f32 v39, v30;
	v39 =	vmov s26  }
0x2f2: {  	v39 =	vand.u32 $0x3E, v39  }
0x2f3: {  	v34 =	vadd.f32 v35, v34;
	v37 =	vmul.f32 v37, v31;
	v35 =	vbroadcast v39, $0x0  }
0x2f4: {  	v39 =	vor.u32 v33, v38  }
0x2f5: {  	v34 =	vadd.f32 v37, v34;
	v36 =	vmul.f32 v36, v32;
	v37 =	vor.u32 v1, v35  }
0x2f6: {  	v40 =	vor.u32 v2, v35;
	v38 =	vor.u32 v16, v35  }
0x2f7: {  	v34 =	vadd.f32 v36, v34  }
0x2f8: {  	v36 =	vor.u32 v3, v35  }
0x2f9: {  	[tilespmem:v39+s17+$0x0] =	vst.idx.msk $0xffff, v34  }
0x2fa: {  	v34 =	vld.idx.msk [tilespmem:v37+s3+$0x0], $0xffff;
	v37 =	vor.u32 v4, v35  }
0x2fb: {  	v40 =	vld.idx.msk [tilespmem:v40+s3+$0x0], $0xffff  }
0x2fc: {  	v42 =	vor.u32 v5, v35  }
0x2fd: {  	v36 =	vld.idx.msk [tilespmem:v36+s3+$0x0], $0xffff  }
0x2fe: {  	v46 =	vor.u32 v9, v35  }
.Ltmp2:
0x2ff: {  	v39 =	vld.idx.msk [tilespmem:v37+s3+$0x0], $0xffff;
	(pc) =	sbr.rel @p0 .LBB2_8-.Ltmp2, $4  }
0x300: {  	v41 =	vor.u32 v12, v35;
	v37 =	vmov s23;
	v44 =	vmul.f32 v34, v6  }
0x301: {  	v34 =	vand.u32 $0x3C, v37;
	v37 =	vmul.f32 v40, v7;
	v40 =	vld.idx.msk [tilespmem:v42+s3+$0x0], $0xffff  }
0x302: {  	v43 =	vor.u32 v14, v35;
	v34 =	vbroadcast v34, $0x0  }
0x303: {  	v44 =	vadd.f32 v37, v44;
	v45 =	vmul.f32 v36, v8;
	v42 =	vld.idx.msk [tilespmem:v46+s3+$0x0], $0xffff  }
0x304: {  	_ =	sdelay $0x2  }
0x305: {  	v37 =	vmul.f32 v39, v10;
	v36 =	vadd.f32 v45, v44  }
0x306: {  	v48 =	vld.idx.msk [tilespmem:v41+s3+$0x0], $0xffff  }
0x307: {  	v49 =	vor.u32 v18, v35;
	v50 =	vmul.f32 v40, v11;
	v36 =	vadd.f32 v37, v36  }
0x308: {  	v51 =	vld.idx.msk [tilespmem:v43+s3+$0x0], $0xffff  }
0x309: {  	v52 =	vor.u32 v20, v35;
	v53 =	vmul.f32 v42, v13;
	v36 =	vadd.f32 v50, v36  }
0x30a: {  	v38 =	vld.idx.msk [tilespmem:v38+s3+$0x0], $0xffff  }
0x30b: {  	v54 =	vor.u32 v22, v35;
	v55 =	vmul.f32 v48, v15;
	v36 =	vadd.f32 v53, v36  }
0x30c: {  	v56 =	vld.idx.msk [tilespmem:v49+s3+$0x0], $0xffff  }
0x30d: {  	v57 =	vor.u32 v24, v35;
	v58 =	vmul.f32 v51, v17;
	v36 =	vadd.f32 v55, v36  }
0x30e: {  	v59 =	vld.idx.msk [tilespmem:v52+s3+$0x0], $0xffff  }
0x30f: {  	v60 =	vor.u32 v25, v35;
	v61 =	vmul.f32 v38, v19;
	v36 =	vadd.f32 v58, v36  }
0x310: {  	v62 =	vld.idx.msk [tilespmem:v54+s3+$0x0], $0xffff  }
0x311: {  	v63 =	vor.u32 v27, v35;
	v44 =	vmul.f32 v56, v21;
	v36 =	vadd.f32 v61, v36  }
0x312: {  	v45 =	vld.idx.msk [tilespmem:v57+s3+$0x0], $0xffff  }
0x313: {  	v46 =	vor.u32 v29, v35;
	v47 =	vmul.f32 v59, v23;
	v36 =	vadd.f32 v44, v36  }
0x314: {  	v48 =	vld.idx.msk [tilespmem:v60+s3+$0x0], $0xffff  }
0x315: {  	v49 =	vmul.f32 v62, v26;
	v36 =	vadd.f32 v47, v36  }
0x316: {  	v50 =	vld.idx.msk [tilespmem:v63+s3+$0x0], $0xffff  }
0x317: {  	v51 =	vmul.f32 v45, v28;
	v36 =	vadd.f32 v49, v36  }
0x318: {  	s24 =	sadd.s32 $0x3, s24;
	v52 =	vld.idx.msk [tilespmem:v46+s3+$0x0], $0xffff  }
0x319: {  	v54 =	vmov s24;
	v53 =	vmul.f32 v48, v30;
	v36 =	vadd.f32 v51, v36  }
0x31a: {  	v40 =	vand.u32 $0x3F, v54  }
0x31b: {  	v38 =	vbroadcast v40, $0x0;
	v55 =	vmul.f32 v50, v31;
	v36 =	vadd.f32 v53, v36  }
0x31c: {  	v56 =	vor.u32 v33, v35  }
0x31d: {  	v57 =	vmul.f32 v52, v32;
	v58 =	vor.u32 v1, v38;
	v36 =	vadd.f32 v55, v36  }
0x31e: {  	v40 =	vor.u32 v2, v38  }
0x31f: {  	v36 =	vadd.f32 v57, v36  }
0x320: {  	v59 =	vor.u32 v3, v38  }
0x321: {  	[tilespmem:v56+s17+$0x0] =	vst.idx.msk $0xffff, v36  }
0x322: {  	v60 =	vor.u32 v4, v38;
	v36 =	vld.idx.msk [tilespmem:v58+s3+$0x0], $0xffff  }
0x323: {  	v61 =	vld.idx.msk [tilespmem:v40+s3+$0x0], $0xffff  }
0x324: {  	v62 =	vor.u32 v5, v38  }
0x325: {  	v37 =	vld.idx.msk [tilespmem:v59+s3+$0x0], $0xffff  }
0x326: {  	v63 =	vor.u32 v9, v38  }
0x327: {  	v35 =	vld.idx.msk [tilespmem:v60+s3+$0x0], $0xffff  }
0x328: {  	v45 =	vor.u32 v12, v38;
	v36 =	vmul.f32 v36, v6;
	v39 =	vmul.f32 v61, v7  }
0x329: {  	v40 =	vld.idx.msk [tilespmem:v62+s3+$0x0], $0xffff  }
0x32a: {  	v46 =	vor.u32 v14, v38;
	v37 =	vmul.f32 v37, v8;
	v36 =	vadd.f32 v39, v36  }
0x32b: {  	v47 =	vld.idx.msk [tilespmem:v63+s3+$0x0], $0xffff  }
0x32c: {  	v48 =	vor.u32 v16, v38;
	v35 =	vmul.f32 v35, v10;
	v36 =	vadd.f32 v37, v36  }
0x32d: {  	v49 =	vld.idx.msk [tilespmem:v45+s3+$0x0], $0xffff  }
0x32e: {  	v50 =	vor.u32 v18, v38;
	v40 =	vmul.f32 v40, v11;
	v35 =	vadd.f32 v35, v36  }
0x32f: {  	v51 =	vld.idx.msk [tilespmem:v46+s3+$0x0], $0xffff  }
0x330: {  	v52 =	vor.u32 v20, v38;
	v39 =	vmul.f32 v47, v13;
	v35 =	vadd.f32 v40, v35  }
0x331: {  	v53 =	vld.idx.msk [tilespmem:v48+s3+$0x0], $0xffff  }
0x332: {  	v54 =	vor.u32 v22, v38;
	v37 =	vmul.f32 v49, v15;
	v35 =	vadd.f32 v39, v35  }
0x333: {  	v55 =	vld.idx.msk [tilespmem:v50+s3+$0x0], $0xffff  }
0x334: {  	v56 =	vor.u32 v24, v38;
	v36 =	vmul.f32 v51, v17;
	v35 =	vadd.f32 v37, v35  }
0x335: {  	v57 =	vld.idx.msk [tilespmem:v52+s3+$0x0], $0xffff  }
0x336: {  	v58 =	vor.u32 v25, v38;
	v40 =	vmul.f32 v53, v19;
	v35 =	vadd.f32 v36, v35  }
0x337: {  	v59 =	vld.idx.msk [tilespmem:v54+s3+$0x0], $0xffff  }
0x338: {  	v60 =	vor.u32 v27, v38;
	v39 =	vmul.f32 v55, v21;
	v35 =	vadd.f32 v40, v35  }
0x339: {  	v61 =	vld.idx.msk [tilespmem:v56+s3+$0x0], $0xffff  }
0x33a: {  	v62 =	vor.u32 v29, v38;
	v37 =	vmul.f32 v57, v23;
	v35 =	vadd.f32 v39, v35  }
0x33b: {  	v63 =	vld.idx.msk [tilespmem:v58+s3+$0x0], $0xffff  }
0x33c: {  	v36 =	vmul.f32 v59, v26;
	v35 =	vadd.f32 v37, v35  }
0x33d: {  	v44 =	vld.idx.msk [tilespmem:v60+s3+$0x0], $0xffff  }
0x33e: {  	v40 =	vmul.f32 v61, v28;
	v35 =	vadd.f32 v36, v35  }
0x33f: {  	v45 =	vld.idx.msk [tilespmem:v62+s3+$0x0], $0xffff  }
0x340: {  	v39 =	vmul.f32 v63, v30;
	v35 =	vadd.f32 v40, v35;
	_ =	sdelay $0x1  }
0x341: {  	v37 =	vmul.f32 v44, v31;
	v35 =	vadd.f32 v39, v35  }
0x342: {  	v38 =	vor.u32 v33, v38  }
0x343: {  	v46 =	vor.u32 v1, v34;
	v36 =	vmul.f32 v45, v32;
	v35 =	vadd.f32 v37, v35  }
0x344: {  	v47 =	vor.u32 v2, v34  }
0x345: {  	v35 =	vadd.f32 v36, v35  }
0x346: {  	v48 =	vor.u32 v3, v34  }
0x347: {  	[tilespmem:v38+s17+$0x0] =	vst.idx.msk $0xffff, v35  }
0x348: {  	v49 =	vor.u32 v4, v34;
	v35 =	vld.idx.msk [tilespmem:v46+s3+$0x0], $0xffff  }
0x349: {  	v37 =	vld.idx.msk [tilespmem:v47+s3+$0x0], $0xffff  }
0x34a: {  	v50 =	vor.u32 v5, v34  }
0x34b: {  	v36 =	vld.idx.msk [tilespmem:v48+s3+$0x0], $0xffff  }
0x34c: {  	v51 =	vor.u32 v9, v34  }
0x34d: {  	v38 =	vld.idx.msk [tilespmem:v49+s3+$0x0], $0xffff  }
0x34e: {  	v52 =	vor.u32 v12, v34;
	v35 =	vmul.f32 v35, v6;
	v37 =	vmul.f32 v37, v7  }
0x34f: {  	v39 =	vld.idx.msk [tilespmem:v50+s3+$0x0], $0xffff  }
0x350: {  	v53 =	vor.u32 v14, v34;
	v36 =	vmul.f32 v36, v8;
	v35 =	vadd.f32 v37, v35  }
0x351: {  	v54 =	vld.idx.msk [tilespmem:v51+s3+$0x0], $0xffff  }
0x352: {  	v55 =	vor.u32 v16, v34;
	v56 =	vmul.f32 v38, v10;
	v35 =	vadd.f32 v36, v35  }
0x353: {  	v57 =	vld.idx.msk [tilespmem:v52+s3+$0x0], $0xffff  }
0x354: {  	v58 =	vor.u32 v18, v34;
	v59 =	vmul.f32 v39, v11;
	v35 =	vadd.f32 v56, v35  }
0x355: {  	v60 =	vld.idx.msk [tilespmem:v53+s3+$0x0], $0xffff  }
0x356: {  	v61 =	vor.u32 v20, v34;
	v62 =	vmul.f32 v54, v13;
	v35 =	vadd.f32 v59, v35  }
0x357: {  	v63 =	vld.idx.msk [tilespmem:v55+s3+$0x0], $0xffff  }
0x358: {  	v45 =	vor.u32 v22, v34;
	v46 =	vmul.f32 v57, v15;
	v35 =	vadd.f32 v62, v35  }
0x359: {  	v47 =	vld.idx.msk [tilespmem:v58+s3+$0x0], $0xffff  }
0x35a: {  	v48 =	vor.u32 v24, v34;
	v49 =	vmul.f32 v60, v17;
	v35 =	vadd.f32 v46, v35  }
0x35b: {  	v50 =	vld.idx.msk [tilespmem:v61+s3+$0x0], $0xffff  }
0x35c: {  	v51 =	vor.u32 v25, v34;
	v52 =	vmul.f32 v63, v19;
	v35 =	vadd.f32 v49, v35  }
0x35d: {  	v53 =	vld.idx.msk [tilespmem:v45+s3+$0x0], $0xffff  }
0x35e: {  	v54 =	vor.u32 v27, v34;
	v55 =	vmul.f32 v47, v21;
	v35 =	vadd.f32 v52, v35  }
0x35f: {  	v56 =	vld.idx.msk [tilespmem:v48+s3+$0x0], $0xffff  }
0x360: {  	v57 =	vor.u32 v29, v34;
	v58 =	vmul.f32 v50, v23;
	v35 =	vadd.f32 v55, v35  }
0x361: {  	v59 =	vld.idx.msk [tilespmem:v51+s3+$0x0], $0xffff  }
0x362: {  	v60 =	vmul.f32 v53, v26;
	v35 =	vadd.f32 v58, v35  }
0x363: {  	v61 =	vld.idx.msk [tilespmem:v54+s3+$0x0], $0xffff  }
0x364: {  	v62 =	vmul.f32 v56, v28;
	v35 =	vadd.f32 v60, v35  }
0x365: {  	s29 =	sadd.s32 $0x1, s23;
	v63 =	vld.idx.msk [tilespmem:v57+s3+$0x0], $0xffff  }
0x366: {  	v43 =	vmov s29;
	v42 =	vmul.f32 v59, v30;
	v35 =	vadd.f32 v62, v35  }
0x367: {  	v39 =	vand.u32 $0x3D, v43  }
0x368: {  	v37 =	vbroadcast v39, $0x0;
	v44 =	vmul.f32 v61, v31;
	v35 =	vadd.f32 v42, v35  }
0x369: {  	v45 =	vor.u32 v33, v34  }
0x36a: {  	v47 =	vor.u32 v1, v37;
	v46 =	vmul.f32 v63, v32;
	v35 =	vadd.f32 v44, v35  }
0x36b: {  	v39 =	vor.u32 v2, v37  }
0x36c: {  	v35 =	vadd.f32 v46, v35  }
0x36d: {  	v48 =	vor.u32 v3, v37  }
0x36e: {  	[tilespmem:v45+s17+$0x0] =	vst.idx.msk $0xffff, v35  }
0x36f: {  	v49 =	vor.u32 v4, v37;
	v34 =	vld.idx.msk [tilespmem:v47+s3+$0x0], $0xffff  }
0x370: {  	v50 =	vld.idx.msk [tilespmem:v39+s3+$0x0], $0xffff  }
0x371: {  	v51 =	vor.u32 v5, v37  }
0x372: {  	v36 =	vld.idx.msk [tilespmem:v48+s3+$0x0], $0xffff  }
0x373: {  	v52 =	vor.u32 v9, v37  }
0x374: {  	v35 =	vld.idx.msk [tilespmem:v49+s3+$0x0], $0xffff  }
0x375: {  	v53 =	vor.u32 v12, v37;
	v34 =	vmul.f32 v34, v6;
	v38 =	vmul.f32 v50, v7  }
0x376: {  	v39 =	vld.idx.msk [tilespmem:v51+s3+$0x0], $0xffff  }
0x377: {  	v54 =	vor.u32 v14, v37;
	v36 =	vmul.f32 v36, v8;
	v34 =	vadd.f32 v38, v34  }
0x378: {  	v55 =	vld.idx.msk [tilespmem:v52+s3+$0x0], $0xffff  }
0x379: {  	v56 =	vor.u32 v16, v37;
	v35 =	vmul.f32 v35, v10;
	v34 =	vadd.f32 v36, v34  }
0x37a: {  	v57 =	vld.idx.msk [tilespmem:v53+s3+$0x0], $0xffff  }
0x37b: {  	v58 =	vor.u32 v18, v37;
	v59 =	vmul.f32 v39, v11;
	v34 =	vadd.f32 v35, v34  }
0x37c: {  	v60 =	vld.idx.msk [tilespmem:v54+s3+$0x0], $0xffff  }
0x37d: {  	v61 =	vor.u32 v20, v37;
	v62 =	vmul.f32 v55, v13;
	v34 =	vadd.f32 v59, v34  }
0x37e: {  	v63 =	vld.idx.msk [tilespmem:v56+s3+$0x0], $0xffff  }
0x37f: {  	v45 =	vor.u32 v22, v37;
	v46 =	vmul.f32 v57, v15;
	v34 =	vadd.f32 v62, v34  }
0x380: {  	v47 =	vld.idx.msk [tilespmem:v58+s3+$0x0], $0xffff  }
0x381: {  	v48 =	vor.u32 v24, v37;
	v49 =	vmul.f32 v60, v17;
	v34 =	vadd.f32 v46, v34  }
0x382: {  	v50 =	vld.idx.msk [tilespmem:v61+s3+$0x0], $0xffff  }
0x383: {  	v51 =	vor.u32 v25, v37;
	v52 =	vmul.f32 v63, v19;
	v34 =	vadd.f32 v49, v34  }
0x384: {  	v53 =	vld.idx.msk [tilespmem:v45+s3+$0x0], $0xffff  }
0x385: {  	v54 =	vor.u32 v27, v37;
	v55 =	vmul.f32 v47, v21;
	v34 =	vadd.f32 v52, v34  }
0x386: {  	v56 =	vld.idx.msk [tilespmem:v48+s3+$0x0], $0xffff  }
0x387: {  	v57 =	vor.u32 v29, v37;
	v58 =	vmul.f32 v50, v23;
	v34 =	vadd.f32 v55, v34  }
0x388: {  	v59 =	vld.idx.msk [tilespmem:v51+s3+$0x0], $0xffff  }
0x389: {  	v60 =	vmul.f32 v53, v26;
	v34 =	vadd.f32 v58, v34  }
0x38a: {  	v61 =	vld.idx.msk [tilespmem:v54+s3+$0x0], $0xffff  }
0x38b: {  	v62 =	vmul.f32 v56, v28;
	v34 =	vadd.f32 v60, v34  }
0x38c: {  	s30 =	sadd.s32 $0x2, s23;
	v63 =	vld.idx.msk [tilespmem:v57+s3+$0x0], $0xffff  }
0x38d: {  	v43 =	vmov s30;
	v42 =	vmul.f32 v59, v30;
	v34 =	vadd.f32 v62, v34  }
0x38e: {  	v39 =	vand.u32 $0x3E, v43  }
0x38f: {  	v38 =	vbroadcast v39, $0x0;
	v44 =	vmul.f32 v61, v31;
	v34 =	vadd.f32 v42, v34  }
0x390: {  	v37 =	vor.u32 v33, v37  }
0x391: {  	v45 =	vmul.f32 v63, v32;
	v46 =	vor.u32 v1, v38;
	v34 =	vadd.f32 v44, v34  }
0x392: {  	v39 =	vor.u32 v2, v38  }
0x393: {  	v34 =	vadd.f32 v45, v34  }
0x394: {  	v47 =	vor.u32 v3, v38  }
0x395: {  	[tilespmem:v37+s17+$0x0] =	vst.idx.msk $0xffff, v34  }
0x396: {  	v48 =	vor.u32 v4, v38;
	v34 =	vld.idx.msk [tilespmem:v46+s3+$0x0], $0xffff  }
0x397: {  	v37 =	vld.idx.msk [tilespmem:v39+s3+$0x0], $0xffff  }
0x398: {  	v49 =	vor.u32 v5, v38  }
0x399: {  	v35 =	vld.idx.msk [tilespmem:v47+s3+$0x0], $0xffff  }
0x39a: {  	v50 =	vor.u32 v9, v38  }
0x39b: {  	v36 =	vld.idx.msk [tilespmem:v48+s3+$0x0], $0xffff  }
0x39c: {  	v51 =	vor.u32 v12, v38;
	v34 =	vmul.f32 v34, v6;
	v37 =	vmul.f32 v37, v7  }
0x39d: {  	v39 =	vld.idx.msk [tilespmem:v49+s3+$0x0], $0xffff  }
0x39e: {  	v52 =	vor.u32 v14, v38;
	v35 =	vmul.f32 v35, v8;
	v34 =	vadd.f32 v37, v34  }
0x39f: {  	v53 =	vld.idx.msk [tilespmem:v50+s3+$0x0], $0xffff  }
0x3a0: {  	v54 =	vor.u32 v16, v38;
	v55 =	vmul.f32 v36, v10;
	v34 =	vadd.f32 v35, v34  }
0x3a1: {  	v56 =	vld.idx.msk [tilespmem:v51+s3+$0x0], $0xffff  }
0x3a2: {  	v57 =	vor.u32 v18, v38;
	v58 =	vmul.f32 v39, v11;
	v34 =	vadd.f32 v55, v34  }
0x3a3: {  	v59 =	vld.idx.msk [tilespmem:v52+s3+$0x0], $0xffff  }
0x3a4: {  	v60 =	vor.u32 v20, v38;
	v61 =	vmul.f32 v53, v13;
	v34 =	vadd.f32 v58, v34  }
0x3a5: {  	v62 =	vld.idx.msk [tilespmem:v54+s3+$0x0], $0xffff  }
0x3a6: {  	v63 =	vor.u32 v22, v38;
	v45 =	vmul.f32 v56, v15;
	v34 =	vadd.f32 v61, v34  }
0x3a7: {  	v46 =	vld.idx.msk [tilespmem:v57+s3+$0x0], $0xffff  }
0x3a8: {  	v47 =	vor.u32 v24, v38;
	v48 =	vmul.f32 v59, v17;
	v34 =	vadd.f32 v45, v34  }
0x3a9: {  	v49 =	vld.idx.msk [tilespmem:v60+s3+$0x0], $0xffff  }
0x3aa: {  	v50 =	vor.u32 v25, v38;
	v51 =	vmul.f32 v62, v19;
	v34 =	vadd.f32 v48, v34  }
0x3ab: {  	v52 =	vld.idx.msk [tilespmem:v63+s3+$0x0], $0xffff  }
0x3ac: {  	v53 =	vor.u32 v27, v38;
	v54 =	vmul.f32 v46, v21;
	v34 =	vadd.f32 v51, v34  }
0x3ad: {  	v55 =	vld.idx.msk [tilespmem:v47+s3+$0x0], $0xffff  }
0x3ae: {  	v56 =	vor.u32 v29, v38;
	v57 =	vmul.f32 v49, v23;
	v34 =	vadd.f32 v54, v34  }
0x3af: {  	v58 =	vld.idx.msk [tilespmem:v50+s3+$0x0], $0xffff  }
0x3b0: {  	v59 =	vmul.f32 v52, v26;
	v34 =	vadd.f32 v57, v34  }
0x3b1: {  	v60 =	vld.idx.msk [tilespmem:v53+s3+$0x0], $0xffff  }
0x3b2: {  	v61 =	vmul.f32 v55, v28;
	v34 =	vadd.f32 v59, v34  }
0x3b3: {  	s31 =	sadd.s32 $0x3, s23;
	v62 =	vld.idx.msk [tilespmem:v56+s3+$0x0], $0xffff  }
0x3b4: {  	v42 =	vmov s31;
	v63 =	vmul.f32 v58, v30;
	v34 =	vadd.f32 v61, v34  }
0x3b5: {  	v39 =	vand.u32 $0x3F, v42  }
0x3b6: {  	v44 =	vbroadcast v39, $0x0;
	v43 =	vmul.f32 v60, v31;
	v34 =	vadd.f32 v63, v34  }
0x3b7: {  	v38 =	vor.u32 v33, v38  }
0x3b8: {  	v1 =	vor.u32 v1, v44;
	v45 =	vmul.f32 v62, v32;
	v34 =	vadd.f32 v43, v34  }
0x3b9: {  	v2 =	vor.u32 v2, v44  }
0x3ba: {  	v34 =	vadd.f32 v45, v34  }
0x3bb: {  	v3 =	vor.u32 v3, v44  }
0x3bc: {  	[tilespmem:v38+s17+$0x0] =	vst.idx.msk $0xffff, v34  }
0x3bd: {  	v46 =	vor.u32 v4, v44;
	v1 =	vld.idx.msk [tilespmem:v1+s3+$0x0], $0xffff  }
0x3be: {  	v2 =	vld.idx.msk [tilespmem:v2+s3+$0x0], $0xffff  }
0x3bf: {  	v47 =	vor.u32 v5, v44  }
0x3c0: {  	v3 =	vld.idx.msk [tilespmem:v3+s3+$0x0], $0xffff  }
0x3c1: {  	v48 =	vor.u32 v9, v44  }
0x3c2: {  	v4 =	vld.idx.msk [tilespmem:v46+s3+$0x0], $0xffff  }
0x3c3: {  	v49 =	vor.u32 v12, v44;
	v1 =	vmul.f32 v1, v6;
	v2 =	vmul.f32 v2, v7  }
0x3c4: {  	v5 =	vld.idx.msk [tilespmem:v47+s3+$0x0], $0xffff  }
0x3c5: {  	v50 =	vor.u32 v14, v44;
	v3 =	vmul.f32 v3, v8;
	v1 =	vadd.f32 v2, v1  }
0x3c6: {  	v2 =	vld.idx.msk [tilespmem:v48+s3+$0x0], $0xffff  }
0x3c7: {  	v51 =	vor.u32 v16, v44;
	v4 =	vmul.f32 v4, v10;
	v1 =	vadd.f32 v3, v1  }
0x3c8: {  	v3 =	vld.idx.msk [tilespmem:v49+s3+$0x0], $0xffff  }
0x3c9: {  	v52 =	vor.u32 v18, v44;
	v5 =	vmul.f32 v5, v11;
	v1 =	vadd.f32 v4, v1  }
0x3ca: {  	v53 =	vld.idx.msk [tilespmem:v50+s3+$0x0], $0xffff  }
0x3cb: {  	v54 =	vor.u32 v20, v44;
	v2 =	vmul.f32 v2, v13;
	v1 =	vadd.f32 v5, v1  }
0x3cc: {  	v55 =	vld.idx.msk [tilespmem:v51+s3+$0x0], $0xffff  }
0x3cd: {  	v56 =	vor.u32 v22, v44;
	v3 =	vmul.f32 v3, v15;
	v1 =	vadd.f32 v2, v1  }
0x3ce: {  	v2 =	vld.idx.msk [tilespmem:v52+s3+$0x0], $0xffff  }
0x3cf: {  	v57 =	vor.u32 v24, v44;
	v4 =	vmul.f32 v53, v17;
	v1 =	vadd.f32 v3, v1  }
0x3d0: {  	v3 =	vld.idx.msk [tilespmem:v54+s3+$0x0], $0xffff  }
0x3d1: {  	v58 =	vor.u32 v25, v44;
	v5 =	vmul.f32 v55, v19;
	v1 =	vadd.f32 v4, v1  }
0x3d2: {  	v59 =	vld.idx.msk [tilespmem:v56+s3+$0x0], $0xffff  }
0x3d3: {  	v60 =	vor.u32 v27, v44;
	v2 =	vmul.f32 v2, v21;
	v1 =	vadd.f32 v5, v1  }
0x3d4: {  	v61 =	vld.idx.msk [tilespmem:v57+s3+$0x0], $0xffff  }
0x3d5: {  	v62 =	vor.u32 v29, v44;
	v3 =	vmul.f32 v3, v23;
	v1 =	vadd.f32 v2, v1  }
0x3d6: {  	v2 =	vld.idx.msk [tilespmem:v58+s3+$0x0], $0xffff  }
0x3d7: {  	v4 =	vmul.f32 v59, v26;
	v1 =	vadd.f32 v3, v1  }
0x3d8: {  	v3 =	vld.idx.msk [tilespmem:v60+s3+$0x0], $0xffff  }
0x3d9: {  	v5 =	vmul.f32 v61, v28;
	v1 =	vadd.f32 v4, v1  }
0x3da: {  	v63 =	vld.idx.msk [tilespmem:v62+s3+$0x0], $0xffff  }
0x3db: {  	v2 =	vmul.f32 v2, v30;
	v1 =	vadd.f32 v5, v1;
	_ =	sdelay $0x1  }
0x3dc: {  	s22 =	sadd.s32 $0x1, s22;
	v3 =	vmul.f32 v3, v31;
	v1 =	vadd.f32 v2, v1  }
0x3dd: {  	p0 =	sne.s32 s22, $0x8;
	v2 =	vor.u32 v33, v44  }
.Ltmp3:
0x3de: {  	v4 =	vmul.f32 v63, v32;
	v1 =	vadd.f32 v3, v1;
	(pc) =	sbr.rel @p0 .LBB2_7-.Ltmp3, $3  }
0x3df: {  	_ = 	snop  }
0x3e0: {  	v1 =	vadd.f32 v4, v1;
	_ =	sdelay $0x1  }
0x3e1: {  	[tilespmem:v2+s17+$0x0] =	vst.idx.msk $0xffff, v1  }
0x3e2: {  	s20 =	sadd.s32 $0x1, s20  }
0x3e3: {  	p0 =	sne.s32 s20, $0x4  }
.Ltmp4:
0x3e4: {  	s21 =	sadd.s32 s19, s11;
	s19 =	simm.s32 $0x0;
	(pc) =	sbr.rel @p0 .LBB2_2-.Ltmp4, $4  }
0x3e5: {  	[hbm4b:s21+s19] =	stream.linear.scatter [tilespmem:s17], [sflag:$0x1], $0x2000, $0x38;
	[tilespmem:$0x13A00] =	vst v63  }
0x3e6: {  	_ =	swait.ge [sflag:s14], $0x2000  }
0x3e7: {  	[sflag:s14] =	ssyncset.done $0x0  }
0x3e8: {  	[sflag:s14] =	ssyncadd.s32 $0xFFFFE000  }
0x3e9: {  	s20 =	simm.s32 $0x0  }
.LBB2_12:
0x3ea: {  	s21 =	sadd.s32 s10, s20  }
0x3eb: {  	s22 =	sshll.u32 s21, $0x9  }
0x3ec: {  	s23 =	sadd.s32 s5, s22  }
0x3ed: {  	[tilespmem:s15], [sflag:$0x1] =	stream.linear.gather [hbm4b:s23+s19], $0x1000, $0x38;
	[tilespmem:$0x13A00] =	vst v63  }
0x3ee: {  	_ =	swait.ge [sflag:s14], $0x1000  }
0x3ef: {  	[sflag:s14] =	ssyncset.done $0x0  }
0x3f0: {  	s22 =	sadd.s32 s8, s22;
	[sflag:s14] =	ssyncadd.s32 $0xFFFFF000  }
0x3f1: {  	[tilespmem:s16], [sflag:$0x1] =	stream.linear.gather [hbm4b:s22+s19], $0x1000, $0x38;
	[tilespmem:$0x13A00] =	vst v63  }
0x3f2: {  	_ =	swait.ge [sflag:s14], $0x1000  }
0x3f3: {  	[sflag:s14] =	ssyncset.done $0x0  }
0x3f4: {  	s22 =	simm.s32 $0x0;
	[sflag:s14] =	ssyncadd.s32 $0xFFFFF000  }
.LBB2_13:
0x3f5: {  	s23 =	sshll.u32 s22, $0x4  }
0x3f6: {  	v1 =	vld [tilespmem:s23+$0xFA00]  }
0x3f7: {  	v6 =	vld [tilespmem:s23+$0x10A00]  }
0x3f8: {  	v2 =	vld [tilespmem:s23+$0xFB00]  }
0x3f9: {  	v7 =	vld [tilespmem:s23+$0x10B00]  }
0x3fa: {  	v3 =	vld [tilespmem:s23+$0xFC00]  }
0x3fb: {  	v8 =	vld [tilespmem:s23+$0x10C00]  }
0x3fc: {  	v4 =	vld [tilespmem:s23+$0xFD00]  }
0x3fd: {  	v10 =	vld [tilespmem:s23+$0x10D00]  }
0x3fe: {  	v5 =	vld [tilespmem:s23+$0xFE00]  }
0x3ff: {  	s24 =	simm.s32 $0x0;
	v11 =	vld [tilespmem:s23+$0x10E00]  }
0x400: {  	v9 =	vld [tilespmem:s23+$0xFF00];
	v12 =	vmov s24  }
0x401: {  	v13 =	vld [tilespmem:s23+$0x10F00];
	v12 =	vand.u32 $0x3C, v12  }
0x402: {  	v14 =	vld [tilespmem:s23+$0x10000];
	v34 =	vbroadcast v12, $0x0  }
0x403: {  	v15 =	vld [tilespmem:s23+$0x11000];
	v1 =	vshll.u32 v1, $0x6  }
0x404: {  	v16 =	vld [tilespmem:s23+$0x10100];
	v2 =	vshll.u32 v2, $0x6;
	v12 =	vor.u32 v1, v34  }
0x405: {  	v17 =	vld [tilespmem:s23+$0x11100];
	v18 =	vor.u32 v2, v34  }
0x406: {  	v19 =	vld [tilespmem:s23+$0x10200];
	v3 =	vshll.u32 v3, $0x6  }
0x407: {  	v21 =	vld [tilespmem:s23+$0x11200];
	v20 =	vor.u32 v3, v34  }
0x408: {  	v22 =	vld [tilespmem:s23+$0x10300];
	v4 =	vshll.u32 v4, $0x6  }
0x409: {  	v24 =	vor.u32 v4, v34;
	v23 =	vld.idx.msk [tilespmem:v12+s3+$0x0], $0xffff  }
0x40a: {  	v5 =	vshll.u32 v5, $0x6;
	v18 =	vld.idx.msk [tilespmem:v18+s3+$0x0], $0xffff  }
0x40b: {  	v25 =	vld [tilespmem:s23+$0x11300];
	v26 =	vor.u32 v5, v34  }
0x40c: {  	v9 =	vshll.u32 v9, $0x6;
	v6 =	vmul.f32 $6.250000000e-02, v6;
	v20 =	vld.idx.msk [tilespmem:v20+s3+$0x0], $0xffff  }
0x40d: {  	v27 =	vld [tilespmem:s23+$0x10400];
	v7 =	vmul.f32 $6.250000000e-02, v7;
	v28 =	vor.u32 v9, v34;
	v12 =	vshll.u32 v14, $0x6  }
0x40e: {  	v8 =	vmul.f32 $6.250000000e-02, v8;
	v24 =	vld.idx.msk [tilespmem:v24+s3+$0x0], $0xffff;
	v30 =	vor.u32 v12, v34  }
0x40f: {  	v29 =	vld [tilespmem:s23+$0x11400];
	v14 =	vshll.u32 v16, $0x6;
	v23 =	vmul.f32 v23, v6;
	v18 =	vmul.f32 v18, v7  }
0x410: {  	v10 =	vmul.f32 $6.250000000e-02, v10;
	v26 =	vld.idx.msk [tilespmem:v26+s3+$0x0], $0xffff;
	v32 =	vor.u32 v14, v34  }
0x411: {  	v31 =	vld [tilespmem:s23+$0x10500];
	v16 =	vshll.u32 v19, $0x6;
	v20 =	vmul.f32 v20, v8;
	v18 =	vadd.f32 v18, v23  }
0x412: {  	v19 =	vld.idx.msk [tilespmem:v28+s3+$0x0], $0xffff;
	v23 =	vor.u32 v16, v34  }
0x413: {  	v11 =	vmul.f32 $6.250000000e-02, v11;
	v24 =	vmul.f32 v24, v10;
	v30 =	vld.idx.msk [tilespmem:v30+s3+$0x0], $0xffff;
	v20 =	vadd.f32 v20, v18  }
0x414: {  	v33 =	vld [tilespmem:s23+$0x10600];
	v13 =	vmul.f32 $6.250000000e-02, v13;
	v18 =	vshll.u32 v22, $0x6  }
0x415: {  	v35 =	vor.u32 v18, v34;
	v22 =	vadd.f32 v24, v20;
	v24 =	vmul.f32 v26, v11;
	v26 =	vld.idx.msk [tilespmem:v32+s3+$0x0], $0xffff  }
0x416: {  	v15 =	vmul.f32 $6.250000000e-02, v15;
	v20 =	vshll.u32 v27, $0x6;
	v27 =	vld [tilespmem:s23+$0x10700]  }
0x417: {  	v19 =	vmul.f32 v19, v13;
	v59 =	vor.u32 v20, v34;
	v23 =	vld.idx.msk [tilespmem:v23+s3+$0x0], $0xffff;
	v24 =	vadd.f32 v24, v22  }
0x418: {  	v17 =	vmul.f32 $6.250000000e-02, v17;
	v30 =	vmul.f32 v30, v15;
	v22 =	vshll.u32 v31, $0x6;
	v31 =	vld [tilespmem:s23+$0x10800]  }
0x419: {  	v61 =	vld [tilespmem:s23+$0x10900];
	v36 =	vor.u32 v22, v34;
	v37 =	vadd.f32 v19, v24;
	v24 =	vshll.u32 v33, $0x6  }
0x41a: {  	v19 =	vmul.f32 $6.250000000e-02, v21;
	v60 =	vld.idx.msk [tilespmem:v35+s3+$0x0], $0xffff;
	v21 =	vmul.f32 $6.250000000e-02, v25;
	v38 =	vor.u32 v24, v34  }
0x41b: {  	v28 =	vld [tilespmem:s23+$0x11500];
	v26 =	vmul.f32 v26, v17;
	v25 =	vshll.u32 v27, $0x6;
	v30 =	vadd.f32 v30, v37  }
0x41c: {  	v32 =	vld.idx.msk [tilespmem:v59+s3+$0x0], $0xffff;
	v39 =	vor.u32 v25, v34  }
0x41d: {  	v62 =	vld [tilespmem:s23+$0x11600];
	v27 =	vshll.u32 v31, $0x6;
	v26 =	vadd.f32 v26, v30;
	v30 =	vmul.f32 v23, v19  }
0x41e: {  	v23 =	vmul.f32 $6.250000000e-02, v29;
	v31 =	vld.idx.msk [tilespmem:v36+s3+$0x0], $0xffff;
	v40 =	vor.u32 v27, v34  }
0x41f: {  	v63 =	vld [tilespmem:s23+$0x11700];
	v29 =	vshll.u32 v61, $0x6;
	v33 =	vmul.f32 v60, v21;
	v30 =	vadd.f32 v30, v26  }
0x420: {  	v41 =	vor.u32 v29, v34;
	v44 =	vld.idx.msk [tilespmem:v38+s3+$0x0], $0xffff  }
0x421: {  	v45 =	vld [tilespmem:s23+$0x11800];
	v26 =	vmul.f32 $6.250000000e-02, v28;
	v32 =	vmul.f32 v32, v23;
	v30 =	vadd.f32 v33, v30  }
0x422: {  	v46 =	vld.idx.msk [tilespmem:v39+s3+$0x0], $0xffff  }
0x423: {  	s30 =	simm.s32 $0x1;
	v47 =	vld [tilespmem:s23+$0x11900];
	v28 =	vmul.f32 $6.250000000e-02, v62;
	v31 =	vmul.f32 v31, v26;
	v32 =	vadd.f32 v32, v30  }
0x424: {  	v49 =	vmov s23;
	v53 =	vmov s30;
	v48 =	vld.idx.msk [tilespmem:v40+s3+$0x0], $0xffff  }
0x425: {  	v30 =	vmul.f32 $6.250000000e-02, v63;
	v35 =	vmul.f32 v44, v28;
	v32 =	vadd.f32 v31, v32  }
0x426: {  	v50 =	vshll.u32 v49, $0x6;
	v54 =	vand.u32 $0x3D, v53;
	v51 =	vld.idx.msk [tilespmem:v41+s3+$0x0], $0xffff  }
0x427: {  	v31 =	vmul.f32 $6.250000000e-02, v45;
	v52 =	vmul.f32 v46, v30;
	v35 =	vadd.f32 v35, v32  }
0x428: {  	v37 =	vbroadcast v54, $0x0;
	v33 =	vor.u32 v0, v50  }
0x429: {  	v32 =	vmul.f32 $6.250000000e-02, v47;
	v36 =	vmul.f32 v48, v31;
	v35 =	vadd.f32 v52, v35  }
0x42a: {  	v34 =	vor.u32 v33, v34  }
0x42b: {  	v56 =	vor.u32 v1, v37;
	v55 =	vmul.f32 v51, v32;
	v35 =	vadd.f32 v36, v35  }
0x42c: {  	v57 =	vor.u32 v2, v37  }
0x42d: {  	v35 =	vadd.f32 v55, v35  }
0x42e: {  	v58 =	vor.u32 v3, v37  }
0x42f: {  	[tilespmem:v34+s17+$0x0] =	vst.idx.msk $0xffff, v35  }
0x430: {  	v59 =	vor.u32 v4, v37;
	v34 =	vld.idx.msk [tilespmem:v56+s3+$0x0], $0xffff  }
0x431: {  	v60 =	vld.idx.msk [tilespmem:v57+s3+$0x0], $0xffff  }
0x432: {  	v61 =	vor.u32 v5, v37  }
0x433: {  	v36 =	vld.idx.msk [tilespmem:v58+s3+$0x0], $0xffff  }
0x434: {  	v62 =	vor.u32 v9, v37  }
0x435: {  	v35 =	vld.idx.msk [tilespmem:v59+s3+$0x0], $0xffff  }
0x436: {  	v63 =	vor.u32 v12, v37;
	v34 =	vmul.f32 v34, v6;
	v38 =	vmul.f32 v60, v7  }
0x437: {  	v39 =	vld.idx.msk [tilespmem:v61+s3+$0x0], $0xffff  }
0x438: {  	v42 =	vor.u32 v14, v37;
	v36 =	vmul.f32 v36, v8;
	v34 =	vadd.f32 v38, v34  }
0x439: {  	v45 =	vld.idx.msk [tilespmem:v62+s3+$0x0], $0xffff  }
0x43a: {  	v46 =	vor.u32 v16, v37;
	v35 =	vmul.f32 v35, v10;
	v34 =	vadd.f32 v36, v34  }
0x43b: {  	v47 =	vld.idx.msk [tilespmem:v63+s3+$0x0], $0xffff  }
0x43c: {  	v48 =	vor.u32 v18, v37;
	v49 =	vmul.f32 v39, v11;
	v34 =	vadd.f32 v35, v34  }
0x43d: {  	v50 =	vld.idx.msk [tilespmem:v42+s3+$0x0], $0xffff  }
0x43e: {  	v51 =	vor.u32 v20, v37;
	v52 =	vmul.f32 v45, v13;
	v34 =	vadd.f32 v49, v34  }
0x43f: {  	v53 =	vld.idx.msk [tilespmem:v46+s3+$0x0], $0xffff  }
0x440: {  	v54 =	vor.u32 v22, v37;
	v55 =	vmul.f32 v47, v15;
	v34 =	vadd.f32 v52, v34  }
0x441: {  	v56 =	vld.idx.msk [tilespmem:v48+s3+$0x0], $0xffff  }
0x442: {  	v57 =	vor.u32 v24, v37;
	v58 =	vmul.f32 v50, v17;
	v34 =	vadd.f32 v55, v34  }
0x443: {  	v59 =	vld.idx.msk [tilespmem:v51+s3+$0x0], $0xffff  }
0x444: {  	v60 =	vor.u32 v25, v37;
	v61 =	vmul.f32 v53, v19;
	v34 =	vadd.f32 v58, v34  }
0x445: {  	v62 =	vld.idx.msk [tilespmem:v54+s3+$0x0], $0xffff  }
0x446: {  	v63 =	vor.u32 v27, v37;
	v44 =	vmul.f32 v56, v21;
	v34 =	vadd.f32 v61, v34  }
0x447: {  	v45 =	vld.idx.msk [tilespmem:v57+s3+$0x0], $0xffff  }
0x448: {  	v46 =	vor.u32 v29, v37;
	v47 =	vmul.f32 v59, v23;
	v34 =	vadd.f32 v44, v34  }
0x449: {  	v48 =	vld.idx.msk [tilespmem:v60+s3+$0x0], $0xffff  }
0x44a: {  	v49 =	vmul.f32 v62, v26;
	v34 =	vadd.f32 v47, v34  }
0x44b: {  	v50 =	vld.idx.msk [tilespmem:v63+s3+$0x0], $0xffff  }
0x44c: {  	v51 =	vmul.f32 v45, v28;
	v34 =	vadd.f32 v49, v34  }
0x44d: {  	s31 =	simm.s32 $0x2;
	v52 =	vld.idx.msk [tilespmem:v46+s3+$0x0], $0xffff  }
0x44e: {  	v54 =	vmov s31;
	v53 =	vmul.f32 v48, v30;
	v34 =	vadd.f32 v51, v34  }
0x44f: {  	v39 =	vand.u32 $0x3E, v54  }
0x450: {  	v38 =	vmul.f32 v50, v31;
	v35 =	vbroadcast v39, $0x0;
	v34 =	vadd.f32 v53, v34  }
0x451: {  	v37 =	vor.u32 v33, v37  }
0x452: {  	v55 =	vor.u32 v1, v35;
	v36 =	vmul.f32 v52, v32;
	v34 =	vadd.f32 v38, v34  }
0x453: {  	v39 =	vor.u32 v2, v35  }
0x454: {  	v34 =	vadd.f32 v36, v34  }
0x455: {  	v56 =	vor.u32 v3, v35  }
0x456: {  	[tilespmem:v37+s17+$0x0] =	vst.idx.msk $0xffff, v34  }
0x457: {  	v57 =	vor.u32 v4, v35;
	v34 =	vld.idx.msk [tilespmem:v55+s3+$0x0], $0xffff  }
0x458: {  	v58 =	vld.idx.msk [tilespmem:v39+s3+$0x0], $0xffff  }
0x459: {  	v59 =	vor.u32 v5, v35  }
0x45a: {  	v60 =	vor.u32 v9, v35;
	v36 =	vld.idx.msk [tilespmem:v56+s3+$0x0], $0xffff  }
0x45b: {  	s23 =	simm.s32 $0x4  }
0x45c: {  	v41 =	vor.u32 v12, v35;
	v61 =	vmov s23;
	v39 =	vld.idx.msk [tilespmem:v57+s3+$0x0], $0xffff  }
0x45d: {  	v63 =	vand.u32 $0x3C, v61;
	v62 =	vmul.f32 v34, v6;
	v44 =	vmul.f32 v58, v7  }
0x45e: {  	v43 =	vor.u32 v14, v35;
	v40 =	vld.idx.msk [tilespmem:v59+s3+$0x0], $0xffff;
	v34 =	vbroadcast v63, $0x0  }
0x45f: {  	s25 =	simm.s32 $0x8;
	v38 =	vor.u32 v16, v35;
	v42 =	vld.idx.msk [tilespmem:v60+s3+$0x0], $0xffff;
	v45 =	vmul.f32 v36, v8;
	v44 =	vadd.f32 v44, v62  }
.LBB2_14:
0x460: {  	p0 =	sne.s32 s25, $0x3C;
	v37 =	vor.u32 v1, v34;
	v36 =	vor.u32 v2, v34;
	s26 =	smov.u32 s25;
	s25 =	sadd.s32 $0x4, s25  }
0x461: {  	v39 =	vmul.f32 v39, v10;
	v44 =	vadd.f32 v45, v44;
	v41 =	vld.idx.msk [tilespmem:v41+s3+$0x0], $0xffff  }
0x462: {  	v45 =	vor.u32 v18, v35  }
0x463: {  	v40 =	vmul.f32 v40, v11;
	v39 =	vadd.f32 v39, v44;
	v43 =	vld.idx.msk [tilespmem:v43+s3+$0x0], $0xffff  }
0x464: {  	v44 =	vor.u32 v20, v35  }
0x465: {  	v39 =	vadd.f32 v40, v39;
	v40 =	vmul.f32 v42, v13;
	v38 =	vld.idx.msk [tilespmem:v38+s3+$0x0], $0xffff  }
0x466: {  	v42 =	vor.u32 v22, v35  }
0x467: {  	v39 =	vadd.f32 v40, v39;
	v40 =	vmul.f32 v41, v15;
	v41 =	vld.idx.msk [tilespmem:v45+s3+$0x0], $0xffff  }
0x468: {  	v45 =	vor.u32 v24, v35  }
0x469: {  	v39 =	vadd.f32 v40, v39;
	v40 =	vmul.f32 v43, v17;
	v43 =	vld.idx.msk [tilespmem:v44+s3+$0x0], $0xffff  }
0x46a: {  	v44 =	vor.u32 v25, v35  }
0x46b: {  	v38 =	vmul.f32 v38, v19;
	v39 =	vadd.f32 v40, v39;
	v40 =	vld.idx.msk [tilespmem:v42+s3+$0x0], $0xffff  }
0x46c: {  	v42 =	vor.u32 v27, v35  }
0x46d: {  	v38 =	vadd.f32 v38, v39;
	v39 =	vmul.f32 v41, v21;
	v41 =	vld.idx.msk [tilespmem:v45+s3+$0x0], $0xffff  }
0x46e: {  	v45 =	vor.u32 v29, v35  }
0x46f: {  	v38 =	vadd.f32 v39, v38;
	v39 =	vmul.f32 v43, v23;
	v43 =	vld.idx.msk [tilespmem:v44+s3+$0x0], $0xffff;
	_ =	sdelay $0x1  }
0x470: {  	v38 =	vadd.f32 v39, v38;
	v39 =	vmul.f32 v40, v26;
	v40 =	vld.idx.msk [tilespmem:v42+s3+$0x0], $0xffff;
	_ =	sdelay $0x1  }
0x471: {  	v38 =	vadd.f32 v39, v38;
	v39 =	vmul.f32 v41, v28;
	v41 =	vld.idx.msk [tilespmem:v45+s3+$0x0], $0xffff  }
0x472: {  	s28 =	sadd.s32 $0x3, s24;
	s24 =	smov.u32 s23;
	s23 =	smov.u32 s26  }
0x473: {  	v42 =	vmov s28;
	v38 =	vadd.f32 v39, v38;
	v39 =	vmul.f32 v43, v30  }
0x474: {  	v42 =	vand.u32 $0x3F, v42  }
0x475: {  	v38 =	vadd.f32 v39, v38;
	v39 =	vmul.f32 v40, v31;
	v40 =	vbroadcast v42, $0x0  }
0x476: {  	v35 =	vor.u32 v33, v35  }
0x477: {  	v38 =	vadd.f32 v39, v38;
	v39 =	vmul.f32 v41, v32;
	v41 =	vor.u32 v1, v40  }
0x478: {  	v42 =	vor.u32 v2, v40  }
0x479: {  	v38 =	vadd.f32 v39, v38;
	v39 =	vor.u32 v3, v40  }
0x47a: {  	v43 =	vor.u32 v4, v40  }
0x47b: {  	[tilespmem:v35+s17+$0x0] =	vst.idx.msk $0xffff, v38;
	v35 =	vor.u32 v5, v40  }
0x47c: {  	v38 =	vld.idx.msk [tilespmem:v41+s3+$0x0], $0xffff;
	v41 =	vor.u32 v9, v40  }
0x47d: {  	v44 =	vor.u32 v12, v40;
	v42 =	vld.idx.msk [tilespmem:v42+s3+$0x0], $0xffff  }
0x47e: {  	v45 =	vor.u32 v14, v40;
	v39 =	vld.idx.msk [tilespmem:v39+s3+$0x0], $0xffff  }
0x47f: {  	v46 =	vor.u32 v16, v40;
	v43 =	vld.idx.msk [tilespmem:v43+s3+$0x0], $0xffff  }
0x480: {  	v47 =	vor.u32 v18, v40;
	v35 =	vld.idx.msk [tilespmem:v35+s3+$0x0], $0xffff  }
0x481: {  	v48 =	vor.u32 v20, v40;
	v41 =	vld.idx.msk [tilespmem:v41+s3+$0x0], $0xffff  }
0x482: {  	v49 =	vor.u32 v22, v40;
	v38 =	vmul.f32 v38, v6;
	v44 =	vld.idx.msk [tilespmem:v44+s3+$0x0], $0xffff  }
0x483: {  	v50 =	vor.u32 v24, v40;
	v42 =	vmul.f32 v42, v7;
	v45 =	vld.idx.msk [tilespmem:v45+s3+$0x0], $0xffff  }
0x484: {  	v51 =	vor.u32 v25, v40;
	v39 =	vmul.f32 v39, v8;
	v46 =	vld.idx.msk [tilespmem:v46+s3+$0x0], $0xffff  }
0x485: {  	v38 =	vadd.f32 v42, v38;
	v42 =	vld.idx.msk [tilespmem:v47+s3+$0x0], $0xffff;
	v47 =	vor.u32 v27, v40  }
0x486: {  	v52 =	vor.u32 v29, v40;
	v43 =	vmul.f32 v43, v10;
	v48 =	vld.idx.msk [tilespmem:v48+s3+$0x0], $0xffff  }
0x487: {  	v38 =	vadd.f32 v39, v38;
	v39 =	vld.idx.msk [tilespmem:v49+s3+$0x0], $0xffff  }
0x488: {  	v35 =	vmul.f32 v35, v11;
	v49 =	vld.idx.msk [tilespmem:v50+s3+$0x0], $0xffff  }
0x489: {  	v38 =	vadd.f32 v43, v38;
	v43 =	vld.idx.msk [tilespmem:v51+s3+$0x0], $0xffff  }
0x48a: {  	v41 =	vmul.f32 v41, v13;
	v47 =	vld.idx.msk [tilespmem:v47+s3+$0x0], $0xffff  }
0x48b: {  	v35 =	vadd.f32 v35, v38;
	v38 =	vld.idx.msk [tilespmem:v52+s3+$0x0], $0xffff  }
0x48c: {  	v44 =	vmul.f32 v44, v15  }
0x48d: {  	v35 =	vadd.f32 v41, v35  }
0x48e: {  	v41 =	vmul.f32 v45, v17  }
0x48f: {  	v35 =	vadd.f32 v44, v35  }
0x490: {  	v44 =	vmul.f32 v46, v19  }
0x491: {  	v35 =	vadd.f32 v41, v35  }
0x492: {  	v41 =	vmul.f32 v42, v21  }
0x493: {  	v35 =	vadd.f32 v44, v35  }
0x494: {  	v42 =	vmul.f32 v48, v23  }
0x495: {  	v35 =	vadd.f32 v41, v35  }
0x496: {  	v39 =	vmul.f32 v39, v26  }
0x497: {  	v35 =	vadd.f32 v42, v35  }
0x498: {  	v41 =	vmul.f32 v49, v28  }
0x499: {  	v35 =	vadd.f32 v39, v35  }
0x49a: {  	v39 =	vmul.f32 v43, v30  }
0x49b: {  	v35 =	vadd.f32 v41, v35  }
0x49c: {  	v41 =	vmul.f32 v47, v31  }
0x49d: {  	v35 =	vadd.f32 v39, v35;
	v39 =	vor.u32 v33, v40  }
0x49e: {  	v38 =	vmul.f32 v38, v32  }
0x49f: {  	v35 =	vadd.f32 v41, v35;
	_ =	sdelay $0x1  }
0x4a0: {  	v40 =	vor.u32 v3, v34;
	v35 =	vadd.f32 v38, v35;
	_ =	sdelay $0x1  }
0x4a1: {  	[tilespmem:v39+s17+$0x0] =	vst.idx.msk $0xffff, v35  }
0x4a2: {  	v35 =	vld.idx.msk [tilespmem:v37+s3+$0x0], $0xffff;
	v37 =	vor.u32 v4, v34  }
0x4a3: {  	v36 =	vld.idx.msk [tilespmem:v36+s3+$0x0], $0xffff  }
0x4a4: {  	v39 =	vor.u32 v5, v34;
	v38 =	vld.idx.msk [tilespmem:v40+s3+$0x0], $0xffff;
	_ =	sdelay $0x1  }
0x4a5: {  	v40 =	vor.u32 v9, v34  }
0x4a6: {  	v37 =	vld.idx.msk [tilespmem:v37+s3+$0x0], $0xffff  }
0x4a7: {  	v41 =	vor.u32 v12, v34  }
0x4a8: {  	v35 =	vmul.f32 v35, v6;
	v36 =	vmul.f32 v36, v7;
	v39 =	vld.idx.msk [tilespmem:v39+s3+$0x0], $0xffff  }
0x4a9: {  	v42 =	vor.u32 v14, v34  }
0x4aa: {  	v35 =	vadd.f32 v36, v35;
	v36 =	vmul.f32 v38, v8;
	v38 =	vld.idx.msk [tilespmem:v40+s3+$0x0], $0xffff  }
0x4ab: {  	v40 =	vor.u32 v16, v34  }
0x4ac: {  	v35 =	vadd.f32 v36, v35;
	v36 =	vmul.f32 v37, v10;
	v37 =	vld.idx.msk [tilespmem:v41+s3+$0x0], $0xffff  }
0x4ad: {  	v41 =	vor.u32 v18, v34  }
0x4ae: {  	v35 =	vadd.f32 v36, v35;
	v36 =	vmul.f32 v39, v11;
	v39 =	vld.idx.msk [tilespmem:v42+s3+$0x0], $0xffff  }
0x4af: {  	v42 =	vor.u32 v20, v34  }
0x4b0: {  	v35 =	vadd.f32 v36, v35;
	v36 =	vmul.f32 v38, v13;
	v38 =	vld.idx.msk [tilespmem:v40+s3+$0x0], $0xffff  }
0x4b1: {  	v40 =	vor.u32 v22, v34  }
0x4b2: {  	v35 =	vadd.f32 v36, v35;
	v36 =	vmul.f32 v37, v15;
	v37 =	vld.idx.msk [tilespmem:v41+s3+$0x0], $0xffff  }
0x4b3: {  	v41 =	vor.u32 v24, v34  }
0x4b4: {  	v35 =	vadd.f32 v36, v35;
	v36 =	vmul.f32 v39, v17;
	v39 =	vld.idx.msk [tilespmem:v42+s3+$0x0], $0xffff  }
0x4b5: {  	v42 =	vor.u32 v25, v34  }
0x4b6: {  	v35 =	vadd.f32 v36, v35;
	v36 =	vmul.f32 v38, v19;
	v38 =	vld.idx.msk [tilespmem:v40+s3+$0x0], $0xffff  }
0x4b7: {  	v40 =	vor.u32 v27, v34  }
0x4b8: {  	v35 =	vadd.f32 v36, v35;
	v36 =	vmul.f32 v37, v21;
	v37 =	vld.idx.msk [tilespmem:v41+s3+$0x0], $0xffff  }
0x4b9: {  	v41 =	vor.u32 v29, v34  }
0x4ba: {  	v35 =	vadd.f32 v36, v35;
	v36 =	vmul.f32 v39, v23;
	v39 =	vld.idx.msk [tilespmem:v42+s3+$0x0], $0xffff;
	_ =	sdelay $0x1  }
0x4bb: {  	v35 =	vadd.f32 v36, v35;
	v36 =	vmul.f32 v38, v26;
	v38 =	vld.idx.msk [tilespmem:v40+s3+$0x0], $0xffff;
	_ =	sdelay $0x1  }
0x4bc: {  	v35 =	vadd.f32 v36, v35;
	v36 =	vmul.f32 v37, v28;
	v37 =	vld.idx.msk [tilespmem:v41+s3+$0x0], $0xffff  }
0x4bd: {  	s26 =	sadd.s32 $0x1, s24  }
0x4be: {  	v35 =	vadd.f32 v36, v35;
	v36 =	vmul.f32 v39, v30;
	v39 =	vmov s26  }
0x4bf: {  	v39 =	vand.u32 $0x3D, v39  }
0x4c0: {  	v35 =	vadd.f32 v36, v35;
	v36 =	vmul.f32 v38, v31;
	v38 =	vbroadcast v39, $0x0  }
0x4c1: {  	v34 =	vor.u32 v33, v34  }
0x4c2: {  	v35 =	vadd.f32 v36, v35;
	v36 =	vmul.f32 v37, v32;
	v37 =	vor.u32 v1, v38  }
0x4c3: {  	v39 =	vor.u32 v2, v38  }
0x4c4: {  	v35 =	vadd.f32 v36, v35  }
0x4c5: {  	v36 =	vor.u32 v3, v38  }
0x4c6: {  	[tilespmem:v34+s17+$0x0] =	vst.idx.msk $0xffff, v35  }
0x4c7: {  	v35 =	vor.u32 v4, v38;
	v34 =	vld.idx.msk [tilespmem:v37+s3+$0x0], $0xffff  }
0x4c8: {  	v37 =	vld.idx.msk [tilespmem:v39+s3+$0x0], $0xffff  }
0x4c9: {  	v39 =	vor.u32 v5, v38  }
0x4ca: {  	v36 =	vld.idx.msk [tilespmem:v36+s3+$0x0], $0xffff  }
0x4cb: {  	v40 =	vor.u32 v9, v38  }
0x4cc: {  	v35 =	vld.idx.msk [tilespmem:v35+s3+$0x0], $0xffff  }
0x4cd: {  	v41 =	vor.u32 v12, v38  }
0x4ce: {  	v34 =	vmul.f32 v34, v6;
	v37 =	vmul.f32 v37, v7;
	v39 =	vld.idx.msk [tilespmem:v39+s3+$0x0], $0xffff  }
0x4cf: {  	v42 =	vor.u32 v14, v38  }
0x4d0: {  	v34 =	vadd.f32 v37, v34;
	v36 =	vmul.f32 v36, v8;
	v37 =	vld.idx.msk [tilespmem:v40+s3+$0x0], $0xffff  }
0x4d1: {  	v40 =	vor.u32 v16, v38  }
0x4d2: {  	v34 =	vadd.f32 v36, v34;
	v35 =	vmul.f32 v35, v10;
	v36 =	vld.idx.msk [tilespmem:v41+s3+$0x0], $0xffff  }
0x4d3: {  	v41 =	vor.u32 v18, v38  }
0x4d4: {  	v34 =	vadd.f32 v35, v34;
	v35 =	vmul.f32 v39, v11;
	v39 =	vld.idx.msk [tilespmem:v42+s3+$0x0], $0xffff  }
0x4d5: {  	v42 =	vor.u32 v20, v38  }
0x4d6: {  	v34 =	vadd.f32 v35, v34;
	v35 =	vmul.f32 v37, v13;
	v37 =	vld.idx.msk [tilespmem:v40+s3+$0x0], $0xffff  }
0x4d7: {  	v40 =	vor.u32 v22, v38  }
0x4d8: {  	v34 =	vadd.f32 v35, v34;
	v35 =	vmul.f32 v36, v15;
	v36 =	vld.idx.msk [tilespmem:v41+s3+$0x0], $0xffff  }
0x4d9: {  	v41 =	vor.u32 v24, v38  }
0x4da: {  	v34 =	vadd.f32 v35, v34;
	v35 =	vmul.f32 v39, v17;
	v39 =	vld.idx.msk [tilespmem:v42+s3+$0x0], $0xffff  }
0x4db: {  	v42 =	vor.u32 v25, v38  }
0x4dc: {  	v34 =	vadd.f32 v35, v34;
	v35 =	vmul.f32 v37, v19;
	v37 =	vld.idx.msk [tilespmem:v40+s3+$0x0], $0xffff  }
0x4dd: {  	v40 =	vor.u32 v27, v38  }
0x4de: {  	v34 =	vadd.f32 v35, v34;
	v35 =	vmul.f32 v36, v21;
	v36 =	vld.idx.msk [tilespmem:v41+s3+$0x0], $0xffff  }
0x4df: {  	v41 =	vor.u32 v29, v38  }
0x4e0: {  	v34 =	vadd.f32 v35, v34;
	v35 =	vmul.f32 v39, v23;
	v39 =	vld.idx.msk [tilespmem:v42+s3+$0x0], $0xffff;
	_ =	sdelay $0x1  }
0x4e1: {  	v34 =	vadd.f32 v35, v34;
	v35 =	vmul.f32 v37, v26;
	v37 =	vld.idx.msk [tilespmem:v40+s3+$0x0], $0xffff;
	_ =	sdelay $0x1  }
0x4e2: {  	v34 =	vadd.f32 v35, v34;
	v35 =	vmul.f32 v36, v28;
	v36 =	vld.idx.msk [tilespmem:v41+s3+$0x0], $0xffff  }
0x4e3: {  	s26 =	sadd.s32 $0x2, s24  }
0x4e4: {  	v34 =	vadd.f32 v35, v34;
	v35 =	vmul.f32 v39, v30;
	v39 =	vmov s26  }
0x4e5: {  	v39 =	vand.u32 $0x3E, v39  }
0x4e6: {  	v34 =	vadd.f32 v35, v34;
	v37 =	vmul.f32 v37, v31;
	v35 =	vbroadcast v39, $0x0  }
0x4e7: {  	v39 =	vor.u32 v33, v38  }
0x4e8: {  	v34 =	vadd.f32 v37, v34;
	v36 =	vmul.f32 v36, v32;
	v37 =	vor.u32 v1, v35  }
0x4e9: {  	v40 =	vor.u32 v2, v35;
	v38 =	vor.u32 v16, v35  }
0x4ea: {  	v34 =	vadd.f32 v36, v34  }
0x4eb: {  	v36 =	vor.u32 v3, v35  }
0x4ec: {  	[tilespmem:v39+s17+$0x0] =	vst.idx.msk $0xffff, v34  }
0x4ed: {  	v34 =	vld.idx.msk [tilespmem:v37+s3+$0x0], $0xffff;
	v37 =	vor.u32 v4, v35  }
0x4ee: {  	v40 =	vld.idx.msk [tilespmem:v40+s3+$0x0], $0xffff  }
0x4ef: {  	v42 =	vor.u32 v5, v35  }
0x4f0: {  	v36 =	vld.idx.msk [tilespmem:v36+s3+$0x0], $0xffff  }
0x4f1: {  	v46 =	vor.u32 v9, v35  }
.Ltmp5:
0x4f2: {  	v39 =	vld.idx.msk [tilespmem:v37+s3+$0x0], $0xffff;
	(pc) =	sbr.rel @p0 .LBB2_14-.Ltmp5, $4  }
0x4f3: {  	v41 =	vor.u32 v12, v35;
	v37 =	vmov s23;
	v44 =	vmul.f32 v34, v6  }
0x4f4: {  	v34 =	vand.u32 $0x3C, v37;
	v37 =	vmul.f32 v40, v7;
	v40 =	vld.idx.msk [tilespmem:v42+s3+$0x0], $0xffff  }
0x4f5: {  	v43 =	vor.u32 v14, v35;
	v34 =	vbroadcast v34, $0x0  }
0x4f6: {  	v44 =	vadd.f32 v37, v44;
	v45 =	vmul.f32 v36, v8;
	v42 =	vld.idx.msk [tilespmem:v46+s3+$0x0], $0xffff  }
0x4f7: {  	_ =	sdelay $0x2  }
0x4f8: {  	v37 =	vmul.f32 v39, v10;
	v36 =	vadd.f32 v45, v44  }
0x4f9: {  	v48 =	vld.idx.msk [tilespmem:v41+s3+$0x0], $0xffff  }
0x4fa: {  	v49 =	vor.u32 v18, v35;
	v50 =	vmul.f32 v40, v11;
	v36 =	vadd.f32 v37, v36  }
0x4fb: {  	v51 =	vld.idx.msk [tilespmem:v43+s3+$0x0], $0xffff  }
0x4fc: {  	v52 =	vor.u32 v20, v35;
	v53 =	vmul.f32 v42, v13;
	v36 =	vadd.f32 v50, v36  }
0x4fd: {  	v38 =	vld.idx.msk [tilespmem:v38+s3+$0x0], $0xffff  }
0x4fe: {  	v54 =	vor.u32 v22, v35;
	v55 =	vmul.f32 v48, v15;
	v36 =	vadd.f32 v53, v36  }
0x4ff: {  	v56 =	vld.idx.msk [tilespmem:v49+s3+$0x0], $0xffff  }
0x500: {  	v57 =	vor.u32 v24, v35;
	v58 =	vmul.f32 v51, v17;
	v36 =	vadd.f32 v55, v36  }
0x501: {  	v59 =	vld.idx.msk [tilespmem:v52+s3+$0x0], $0xffff  }
0x502: {  	v60 =	vor.u32 v25, v35;
	v61 =	vmul.f32 v38, v19;
	v36 =	vadd.f32 v58, v36  }
0x503: {  	v62 =	vld.idx.msk [tilespmem:v54+s3+$0x0], $0xffff  }
0x504: {  	v63 =	vor.u32 v27, v35;
	v44 =	vmul.f32 v56, v21;
	v36 =	vadd.f32 v61, v36  }
0x505: {  	v45 =	vld.idx.msk [tilespmem:v57+s3+$0x0], $0xffff  }
0x506: {  	v46 =	vor.u32 v29, v35;
	v47 =	vmul.f32 v59, v23;
	v36 =	vadd.f32 v44, v36  }
0x507: {  	v48 =	vld.idx.msk [tilespmem:v60+s3+$0x0], $0xffff  }
0x508: {  	v49 =	vmul.f32 v62, v26;
	v36 =	vadd.f32 v47, v36  }
0x509: {  	v50 =	vld.idx.msk [tilespmem:v63+s3+$0x0], $0xffff  }
0x50a: {  	v51 =	vmul.f32 v45, v28;
	v36 =	vadd.f32 v49, v36  }
0x50b: {  	s24 =	sadd.s32 $0x3, s24;
	v52 =	vld.idx.msk [tilespmem:v46+s3+$0x0], $0xffff  }
0x50c: {  	v54 =	vmov s24;
	v53 =	vmul.f32 v48, v30;
	v36 =	vadd.f32 v51, v36  }
0x50d: {  	v40 =	vand.u32 $0x3F, v54  }
0x50e: {  	v38 =	vbroadcast v40, $0x0;
	v55 =	vmul.f32 v50, v31;
	v36 =	vadd.f32 v53, v36  }
0x50f: {  	v56 =	vor.u32 v33, v35  }
0x510: {  	v57 =	vmul.f32 v52, v32;
	v58 =	vor.u32 v1, v38;
	v36 =	vadd.f32 v55, v36  }
0x511: {  	v40 =	vor.u32 v2, v38  }
0x512: {  	v36 =	vadd.f32 v57, v36  }
0x513: {  	v59 =	vor.u32 v3, v38  }
0x514: {  	[tilespmem:v56+s17+$0x0] =	vst.idx.msk $0xffff, v36  }
0x515: {  	v60 =	vor.u32 v4, v38;
	v36 =	vld.idx.msk [tilespmem:v58+s3+$0x0], $0xffff  }
0x516: {  	v61 =	vld.idx.msk [tilespmem:v40+s3+$0x0], $0xffff  }
0x517: {  	v62 =	vor.u32 v5, v38  }
0x518: {  	v37 =	vld.idx.msk [tilespmem:v59+s3+$0x0], $0xffff  }
0x519: {  	v63 =	vor.u32 v9, v38  }
0x51a: {  	v35 =	vld.idx.msk [tilespmem:v60+s3+$0x0], $0xffff  }
0x51b: {  	v45 =	vor.u32 v12, v38;
	v36 =	vmul.f32 v36, v6;
	v39 =	vmul.f32 v61, v7  }
0x51c: {  	v40 =	vld.idx.msk [tilespmem:v62+s3+$0x0], $0xffff  }
0x51d: {  	v46 =	vor.u32 v14, v38;
	v37 =	vmul.f32 v37, v8;
	v36 =	vadd.f32 v39, v36  }
0x51e: {  	v47 =	vld.idx.msk [tilespmem:v63+s3+$0x0], $0xffff  }
0x51f: {  	v48 =	vor.u32 v16, v38;
	v35 =	vmul.f32 v35, v10;
	v36 =	vadd.f32 v37, v36  }
0x520: {  	v49 =	vld.idx.msk [tilespmem:v45+s3+$0x0], $0xffff  }
0x521: {  	v50 =	vor.u32 v18, v38;
	v40 =	vmul.f32 v40, v11;
	v35 =	vadd.f32 v35, v36  }
0x522: {  	v51 =	vld.idx.msk [tilespmem:v46+s3+$0x0], $0xffff  }
0x523: {  	v52 =	vor.u32 v20, v38;
	v39 =	vmul.f32 v47, v13;
	v35 =	vadd.f32 v40, v35  }
0x524: {  	v53 =	vld.idx.msk [tilespmem:v48+s3+$0x0], $0xffff  }
0x525: {  	v54 =	vor.u32 v22, v38;
	v37 =	vmul.f32 v49, v15;
	v35 =	vadd.f32 v39, v35  }
0x526: {  	v55 =	vld.idx.msk [tilespmem:v50+s3+$0x0], $0xffff  }
0x527: {  	v56 =	vor.u32 v24, v38;
	v36 =	vmul.f32 v51, v17;
	v35 =	vadd.f32 v37, v35  }
0x528: {  	v57 =	vld.idx.msk [tilespmem:v52+s3+$0x0], $0xffff  }
0x529: {  	v58 =	vor.u32 v25, v38;
	v40 =	vmul.f32 v53, v19;
	v35 =	vadd.f32 v36, v35  }
0x52a: {  	v59 =	vld.idx.msk [tilespmem:v54+s3+$0x0], $0xffff  }
0x52b: {  	v60 =	vor.u32 v27, v38;
	v39 =	vmul.f32 v55, v21;
	v35 =	vadd.f32 v40, v35  }
0x52c: {  	v61 =	vld.idx.msk [tilespmem:v56+s3+$0x0], $0xffff  }
0x52d: {  	v62 =	vor.u32 v29, v38;
	v37 =	vmul.f32 v57, v23;
	v35 =	vadd.f32 v39, v35  }
0x52e: {  	v63 =	vld.idx.msk [tilespmem:v58+s3+$0x0], $0xffff  }
0x52f: {  	v36 =	vmul.f32 v59, v26;
	v35 =	vadd.f32 v37, v35  }
0x530: {  	v44 =	vld.idx.msk [tilespmem:v60+s3+$0x0], $0xffff  }
0x531: {  	v40 =	vmul.f32 v61, v28;
	v35 =	vadd.f32 v36, v35  }
0x532: {  	v45 =	vld.idx.msk [tilespmem:v62+s3+$0x0], $0xffff  }
0x533: {  	v39 =	vmul.f32 v63, v30;
	v35 =	vadd.f32 v40, v35;
	_ =	sdelay $0x1  }
0x534: {  	v37 =	vmul.f32 v44, v31;
	v35 =	vadd.f32 v39, v35  }
0x535: {  	v38 =	vor.u32 v33, v38  }
0x536: {  	v46 =	vor.u32 v1, v34;
	v36 =	vmul.f32 v45, v32;
	v35 =	vadd.f32 v37, v35  }
0x537: {  	v47 =	vor.u32 v2, v34  }
0x538: {  	v35 =	vadd.f32 v36, v35  }
0x539: {  	v48 =	vor.u32 v3, v34  }
0x53a: {  	[tilespmem:v38+s17+$0x0] =	vst.idx.msk $0xffff, v35  }
0x53b: {  	v49 =	vor.u32 v4, v34;
	v35 =	vld.idx.msk [tilespmem:v46+s3+$0x0], $0xffff  }
0x53c: {  	v37 =	vld.idx.msk [tilespmem:v47+s3+$0x0], $0xffff  }
0x53d: {  	v50 =	vor.u32 v5, v34  }
0x53e: {  	v36 =	vld.idx.msk [tilespmem:v48+s3+$0x0], $0xffff  }
0x53f: {  	v51 =	vor.u32 v9, v34  }
0x540: {  	v38 =	vld.idx.msk [tilespmem:v49+s3+$0x0], $0xffff  }
0x541: {  	v52 =	vor.u32 v12, v34;
	v35 =	vmul.f32 v35, v6;
	v37 =	vmul.f32 v37, v7  }
0x542: {  	v39 =	vld.idx.msk [tilespmem:v50+s3+$0x0], $0xffff  }
0x543: {  	v53 =	vor.u32 v14, v34;
	v36 =	vmul.f32 v36, v8;
	v35 =	vadd.f32 v37, v35  }
0x544: {  	v54 =	vld.idx.msk [tilespmem:v51+s3+$0x0], $0xffff  }
0x545: {  	v55 =	vor.u32 v16, v34;
	v56 =	vmul.f32 v38, v10;
	v35 =	vadd.f32 v36, v35  }
0x546: {  	v57 =	vld.idx.msk [tilespmem:v52+s3+$0x0], $0xffff  }
0x547: {  	v58 =	vor.u32 v18, v34;
	v59 =	vmul.f32 v39, v11;
	v35 =	vadd.f32 v56, v35  }
0x548: {  	v60 =	vld.idx.msk [tilespmem:v53+s3+$0x0], $0xffff  }
0x549: {  	v61 =	vor.u32 v20, v34;
	v62 =	vmul.f32 v54, v13;
	v35 =	vadd.f32 v59, v35  }
0x54a: {  	v63 =	vld.idx.msk [tilespmem:v55+s3+$0x0], $0xffff  }
0x54b: {  	v45 =	vor.u32 v22, v34;
	v46 =	vmul.f32 v57, v15;
	v35 =	vadd.f32 v62, v35  }
0x54c: {  	v47 =	vld.idx.msk [tilespmem:v58+s3+$0x0], $0xffff  }
0x54d: {  	v48 =	vor.u32 v24, v34;
	v49 =	vmul.f32 v60, v17;
	v35 =	vadd.f32 v46, v35  }
0x54e: {  	v50 =	vld.idx.msk [tilespmem:v61+s3+$0x0], $0xffff  }
0x54f: {  	v51 =	vor.u32 v25, v34;
	v52 =	vmul.f32 v63, v19;
	v35 =	vadd.f32 v49, v35  }
0x550: {  	v53 =	vld.idx.msk [tilespmem:v45+s3+$0x0], $0xffff  }
0x551: {  	v54 =	vor.u32 v27, v34;
	v55 =	vmul.f32 v47, v21;
	v35 =	vadd.f32 v52, v35  }
0x552: {  	v56 =	vld.idx.msk [tilespmem:v48+s3+$0x0], $0xffff  }
0x553: {  	v57 =	vor.u32 v29, v34;
	v58 =	vmul.f32 v50, v23;
	v35 =	vadd.f32 v55, v35  }
0x554: {  	v59 =	vld.idx.msk [tilespmem:v51+s3+$0x0], $0xffff  }
0x555: {  	v60 =	vmul.f32 v53, v26;
	v35 =	vadd.f32 v58, v35  }
0x556: {  	v61 =	vld.idx.msk [tilespmem:v54+s3+$0x0], $0xffff  }
0x557: {  	v62 =	vmul.f32 v56, v28;
	v35 =	vadd.f32 v60, v35  }
0x558: {  	s29 =	sadd.s32 $0x1, s23;
	v63 =	vld.idx.msk [tilespmem:v57+s3+$0x0], $0xffff  }
0x559: {  	v43 =	vmov s29;
	v42 =	vmul.f32 v59, v30;
	v35 =	vadd.f32 v62, v35  }
0x55a: {  	v39 =	vand.u32 $0x3D, v43  }
0x55b: {  	v37 =	vbroadcast v39, $0x0;
	v44 =	vmul.f32 v61, v31;
	v35 =	vadd.f32 v42, v35  }
0x55c: {  	v45 =	vor.u32 v33, v34  }
0x55d: {  	v47 =	vor.u32 v1, v37;
	v46 =	vmul.f32 v63, v32;
	v35 =	vadd.f32 v44, v35  }
0x55e: {  	v39 =	vor.u32 v2, v37  }
0x55f: {  	v35 =	vadd.f32 v46, v35  }
0x560: {  	v48 =	vor.u32 v3, v37  }
0x561: {  	[tilespmem:v45+s17+$0x0] =	vst.idx.msk $0xffff, v35  }
0x562: {  	v49 =	vor.u32 v4, v37;
	v34 =	vld.idx.msk [tilespmem:v47+s3+$0x0], $0xffff  }
0x563: {  	v50 =	vld.idx.msk [tilespmem:v39+s3+$0x0], $0xffff  }
0x564: {  	v51 =	vor.u32 v5, v37  }
0x565: {  	v36 =	vld.idx.msk [tilespmem:v48+s3+$0x0], $0xffff  }
0x566: {  	v52 =	vor.u32 v9, v37  }
0x567: {  	v35 =	vld.idx.msk [tilespmem:v49+s3+$0x0], $0xffff  }
0x568: {  	v53 =	vor.u32 v12, v37;
	v34 =	vmul.f32 v34, v6;
	v38 =	vmul.f32 v50, v7  }
0x569: {  	v39 =	vld.idx.msk [tilespmem:v51+s3+$0x0], $0xffff  }
0x56a: {  	v54 =	vor.u32 v14, v37;
	v36 =	vmul.f32 v36, v8;
	v34 =	vadd.f32 v38, v34  }
0x56b: {  	v55 =	vld.idx.msk [tilespmem:v52+s3+$0x0], $0xffff  }
0x56c: {  	v56 =	vor.u32 v16, v37;
	v35 =	vmul.f32 v35, v10;
	v34 =	vadd.f32 v36, v34  }
0x56d: {  	v57 =	vld.idx.msk [tilespmem:v53+s3+$0x0], $0xffff  }
0x56e: {  	v58 =	vor.u32 v18, v37;
	v59 =	vmul.f32 v39, v11;
	v34 =	vadd.f32 v35, v34  }
0x56f: {  	v60 =	vld.idx.msk [tilespmem:v54+s3+$0x0], $0xffff  }
0x570: {  	v61 =	vor.u32 v20, v37;
	v62 =	vmul.f32 v55, v13;
	v34 =	vadd.f32 v59, v34  }
0x571: {  	v63 =	vld.idx.msk [tilespmem:v56+s3+$0x0], $0xffff  }
0x572: {  	v45 =	vor.u32 v22, v37;
	v46 =	vmul.f32 v57, v15;
	v34 =	vadd.f32 v62, v34  }
0x573: {  	v47 =	vld.idx.msk [tilespmem:v58+s3+$0x0], $0xffff  }
0x574: {  	v48 =	vor.u32 v24, v37;
	v49 =	vmul.f32 v60, v17;
	v34 =	vadd.f32 v46, v34  }
0x575: {  	v50 =	vld.idx.msk [tilespmem:v61+s3+$0x0], $0xffff  }
0x576: {  	v51 =	vor.u32 v25, v37;
	v52 =	vmul.f32 v63, v19;
	v34 =	vadd.f32 v49, v34  }
0x577: {  	v53 =	vld.idx.msk [tilespmem:v45+s3+$0x0], $0xffff  }
0x578: {  	v54 =	vor.u32 v27, v37;
	v55 =	vmul.f32 v47, v21;
	v34 =	vadd.f32 v52, v34  }
0x579: {  	v56 =	vld.idx.msk [tilespmem:v48+s3+$0x0], $0xffff  }
0x57a: {  	v57 =	vor.u32 v29, v37;
	v58 =	vmul.f32 v50, v23;
	v34 =	vadd.f32 v55, v34  }
0x57b: {  	v59 =	vld.idx.msk [tilespmem:v51+s3+$0x0], $0xffff  }
0x57c: {  	v60 =	vmul.f32 v53, v26;
	v34 =	vadd.f32 v58, v34  }
0x57d: {  	v61 =	vld.idx.msk [tilespmem:v54+s3+$0x0], $0xffff  }
0x57e: {  	v62 =	vmul.f32 v56, v28;
	v34 =	vadd.f32 v60, v34  }
0x57f: {  	s30 =	sadd.s32 $0x2, s23;
	v63 =	vld.idx.msk [tilespmem:v57+s3+$0x0], $0xffff  }
0x580: {  	v43 =	vmov s30;
	v42 =	vmul.f32 v59, v30;
	v34 =	vadd.f32 v62, v34  }
0x581: {  	v39 =	vand.u32 $0x3E, v43  }
0x582: {  	v38 =	vbroadcast v39, $0x0;
	v44 =	vmul.f32 v61, v31;
	v34 =	vadd.f32 v42, v34  }
0x583: {  	v37 =	vor.u32 v33, v37  }
0x584: {  	v45 =	vmul.f32 v63, v32;
	v46 =	vor.u32 v1, v38;
	v34 =	vadd.f32 v44, v34  }
0x585: {  	v39 =	vor.u32 v2, v38  }
0x586: {  	v34 =	vadd.f32 v45, v34  }
0x587: {  	v47 =	vor.u32 v3, v38  }
0x588: {  	[tilespmem:v37+s17+$0x0] =	vst.idx.msk $0xffff, v34  }
0x589: {  	v48 =	vor.u32 v4, v38;
	v34 =	vld.idx.msk [tilespmem:v46+s3+$0x0], $0xffff  }
0x58a: {  	v37 =	vld.idx.msk [tilespmem:v39+s3+$0x0], $0xffff  }
0x58b: {  	v49 =	vor.u32 v5, v38  }
0x58c: {  	v35 =	vld.idx.msk [tilespmem:v47+s3+$0x0], $0xffff  }
0x58d: {  	v50 =	vor.u32 v9, v38  }
0x58e: {  	v36 =	vld.idx.msk [tilespmem:v48+s3+$0x0], $0xffff  }
0x58f: {  	v51 =	vor.u32 v12, v38;
	v34 =	vmul.f32 v34, v6;
	v37 =	vmul.f32 v37, v7  }
0x590: {  	v39 =	vld.idx.msk [tilespmem:v49+s3+$0x0], $0xffff  }
0x591: {  	v52 =	vor.u32 v14, v38;
	v35 =	vmul.f32 v35, v8;
	v34 =	vadd.f32 v37, v34  }
0x592: {  	v53 =	vld.idx.msk [tilespmem:v50+s3+$0x0], $0xffff  }
0x593: {  	v54 =	vor.u32 v16, v38;
	v55 =	vmul.f32 v36, v10;
	v34 =	vadd.f32 v35, v34  }
0x594: {  	v56 =	vld.idx.msk [tilespmem:v51+s3+$0x0], $0xffff  }
0x595: {  	v57 =	vor.u32 v18, v38;
	v58 =	vmul.f32 v39, v11;
	v34 =	vadd.f32 v55, v34  }
0x596: {  	v59 =	vld.idx.msk [tilespmem:v52+s3+$0x0], $0xffff  }
0x597: {  	v60 =	vor.u32 v20, v38;
	v61 =	vmul.f32 v53, v13;
	v34 =	vadd.f32 v58, v34  }
0x598: {  	v62 =	vld.idx.msk [tilespmem:v54+s3+$0x0], $0xffff  }
0x599: {  	v63 =	vor.u32 v22, v38;
	v45 =	vmul.f32 v56, v15;
	v34 =	vadd.f32 v61, v34  }
0x59a: {  	v46 =	vld.idx.msk [tilespmem:v57+s3+$0x0], $0xffff  }
0x59b: {  	v47 =	vor.u32 v24, v38;
	v48 =	vmul.f32 v59, v17;
	v34 =	vadd.f32 v45, v34  }
0x59c: {  	v49 =	vld.idx.msk [tilespmem:v60+s3+$0x0], $0xffff  }
0x59d: {  	v50 =	vor.u32 v25, v38;
	v51 =	vmul.f32 v62, v19;
	v34 =	vadd.f32 v48, v34  }
0x59e: {  	v52 =	vld.idx.msk [tilespmem:v63+s3+$0x0], $0xffff  }
0x59f: {  	v53 =	vor.u32 v27, v38;
	v54 =	vmul.f32 v46, v21;
	v34 =	vadd.f32 v51, v34  }
0x5a0: {  	v55 =	vld.idx.msk [tilespmem:v47+s3+$0x0], $0xffff  }
0x5a1: {  	v56 =	vor.u32 v29, v38;
	v57 =	vmul.f32 v49, v23;
	v34 =	vadd.f32 v54, v34  }
0x5a2: {  	v58 =	vld.idx.msk [tilespmem:v50+s3+$0x0], $0xffff  }
0x5a3: {  	v59 =	vmul.f32 v52, v26;
	v34 =	vadd.f32 v57, v34  }
0x5a4: {  	v60 =	vld.idx.msk [tilespmem:v53+s3+$0x0], $0xffff  }
0x5a5: {  	v61 =	vmul.f32 v55, v28;
	v34 =	vadd.f32 v59, v34  }
0x5a6: {  	s31 =	sadd.s32 $0x3, s23;
	v62 =	vld.idx.msk [tilespmem:v56+s3+$0x0], $0xffff  }
0x5a7: {  	v42 =	vmov s31;
	v63 =	vmul.f32 v58, v30;
	v34 =	vadd.f32 v61, v34  }
0x5a8: {  	v39 =	vand.u32 $0x3F, v42  }
0x5a9: {  	v44 =	vbroadcast v39, $0x0;
	v43 =	vmul.f32 v60, v31;
	v34 =	vadd.f32 v63, v34  }
0x5aa: {  	v38 =	vor.u32 v33, v38  }
0x5ab: {  	v1 =	vor.u32 v1, v44;
	v45 =	vmul.f32 v62, v32;
	v34 =	vadd.f32 v43, v34  }
0x5ac: {  	v2 =	vor.u32 v2, v44  }
0x5ad: {  	v34 =	vadd.f32 v45, v34  }
0x5ae: {  	v3 =	vor.u32 v3, v44  }
0x5af: {  	[tilespmem:v38+s17+$0x0] =	vst.idx.msk $0xffff, v34  }
0x5b0: {  	v46 =	vor.u32 v4, v44;
	v1 =	vld.idx.msk [tilespmem:v1+s3+$0x0], $0xffff  }
0x5b1: {  	v2 =	vld.idx.msk [tilespmem:v2+s3+$0x0], $0xffff  }
0x5b2: {  	v47 =	vor.u32 v5, v44  }
0x5b3: {  	v3 =	vld.idx.msk [tilespmem:v3+s3+$0x0], $0xffff  }
0x5b4: {  	v48 =	vor.u32 v9, v44  }
0x5b5: {  	v4 =	vld.idx.msk [tilespmem:v46+s3+$0x0], $0xffff  }
0x5b6: {  	v49 =	vor.u32 v12, v44;
	v1 =	vmul.f32 v1, v6;
	v2 =	vmul.f32 v2, v7  }
0x5b7: {  	v5 =	vld.idx.msk [tilespmem:v47+s3+$0x0], $0xffff  }
0x5b8: {  	v50 =	vor.u32 v14, v44;
	v3 =	vmul.f32 v3, v8;
	v1 =	vadd.f32 v2, v1  }
0x5b9: {  	v2 =	vld.idx.msk [tilespmem:v48+s3+$0x0], $0xffff  }
0x5ba: {  	v51 =	vor.u32 v16, v44;
	v4 =	vmul.f32 v4, v10;
	v1 =	vadd.f32 v3, v1  }
0x5bb: {  	v3 =	vld.idx.msk [tilespmem:v49+s3+$0x0], $0xffff  }
0x5bc: {  	v52 =	vor.u32 v18, v44;
	v5 =	vmul.f32 v5, v11;
	v1 =	vadd.f32 v4, v1  }
0x5bd: {  	v53 =	vld.idx.msk [tilespmem:v50+s3+$0x0], $0xffff  }
0x5be: {  	v54 =	vor.u32 v20, v44;
	v2 =	vmul.f32 v2, v13;
	v1 =	vadd.f32 v5, v1  }
0x5bf: {  	v55 =	vld.idx.msk [tilespmem:v51+s3+$0x0], $0xffff  }
0x5c0: {  	v56 =	vor.u32 v22, v44;
	v3 =	vmul.f32 v3, v15;
	v1 =	vadd.f32 v2, v1  }
0x5c1: {  	v2 =	vld.idx.msk [tilespmem:v52+s3+$0x0], $0xffff  }
0x5c2: {  	v57 =	vor.u32 v24, v44;
	v4 =	vmul.f32 v53, v17;
	v1 =	vadd.f32 v3, v1  }
0x5c3: {  	v3 =	vld.idx.msk [tilespmem:v54+s3+$0x0], $0xffff  }
0x5c4: {  	v58 =	vor.u32 v25, v44;
	v5 =	vmul.f32 v55, v19;
	v1 =	vadd.f32 v4, v1  }
0x5c5: {  	v59 =	vld.idx.msk [tilespmem:v56+s3+$0x0], $0xffff  }
0x5c6: {  	v60 =	vor.u32 v27, v44;
	v2 =	vmul.f32 v2, v21;
	v1 =	vadd.f32 v5, v1  }
0x5c7: {  	v61 =	vld.idx.msk [tilespmem:v57+s3+$0x0], $0xffff  }
0x5c8: {  	v62 =	vor.u32 v29, v44;
	v3 =	vmul.f32 v3, v23;
	v1 =	vadd.f32 v2, v1  }
0x5c9: {  	v2 =	vld.idx.msk [tilespmem:v58+s3+$0x0], $0xffff  }
0x5ca: {  	v4 =	vmul.f32 v59, v26;
	v1 =	vadd.f32 v3, v1  }
0x5cb: {  	v3 =	vld.idx.msk [tilespmem:v60+s3+$0x0], $0xffff  }
0x5cc: {  	v5 =	vmul.f32 v61, v28;
	v1 =	vadd.f32 v4, v1  }
0x5cd: {  	v63 =	vld.idx.msk [tilespmem:v62+s3+$0x0], $0xffff  }
0x5ce: {  	v2 =	vmul.f32 v2, v30;
	v1 =	vadd.f32 v5, v1;
	_ =	sdelay $0x1  }
0x5cf: {  	s22 =	sadd.s32 $0x1, s22;
	v3 =	vmul.f32 v3, v31;
	v1 =	vadd.f32 v2, v1  }
0x5d0: {  	p0 =	sne.s32 s22, $0x8;
	v2 =	vor.u32 v33, v44  }
.Ltmp6:
0x5d1: {  	v4 =	vmul.f32 v63, v32;
	v1 =	vadd.f32 v3, v1;
	(pc) =	sbr.rel @p0 .LBB2_13-.Ltmp6, $3  }
0x5d2: {  	_ = 	snop  }
0x5d3: {  	v1 =	vadd.f32 v4, v1;
	_ =	sdelay $0x1  }
0x5d4: {  	[tilespmem:v2+s17+$0x0] =	vst.idx.msk $0xffff, v1  }
0x5d5: {  	s21 =	sshll.u32 s21, $0xB  }
0x5d6: {  	s22 =	simm.s32 $0x0;
	s23 =	sadd.s32 s2, s21  }
0x5d7: {  	[hbm4b:s23+s22] =	stream.linear.scatter [tilespmem:s17], [sflag:$0x1], $0x2000, $0x38;
	[tilespmem:$0x13A00] =	vst v63  }
0x5d8: {  	_ =	swait.ge [sflag:s14], $0x2000  }
0x5d9: {  	[sflag:s14] =	ssyncset.done $0x0  }
0x5da: {  	s23 =	simm.s32 $0x0;
	[sflag:s14] =	ssyncadd.s32 $0xFFFFE000  }
.LBB2_17:
0x5db: {  	s24 =	sshll.u32 s23, $0x4  }
0x5dc: {  	v1 =	vld [tilespmem:s24+$0xFA80]  }
0x5dd: {  	v6 =	vld [tilespmem:s24+$0x10A80]  }
0x5de: {  	v2 =	vld [tilespmem:s24+$0xFB80]  }
0x5df: {  	v7 =	vld [tilespmem:s24+$0x10B80]  }
0x5e0: {  	v3 =	vld [tilespmem:s24+$0xFC80]  }
0x5e1: {  	v8 =	vld [tilespmem:s24+$0x10C80]  }
0x5e2: {  	v4 =	vld [tilespmem:s24+$0xFD80]  }
0x5e3: {  	v10 =	vld [tilespmem:s24+$0x10D80]  }
0x5e4: {  	v5 =	vld [tilespmem:s24+$0xFE80]  }
0x5e5: {  	v11 =	vld [tilespmem:s24+$0x10E80]  }
0x5e6: {  	v12 =	vmov s22;
	v9 =	vld [tilespmem:s24+$0xFF80]  }
0x5e7: {  	v13 =	vld [tilespmem:s24+$0x10F80];
	v12 =	vand.u32 $0x3C, v12  }
0x5e8: {  	v14 =	vld [tilespmem:s24+$0x10080];
	v34 =	vbroadcast v12, $0x0  }
0x5e9: {  	v15 =	vld [tilespmem:s24+$0x11080];
	v1 =	vshll.u32 v1, $0x6  }
0x5ea: {  	v16 =	vld [tilespmem:s24+$0x10180];
	v2 =	vshll.u32 v2, $0x6;
	v12 =	vor.u32 v1, v34  }
0x5eb: {  	v17 =	vld [tilespmem:s24+$0x11180];
	v18 =	vor.u32 v2, v34  }
0x5ec: {  	v19 =	vld [tilespmem:s24+$0x10280];
	v3 =	vshll.u32 v3, $0x6  }
0x5ed: {  	v21 =	vld [tilespmem:s24+$0x11280];
	v20 =	vor.u32 v3, v34  }
0x5ee: {  	v22 =	vld [tilespmem:s24+$0x10380];
	v4 =	vshll.u32 v4, $0x6  }
0x5ef: {  	v24 =	vor.u32 v4, v34;
	v23 =	vld.idx.msk [tilespmem:v12+s3+$0x0], $0xffff  }
0x5f0: {  	v5 =	vshll.u32 v5, $0x6;
	v18 =	vld.idx.msk [tilespmem:v18+s3+$0x0], $0xffff  }
0x5f1: {  	v25 =	vld [tilespmem:s24+$0x11380];
	v26 =	vor.u32 v5, v34  }
0x5f2: {  	v9 =	vshll.u32 v9, $0x6;
	v6 =	vmul.f32 $6.250000000e-02, v6;
	v20 =	vld.idx.msk [tilespmem:v20+s3+$0x0], $0xffff  }
0x5f3: {  	v27 =	vld [tilespmem:s24+$0x10480];
	v7 =	vmul.f32 $6.250000000e-02, v7;
	v28 =	vor.u32 v9, v34;
	v12 =	vshll.u32 v14, $0x6  }
0x5f4: {  	v8 =	vmul.f32 $6.250000000e-02, v8;
	v24 =	vld.idx.msk [tilespmem:v24+s3+$0x0], $0xffff;
	v30 =	vor.u32 v12, v34  }
0x5f5: {  	v29 =	vld [tilespmem:s24+$0x11480];
	v14 =	vshll.u32 v16, $0x6;
	v23 =	vmul.f32 v23, v6;
	v18 =	vmul.f32 v18, v7  }
0x5f6: {  	v10 =	vmul.f32 $6.250000000e-02, v10;
	v26 =	vld.idx.msk [tilespmem:v26+s3+$0x0], $0xffff;
	v32 =	vor.u32 v14, v34  }
0x5f7: {  	v31 =	vld [tilespmem:s24+$0x10580];
	v16 =	vshll.u32 v19, $0x6;
	v20 =	vmul.f32 v20, v8;
	v18 =	vadd.f32 v18, v23  }
0x5f8: {  	v19 =	vld.idx.msk [tilespmem:v28+s3+$0x0], $0xffff;
	v23 =	vor.u32 v16, v34  }
0x5f9: {  	v11 =	vmul.f32 $6.250000000e-02, v11;
	v24 =	vmul.f32 v24, v10;
	v30 =	vld.idx.msk [tilespmem:v30+s3+$0x0], $0xffff;
	v20 =	vadd.f32 v20, v18  }
0x5fa: {  	v33 =	vld [tilespmem:s24+$0x10680];
	v13 =	vmul.f32 $6.250000000e-02, v13;
	v18 =	vshll.u32 v22, $0x6  }
0x5fb: {  	v35 =	vor.u32 v18, v34;
	v22 =	vadd.f32 v24, v20;
	v24 =	vmul.f32 v26, v11;
	v26 =	vld.idx.msk [tilespmem:v32+s3+$0x0], $0xffff  }
0x5fc: {  	v15 =	vmul.f32 $6.250000000e-02, v15;
	v20 =	vshll.u32 v27, $0x6;
	v27 =	vld [tilespmem:s24+$0x10780]  }
0x5fd: {  	v19 =	vmul.f32 v19, v13;
	v59 =	vor.u32 v20, v34;
	v23 =	vld.idx.msk [tilespmem:v23+s3+$0x0], $0xffff;
	v24 =	vadd.f32 v24, v22  }
0x5fe: {  	v17 =	vmul.f32 $6.250000000e-02, v17;
	v30 =	vmul.f32 v30, v15;
	v22 =	vshll.u32 v31, $0x6;
	v31 =	vld [tilespmem:s24+$0x10880]  }
0x5ff: {  	v61 =	vld [tilespmem:s24+$0x10980];
	v36 =	vor.u32 v22, v34;
	v37 =	vadd.f32 v19, v24;
	v24 =	vshll.u32 v33, $0x6  }
0x600: {  	v19 =	vmul.f32 $6.250000000e-02, v21;
	v60 =	vld.idx.msk [tilespmem:v35+s3+$0x0], $0xffff;
	v21 =	vmul.f32 $6.250000000e-02, v25;
	v38 =	vor.u32 v24, v34  }
0x601: {  	v28 =	vld [tilespmem:s24+$0x11580];
	v26 =	vmul.f32 v26, v17;
	v25 =	vshll.u32 v27, $0x6;
	v30 =	vadd.f32 v30, v37  }
0x602: {  	v32 =	vld.idx.msk [tilespmem:v59+s3+$0x0], $0xffff;
	v39 =	vor.u32 v25, v34  }
0x603: {  	v62 =	vld [tilespmem:s24+$0x11680];
	v27 =	vshll.u32 v31, $0x6;
	v26 =	vadd.f32 v26, v30;
	v30 =	vmul.f32 v23, v19  }
0x604: {  	v23 =	vmul.f32 $6.250000000e-02, v29;
	v31 =	vld.idx.msk [tilespmem:v36+s3+$0x0], $0xffff;
	v40 =	vor.u32 v27, v34  }
0x605: {  	v63 =	vld [tilespmem:s24+$0x11780];
	v29 =	vshll.u32 v61, $0x6;
	v33 =	vmul.f32 v60, v21;
	v30 =	vadd.f32 v30, v26  }
0x606: {  	v41 =	vor.u32 v29, v34;
	v44 =	vld.idx.msk [tilespmem:v38+s3+$0x0], $0xffff  }
0x607: {  	v45 =	vld [tilespmem:s24+$0x11880];
	v26 =	vmul.f32 $6.250000000e-02, v28;
	v32 =	vmul.f32 v32, v23;
	v30 =	vadd.f32 v33, v30  }
0x608: {  	v46 =	vld.idx.msk [tilespmem:v39+s3+$0x0], $0xffff  }
0x609: {  	s30 =	simm.s32 $0x1;
	v47 =	vld [tilespmem:s24+$0x11980];
	v28 =	vmul.f32 $6.250000000e-02, v62;
	v31 =	vmul.f32 v31, v26;
	v32 =	vadd.f32 v32, v30  }
0x60a: {  	v49 =	vmov s24;
	v53 =	vmov s30;
	v48 =	vld.idx.msk [tilespmem:v40+s3+$0x0], $0xffff  }
0x60b: {  	v30 =	vmul.f32 $6.250000000e-02, v63;
	v35 =	vmul.f32 v44, v28;
	v32 =	vadd.f32 v31, v32  }
0x60c: {  	v50 =	vshll.u32 v49, $0x6;
	v54 =	vand.u32 $0x3D, v53;
	v51 =	vld.idx.msk [tilespmem:v41+s3+$0x0], $0xffff  }
0x60d: {  	v31 =	vmul.f32 $6.250000000e-02, v45;
	v52 =	vmul.f32 v46, v30;
	v35 =	vadd.f32 v35, v32  }
0x60e: {  	v37 =	vbroadcast v54, $0x0;
	v33 =	vor.u32 v0, v50  }
0x60f: {  	v32 =	vmul.f32 $6.250000000e-02, v47;
	v36 =	vmul.f32 v48, v31;
	v35 =	vadd.f32 v52, v35  }
0x610: {  	v34 =	vor.u32 v33, v34  }
0x611: {  	v56 =	vor.u32 v1, v37;
	v55 =	vmul.f32 v51, v32;
	v35 =	vadd.f32 v36, v35  }
0x612: {  	v57 =	vor.u32 v2, v37  }
0x613: {  	v35 =	vadd.f32 v55, v35  }
0x614: {  	v58 =	vor.u32 v3, v37  }
0x615: {  	[tilespmem:v34+s17+$0x0] =	vst.idx.msk $0xffff, v35  }
0x616: {  	v59 =	vor.u32 v4, v37;
	v34 =	vld.idx.msk [tilespmem:v56+s3+$0x0], $0xffff  }
0x617: {  	v60 =	vld.idx.msk [tilespmem:v57+s3+$0x0], $0xffff  }
0x618: {  	v61 =	vor.u32 v5, v37  }
0x619: {  	v36 =	vld.idx.msk [tilespmem:v58+s3+$0x0], $0xffff  }
0x61a: {  	v62 =	vor.u32 v9, v37  }
0x61b: {  	v35 =	vld.idx.msk [tilespmem:v59+s3+$0x0], $0xffff  }
0x61c: {  	v63 =	vor.u32 v12, v37;
	v34 =	vmul.f32 v34, v6;
	v38 =	vmul.f32 v60, v7  }
0x61d: {  	v39 =	vld.idx.msk [tilespmem:v61+s3+$0x0], $0xffff  }
0x61e: {  	v42 =	vor.u32 v14, v37;
	v36 =	vmul.f32 v36, v8;
	v34 =	vadd.f32 v38, v34  }
0x61f: {  	v45 =	vld.idx.msk [tilespmem:v62+s3+$0x0], $0xffff  }
0x620: {  	v46 =	vor.u32 v16, v37;
	v35 =	vmul.f32 v35, v10;
	v34 =	vadd.f32 v36, v34  }
0x621: {  	v47 =	vld.idx.msk [tilespmem:v63+s3+$0x0], $0xffff  }
0x622: {  	v48 =	vor.u32 v18, v37;
	v49 =	vmul.f32 v39, v11;
	v34 =	vadd.f32 v35, v34  }
0x623: {  	v50 =	vld.idx.msk [tilespmem:v42+s3+$0x0], $0xffff  }
0x624: {  	v51 =	vor.u32 v20, v37;
	v52 =	vmul.f32 v45, v13;
	v34 =	vadd.f32 v49, v34  }
0x625: {  	v53 =	vld.idx.msk [tilespmem:v46+s3+$0x0], $0xffff  }
0x626: {  	v54 =	vor.u32 v22, v37;
	v55 =	vmul.f32 v47, v15;
	v34 =	vadd.f32 v52, v34  }
0x627: {  	v56 =	vld.idx.msk [tilespmem:v48+s3+$0x0], $0xffff  }
0x628: {  	v57 =	vor.u32 v24, v37;
	v58 =	vmul.f32 v50, v17;
	v34 =	vadd.f32 v55, v34  }
0x629: {  	v59 =	vld.idx.msk [tilespmem:v51+s3+$0x0], $0xffff  }
0x62a: {  	v60 =	vor.u32 v25, v37;
	v61 =	vmul.f32 v53, v19;
	v34 =	vadd.f32 v58, v34  }
0x62b: {  	v62 =	vld.idx.msk [tilespmem:v54+s3+$0x0], $0xffff  }
0x62c: {  	v63 =	vor.u32 v27, v37;
	v44 =	vmul.f32 v56, v21;
	v34 =	vadd.f32 v61, v34  }
0x62d: {  	v45 =	vld.idx.msk [tilespmem:v57+s3+$0x0], $0xffff  }
0x62e: {  	v46 =	vor.u32 v29, v37;
	v47 =	vmul.f32 v59, v23;
	v34 =	vadd.f32 v44, v34  }
0x62f: {  	v48 =	vld.idx.msk [tilespmem:v60+s3+$0x0], $0xffff  }
0x630: {  	v49 =	vmul.f32 v62, v26;
	v34 =	vadd.f32 v47, v34  }
0x631: {  	v50 =	vld.idx.msk [tilespmem:v63+s3+$0x0], $0xffff  }
0x632: {  	v51 =	vmul.f32 v45, v28;
	v34 =	vadd.f32 v49, v34  }
0x633: {  	s31 =	simm.s32 $0x2;
	v52 =	vld.idx.msk [tilespmem:v46+s3+$0x0], $0xffff  }
0x634: {  	v54 =	vmov s31;
	v53 =	vmul.f32 v48, v30;
	v34 =	vadd.f32 v51, v34  }
0x635: {  	v39 =	vand.u32 $0x3E, v54  }
0x636: {  	v38 =	vmul.f32 v50, v31;
	v35 =	vbroadcast v39, $0x0;
	v34 =	vadd.f32 v53, v34  }
0x637: {  	v37 =	vor.u32 v33, v37  }
0x638: {  	v55 =	vor.u32 v1, v35;
	v36 =	vmul.f32 v52, v32;
	v34 =	vadd.f32 v38, v34  }
0x639: {  	v39 =	vor.u32 v2, v35  }
0x63a: {  	v34 =	vadd.f32 v36, v34  }
0x63b: {  	v56 =	vor.u32 v3, v35  }
0x63c: {  	[tilespmem:v37+s17+$0x0] =	vst.idx.msk $0xffff, v34  }
0x63d: {  	v57 =	vor.u32 v4, v35;
	v34 =	vld.idx.msk [tilespmem:v55+s3+$0x0], $0xffff  }
0x63e: {  	v58 =	vld.idx.msk [tilespmem:v39+s3+$0x0], $0xffff  }
0x63f: {  	v59 =	vor.u32 v5, v35  }
0x640: {  	v60 =	vor.u32 v9, v35;
	v36 =	vld.idx.msk [tilespmem:v56+s3+$0x0], $0xffff  }
0x641: {  	s24 =	simm.s32 $0x4  }
0x642: {  	v41 =	vor.u32 v12, v35;
	v61 =	vmov s24;
	v39 =	vld.idx.msk [tilespmem:v57+s3+$0x0], $0xffff  }
0x643: {  	v63 =	vand.u32 $0x3C, v61;
	v62 =	vmul.f32 v34, v6;
	v44 =	vmul.f32 v58, v7  }
0x644: {  	v43 =	vor.u32 v14, v35;
	v40 =	vld.idx.msk [tilespmem:v59+s3+$0x0], $0xffff;
	v34 =	vbroadcast v63, $0x0  }
0x645: {  	s26 =	simm.s32 $0x8;
	s25 =	simm.s32 $0x0;
	v38 =	vor.u32 v16, v35;
	v42 =	vld.idx.msk [tilespmem:v60+s3+$0x0], $0xffff;
	v45 =	vmul.f32 v36, v8;
	v44 =	vadd.f32 v44, v62  }
.LBB2_18:
0x646: {  	p0 =	sne.s32 s26, $0x3C;
	v37 =	vor.u32 v1, v34;
	v36 =	vor.u32 v2, v34;
	s28 =	smov.u32 s26;
	s26 =	sadd.s32 $0x4, s26  }
0x647: {  	v39 =	vmul.f32 v39, v10;
	v44 =	vadd.f32 v45, v44;
	v41 =	vld.idx.msk [tilespmem:v41+s3+$0x0], $0xffff  }
0x648: {  	v45 =	vor.u32 v18, v35  }
0x649: {  	v40 =	vmul.f32 v40, v11;
	v39 =	vadd.f32 v39, v44;
	v43 =	vld.idx.msk [tilespmem:v43+s3+$0x0], $0xffff  }
0x64a: {  	v44 =	vor.u32 v20, v35  }
0x64b: {  	v39 =	vadd.f32 v40, v39;
	v40 =	vmul.f32 v42, v13;
	v38 =	vld.idx.msk [tilespmem:v38+s3+$0x0], $0xffff  }
0x64c: {  	v42 =	vor.u32 v22, v35  }
0x64d: {  	v39 =	vadd.f32 v40, v39;
	v40 =	vmul.f32 v41, v15;
	v41 =	vld.idx.msk [tilespmem:v45+s3+$0x0], $0xffff  }
0x64e: {  	v45 =	vor.u32 v24, v35  }
0x64f: {  	v39 =	vadd.f32 v40, v39;
	v40 =	vmul.f32 v43, v17;
	v43 =	vld.idx.msk [tilespmem:v44+s3+$0x0], $0xffff  }
0x650: {  	v44 =	vor.u32 v25, v35  }
0x651: {  	v38 =	vmul.f32 v38, v19;
	v39 =	vadd.f32 v40, v39;
	v40 =	vld.idx.msk [tilespmem:v42+s3+$0x0], $0xffff  }
0x652: {  	v42 =	vor.u32 v27, v35  }
0x653: {  	v38 =	vadd.f32 v38, v39;
	v39 =	vmul.f32 v41, v21;
	v41 =	vld.idx.msk [tilespmem:v45+s3+$0x0], $0xffff  }
0x654: {  	v45 =	vor.u32 v29, v35  }
0x655: {  	v38 =	vadd.f32 v39, v38;
	v39 =	vmul.f32 v43, v23;
	v43 =	vld.idx.msk [tilespmem:v44+s3+$0x0], $0xffff;
	_ =	sdelay $0x1  }
0x656: {  	v38 =	vadd.f32 v39, v38;
	v39 =	vmul.f32 v40, v26;
	v40 =	vld.idx.msk [tilespmem:v42+s3+$0x0], $0xffff;
	_ =	sdelay $0x1  }
0x657: {  	v38 =	vadd.f32 v39, v38;
	v39 =	vmul.f32 v41, v28;
	v41 =	vld.idx.msk [tilespmem:v45+s3+$0x0], $0xffff  }
0x658: {  	s29 =	sadd.s32 $0x3, s25;
	s25 =	smov.u32 s24;
	s24 =	smov.u32 s28  }
0x659: {  	v42 =	vmov s29;
	v38 =	vadd.f32 v39, v38;
	v39 =	vmul.f32 v43, v30  }
0x65a: {  	v42 =	vand.u32 $0x3F, v42  }
0x65b: {  	v38 =	vadd.f32 v39, v38;
	v39 =	vmul.f32 v40, v31;
	v40 =	vbroadcast v42, $0x0  }
0x65c: {  	v35 =	vor.u32 v33, v35  }
0x65d: {  	v38 =	vadd.f32 v39, v38;
	v39 =	vmul.f32 v41, v32;
	v41 =	vor.u32 v1, v40  }
0x65e: {  	v42 =	vor.u32 v2, v40  }
0x65f: {  	v38 =	vadd.f32 v39, v38;
	v39 =	vor.u32 v3, v40  }
0x660: {  	v43 =	vor.u32 v4, v40  }
0x661: {  	[tilespmem:v35+s17+$0x0] =	vst.idx.msk $0xffff, v38;
	v35 =	vor.u32 v5, v40  }
0x662: {  	v38 =	vld.idx.msk [tilespmem:v41+s3+$0x0], $0xffff;
	v41 =	vor.u32 v9, v40  }
0x663: {  	v44 =	vor.u32 v12, v40;
	v42 =	vld.idx.msk [tilespmem:v42+s3+$0x0], $0xffff  }
0x664: {  	v45 =	vor.u32 v14, v40;
	v39 =	vld.idx.msk [tilespmem:v39+s3+$0x0], $0xffff  }
0x665: {  	v46 =	vor.u32 v16, v40;
	v43 =	vld.idx.msk [tilespmem:v43+s3+$0x0], $0xffff  }
0x666: {  	v47 =	vor.u32 v18, v40;
	v35 =	vld.idx.msk [tilespmem:v35+s3+$0x0], $0xffff  }
0x667: {  	v48 =	vor.u32 v20, v40;
	v41 =	vld.idx.msk [tilespmem:v41+s3+$0x0], $0xffff  }
0x668: {  	v49 =	vor.u32 v22, v40;
	v38 =	vmul.f32 v38, v6;
	v44 =	vld.idx.msk [tilespmem:v44+s3+$0x0], $0xffff  }
0x669: {  	v50 =	vor.u32 v24, v40;
	v42 =	vmul.f32 v42, v7;
	v45 =	vld.idx.msk [tilespmem:v45+s3+$0x0], $0xffff  }
0x66a: {  	v51 =	vor.u32 v25, v40;
	v39 =	vmul.f32 v39, v8;
	v46 =	vld.idx.msk [tilespmem:v46+s3+$0x0], $0xffff  }
0x66b: {  	v38 =	vadd.f32 v42, v38;
	v42 =	vld.idx.msk [tilespmem:v47+s3+$0x0], $0xffff;
	v47 =	vor.u32 v27, v40  }
0x66c: {  	v52 =	vor.u32 v29, v40;
	v43 =	vmul.f32 v43, v10;
	v48 =	vld.idx.msk [tilespmem:v48+s3+$0x0], $0xffff  }
0x66d: {  	v38 =	vadd.f32 v39, v38;
	v39 =	vld.idx.msk [tilespmem:v49+s3+$0x0], $0xffff  }
0x66e: {  	v35 =	vmul.f32 v35, v11;
	v49 =	vld.idx.msk [tilespmem:v50+s3+$0x0], $0xffff  }
0x66f: {  	v38 =	vadd.f32 v43, v38;
	v43 =	vld.idx.msk [tilespmem:v51+s3+$0x0], $0xffff  }
0x670: {  	v41 =	vmul.f32 v41, v13;
	v47 =	vld.idx.msk [tilespmem:v47+s3+$0x0], $0xffff  }
0x671: {  	v35 =	vadd.f32 v35, v38;
	v38 =	vld.idx.msk [tilespmem:v52+s3+$0x0], $0xffff  }
0x672: {  	v44 =	vmul.f32 v44, v15  }
0x673: {  	v35 =	vadd.f32 v41, v35  }
0x674: {  	v41 =	vmul.f32 v45, v17  }
0x675: {  	v35 =	vadd.f32 v44, v35  }
0x676: {  	v44 =	vmul.f32 v46, v19  }
0x677: {  	v35 =	vadd.f32 v41, v35  }
0x678: {  	v41 =	vmul.f32 v42, v21  }
0x679: {  	v35 =	vadd.f32 v44, v35  }
0x67a: {  	v42 =	vmul.f32 v48, v23  }
0x67b: {  	v35 =	vadd.f32 v41, v35  }
0x67c: {  	v39 =	vmul.f32 v39, v26  }
0x67d: {  	v35 =	vadd.f32 v42, v35  }
0x67e: {  	v41 =	vmul.f32 v49, v28  }
0x67f: {  	v35 =	vadd.f32 v39, v35  }
0x680: {  	v39 =	vmul.f32 v43, v30  }
0x681: {  	v35 =	vadd.f32 v41, v35  }
0x682: {  	v41 =	vmul.f32 v47, v31  }
0x683: {  	v35 =	vadd.f32 v39, v35;
	v39 =	vor.u32 v33, v40  }
0x684: {  	v38 =	vmul.f32 v38, v32  }
0x685: {  	v35 =	vadd.f32 v41, v35;
	_ =	sdelay $0x1  }
0x686: {  	v40 =	vor.u32 v3, v34;
	v35 =	vadd.f32 v38, v35;
	_ =	sdelay $0x1  }
0x687: {  	[tilespmem:v39+s17+$0x0] =	vst.idx.msk $0xffff, v35  }
0x688: {  	v35 =	vld.idx.msk [tilespmem:v37+s3+$0x0], $0xffff;
	v37 =	vor.u32 v4, v34  }
0x689: {  	v36 =	vld.idx.msk [tilespmem:v36+s3+$0x0], $0xffff  }
0x68a: {  	v39 =	vor.u32 v5, v34;
	v38 =	vld.idx.msk [tilespmem:v40+s3+$0x0], $0xffff;
	_ =	sdelay $0x1  }
0x68b: {  	v40 =	vor.u32 v9, v34  }
0x68c: {  	v37 =	vld.idx.msk [tilespmem:v37+s3+$0x0], $0xffff  }
0x68d: {  	v41 =	vor.u32 v12, v34  }
0x68e: {  	v35 =	vmul.f32 v35, v6;
	v36 =	vmul.f32 v36, v7;
	v39 =	vld.idx.msk [tilespmem:v39+s3+$0x0], $0xffff  }
0x68f: {  	v42 =	vor.u32 v14, v34  }
0x690: {  	v35 =	vadd.f32 v36, v35;
	v36 =	vmul.f32 v38, v8;
	v38 =	vld.idx.msk [tilespmem:v40+s3+$0x0], $0xffff  }
0x691: {  	v40 =	vor.u32 v16, v34  }
0x692: {  	v35 =	vadd.f32 v36, v35;
	v36 =	vmul.f32 v37, v10;
	v37 =	vld.idx.msk [tilespmem:v41+s3+$0x0], $0xffff  }
0x693: {  	v41 =	vor.u32 v18, v34  }
0x694: {  	v35 =	vadd.f32 v36, v35;
	v36 =	vmul.f32 v39, v11;
	v39 =	vld.idx.msk [tilespmem:v42+s3+$0x0], $0xffff  }
0x695: {  	v42 =	vor.u32 v20, v34  }
0x696: {  	v35 =	vadd.f32 v36, v35;
	v36 =	vmul.f32 v38, v13;
	v38 =	vld.idx.msk [tilespmem:v40+s3+$0x0], $0xffff  }
0x697: {  	v40 =	vor.u32 v22, v34  }
0x698: {  	v35 =	vadd.f32 v36, v35;
	v36 =	vmul.f32 v37, v15;
	v37 =	vld.idx.msk [tilespmem:v41+s3+$0x0], $0xffff  }
0x699: {  	v41 =	vor.u32 v24, v34  }
0x69a: {  	v35 =	vadd.f32 v36, v35;
	v36 =	vmul.f32 v39, v17;
	v39 =	vld.idx.msk [tilespmem:v42+s3+$0x0], $0xffff  }
0x69b: {  	v42 =	vor.u32 v25, v34  }
0x69c: {  	v35 =	vadd.f32 v36, v35;
	v36 =	vmul.f32 v38, v19;
	v38 =	vld.idx.msk [tilespmem:v40+s3+$0x0], $0xffff  }
0x69d: {  	v40 =	vor.u32 v27, v34  }
0x69e: {  	v35 =	vadd.f32 v36, v35;
	v36 =	vmul.f32 v37, v21;
	v37 =	vld.idx.msk [tilespmem:v41+s3+$0x0], $0xffff  }
0x69f: {  	v41 =	vor.u32 v29, v34  }
0x6a0: {  	v35 =	vadd.f32 v36, v35;
	v36 =	vmul.f32 v39, v23;
	v39 =	vld.idx.msk [tilespmem:v42+s3+$0x0], $0xffff;
	_ =	sdelay $0x1  }
0x6a1: {  	v35 =	vadd.f32 v36, v35;
	v36 =	vmul.f32 v38, v26;
	v38 =	vld.idx.msk [tilespmem:v40+s3+$0x0], $0xffff;
	_ =	sdelay $0x1  }
0x6a2: {  	v35 =	vadd.f32 v36, v35;
	v36 =	vmul.f32 v37, v28;
	v37 =	vld.idx.msk [tilespmem:v41+s3+$0x0], $0xffff  }
0x6a3: {  	s28 =	sadd.s32 $0x1, s25  }
0x6a4: {  	v35 =	vadd.f32 v36, v35;
	v36 =	vmul.f32 v39, v30;
	v39 =	vmov s28  }
0x6a5: {  	v39 =	vand.u32 $0x3D, v39  }
0x6a6: {  	v35 =	vadd.f32 v36, v35;
	v36 =	vmul.f32 v38, v31;
	v38 =	vbroadcast v39, $0x0  }
0x6a7: {  	v34 =	vor.u32 v33, v34  }
0x6a8: {  	v35 =	vadd.f32 v36, v35;
	v36 =	vmul.f32 v37, v32;
	v37 =	vor.u32 v1, v38  }
0x6a9: {  	v39 =	vor.u32 v2, v38  }
0x6aa: {  	v35 =	vadd.f32 v36, v35  }
0x6ab: {  	v36 =	vor.u32 v3, v38  }
0x6ac: {  	[tilespmem:v34+s17+$0x0] =	vst.idx.msk $0xffff, v35  }
0x6ad: {  	v35 =	vor.u32 v4, v38;
	v34 =	vld.idx.msk [tilespmem:v37+s3+$0x0], $0xffff  }
0x6ae: {  	v37 =	vld.idx.msk [tilespmem:v39+s3+$0x0], $0xffff  }
0x6af: {  	v39 =	vor.u32 v5, v38  }
0x6b0: {  	v36 =	vld.idx.msk [tilespmem:v36+s3+$0x0], $0xffff  }
0x6b1: {  	v40 =	vor.u32 v9, v38  }
0x6b2: {  	v35 =	vld.idx.msk [tilespmem:v35+s3+$0x0], $0xffff  }
0x6b3: {  	v41 =	vor.u32 v12, v38  }
0x6b4: {  	v34 =	vmul.f32 v34, v6;
	v37 =	vmul.f32 v37, v7;
	v39 =	vld.idx.msk [tilespmem:v39+s3+$0x0], $0xffff  }
0x6b5: {  	v42 =	vor.u32 v14, v38  }
0x6b6: {  	v34 =	vadd.f32 v37, v34;
	v36 =	vmul.f32 v36, v8;
	v37 =	vld.idx.msk [tilespmem:v40+s3+$0x0], $0xffff  }
0x6b7: {  	v40 =	vor.u32 v16, v38  }
0x6b8: {  	v34 =	vadd.f32 v36, v34;
	v35 =	vmul.f32 v35, v10;
	v36 =	vld.idx.msk [tilespmem:v41+s3+$0x0], $0xffff  }
0x6b9: {  	v41 =	vor.u32 v18, v38  }
0x6ba: {  	v34 =	vadd.f32 v35, v34;
	v35 =	vmul.f32 v39, v11;
	v39 =	vld.idx.msk [tilespmem:v42+s3+$0x0], $0xffff  }
0x6bb: {  	v42 =	vor.u32 v20, v38  }
0x6bc: {  	v34 =	vadd.f32 v35, v34;
	v35 =	vmul.f32 v37, v13;
	v37 =	vld.idx.msk [tilespmem:v40+s3+$0x0], $0xffff  }
0x6bd: {  	v40 =	vor.u32 v22, v38  }
0x6be: {  	v34 =	vadd.f32 v35, v34;
	v35 =	vmul.f32 v36, v15;
	v36 =	vld.idx.msk [tilespmem:v41+s3+$0x0], $0xffff  }
0x6bf: {  	v41 =	vor.u32 v24, v38  }
0x6c0: {  	v34 =	vadd.f32 v35, v34;
	v35 =	vmul.f32 v39, v17;
	v39 =	vld.idx.msk [tilespmem:v42+s3+$0x0], $0xffff  }
0x6c1: {  	v42 =	vor.u32 v25, v38  }
0x6c2: {  	v34 =	vadd.f32 v35, v34;
	v35 =	vmul.f32 v37, v19;
	v37 =	vld.idx.msk [tilespmem:v40+s3+$0x0], $0xffff  }
0x6c3: {  	v40 =	vor.u32 v27, v38  }
0x6c4: {  	v34 =	vadd.f32 v35, v34;
	v35 =	vmul.f32 v36, v21;
	v36 =	vld.idx.msk [tilespmem:v41+s3+$0x0], $0xffff  }
0x6c5: {  	v41 =	vor.u32 v29, v38  }
0x6c6: {  	v34 =	vadd.f32 v35, v34;
	v35 =	vmul.f32 v39, v23;
	v39 =	vld.idx.msk [tilespmem:v42+s3+$0x0], $0xffff;
	_ =	sdelay $0x1  }
0x6c7: {  	v34 =	vadd.f32 v35, v34;
	v35 =	vmul.f32 v37, v26;
	v37 =	vld.idx.msk [tilespmem:v40+s3+$0x0], $0xffff;
	_ =	sdelay $0x1  }
0x6c8: {  	v34 =	vadd.f32 v35, v34;
	v35 =	vmul.f32 v36, v28;
	v36 =	vld.idx.msk [tilespmem:v41+s3+$0x0], $0xffff  }
0x6c9: {  	s28 =	sadd.s32 $0x2, s25  }
0x6ca: {  	v34 =	vadd.f32 v35, v34;
	v35 =	vmul.f32 v39, v30;
	v39 =	vmov s28  }
0x6cb: {  	v39 =	vand.u32 $0x3E, v39  }
0x6cc: {  	v34 =	vadd.f32 v35, v34;
	v37 =	vmul.f32 v37, v31;
	v35 =	vbroadcast v39, $0x0  }
0x6cd: {  	v39 =	vor.u32 v33, v38  }
0x6ce: {  	v34 =	vadd.f32 v37, v34;
	v36 =	vmul.f32 v36, v32;
	v37 =	vor.u32 v1, v35  }
0x6cf: {  	v40 =	vor.u32 v2, v35;
	v38 =	vor.u32 v16, v35  }
0x6d0: {  	v34 =	vadd.f32 v36, v34  }
0x6d1: {  	v36 =	vor.u32 v3, v35  }
0x6d2: {  	[tilespmem:v39+s17+$0x0] =	vst.idx.msk $0xffff, v34  }
0x6d3: {  	v34 =	vld.idx.msk [tilespmem:v37+s3+$0x0], $0xffff;
	v37 =	vor.u32 v4, v35  }
0x6d4: {  	v40 =	vld.idx.msk [tilespmem:v40+s3+$0x0], $0xffff  }
0x6d5: {  	v42 =	vor.u32 v5, v35  }
0x6d6: {  	v36 =	vld.idx.msk [tilespmem:v36+s3+$0x0], $0xffff  }
0x6d7: {  	v46 =	vor.u32 v9, v35  }
.Ltmp7:
0x6d8: {  	v39 =	vld.idx.msk [tilespmem:v37+s3+$0x0], $0xffff;
	(pc) =	sbr.rel @p0 .LBB2_18-.Ltmp7, $4  }
0x6d9: {  	v41 =	vor.u32 v12, v35;
	v37 =	vmov s24;
	v44 =	vmul.f32 v34, v6  }
0x6da: {  	v34 =	vand.u32 $0x3C, v37;
	v37 =	vmul.f32 v40, v7;
	v40 =	vld.idx.msk [tilespmem:v42+s3+$0x0], $0xffff  }
0x6db: {  	v43 =	vor.u32 v14, v35;
	v34 =	vbroadcast v34, $0x0  }
0x6dc: {  	v44 =	vadd.f32 v37, v44;
	v45 =	vmul.f32 v36, v8;
	v42 =	vld.idx.msk [tilespmem:v46+s3+$0x0], $0xffff  }
0x6dd: {  	_ =	sdelay $0x2  }
0x6de: {  	v37 =	vmul.f32 v39, v10;
	v36 =	vadd.f32 v45, v44  }
0x6df: {  	v48 =	vld.idx.msk [tilespmem:v41+s3+$0x0], $0xffff  }
0x6e0: {  	v49 =	vor.u32 v18, v35;
	v50 =	vmul.f32 v40, v11;
	v36 =	vadd.f32 v37, v36  }
0x6e1: {  	v51 =	vld.idx.msk [tilespmem:v43+s3+$0x0], $0xffff  }
0x6e2: {  	v52 =	vor.u32 v20, v35;
	v53 =	vmul.f32 v42, v13;
	v36 =	vadd.f32 v50, v36  }
0x6e3: {  	v38 =	vld.idx.msk [tilespmem:v38+s3+$0x0], $0xffff  }
0x6e4: {  	v54 =	vor.u32 v22, v35;
	v55 =	vmul.f32 v48, v15;
	v36 =	vadd.f32 v53, v36  }
0x6e5: {  	v56 =	vld.idx.msk [tilespmem:v49+s3+$0x0], $0xffff  }
0x6e6: {  	v57 =	vor.u32 v24, v35;
	v58 =	vmul.f32 v51, v17;
	v36 =	vadd.f32 v55, v36  }
0x6e7: {  	v59 =	vld.idx.msk [tilespmem:v52+s3+$0x0], $0xffff  }
0x6e8: {  	v60 =	vor.u32 v25, v35;
	v61 =	vmul.f32 v38, v19;
	v36 =	vadd.f32 v58, v36  }
0x6e9: {  	v62 =	vld.idx.msk [tilespmem:v54+s3+$0x0], $0xffff  }
0x6ea: {  	v63 =	vor.u32 v27, v35;
	v44 =	vmul.f32 v56, v21;
	v36 =	vadd.f32 v61, v36  }
0x6eb: {  	v45 =	vld.idx.msk [tilespmem:v57+s3+$0x0], $0xffff  }
0x6ec: {  	v46 =	vor.u32 v29, v35;
	v47 =	vmul.f32 v59, v23;
	v36 =	vadd.f32 v44, v36  }
0x6ed: {  	v48 =	vld.idx.msk [tilespmem:v60+s3+$0x0], $0xffff  }
0x6ee: {  	v49 =	vmul.f32 v62, v26;
	v36 =	vadd.f32 v47, v36  }
0x6ef: {  	v50 =	vld.idx.msk [tilespmem:v63+s3+$0x0], $0xffff  }
0x6f0: {  	v51 =	vmul.f32 v45, v28;
	v36 =	vadd.f32 v49, v36  }
0x6f1: {  	s25 =	sadd.s32 $0x3, s25;
	v52 =	vld.idx.msk [tilespmem:v46+s3+$0x0], $0xffff  }
0x6f2: {  	v54 =	vmov s25;
	v53 =	vmul.f32 v48, v30;
	v36 =	vadd.f32 v51, v36  }
0x6f3: {  	v40 =	vand.u32 $0x3F, v54  }
0x6f4: {  	v38 =	vbroadcast v40, $0x0;
	v55 =	vmul.f32 v50, v31;
	v36 =	vadd.f32 v53, v36  }
0x6f5: {  	v56 =	vor.u32 v33, v35  }
0x6f6: {  	v57 =	vmul.f32 v52, v32;
	v58 =	vor.u32 v1, v38;
	v36 =	vadd.f32 v55, v36  }
0x6f7: {  	v40 =	vor.u32 v2, v38  }
0x6f8: {  	v36 =	vadd.f32 v57, v36  }
0x6f9: {  	v59 =	vor.u32 v3, v38  }
0x6fa: {  	[tilespmem:v56+s17+$0x0] =	vst.idx.msk $0xffff, v36  }
0x6fb: {  	v60 =	vor.u32 v4, v38;
	v36 =	vld.idx.msk [tilespmem:v58+s3+$0x0], $0xffff  }
0x6fc: {  	v61 =	vld.idx.msk [tilespmem:v40+s3+$0x0], $0xffff  }
0x6fd: {  	v62 =	vor.u32 v5, v38  }
0x6fe: {  	v37 =	vld.idx.msk [tilespmem:v59+s3+$0x0], $0xffff  }
0x6ff: {  	v63 =	vor.u32 v9, v38  }
0x700: {  	v35 =	vld.idx.msk [tilespmem:v60+s3+$0x0], $0xffff  }
0x701: {  	v45 =	vor.u32 v12, v38;
	v36 =	vmul.f32 v36, v6;
	v39 =	vmul.f32 v61, v7  }
0x702: {  	v40 =	vld.idx.msk [tilespmem:v62+s3+$0x0], $0xffff  }
0x703: {  	v46 =	vor.u32 v14, v38;
	v37 =	vmul.f32 v37, v8;
	v36 =	vadd.f32 v39, v36  }
0x704: {  	v47 =	vld.idx.msk [tilespmem:v63+s3+$0x0], $0xffff  }
0x705: {  	v48 =	vor.u32 v16, v38;
	v35 =	vmul.f32 v35, v10;
	v36 =	vadd.f32 v37, v36  }
0x706: {  	v49 =	vld.idx.msk [tilespmem:v45+s3+$0x0], $0xffff  }
0x707: {  	v50 =	vor.u32 v18, v38;
	v40 =	vmul.f32 v40, v11;
	v35 =	vadd.f32 v35, v36  }
0x708: {  	v51 =	vld.idx.msk [tilespmem:v46+s3+$0x0], $0xffff  }
0x709: {  	v52 =	vor.u32 v20, v38;
	v39 =	vmul.f32 v47, v13;
	v35 =	vadd.f32 v40, v35  }
0x70a: {  	v53 =	vld.idx.msk [tilespmem:v48+s3+$0x0], $0xffff  }
0x70b: {  	v54 =	vor.u32 v22, v38;
	v37 =	vmul.f32 v49, v15;
	v35 =	vadd.f32 v39, v35  }
0x70c: {  	v55 =	vld.idx.msk [tilespmem:v50+s3+$0x0], $0xffff  }
0x70d: {  	v56 =	vor.u32 v24, v38;
	v36 =	vmul.f32 v51, v17;
	v35 =	vadd.f32 v37, v35  }
0x70e: {  	v57 =	vld.idx.msk [tilespmem:v52+s3+$0x0], $0xffff  }
0x70f: {  	v58 =	vor.u32 v25, v38;
	v40 =	vmul.f32 v53, v19;
	v35 =	vadd.f32 v36, v35  }
0x710: {  	v59 =	vld.idx.msk [tilespmem:v54+s3+$0x0], $0xffff  }
0x711: {  	v60 =	vor.u32 v27, v38;
	v39 =	vmul.f32 v55, v21;
	v35 =	vadd.f32 v40, v35  }
0x712: {  	v61 =	vld.idx.msk [tilespmem:v56+s3+$0x0], $0xffff  }
0x713: {  	v62 =	vor.u32 v29, v38;
	v37 =	vmul.f32 v57, v23;
	v35 =	vadd.f32 v39, v35  }
0x714: {  	v63 =	vld.idx.msk [tilespmem:v58+s3+$0x0], $0xffff  }
0x715: {  	v36 =	vmul.f32 v59, v26;
	v35 =	vadd.f32 v37, v35  }
0x716: {  	v44 =	vld.idx.msk [tilespmem:v60+s3+$0x0], $0xffff  }
0x717: {  	v40 =	vmul.f32 v61, v28;
	v35 =	vadd.f32 v36, v35  }
0x718: {  	v45 =	vld.idx.msk [tilespmem:v62+s3+$0x0], $0xffff  }
0x719: {  	v39 =	vmul.f32 v63, v30;
	v35 =	vadd.f32 v40, v35;
	_ =	sdelay $0x1  }
0x71a: {  	v37 =	vmul.f32 v44, v31;
	v35 =	vadd.f32 v39, v35  }
0x71b: {  	v38 =	vor.u32 v33, v38  }
0x71c: {  	v46 =	vor.u32 v1, v34;
	v36 =	vmul.f32 v45, v32;
	v35 =	vadd.f32 v37, v35  }
0x71d: {  	v47 =	vor.u32 v2, v34  }
0x71e: {  	v35 =	vadd.f32 v36, v35  }
0x71f: {  	v48 =	vor.u32 v3, v34  }
0x720: {  	[tilespmem:v38+s17+$0x0] =	vst.idx.msk $0xffff, v35  }
0x721: {  	v49 =	vor.u32 v4, v34;
	v35 =	vld.idx.msk [tilespmem:v46+s3+$0x0], $0xffff  }
0x722: {  	v37 =	vld.idx.msk [tilespmem:v47+s3+$0x0], $0xffff  }
0x723: {  	v50 =	vor.u32 v5, v34  }
0x724: {  	v36 =	vld.idx.msk [tilespmem:v48+s3+$0x0], $0xffff  }
0x725: {  	v51 =	vor.u32 v9, v34  }
0x726: {  	v38 =	vld.idx.msk [tilespmem:v49+s3+$0x0], $0xffff  }
0x727: {  	v52 =	vor.u32 v12, v34;
	v35 =	vmul.f32 v35, v6;
	v37 =	vmul.f32 v37, v7  }
0x728: {  	v39 =	vld.idx.msk [tilespmem:v50+s3+$0x0], $0xffff  }
0x729: {  	v53 =	vor.u32 v14, v34;
	v36 =	vmul.f32 v36, v8;
	v35 =	vadd.f32 v37, v35  }
0x72a: {  	v54 =	vld.idx.msk [tilespmem:v51+s3+$0x0], $0xffff  }
0x72b: {  	v55 =	vor.u32 v16, v34;
	v56 =	vmul.f32 v38, v10;
	v35 =	vadd.f32 v36, v35  }
0x72c: {  	v57 =	vld.idx.msk [tilespmem:v52+s3+$0x0], $0xffff  }
0x72d: {  	v58 =	vor.u32 v18, v34;
	v59 =	vmul.f32 v39, v11;
	v35 =	vadd.f32 v56, v35  }
0x72e: {  	v60 =	vld.idx.msk [tilespmem:v53+s3+$0x0], $0xffff  }
0x72f: {  	v61 =	vor.u32 v20, v34;
	v62 =	vmul.f32 v54, v13;
	v35 =	vadd.f32 v59, v35  }
0x730: {  	v63 =	vld.idx.msk [tilespmem:v55+s3+$0x0], $0xffff  }
0x731: {  	v45 =	vor.u32 v22, v34;
	v46 =	vmul.f32 v57, v15;
	v35 =	vadd.f32 v62, v35  }
0x732: {  	v47 =	vld.idx.msk [tilespmem:v58+s3+$0x0], $0xffff  }
0x733: {  	v48 =	vor.u32 v24, v34;
	v49 =	vmul.f32 v60, v17;
	v35 =	vadd.f32 v46, v35  }
0x734: {  	v50 =	vld.idx.msk [tilespmem:v61+s3+$0x0], $0xffff  }
0x735: {  	v51 =	vor.u32 v25, v34;
	v52 =	vmul.f32 v63, v19;
	v35 =	vadd.f32 v49, v35  }
0x736: {  	v53 =	vld.idx.msk [tilespmem:v45+s3+$0x0], $0xffff  }
0x737: {  	v54 =	vor.u32 v27, v34;
	v55 =	vmul.f32 v47, v21;
	v35 =	vadd.f32 v52, v35  }
0x738: {  	v56 =	vld.idx.msk [tilespmem:v48+s3+$0x0], $0xffff  }
0x739: {  	v57 =	vor.u32 v29, v34;
	v58 =	vmul.f32 v50, v23;
	v35 =	vadd.f32 v55, v35  }
0x73a: {  	v59 =	vld.idx.msk [tilespmem:v51+s3+$0x0], $0xffff  }
0x73b: {  	v60 =	vmul.f32 v53, v26;
	v35 =	vadd.f32 v58, v35  }
0x73c: {  	v61 =	vld.idx.msk [tilespmem:v54+s3+$0x0], $0xffff  }
0x73d: {  	v62 =	vmul.f32 v56, v28;
	v35 =	vadd.f32 v60, v35  }
0x73e: {  	s29 =	sadd.s32 $0x1, s24;
	v63 =	vld.idx.msk [tilespmem:v57+s3+$0x0], $0xffff  }
0x73f: {  	v43 =	vmov s29;
	v42 =	vmul.f32 v59, v30;
	v35 =	vadd.f32 v62, v35  }
0x740: {  	v39 =	vand.u32 $0x3D, v43  }
0x741: {  	v37 =	vbroadcast v39, $0x0;
	v44 =	vmul.f32 v61, v31;
	v35 =	vadd.f32 v42, v35  }
0x742: {  	v45 =	vor.u32 v33, v34  }
0x743: {  	v47 =	vor.u32 v1, v37;
	v46 =	vmul.f32 v63, v32;
	v35 =	vadd.f32 v44, v35  }
0x744: {  	v39 =	vor.u32 v2, v37  }
0x745: {  	v35 =	vadd.f32 v46, v35  }
0x746: {  	v48 =	vor.u32 v3, v37  }
0x747: {  	[tilespmem:v45+s17+$0x0] =	vst.idx.msk $0xffff, v35  }
0x748: {  	v49 =	vor.u32 v4, v37;
	v34 =	vld.idx.msk [tilespmem:v47+s3+$0x0], $0xffff  }
0x749: {  	v50 =	vld.idx.msk [tilespmem:v39+s3+$0x0], $0xffff  }
0x74a: {  	v51 =	vor.u32 v5, v37  }
0x74b: {  	v36 =	vld.idx.msk [tilespmem:v48+s3+$0x0], $0xffff  }
0x74c: {  	v52 =	vor.u32 v9, v37  }
0x74d: {  	v35 =	vld.idx.msk [tilespmem:v49+s3+$0x0], $0xffff  }
0x74e: {  	v53 =	vor.u32 v12, v37;
	v34 =	vmul.f32 v34, v6;
	v38 =	vmul.f32 v50, v7  }
0x74f: {  	v39 =	vld.idx.msk [tilespmem:v51+s3+$0x0], $0xffff  }
0x750: {  	v54 =	vor.u32 v14, v37;
	v36 =	vmul.f32 v36, v8;
	v34 =	vadd.f32 v38, v34  }
0x751: {  	v55 =	vld.idx.msk [tilespmem:v52+s3+$0x0], $0xffff  }
0x752: {  	v56 =	vor.u32 v16, v37;
	v35 =	vmul.f32 v35, v10;
	v34 =	vadd.f32 v36, v34  }
0x753: {  	v57 =	vld.idx.msk [tilespmem:v53+s3+$0x0], $0xffff  }
0x754: {  	v58 =	vor.u32 v18, v37;
	v59 =	vmul.f32 v39, v11;
	v34 =	vadd.f32 v35, v34  }
0x755: {  	v60 =	vld.idx.msk [tilespmem:v54+s3+$0x0], $0xffff  }
0x756: {  	v61 =	vor.u32 v20, v37;
	v62 =	vmul.f32 v55, v13;
	v34 =	vadd.f32 v59, v34  }
0x757: {  	v63 =	vld.idx.msk [tilespmem:v56+s3+$0x0], $0xffff  }
0x758: {  	v45 =	vor.u32 v22, v37;
	v46 =	vmul.f32 v57, v15;
	v34 =	vadd.f32 v62, v34  }
0x759: {  	v47 =	vld.idx.msk [tilespmem:v58+s3+$0x0], $0xffff  }
0x75a: {  	v48 =	vor.u32 v24, v37;
	v49 =	vmul.f32 v60, v17;
	v34 =	vadd.f32 v46, v34  }
0x75b: {  	v50 =	vld.idx.msk [tilespmem:v61+s3+$0x0], $0xffff  }
0x75c: {  	v51 =	vor.u32 v25, v37;
	v52 =	vmul.f32 v63, v19;
	v34 =	vadd.f32 v49, v34  }
0x75d: {  	v53 =	vld.idx.msk [tilespmem:v45+s3+$0x0], $0xffff  }
0x75e: {  	v54 =	vor.u32 v27, v37;
	v55 =	vmul.f32 v47, v21;
	v34 =	vadd.f32 v52, v34  }
0x75f: {  	v56 =	vld.idx.msk [tilespmem:v48+s3+$0x0], $0xffff  }
0x760: {  	v57 =	vor.u32 v29, v37;
	v58 =	vmul.f32 v50, v23;
	v34 =	vadd.f32 v55, v34  }
0x761: {  	v59 =	vld.idx.msk [tilespmem:v51+s3+$0x0], $0xffff  }
0x762: {  	v60 =	vmul.f32 v53, v26;
	v34 =	vadd.f32 v58, v34  }
0x763: {  	v61 =	vld.idx.msk [tilespmem:v54+s3+$0x0], $0xffff  }
0x764: {  	v62 =	vmul.f32 v56, v28;
	v34 =	vadd.f32 v60, v34  }
0x765: {  	s30 =	sadd.s32 $0x2, s24;
	v63 =	vld.idx.msk [tilespmem:v57+s3+$0x0], $0xffff  }
0x766: {  	v43 =	vmov s30;
	v42 =	vmul.f32 v59, v30;
	v34 =	vadd.f32 v62, v34  }
0x767: {  	v39 =	vand.u32 $0x3E, v43  }
0x768: {  	v38 =	vbroadcast v39, $0x0;
	v44 =	vmul.f32 v61, v31;
	v34 =	vadd.f32 v42, v34  }
0x769: {  	v37 =	vor.u32 v33, v37  }
0x76a: {  	v45 =	vmul.f32 v63, v32;
	v46 =	vor.u32 v1, v38;
	v34 =	vadd.f32 v44, v34  }
0x76b: {  	v39 =	vor.u32 v2, v38  }
0x76c: {  	v34 =	vadd.f32 v45, v34  }
0x76d: {  	v47 =	vor.u32 v3, v38  }
0x76e: {  	[tilespmem:v37+s17+$0x0] =	vst.idx.msk $0xffff, v34  }
0x76f: {  	v48 =	vor.u32 v4, v38;
	v34 =	vld.idx.msk [tilespmem:v46+s3+$0x0], $0xffff  }
0x770: {  	v37 =	vld.idx.msk [tilespmem:v39+s3+$0x0], $0xffff  }
0x771: {  	v49 =	vor.u32 v5, v38  }
0x772: {  	v35 =	vld.idx.msk [tilespmem:v47+s3+$0x0], $0xffff  }
0x773: {  	v50 =	vor.u32 v9, v38  }
0x774: {  	v36 =	vld.idx.msk [tilespmem:v48+s3+$0x0], $0xffff  }
0x775: {  	v51 =	vor.u32 v12, v38;
	v34 =	vmul.f32 v34, v6;
	v37 =	vmul.f32 v37, v7  }
0x776: {  	v39 =	vld.idx.msk [tilespmem:v49+s3+$0x0], $0xffff  }
0x777: {  	v52 =	vor.u32 v14, v38;
	v35 =	vmul.f32 v35, v8;
	v34 =	vadd.f32 v37, v34  }
0x778: {  	v53 =	vld.idx.msk [tilespmem:v50+s3+$0x0], $0xffff  }
0x779: {  	v54 =	vor.u32 v16, v38;
	v55 =	vmul.f32 v36, v10;
	v34 =	vadd.f32 v35, v34  }
0x77a: {  	v56 =	vld.idx.msk [tilespmem:v51+s3+$0x0], $0xffff  }
0x77b: {  	v57 =	vor.u32 v18, v38;
	v58 =	vmul.f32 v39, v11;
	v34 =	vadd.f32 v55, v34  }
0x77c: {  	v59 =	vld.idx.msk [tilespmem:v52+s3+$0x0], $0xffff  }
0x77d: {  	v60 =	vor.u32 v20, v38;
	v61 =	vmul.f32 v53, v13;
	v34 =	vadd.f32 v58, v34  }
0x77e: {  	v62 =	vld.idx.msk [tilespmem:v54+s3+$0x0], $0xffff  }
0x77f: {  	v63 =	vor.u32 v22, v38;
	v45 =	vmul.f32 v56, v15;
	v34 =	vadd.f32 v61, v34  }
0x780: {  	v46 =	vld.idx.msk [tilespmem:v57+s3+$0x0], $0xffff  }
0x781: {  	v47 =	vor.u32 v24, v38;
	v48 =	vmul.f32 v59, v17;
	v34 =	vadd.f32 v45, v34  }
0x782: {  	v49 =	vld.idx.msk [tilespmem:v60+s3+$0x0], $0xffff  }
0x783: {  	v50 =	vor.u32 v25, v38;
	v51 =	vmul.f32 v62, v19;
	v34 =	vadd.f32 v48, v34  }
0x784: {  	v52 =	vld.idx.msk [tilespmem:v63+s3+$0x0], $0xffff  }
0x785: {  	v53 =	vor.u32 v27, v38;
	v54 =	vmul.f32 v46, v21;
	v34 =	vadd.f32 v51, v34  }
0x786: {  	v55 =	vld.idx.msk [tilespmem:v47+s3+$0x0], $0xffff  }
0x787: {  	v56 =	vor.u32 v29, v38;
	v57 =	vmul.f32 v49, v23;
	v34 =	vadd.f32 v54, v34  }
0x788: {  	v58 =	vld.idx.msk [tilespmem:v50+s3+$0x0], $0xffff  }
0x789: {  	v59 =	vmul.f32 v52, v26;
	v34 =	vadd.f32 v57, v34  }
0x78a: {  	v60 =	vld.idx.msk [tilespmem:v53+s3+$0x0], $0xffff  }
0x78b: {  	v61 =	vmul.f32 v55, v28;
	v34 =	vadd.f32 v59, v34  }
0x78c: {  	s31 =	sadd.s32 $0x3, s24;
	v62 =	vld.idx.msk [tilespmem:v56+s3+$0x0], $0xffff  }
0x78d: {  	v42 =	vmov s31;
	v63 =	vmul.f32 v58, v30;
	v34 =	vadd.f32 v61, v34  }
0x78e: {  	v39 =	vand.u32 $0x3F, v42  }
0x78f: {  	v44 =	vbroadcast v39, $0x0;
	v43 =	vmul.f32 v60, v31;
	v34 =	vadd.f32 v63, v34  }
0x790: {  	v38 =	vor.u32 v33, v38  }
0x791: {  	v1 =	vor.u32 v1, v44;
	v45 =	vmul.f32 v62, v32;
	v34 =	vadd.f32 v43, v34  }
0x792: {  	v2 =	vor.u32 v2, v44  }
0x793: {  	v34 =	vadd.f32 v45, v34  }
0x794: {  	v3 =	vor.u32 v3, v44  }
0x795: {  	[tilespmem:v38+s17+$0x0] =	vst.idx.msk $0xffff, v34  }
0x796: {  	v46 =	vor.u32 v4, v44;
	v1 =	vld.idx.msk [tilespmem:v1+s3+$0x0], $0xffff  }
0x797: {  	v2 =	vld.idx.msk [tilespmem:v2+s3+$0x0], $0xffff  }
0x798: {  	v47 =	vor.u32 v5, v44  }
0x799: {  	v3 =	vld.idx.msk [tilespmem:v3+s3+$0x0], $0xffff  }
0x79a: {  	v48 =	vor.u32 v9, v44  }
0x79b: {  	v4 =	vld.idx.msk [tilespmem:v46+s3+$0x0], $0xffff  }
0x79c: {  	v49 =	vor.u32 v12, v44;
	v1 =	vmul.f32 v1, v6;
	v2 =	vmul.f32 v2, v7  }
0x79d: {  	v5 =	vld.idx.msk [tilespmem:v47+s3+$0x0], $0xffff  }
0x79e: {  	v50 =	vor.u32 v14, v44;
	v3 =	vmul.f32 v3, v8;
	v1 =	vadd.f32 v2, v1  }
0x79f: {  	v2 =	vld.idx.msk [tilespmem:v48+s3+$0x0], $0xffff  }
0x7a0: {  	v51 =	vor.u32 v16, v44;
	v4 =	vmul.f32 v4, v10;
	v1 =	vadd.f32 v3, v1  }
0x7a1: {  	v3 =	vld.idx.msk [tilespmem:v49+s3+$0x0], $0xffff  }
0x7a2: {  	v52 =	vor.u32 v18, v44;
	v5 =	vmul.f32 v5, v11;
	v1 =	vadd.f32 v4, v1  }
0x7a3: {  	v53 =	vld.idx.msk [tilespmem:v50+s3+$0x0], $0xffff  }
0x7a4: {  	v54 =	vor.u32 v20, v44;
	v2 =	vmul.f32 v2, v13;
	v1 =	vadd.f32 v5, v1  }
0x7a5: {  	v55 =	vld.idx.msk [tilespmem:v51+s3+$0x0], $0xffff  }
0x7a6: {  	v56 =	vor.u32 v22, v44;
	v3 =	vmul.f32 v3, v15;
	v1 =	vadd.f32 v2, v1  }
0x7a7: {  	v2 =	vld.idx.msk [tilespmem:v52+s3+$0x0], $0xffff  }
0x7a8: {  	v57 =	vor.u32 v24, v44;
	v4 =	vmul.f32 v53, v17;
	v1 =	vadd.f32 v3, v1  }
0x7a9: {  	v3 =	vld.idx.msk [tilespmem:v54+s3+$0x0], $0xffff  }
0x7aa: {  	v58 =	vor.u32 v25, v44;
	v5 =	vmul.f32 v55, v19;
	v1 =	vadd.f32 v4, v1  }
0x7ab: {  	v59 =	vld.idx.msk [tilespmem:v56+s3+$0x0], $0xffff  }
0x7ac: {  	v60 =	vor.u32 v27, v44;
	v2 =	vmul.f32 v2, v21;
	v1 =	vadd.f32 v5, v1  }
0x7ad: {  	v61 =	vld.idx.msk [tilespmem:v57+s3+$0x0], $0xffff  }
0x7ae: {  	v62 =	vor.u32 v29, v44;
	v3 =	vmul.f32 v3, v23;
	v1 =	vadd.f32 v2, v1  }
0x7af: {  	v2 =	vld.idx.msk [tilespmem:v58+s3+$0x0], $0xffff  }
0x7b0: {  	v4 =	vmul.f32 v59, v26;
	v1 =	vadd.f32 v3, v1  }
0x7b1: {  	v3 =	vld.idx.msk [tilespmem:v60+s3+$0x0], $0xffff  }
0x7b2: {  	v5 =	vmul.f32 v61, v28;
	v1 =	vadd.f32 v4, v1  }
0x7b3: {  	v63 =	vld.idx.msk [tilespmem:v62+s3+$0x0], $0xffff  }
0x7b4: {  	v2 =	vmul.f32 v2, v30;
	v1 =	vadd.f32 v5, v1;
	_ =	sdelay $0x1  }
0x7b5: {  	s23 =	sadd.s32 $0x1, s23;
	v3 =	vmul.f32 v3, v31;
	v1 =	vadd.f32 v2, v1  }
0x7b6: {  	p0 =	sne.s32 s23, $0x8;
	v2 =	vor.u32 v33, v44  }
.Ltmp8:
0x7b7: {  	v4 =	vmul.f32 v63, v32;
	v1 =	vadd.f32 v3, v1;
	(pc) =	sbr.rel @p0 .LBB2_17-.Ltmp8, $3  }
0x7b8: {  	_ = 	snop  }
0x7b9: {  	v1 =	vadd.f32 v4, v1;
	_ =	sdelay $0x1  }
0x7ba: {  	[tilespmem:v2+s17+$0x0] =	vst.idx.msk $0xffff, v1  }
0x7bb: {  	s20 =	sadd.s32 $0x1, s20  }
0x7bc: {  	p0 =	sne.s32 s20, $0x4  }
.Ltmp9:
0x7bd: {  	s21 =	sadd.s32 s21, s12;
	(pc) =	sbr.rel @p0 .LBB2_12-.Ltmp9, $4  }
0x7be: {  	[hbm4b:s21+s3] =	stream.linear.scatter [tilespmem:s17], [sflag:$0x1], $0x2000, $0x38;
	[tilespmem:$0x13A00] =	vst v63  }
0x7bf: {  	_ =	swait.ge [sflag:s14], $0x2000  }
0x7c0: {  	[sflag:s14] =	ssyncset.done $0x0  }
0x7c1: {  	[sflag:s14] =	ssyncadd.s32 $0xFFFFE000  }
0x7c2: {  	s18 =	sadd.s32 $0x1, s18  }
0x7c3: {  	p0 =	sne.s32 s18, s13  }
.Ltmp10:
0x7c4: {  	_ = 	snop;
	(pc) =	sbr.rel @p0 .LBB2_1-.Ltmp10, $1  }
0x7c5: {  	_ =	sdelay $0x3  }
0x7c6: {  	_ =	sfence.sel $0x180000  }
0x7c7: {  	[bflag:$0x0] =	sbarrier.arrive $0xFFFF  }
0x7c8: {  	p0 =	sne.s32 s6, $0x0;
	_ =	strace $0x90000047  }
0x7c9: {  	s0 =	sadd.s32 @!p0 $0x100000, s0;
	[bflag:$0x2] =	sbarrier.arrive $0xFFFF  }
0x7ca: {  	[sflag:s0] =	ssyncadd.tile.s32 @!p0 $0x1;
	_ =	shalt  }
.Lfunc_end2:
_tile_overlayer_lowered:
.L_overlay_start_2:
0x7cb: {  	(tag) =	ssettag $0x2  }
0x7cc: {  	s0 =	rddreg [dreg:$0x0];
	s2 =	stileid.u32  }
0x7cd: {  	s1 =	rddreg [dreg:$0x1];
	p0 =	sne.s32 s2, $0x0  }
0x7ce: {  	s3 =	rddreg [dreg:$0x2];
	[bflag:$0x3] =	sbarrier.arrive $0xFFFF;
	s2 =	simm.s32 @!p0 $0x1C01  }
0x7cf: {  	[timem:s3], [sflag:s2] =	dma.local @!p0 [hbm:s0], s1  }
0x7d0: {  	s0 =	simm.s32 @!p0 $0x1  }
0x7d1: {  	_ =	swait.ge @!p0 [sflag:s0], s1  }
0x7d2: {  	s1 =	ssub.s32 @!p0 $0x0, s1;
	[sflag:s0] =	ssyncset.done @!p0 $0x0  }
0x7d3: {  	[sflag:s0] =	ssyncadd.s32 @!p0 s1  }
0x7d4: {  	[bflag:$0x3] =	sbarrier.arrive $0xFFFF  }
0x7d5: {  	_ =	shalt  }

</sc_bundles>
